<compile_context>
chip_gen: v7x
topology: tpu7x:2x2x1
jax: 0.10.2.dev20260603
libtpu: 0.0.44.dev20260713+nightly
codegen_flags: <defaults>
</compile_context>

<pallas_src>
import functools

import jax
import jax.numpy as jnp
from jax import lax
from jax.experimental import pallas as pl
from jax.experimental.pallas import tpu as pltpu
from jax.experimental.pallas import tpu_sc as plsc

N = 10000
E = 320000
D_NODE = 128
H = 64
H2 = 128
OUT = 16

NC = 2
NS = 16
NW = NC * NS
EW = E // NW
CH = 80
NCHUNK = EW // CH

_DOT = functools.partial(jnp.dot, preferred_element_type=jnp.float32,
                         precision=lax.Precision.DEFAULT)


def _proj_body(x_ref, ws_ref, wr_ref, xs_ref, xr_ref):
    xb = x_ref[...]
    xs_ref[...] = _DOT(xb, ws_ref[...])
    xr_ref[...] = _DOT(xb, wr_ref[...])


def _proj_nodes(x, ws, wr):
    blk = 2000
    grid = N // blk
    return pl.pallas_call(
        _proj_body,
        grid=(grid,),
        in_specs=[
            pl.BlockSpec((blk, D_NODE), lambda i: (i, 0)),
            pl.BlockSpec((D_NODE, H), lambda i: (0, 0)),
            pl.BlockSpec((D_NODE, H), lambda i: (0, 0)),
        ],
        out_specs=[
            pl.BlockSpec((blk, H), lambda i: (i, 0)),
            pl.BlockSpec((blk, H), lambda i: (i, 0)),
        ],
        out_shape=[
            jax.ShapeDtypeStruct((N, H), jnp.float32),
            jax.ShapeDtypeStruct((N, H), jnp.float32),
        ],
    )(x, ws, wr)


def _edge_base_body(attr2_ref, wea2_ref, u_ref, wu_ref, b_ref, out_ref):
    c0 = _DOT(u_ref[...], wu_ref[...]) + b_ref[...]
    c0p = jnp.concatenate([c0, c0], axis=1)
    out_ref[...] = _DOT(attr2_ref[...], wea2_ref[...]) + c0p


def _edge_base(attr2, wea2, u, wu, b):
    blk = 3200
    grid = (E // 2) // blk
    return pl.pallas_call(
        _edge_base_body,
        grid=(grid,),
        in_specs=[
            pl.BlockSpec((blk, 32), lambda i: (i, 0)),
            pl.BlockSpec((32, H2), lambda i: (0, 0)),
            pl.BlockSpec((1, H), lambda i: (0, 0)),
            pl.BlockSpec((H, H), lambda i: (0, 0)),
            pl.BlockSpec((1, H), lambda i: (0, 0)),
        ],
        out_specs=pl.BlockSpec((blk, H2), lambda i: (i, 0)),
        out_shape=jax.ShapeDtypeStruct((E // 2, H2), jnp.float32),
    )(attr2, wea2, u, wu, b)


def _sc1_body(ea1_h, xs_h, xr_h, snd_h, rcv_h, zeros_h,
              e1_h, aggp_h,
              sall, rall,
              eb0, gs0, gr0, wb0, eb1, gs1, gr1, wb1, eb2, gs2, gr2, wb2,
              aggsh, semi0, semi1, semi2, semo0, semo1, semo2):
    cid = lax.axis_index("c")
    sid = lax.axis_index("s")
    wid = cid * NS + sid
    base = wid * EW

    @pl.when(sid == 0)
    def _():
        pltpu.sync_copy(zeros_h, aggsh)

    pltpu.sync_copy(snd_h.at[wid], sall)
    pltpu.sync_copy(rcv_h.at[wid], rall)
    plsc.subcore_barrier()

    phases = ((eb0, gs0, gr0, wb0, semi0, semo0),
              (eb1, gs1, gr1, wb1, semi1, semo1),
              (eb2, gs2, gr2, wb2, semi2, semo2))

    def issue_in(p, c):
        eb, gs, gr, wb, semi, semo = phases[p]
        cb = base + c * CH
        pltpu.async_copy(ea1_h.at[pl.ds(cb, CH)], eb, semi)
        pltpu.async_copy(xs_h.at[sall.at[c]], gs, semi)
        pltpu.async_copy(xr_h.at[rall.at[c]], gr, semi)

    def wait_in(p, c):
        eb, gs, gr, wb, semi, semo = phases[p]
        cb = base + c * CH
        pltpu.make_async_copy(ea1_h.at[pl.ds(cb, CH)], eb, semi).wait()
        pltpu.make_async_copy(xs_h.at[sall.at[c]], gs, semi).wait()
        pltpu.make_async_copy(xr_h.at[rall.at[c]], gr, semi).wait()

    def issue_out(p, c):
        eb, gs, gr, wb, semi, semo = phases[p]
        cb = base + c * CH
        pltpu.async_copy(wb, e1_h.at[pl.ds(cb, CH)], semo)
        pltpu.sync_copy(wb, aggsh.at[rall.at[c]], add=True)

    def wait_out(p, c):
        eb, gs, gr, wb, semi, semo = phases[p]
        cb = base + c * CH
        pltpu.make_async_copy(wb, e1_h.at[pl.ds(cb, CH)], semo).wait()

    def compute(p):
        eb, gs, gr, wb, semi, semo = phases[p]

        def row(r, carry):
            for k in range(H // 16):
                sl = pl.ds(k * 16, 16)
                wb[r, sl] = jnp.maximum(eb[r, sl] + gs[r, sl] + gr[r, sl], 0.0)
            return carry

        lax.fori_loop(0, CH, row, 0, unroll=2)

    issue_in(0, 0)
    issue_in(1, 1)
    issue_in(2, 2)

    def trio(i, _):
        for p in range(3):
            c = 3 * i + p
            wait_in(p, c)

            @pl.when(c >= 3)
            def _():
                wait_out(p, c - 3)

            compute(p)
            issue_in(p, jnp.minimum(c + 3, NCHUNK - 1))
            issue_out(p, c)
        return 0

    lax.fori_loop(0, NCHUNK // 3, trio, 0)
    for p, c in ((0, NCHUNK - 2), (1, NCHUNK - 1)):
        wait_in(p, c)
        wait_out(p, c - 3)
        compute(p)
        issue_out(p, c)
    wait_in(2, NCHUNK - 1)
    wait_out(2, NCHUNK - 3)
    wait_out(0, NCHUNK - 2)
    wait_out(1, NCHUNK - 1)

    plsc.subcore_barrier()

    @pl.when(sid == 0)
    def _():
        pltpu.sync_copy(aggsh, aggp_h.at[pl.ds(cid * N, N)])


def _sc_edge_pass1(ea1, xs, xr, snd3, rcv3, zeros_n):
    mesh = plsc.VectorSubcoreMesh(core_axis_name="c", subcore_axis_name="s",
                                  num_cores=NC, num_subcores=NS)
    f = functools.partial(
        pl.kernel,
        out_type=[
            jax.ShapeDtypeStruct((E, H), jnp.float32),
            jax.ShapeDtypeStruct((NC * N, H), jnp.float32),
        ],
        mesh=mesh,
        compiler_params=pltpu.CompilerParams(use_tc_tiling_on_sc=False),
        scratch_types=(
            [pltpu.VMEM((NCHUNK, CH), jnp.int32)] * 2
            + [pltpu.VMEM((CH, H), jnp.float32)] * 12
            + [pltpu.VMEM_SHARED((N, H), jnp.float32)]
            + [pltpu.SemaphoreType.DMA] * 6
        ),
    )(_sc1_body)
    return f(ea1, xs, xr, snd3, rcv3, zeros_n)


def _node_body(a0_ref, a1_ref, x_ref, u_ref, wa_ref, wx_ref, wun_ref, nbb_ref,
               gbe_ref, gbn_ref, gbu_ref, gbb_ref, w1sr_ref, w1g_ref,
               db1_ref,
               nsr_ref, c2_ref,
               nsum_ref, esum_ref):
    i = pl.program_id(0)
    nblocks = pl.num_programs(0)

    @pl.when(i == 0)
    def _():
        nsum_ref[...] = jnp.zeros_like(nsum_ref)
        esum_ref[...] = jnp.zeros_like(esum_ref)

    agg = a0_ref[...] + a1_ref[...]
    esum_ref[...] += jnp.sum(agg, axis=0, keepdims=True)
    cu = _DOT(u_ref[...], wun_ref[...]) + nbb_ref[...]
    n1 = jnp.maximum(_DOT(agg, wa_ref[...]) + _DOT(x_ref[...], wx_ref[...]) + cu,
                     0.0)
    nsum_ref[...] += jnp.sum(n1, axis=0, keepdims=True)
    nsr_ref[...] = _DOT(n1, w1sr_ref[...])

    @pl.when(i == nblocks - 1)
    def _():
        e_mean = esum_ref[...] * (1.0 / E)
        n_mean = nsum_ref[...] * (1.0 / N)
        g1 = jnp.maximum(
            _DOT(e_mean, gbe_ref[...]) + _DOT(n_mean, gbn_ref[...])
            + _DOT(u_ref[...], gbu_ref[...]) + gbb_ref[...], 0.0)
        c2_ref[...] = _DOT(g1, w1g_ref[...]) + db1_ref[...]


def _node_block(aggp0, aggp1, x, u, wa, wx, wun, nbb, gbe, gbn, gbu, gbb,
                w1sr, w1g, db1):
    blk = 2000
    grid = N // blk
    full = lambda shape: pl.BlockSpec(shape, lambda i: tuple(0 for _ in shape))
    return pl.pallas_call(
        _node_body,
        grid=(grid,),
        in_specs=[
            pl.BlockSpec((blk, H), lambda i: (i, 0)),
            pl.BlockSpec((blk, H), lambda i: (i, 0)),
            pl.BlockSpec((blk, D_NODE), lambda i: (i, 0)),
            full((1, H)),
            full((H, H)), full((D_NODE, H)), full((H, H)), full((1, H)),
            full((H, H)), full((H, H)), full((H, H)), full((1, H)),
            full((H, H2)), full((H, H)), full((1, H)),
        ],
        out_specs=[
            pl.BlockSpec((blk, H2), lambda i: (i, 0)),
            pl.BlockSpec((1, H), lambda i: (0, 0)),
        ],
        out_shape=[
            jax.ShapeDtypeStruct((N, H2), jnp.float32),
            jax.ShapeDtypeStruct((1, H), jnp.float32),
        ],
        scratch_shapes=[
            pltpu.VMEM((1, H), jnp.float32),
            pltpu.VMEM((1, H), jnp.float32),
        ],
    )(aggp0, aggp1, x, u, wa, wx, wun, nbb, gbe, gbn, gbu, gbb,
      w1sr, w1g, db1)


def _sc2_body(nsr_h, snd_h, rcv_h,
              d_h,
              sall, rall,
              gs0, gr0, wb0, gs1, gr1, wb1, gs2, gr2, wb2,
              semi0, semi1, semi2, semo0, semo1, semo2):
    cid = lax.axis_index("c")
    sid = lax.axis_index("s")
    wid = cid * NS + sid
    base = wid * EW

    pltpu.sync_copy(snd_h.at[wid], sall)
    pltpu.sync_copy(rcv_h.at[wid], rall)

    phases = ((gs0, gr0, wb0, semi0, semo0),
              (gs1, gr1, wb1, semi1, semo1),
              (gs2, gr2, wb2, semi2, semo2))

    def issue_in(p, c):
        gs, gr, wb, semi, semo = phases[p]
        pltpu.async_copy(nsr_h.at[sall.at[c]], gs, semi)
        pltpu.async_copy(nsr_h.at[rall.at[c]], gr, semi)

    def wait_in(p, c):
        gs, gr, wb, semi, semo = phases[p]
        pltpu.make_async_copy(nsr_h.at[sall.at[c]], gs, semi).wait()
        pltpu.make_async_copy(nsr_h.at[rall.at[c]], gr, semi).wait()

    def issue_out(p, c):
        gs, gr, wb, semi, semo = phases[p]
        pltpu.async_copy(wb, d_h.at[pl.ds(base + c * CH, CH)], semo)

    def wait_out(p, c):
        gs, gr, wb, semi, semo = phases[p]
        pltpu.make_async_copy(wb, d_h.at[pl.ds(base + c * CH, CH)], semo).wait()

    def compute(p):
        gs, gr, wb, semi, semo = phases[p]

        def row(r, carry):
            for k in range(H // 16):
                sl = pl.ds(k * 16, 16)
                wb[r, sl] = gs[r, sl] + gr[r, pl.ds(H + k * 16, 16)]
            return carry

        lax.fori_loop(0, CH, row, 0, unroll=2)

    issue_in(0, 0)
    issue_in(1, 1)
    issue_in(2, 2)

    def trio(i, _):
        for p in range(3):
            c = 3 * i + p
            wait_in(p, c)

            @pl.when(c >= 3)
            def _():
                wait_out(p, c - 3)

            compute(p)
            issue_in(p, jnp.minimum(c + 3, NCHUNK - 1))
            issue_out(p, c)
        return 0

    lax.fori_loop(0, NCHUNK // 3, trio, 0)
    for p, c in ((0, NCHUNK - 2), (1, NCHUNK - 1)):
        wait_in(p, c)
        wait_out(p, c - 3)
        compute(p)
        issue_out(p, c)
    wait_in(2, NCHUNK - 1)
    wait_out(2, NCHUNK - 3)
    wait_out(0, NCHUNK - 2)
    wait_out(1, NCHUNK - 1)


def _sc_edge_pass2(nsr, snd3, rcv3):
    mesh = plsc.VectorSubcoreMesh(core_axis_name="c", subcore_axis_name="s",
                                  num_cores=NC, num_subcores=NS)
    f = functools.partial(
        pl.kernel,
        out_type=jax.ShapeDtypeStruct((E, H), jnp.float32),
        mesh=mesh,
        scratch_types=(
            [pltpu.VMEM((NCHUNK, CH), jnp.int32)] * 2
            + [pltpu.VMEM((CH, H2), jnp.float32),
               pltpu.VMEM((CH, H2), jnp.float32),
               pltpu.VMEM((CH, H), jnp.float32)] * 3
            + [pltpu.SemaphoreType.DMA] * 6
        ),
    )(_sc2_body)
    return f(nsr, snd3, rcv3)


def _dec_body(e1_ref, d_ref, c2_ref, w1e_ref, w2_ref, b2_ref, out_ref):
    p = _DOT(e1_ref[...], w1e_ref[...]) + d_ref[...] + c2_ref[...]
    out_ref[...] = _DOT(jnp.maximum(p, 0.0), w2_ref[...]) + b2_ref[...]


def _decoder(e1, d, c2, w1e, w2, b2):
    blk = 6400
    grid = E // blk
    return pl.pallas_call(
        _dec_body,
        grid=(grid,),
        in_specs=[
            pl.BlockSpec((blk, H), lambda i: (i, 0)),
            pl.BlockSpec((blk, H), lambda i: (i, 0)),
            pl.BlockSpec((1, H), lambda i: (0, 0)),
            pl.BlockSpec((H, H), lambda i: (0, 0)),
            pl.BlockSpec((H, OUT), lambda i: (0, 0)),
            pl.BlockSpec((1, OUT), lambda i: (0, 0)),
        ],
        out_specs=pl.BlockSpec((blk, OUT), lambda i: (i, 0)),
        out_shape=jax.ShapeDtypeStruct((E, OUT), jnp.float32),
    )(e1, d, c2, w1e, w2, b2)


def kernel(x, edge_index, edge_attr, u, eb_W, eb_b, nb_W, nb_b, gb_W, gb_b,
           dec_W1, dec_b1, dec_W2, dec_b2):
    senders = edge_index[0]
    receivers = edge_index[1]

    wea = eb_W[0:16]
    wea2 = jnp.zeros((32, H2), jnp.float32)
    wea2 = wea2.at[0:16, 0:H].set(wea).at[16:32, H:H2].set(wea)
    ws = eb_W[16:16 + D_NODE]
    wr = eb_W[16 + D_NODE:16 + 2 * D_NODE]
    wu = eb_W[16 + 2 * D_NODE:]
    wa = nb_W[0:H]
    wx = nb_W[H:H + D_NODE]
    wun = nb_W[H + D_NODE:]
    gbe = gb_W[0:H]
    gbn = gb_W[H:2 * H]
    gbu = gb_W[2 * H:]
    w1e = dec_W1[0:H]
    w1sr = jnp.concatenate([dec_W1[H:2 * H], dec_W1[2 * H:3 * H]], axis=1)
    w1g = dec_W1[3 * H:]

    u2 = u.reshape(1, H)
    ebb = eb_b.reshape(1, H)
    nbb = nb_b.reshape(1, H)
    gbb = gb_b.reshape(1, H)
    db1 = dec_b1.reshape(1, H)
    b2 = dec_b2.reshape(1, OUT)
    zeros_n = jnp.zeros((N, H), jnp.float32)
    snd3 = senders.reshape(NW, NCHUNK, CH)
    rcv3 = receivers.reshape(NW, NCHUNK, CH)
    attr2 = edge_attr.reshape(E // 2, 32)

    xs, xr = _proj_nodes(x, ws, wr)
    ea1 = _edge_base(attr2, wea2, u2, wu, ebb).reshape(E, H)
    e1, aggp = _sc_edge_pass1(ea1, xs, xr, snd3, rcv3, zeros_n)
    nsr, c2 = _node_block(aggp[:N], aggp[N:], x, u2, wa, wx, wun, nbb,
                          gbe, gbn, gbu, gbb, w1sr, w1g, db1)
    d = _sc_edge_pass2(nsr, snd3, rcv3)
    return _decoder(e1, d, c2, w1e, dec_W2, b2)

# --- scband reference (transcript-rebuilt; emitter-appended) ---
"""Pipeline reference for scband-net-17729624998195 (READ-ONLY COPY).

The authoritative reference and input builder live on the scoring server;
editing this copy changes nothing except your own understanding.
"""

import jax, jax.numpy as jnp
import numpy as np

N = 10000
E = 320000
D_NODE = 128
D_EDGE = 16
H_E = 64
H_N = 64
H_G = 64
OUT = 16


def _mlp_params(key, fan_in, fan_out):
    k1, k2 = jax.random.split(key)
    W = jax.random.normal(k1, (fan_in, fan_out), jnp.float32) * (1.0 / np.sqrt(fan_in))
    b = jnp.zeros((fan_out,), jnp.float32)
    return W, b


def setup_inputs(seed: int = 0) -> dict:
    key = jax.random.key(seed)
    ks = jax.random.split(key, 10)
    x = jax.random.normal(ks[0], (N, D_NODE), jnp.float32)
    edge_index = jax.random.randint(ks[1], (2, E), 0, N, dtype=jnp.int32)
    edge_attr = jax.random.normal(ks[2], (E, D_EDGE), jnp.float32)
    u = jax.random.normal(ks[3], (1, H_G), jnp.float32)
    # GN1 edge block: in = d_edge + 2*d_node + h_g = 16 + 256 + 64 = 336
    eb_W, eb_b = _mlp_params(ks[4], D_EDGE + 2 * D_NODE + H_G, H_E)
    # GN1 node block: in = d_node + h_e + h_g = 128 + 64 + 64 = 256
    nb_W, nb_b = _mlp_params(ks[5], D_NODE + H_E + H_G, H_N)
    # GN1 global block: in = h_n + h_e + h_g = 192
    gb_W, gb_b = _mlp_params(ks[6], H_N + H_E + H_G, H_G)
    # GN2 edge decoder: in = h_e + 2*h_n + h_g = 256 -> 64 -> out
    dec_W1, dec_b1 = _mlp_params(ks[7], H_E + 2 * H_N + H_G, H_E)
    dec_W2, dec_b2 = _mlp_params(ks[8], H_E, OUT)
    return {
        "x": x, "edge_index": edge_index, "edge_attr": edge_attr, "u": u,
        "eb_W": eb_W, "eb_b": eb_b, "nb_W": nb_W, "nb_b": nb_b,
        "gb_W": gb_W, "gb_b": gb_b,
        "dec_W1": dec_W1, "dec_b1": dec_b1, "dec_W2": dec_W2, "dec_b2": dec_b2,
    }


def reference(x, edge_index, edge_attr, u, eb_W, eb_b, nb_W, nb_b, gb_W, gb_b,
              dec_W1, dec_b1, dec_W2, dec_b2):
    senders = edge_index[0]
    receivers = edge_index[1]
    u_e = jnp.broadcast_to(u, (E, H_G))
    u_n = jnp.broadcast_to(u, (N, H_G))

    # --- GN1 ---
    # EdgeBlock: [edges, sender nodes, receiver nodes, globals] -> Linear+ReLU
    eb_in = jnp.concatenate([edge_attr, x[senders], x[receivers], u_e], axis=1)
    e1 = jax.nn.relu(eb_in @ eb_W + eb_b)

    # NodeBlock: received-edge scatter_add aggregation, then [agg_edges, nodes, globals]
    agg_e = jax.ops.segment_sum(e1, receivers, num_segments=N)
    nb_in = jnp.concatenate([agg_e, x, u_n], axis=1)
    n1 = jax.nn.relu(nb_in @ nb_W + nb_b)

    # GlobalBlock: scatter_mean over edges and nodes (single graph -> plain mean)
    e_mean = jnp.mean(e1, axis=0, keepdims=True)
    n_mean = jnp.mean(n1, axis=0, keepdims=True)
    gb_in = jnp.concatenate([e_mean, n_mean, u], axis=1)
    g1 = jax.nn.relu(gb_in @ gb_W + gb_b)

    # --- GN2: edge decoder block only ---
    g1_e = jnp.broadcast_to(g1, (E, H_G))
    dec_in = jnp.concatenate([e1, n1[senders], n1[receivers], g1_e], axis=1)
    h = jax.nn.relu(dec_in @ dec_W1 + dec_b1)
    edge_out = h @ dec_W2 + dec_b2
    return edge_out

if __name__ == "__main__":
    import jax
    _d = setup_inputs()
    print(jax.jit(kernel)(*tuple(_d.values())))

</pallas_src>

<mosaic_0001>
#map = affine_map<(d0, d1) -> (0, 0)>
#map1 = affine_map<(d0, d1) -> (0, 0, 0)>
module attributes {stable_mosaic.version = 14 : i64} {
  func.func @_sc1_body(%arg0: i32, %arg1: i32, %arg2: memref<320000x64xf32, #tpu.memory_space<hbm>>, %arg3: memref<10000x64xf32, #tpu.memory_space<hbm>>, %arg4: memref<10000x64xf32, #tpu.memory_space<hbm>>, %arg5: memref<32x125x80xi32, #tpu.memory_space<hbm>>, %arg6: memref<32x125x80xi32, #tpu.memory_space<hbm>>, %arg7: memref<10000x64xf32, #tpu.memory_space<hbm>>, %arg8: memref<320000x64xf32, #tpu.memory_space<hbm>>, %arg9: memref<20000x64xf32, #tpu.memory_space<hbm>>, %arg10: memref<125x80xi32, #tpu.memory_space<vmem>>, %arg11: memref<125x80xi32, #tpu.memory_space<vmem>>, %arg12: memref<80x64xf32, #tpu.memory_space<vmem>>, %arg13: memref<80x64xf32, #tpu.memory_space<vmem>>, %arg14: memref<80x64xf32, #tpu.memory_space<vmem>>, %arg15: memref<80x64xf32, #tpu.memory_space<vmem>>, %arg16: memref<80x64xf32, #tpu.memory_space<vmem>>, %arg17: memref<80x64xf32, #tpu.memory_space<vmem>>, %arg18: memref<80x64xf32, #tpu.memory_space<vmem>>, %arg19: memref<80x64xf32, #tpu.memory_space<vmem>>, %arg20: memref<80x64xf32, #tpu.memory_space<vmem>>, %arg21: memref<80x64xf32, #tpu.memory_space<vmem>>, %arg22: memref<80x64xf32, #tpu.memory_space<vmem>>, %arg23: memref<80x64xf32, #tpu.memory_space<vmem>>, %arg24: memref<10000x64xf32, #tpu.memory_space<vmem_shared>>, %arg25: memref<!tpu.dma_semaphore, #tpu.memory_space<semaphore_mem>>, %arg26: memref<!tpu.dma_semaphore, #tpu.memory_space<semaphore_mem>>, %arg27: memref<!tpu.dma_semaphore, #tpu.memory_space<semaphore_mem>>, %arg28: memref<!tpu.dma_semaphore, #tpu.memory_space<semaphore_mem>>, %arg29: memref<!tpu.dma_semaphore, #tpu.memory_space<semaphore_mem>>, %arg30: memref<!tpu.dma_semaphore, #tpu.memory_space<semaphore_mem>>) attributes {dimension_semantics = [#tpu.dimension_semantics<core_parallel>, #tpu.dimension_semantics<subcore_parallel>], iteration_bounds = array<i64: 2, 16>, scalar_prefetch = 0 : i64, scratch_operands = 21 : i64, tpu.core_type = #tpu.core_type<sc_vector_subcore>, window_params = [{transform_indices = #map}, {transform_indices = #map}, {transform_indices = #map}, {transform_indices = #map1}, {transform_indices = #map1}, {transform_indices = #map}, {transform_indices = #map}, {transform_indices = #map}]} {
    %mul3A = arith.constant 16 : i32
    %mul3A_0 = arith.muli %arg0, %mul3A : i32
    %add3A = arith.addi %mul3A_0, %arg1 : i32
    %mul3A_1 = arith.constant 10000 : i32
    %mul3A_2 = arith.muli %add3A, %mul3A_1 : i32
    %eq3A = arith.constant 0 : i32
    %eq3A_3 = arith.cmpi eq, %arg1, %eq3A : i32
    %convert_element_type3A = arith.extui %eq3A_3 : i1 to i32
    %cond3A = arith.constant 0 : i32
    %cond3A_4 = arith.cmpi ne, %convert_element_type3A, %cond3A : i32
    scf.if %cond3A_4 {
      "tpu.region"() ({
        %run_scoped3A_190 = tpu.sem_alloc : memref<!tpu.dma_semaphore, #tpu.memory_space<semaphore_mem>>
        tpu.enqueue_dma source(%arg7 : memref<10000x64xf32, #tpu.memory_space<hbm>>) target(%arg24 : memref<10000x64xf32, #tpu.memory_space<vmem_shared>>) target_semaphore(%run_scoped3A_190 : memref<!tpu.dma_semaphore, #tpu.memory_space<semaphore_mem>>)
        tpu.wait_dma2 semaphore(%run_scoped3A_190 : memref<!tpu.dma_semaphore, #tpu.memory_space<semaphore_mem>>) src(%arg7 : memref<10000x64xf32, #tpu.memory_space<hbm>>) dst(%arg24 : memref<10000x64xf32, #tpu.memory_space<vmem_shared>>)
        tpu.yield
      }) : () -> ()
    } else {
    }
    "tpu.region"() ({
      %run_scoped3A_190 = tpu.sem_alloc : memref<!tpu.dma_semaphore, #tpu.memory_space<semaphore_mem>>
      %dma_start3A_191 = arith.constant 0 : i32
      %dma_start3A_192 = arith.constant 0 : i32
      %dma_start3A_193 = tpu.memref_slice %arg5[%add3A, %dma_start3A_191, %dma_start3A_192] : memref<32x125x80xi32, #tpu.memory_space<hbm>> -> memref<1x125x80xi32, #tpu.memory_space<hbm>>
      %dma_start3A_194 = tpu.memref_squeeze %dma_start3A_193 : memref<1x125x80xi32, #tpu.memory_space<hbm>> -> memref<125x80xi32, #tpu.memory_space<hbm>>
      %dma_start3A_195 = arith.constant 0 : i32
      %dma_start3A_196 = arith.constant 0 : i32
      %dma_start3A_197 = tpu.memref_slice %arg5[%add3A, %dma_start3A_195, %dma_start3A_196] : memref<32x125x80xi32, #tpu.memory_space<hbm>> -> memref<1x125x80xi32, #tpu.memory_space<hbm>>
      %dma_start3A_198 = tpu.memref_squeeze %dma_start3A_197 : memref<1x125x80xi32, #tpu.memory_space<hbm>> -> memref<125x80xi32, #tpu.memory_space<hbm>>
      tpu.enqueue_dma source(%dma_start3A_198 : memref<125x80xi32, #tpu.memory_space<hbm>>) target(%arg10 : memref<125x80xi32, #tpu.memory_space<vmem>>) target_semaphore(%run_scoped3A_190 : memref<!tpu.dma_semaphore, #tpu.memory_space<semaphore_mem>>)
      %dma_wait3A_199 = arith.constant 0 : i32
      %dma_wait3A_200 = arith.constant 0 : i32
      %dma_wait3A_201 = tpu.memref_slice %arg5[%add3A, %dma_wait3A_199, %dma_wait3A_200] : memref<32x125x80xi32, #tpu.memory_space<hbm>> -> memref<1x125x80xi32, #tpu.memory_space<hbm>>
      %dma_wait3A_202 = tpu.memref_squeeze %dma_wait3A_201 : memref<1x125x80xi32, #tpu.memory_space<hbm>> -> memref<125x80xi32, #tpu.memory_space<hbm>>
      %dma_wait3A_203 = arith.constant 0 : i32
      %dma_wait3A_204 = arith.constant 0 : i32
      %dma_wait3A_205 = tpu.memref_slice %arg5[%add3A, %dma_wait3A_203, %dma_wait3A_204] : memref<32x125x80xi32, #tpu.memory_space<hbm>> -> memref<1x125x80xi32, #tpu.memory_space<hbm>>
      %dma_wait3A_206 = tpu.memref_squeeze %dma_wait3A_205 : memref<1x125x80xi32, #tpu.memory_space<hbm>> -> memref<125x80xi32, #tpu.memory_space<hbm>>
      tpu.wait_dma2 semaphore(%run_scoped3A_190 : memref<!tpu.dma_semaphore, #tpu.memory_space<semaphore_mem>>) src(%dma_wait3A_206 : memref<125x80xi32, #tpu.memory_space<hbm>>) dst(%arg10 : memref<125x80xi32, #tpu.memory_space<vmem>>)
      tpu.yield
    }) : () -> ()
    "tpu.region"() ({
      %run_scoped3A_190 = tpu.sem_alloc : memref<!tpu.dma_semaphore, #tpu.memory_space<semaphore_mem>>
      %dma_start3A_191 = arith.constant 0 : i32
      %dma_start3A_192 = arith.constant 0 : i32
      %dma_start3A_193 = tpu.memref_slice %arg6[%add3A, %dma_start3A_191, %dma_start3A_192] : memref<32x125x80xi32, #tpu.memory_space<hbm>> -> memref<1x125x80xi32, #tpu.memory_space<hbm>>
      %dma_start3A_194 = tpu.memref_squeeze %dma_start3A_193 : memref<1x125x80xi32, #tpu.memory_space<hbm>> -> memref<125x80xi32, #tpu.memory_space<hbm>>
      %dma_start3A_195 = arith.constant 0 : i32
      %dma_start3A_196 = arith.constant 0 : i32
      %dma_start3A_197 = tpu.memref_slice %arg6[%add3A, %dma_start3A_195, %dma_start3A_196] : memref<32x125x80xi32, #tpu.memory_space<hbm>> -> memref<1x125x80xi32, #tpu.memory_space<hbm>>
      %dma_start3A_198 = tpu.memref_squeeze %dma_start3A_197 : memref<1x125x80xi32, #tpu.memory_space<hbm>> -> memref<125x80xi32, #tpu.memory_space<hbm>>
      tpu.enqueue_dma source(%dma_start3A_198 : memref<125x80xi32, #tpu.memory_space<hbm>>) target(%arg11 : memref<125x80xi32, #tpu.memory_space<vmem>>) target_semaphore(%run_scoped3A_190 : memref<!tpu.dma_semaphore, #tpu.memory_space<semaphore_mem>>)
      %dma_wait3A_199 = arith.constant 0 : i32
      %dma_wait3A_200 = arith.constant 0 : i32
      %dma_wait3A_201 = tpu.memref_slice %arg6[%add3A, %dma_wait3A_199, %dma_wait3A_200] : memref<32x125x80xi32, #tpu.memory_space<hbm>> -> memref<1x125x80xi32, #tpu.memory_space<hbm>>
      %dma_wait3A_202 = tpu.memref_squeeze %dma_wait3A_201 : memref<1x125x80xi32, #tpu.memory_space<hbm>> -> memref<125x80xi32, #tpu.memory_space<hbm>>
      %dma_wait3A_203 = arith.constant 0 : i32
      %dma_wait3A_204 = arith.constant 0 : i32
      %dma_wait3A_205 = tpu.memref_slice %arg6[%add3A, %dma_wait3A_203, %dma_wait3A_204] : memref<32x125x80xi32, #tpu.memory_space<hbm>> -> memref<1x125x80xi32, #tpu.memory_space<hbm>>
      %dma_wait3A_206 = tpu.memref_squeeze %dma_wait3A_205 : memref<1x125x80xi32, #tpu.memory_space<hbm>> -> memref<125x80xi32, #tpu.memory_space<hbm>>
      tpu.wait_dma2 semaphore(%run_scoped3A_190 : memref<!tpu.dma_semaphore, #tpu.memory_space<semaphore_mem>>) src(%dma_wait3A_206 : memref<125x80xi32, #tpu.memory_space<hbm>>) dst(%arg11 : memref<125x80xi32, #tpu.memory_space<vmem>>)
      tpu.yield
    }) : () -> ()
    %barrier3A = arith.constant 0 : index
    tpu.barrier barrier_id(%barrier3A)
    %add3A_5 = arith.constant 0 : i32
    %add3A_6 = arith.addi %mul3A_2, %add3A_5 : i32
    %dma_start3A = arith.constant 0 : i32
    %dma_start3A_7 = tpu.memref_slice %arg2[%add3A_6, %dma_start3A] : memref<320000x64xf32, #tpu.memory_space<hbm>> -> memref<80x64xf32, #tpu.memory_space<hbm>>
    %dma_start3A_8 = arith.constant 0 : i32
    %dma_start3A_9 = tpu.memref_slice %arg2[%add3A_6, %dma_start3A_8] : memref<320000x64xf32, #tpu.memory_space<hbm>> -> memref<80x64xf32, #tpu.memory_space<hbm>>
    tpu.enqueue_dma source(%dma_start3A_9 : memref<80x64xf32, #tpu.memory_space<hbm>>) target(%arg12 : memref<80x64xf32, #tpu.memory_space<vmem>>) target_semaphore(%arg25 : memref<!tpu.dma_semaphore, #tpu.memory_space<semaphore_mem>>)
    %dma_start3A_10 = arith.constant 0 : i32
    %dma_start3A_11 = arith.constant 0 : i32
    %dma_start3A_12 = tpu.memref_slice %arg10[%dma_start3A_10, %dma_start3A_11] : memref<125x80xi32, #tpu.memory_space<vmem>> -> memref<1x80xi32, #tpu.memory_space<vmem>>
    %dma_start3A_13 = tpu.memref_squeeze %dma_start3A_12 : memref<1x80xi32, #tpu.memory_space<vmem>> -> memref<80xi32, #tpu.memory_space<vmem>>
    %dma_start3A_14 = arith.constant 0 : i32
    %dma_start3A_15 = arith.constant 0 : i32
    %dma_start3A_16 = tpu.memref_slice %arg3[%dma_start3A_14, %dma_start3A_15] : memref<10000x64xf32, #tpu.memory_space<hbm>> -> memref<10000x64xf32, #tpu.memory_space<hbm>>
    tpu.enqueue_indirect_dma source(%dma_start3A_16 : memref<10000x64xf32, #tpu.memory_space<hbm>>) target(%arg13 : memref<80x64xf32, #tpu.memory_space<vmem>>) offsets(%dma_start3A_13 : memref<80xi32, #tpu.memory_space<vmem>>) semaphore(%arg25 : memref<!tpu.dma_semaphore, #tpu.memory_space<semaphore_mem>>)
    %dma_start3A_17 = arith.constant 0 : i32
    %dma_start3A_18 = arith.constant 0 : i32
    %dma_start3A_19 = tpu.memref_slice %arg11[%dma_start3A_17, %dma_start3A_18] : memref<125x80xi32, #tpu.memory_space<vmem>> -> memref<1x80xi32, #tpu.memory_space<vmem>>
    %dma_start3A_20 = tpu.memref_squeeze %dma_start3A_19 : memref<1x80xi32, #tpu.memory_space<vmem>> -> memref<80xi32, #tpu.memory_space<vmem>>
    %dma_start3A_21 = arith.constant 0 : i32
    %dma_start3A_22 = arith.constant 0 : i32
    %dma_start3A_23 = tpu.memref_slice %arg4[%dma_start3A_21, %dma_start3A_22] : memref<10000x64xf32, #tpu.memory_space<hbm>> -> memref<10000x64xf32, #tpu.memory_space<hbm>>
    tpu.enqueue_indirect_dma source(%dma_start3A_23 : memref<10000x64xf32, #tpu.memory_space<hbm>>) target(%arg14 : memref<80x64xf32, #tpu.memory_space<vmem>>) offsets(%dma_start3A_20 : memref<80xi32, #tpu.memory_space<vmem>>) semaphore(%arg25 : memref<!tpu.dma_semaphore, #tpu.memory_space<semaphore_mem>>)
    %add3A_24 = arith.constant 80 : i32
    %add3A_25 = arith.addi %mul3A_2, %add3A_24 : i32
    %dma_start3A_26 = arith.constant 0 : i32
    %dma_start3A_27 = tpu.memref_slice %arg2[%add3A_25, %dma_start3A_26] : memref<320000x64xf32, #tpu.memory_space<hbm>> -> memref<80x64xf32, #tpu.memory_space<hbm>>
    %dma_start3A_28 = arith.constant 0 : i32
    %dma_start3A_29 = tpu.memref_slice %arg2[%add3A_25, %dma_start3A_28] : memref<320000x64xf32, #tpu.memory_space<hbm>> -> memref<80x64xf32, #tpu.memory_space<hbm>>
    tpu.enqueue_dma source(%dma_start3A_29 : memref<80x64xf32, #tpu.memory_space<hbm>>) target(%arg16 : memref<80x64xf32, #tpu.memory_space<vmem>>) target_semaphore(%arg26 : memref<!tpu.dma_semaphore, #tpu.memory_space<semaphore_mem>>)
    %dma_start3A_30 = arith.constant 1 : i32
    %dma_start3A_31 = arith.constant 0 : i32
    %dma_start3A_32 = tpu.memref_slice %arg10[%dma_start3A_30, %dma_start3A_31] : memref<125x80xi32, #tpu.memory_space<vmem>> -> memref<1x80xi32, #tpu.memory_space<vmem>>
    %dma_start3A_33 = tpu.memref_squeeze %dma_start3A_32 : memref<1x80xi32, #tpu.memory_space<vmem>> -> memref<80xi32, #tpu.memory_space<vmem>>
    %dma_start3A_34 = arith.constant 0 : i32
    %dma_start3A_35 = arith.constant 0 : i32
    %dma_start3A_36 = tpu.memref_slice %arg3[%dma_start3A_34, %dma_start3A_35] : memref<10000x64xf32, #tpu.memory_space<hbm>> -> memref<10000x64xf32, #tpu.memory_space<hbm>>
    tpu.enqueue_indirect_dma source(%dma_start3A_36 : memref<10000x64xf32, #tpu.memory_space<hbm>>) target(%arg17 : memref<80x64xf32, #tpu.memory_space<vmem>>) offsets(%dma_start3A_33 : memref<80xi32, #tpu.memory_space<vmem>>) semaphore(%arg26 : memref<!tpu.dma_semaphore, #tpu.memory_space<semaphore_mem>>)
    %dma_start3A_37 = arith.constant 1 : i32
    %dma_start3A_38 = arith.constant 0 : i32
    %dma_start3A_39 = tpu.memref_slice %arg11[%dma_start3A_37, %dma_start3A_38] : memref<125x80xi32, #tpu.memory_space<vmem>> -> memref<1x80xi32, #tpu.memory_space<vmem>>
    %dma_start3A_40 = tpu.memref_squeeze %dma_start3A_39 : memref<1x80xi32, #tpu.memory_space<vmem>> -> memref<80xi32, #tpu.memory_space<vmem>>
    %dma_start3A_41 = arith.constant 0 : i32
    %dma_start3A_42 = arith.constant 0 : i32
    %dma_start3A_43 = tpu.memref_slice %arg4[%dma_start3A_41, %dma_start3A_42] : memref<10000x64xf32, #tpu.memory_space<hbm>> -> memref<10000x64xf32, #tpu.memory_space<hbm>>
    tpu.enqueue_indirect_dma source(%dma_start3A_43 : memref<10000x64xf32, #tpu.memory_space<hbm>>) target(%arg18 : memref<80x64xf32, #tpu.memory_space<vmem>>) offsets(%dma_start3A_40 : memref<80xi32, #tpu.memory_space<vmem>>) semaphore(%arg26 : memref<!tpu.dma_semaphore, #tpu.memory_space<semaphore_mem>>)
    %add3A_44 = arith.constant 160 : i32
    %add3A_45 = arith.addi %mul3A_2, %add3A_44 : i32
    %dma_start3A_46 = arith.constant 0 : i32
    %dma_start3A_47 = tpu.memref_slice %arg2[%add3A_45, %dma_start3A_46] : memref<320000x64xf32, #tpu.memory_space<hbm>> -> memref<80x64xf32, #tpu.memory_space<hbm>>
    %dma_start3A_48 = arith.constant 0 : i32
    %dma_start3A_49 = tpu.memref_slice %arg2[%add3A_45, %dma_start3A_48] : memref<320000x64xf32, #tpu.memory_space<hbm>> -> memref<80x64xf32, #tpu.memory_space<hbm>>
    tpu.enqueue_dma source(%dma_start3A_49 : memref<80x64xf32, #tpu.memory_space<hbm>>) target(%arg20 : memref<80x64xf32, #tpu.memory_space<vmem>>) target_semaphore(%arg27 : memref<!tpu.dma_semaphore, #tpu.memory_space<semaphore_mem>>)
    %dma_start3A_50 = arith.constant 2 : i32
    %dma_start3A_51 = arith.constant 0 : i32
    %dma_start3A_52 = tpu.memref_slice %arg10[%dma_start3A_50, %dma_start3A_51] : memref<125x80xi32, #tpu.memory_space<vmem>> -> memref<1x80xi32, #tpu.memory_space<vmem>>
    %dma_start3A_53 = tpu.memref_squeeze %dma_start3A_52 : memref<1x80xi32, #tpu.memory_space<vmem>> -> memref<80xi32, #tpu.memory_space<vmem>>
    %dma_start3A_54 = arith.constant 0 : i32
    %dma_start3A_55 = arith.constant 0 : i32
    %dma_start3A_56 = tpu.memref_slice %arg3[%dma_start3A_54, %dma_start3A_55] : memref<10000x64xf32, #tpu.memory_space<hbm>> -> memref<10000x64xf32, #tpu.memory_space<hbm>>
    tpu.enqueue_indirect_dma source(%dma_start3A_56 : memref<10000x64xf32, #tpu.memory_space<hbm>>) target(%arg21 : memref<80x64xf32, #tpu.memory_space<vmem>>) offsets(%dma_start3A_53 : memref<80xi32, #tpu.memory_space<vmem>>) semaphore(%arg27 : memref<!tpu.dma_semaphore, #tpu.memory_space<semaphore_mem>>)
    %dma_start3A_57 = arith.constant 2 : i32
    %dma_start3A_58 = arith.constant 0 : i32
    %dma_start3A_59 = tpu.memref_slice %arg11[%dma_start3A_57, %dma_start3A_58] : memref<125x80xi32, #tpu.memory_space<vmem>> -> memref<1x80xi32, #tpu.memory_space<vmem>>
    %dma_start3A_60 = tpu.memref_squeeze %dma_start3A_59 : memref<1x80xi32, #tpu.memory_space<vmem>> -> memref<80xi32, #tpu.memory_space<vmem>>
    %dma_start3A_61 = arith.constant 0 : i32
    %dma_start3A_62 = arith.constant 0 : i32
    %dma_start3A_63 = tpu.memref_slice %arg4[%dma_start3A_61, %dma_start3A_62] : memref<10000x64xf32, #tpu.memory_space<hbm>> -> memref<10000x64xf32, #tpu.memory_space<hbm>>
    tpu.enqueue_indirect_dma source(%dma_start3A_63 : memref<10000x64xf32, #tpu.memory_space<hbm>>) target(%arg22 : memref<80x64xf32, #tpu.memory_space<vmem>>) offsets(%dma_start3A_60 : memref<80xi32, #tpu.memory_space<vmem>>) semaphore(%arg27 : memref<!tpu.dma_semaphore, #tpu.memory_space<semaphore_mem>>)
    %scan3A = arith.constant 0 : i32
    %scan3A_64 = arith.constant 0 : i32
    %scan3A_65 = arith.constant 41 : i32
    %scan3A_66 = arith.addi %scan3A_64, %scan3A_65 : i32
    %scan3A_67 = arith.constant 1 : i32
    %scan3A_68 = scf.for %scan3A_190 = %scan3A_64 to %scan3A_66 step %scan3A_67 iter_args(%scan3A_191 = %scan3A) -> (i32)  : i32 {
      %mul3A_192 = arith.constant 3 : i32
      %mul3A_193 = arith.muli %mul3A_192, %scan3A_190 : i32
      %add3A_194 = arith.constant 0 : i32
      %add3A_195 = arith.addi %mul3A_193, %add3A_194 : i32
      %mul3A_196 = arith.constant 80 : i32
      %mul3A_197 = arith.muli %add3A_195, %mul3A_196 : i32
      %add3A_198 = arith.addi %mul3A_2, %mul3A_197 : i32
      %dma_wait3A_199 = arith.constant 0 : i32
      %dma_wait3A_200 = tpu.memref_slice %arg2[%add3A_198, %dma_wait3A_199] : memref<320000x64xf32, #tpu.memory_space<hbm>> -> memref<80x64xf32, #tpu.memory_space<hbm>>
      %dma_wait3A_201 = arith.constant 0 : i32
      %dma_wait3A_202 = tpu.memref_slice %arg2[%add3A_198, %dma_wait3A_201] : memref<320000x64xf32, #tpu.memory_space<hbm>> -> memref<80x64xf32, #tpu.memory_space<hbm>>
      tpu.wait_dma2 semaphore(%arg25 : memref<!tpu.dma_semaphore, #tpu.memory_space<semaphore_mem>>) src(%dma_wait3A_202 : memref<80x64xf32, #tpu.memory_space<hbm>>) dst(%arg12 : memref<80x64xf32, #tpu.memory_space<vmem>>)
      %dma_wait3A_203 = arith.constant 0 : i32
      %dma_wait3A_204 = tpu.memref_slice %arg10[%add3A_195, %dma_wait3A_203] : memref<125x80xi32, #tpu.memory_space<vmem>> -> memref<1x80xi32, #tpu.memory_space<vmem>>
      %dma_wait3A_205 = tpu.memref_squeeze %dma_wait3A_204 : memref<1x80xi32, #tpu.memory_space<vmem>> -> memref<80xi32, #tpu.memory_space<vmem>>
      %dma_wait3A_206 = arith.constant 0 : i32
      %dma_wait3A_207 = arith.constant 0 : i32
      %dma_wait3A_208 = tpu.memref_slice %arg3[%dma_wait3A_206, %dma_wait3A_207] : memref<10000x64xf32, #tpu.memory_space<hbm>> -> memref<10000x64xf32, #tpu.memory_space<hbm>>
      tpu.wait_indirect_dma semaphore(%arg25 : memref<!tpu.dma_semaphore, #tpu.memory_space<semaphore_mem>>) src(%dma_wait3A_208 : memref<10000x64xf32, #tpu.memory_space<hbm>>) dst(%arg13 : memref<80x64xf32, #tpu.memory_space<vmem>>)
      %dma_wait3A_209 = arith.constant 0 : i32
      %dma_wait3A_210 = tpu.memref_slice %arg11[%add3A_195, %dma_wait3A_209] : memref<125x80xi32, #tpu.memory_space<vmem>> -> memref<1x80xi32, #tpu.memory_space<vmem>>
      %dma_wait3A_211 = tpu.memref_squeeze %dma_wait3A_210 : memref<1x80xi32, #tpu.memory_space<vmem>> -> memref<80xi32, #tpu.memory_space<vmem>>
      %dma_wait3A_212 = arith.constant 0 : i32
      %dma_wait3A_213 = arith.constant 0 : i32
      %dma_wait3A_214 = tpu.memref_slice %arg4[%dma_wait3A_212, %dma_wait3A_213] : memref<10000x64xf32, #tpu.memory_space<hbm>> -> memref<10000x64xf32, #tpu.memory_space<hbm>>
      tpu.wait_indirect_dma semaphore(%arg25 : memref<!tpu.dma_semaphore, #tpu.memory_space<semaphore_mem>>) src(%dma_wait3A_214 : memref<10000x64xf32, #tpu.memory_space<hbm>>) dst(%arg14 : memref<80x64xf32, #tpu.memory_space<vmem>>)
      %ge3A = arith.constant 3 : i32
      %ge3A_215 = arith.cmpi sge, %add3A_195, %ge3A : i32
      %convert_element_type3A_216 = arith.extui %ge3A_215 : i1 to i32
      %cond3A_217 = arith.constant 0 : i32
      %cond3A_218 = arith.cmpi ne, %convert_element_type3A_216, %cond3A_217 : i32
      scf.if %cond3A_218 {
        %sub3A = arith.constant 3 : i32
        %sub3A_383 = arith.subi %add3A_195, %sub3A : i32
        %mul3A_384 = arith.constant 80 : i32
        %mul3A_385 = arith.muli %sub3A_383, %mul3A_384 : i32
        %add3A_386 = arith.addi %mul3A_2, %mul3A_385 : i32
        %dma_wait3A_387 = arith.constant 0 : i32
        %dma_wait3A_388 = tpu.memref_slice %arg8[%add3A_386, %dma_wait3A_387] : memref<320000x64xf32, #tpu.memory_space<hbm>> -> memref<80x64xf32, #tpu.memory_space<hbm>>
        %dma_wait3A_389 = arith.constant 0 : i32
        %dma_wait3A_390 = tpu.memref_slice %arg8[%add3A_386, %dma_wait3A_389] : memref<320000x64xf32, #tpu.memory_space<hbm>> -> memref<80x64xf32, #tpu.memory_space<hbm>>
        tpu.wait_dma2 semaphore(%arg28 : memref<!tpu.dma_semaphore, #tpu.memory_space<semaphore_mem>>) src(%arg15 : memref<80x64xf32, #tpu.memory_space<vmem>>) dst(%dma_wait3A_390 : memref<80x64xf32, #tpu.memory_space<hbm>>)
      } else {
      }
      %scan3A_219 = arith.constant 0 : i32
      %scan3A_220 = arith.constant 0 : i32
      %scan3A_221 = arith.constant 80 : i32
      %scan3A_222 = arith.addi %scan3A_220, %scan3A_221 : i32
      %scan3A_223 = arith.constant 2 : i32
      scf.for %scan3A_383 = %scan3A_220 to %scan3A_222 step %scan3A_223  : i32 {
        %get3A = arith.index_cast %scan3A_383 : i32 to index
        %get3A_384 = arith.constant 0 : index
        %get3A_385 = tpu.vector_load %arg12[%get3A, %get3A_384] {strides = array<i32>} : memref<80x64xf32, #tpu.memory_space<vmem>>, vector<1x16xf32>,
        %get3A_386 = vector.shape_cast %get3A_385 : vector<1x16xf32> to vector<16xf32>
        %get3A_387 = arith.index_cast %scan3A_383 : i32 to index
        %get3A_388 = arith.constant 0 : index
        %get3A_389 = tpu.vector_load %arg13[%get3A_387, %get3A_388] {strides = array<i32>} : memref<80x64xf32, #tpu.memory_space<vmem>>, vector<1x16xf32>,
        %get3A_390 = vector.shape_cast %get3A_389 : vector<1x16xf32> to vector<16xf32>
        %add3A_391 = arith.addf %get3A_386, %get3A_390 : vector<16xf32>
        %get3A_392 = arith.index_cast %scan3A_383 : i32 to index
        %get3A_393 = arith.constant 0 : index
        %get3A_394 = tpu.vector_load %arg14[%get3A_392, %get3A_393] {strides = array<i32>} : memref<80x64xf32, #tpu.memory_space<vmem>>, vector<1x16xf32>,
        %get3A_395 = vector.shape_cast %get3A_394 : vector<1x16xf32> to vector<16xf32>
        %add3A_396 = arith.addf %add3A_391, %get3A_395 : vector<16xf32>
        %max3A = arith.constant 0.000000e+00 : f32
        %max3A_397 = vector.broadcast %max3A : f32 to vector<16xf32>
        %max3A_398 = arith.maximumf %add3A_396, %max3A_397 : vector<16xf32>
        %swap3A = arith.index_cast %scan3A_383 : i32 to index
        %swap3A_399 = arith.constant 0 : index
        %swap3A_400 = tpu.vector_load %arg15[%swap3A, %swap3A_399] {strides = array<i32>} : memref<80x64xf32, #tpu.memory_space<vmem>>, vector<1x16xf32>,
        %swap3A_401 = vector.shape_cast %swap3A_400 : vector<1x16xf32> to vector<16xf32>
        %swap3A_402 = vector.shape_cast %max3A_398 : vector<16xf32> to vector<1x16xf32>
        tpu.vector_store %arg15[%swap3A, %swap3A_399], %swap3A_402 {strides = array<i32>} : memref<80x64xf32, #tpu.memory_space<vmem>>, vector<1x16xf32>,
        %get3A_403 = arith.index_cast %scan3A_383 : i32 to index
        %get3A_404 = arith.constant 16 : index
        %get3A_405 = tpu.vector_load %arg12[%get3A_403, %get3A_404] {strides = array<i32>} : memref<80x64xf32, #tpu.memory_space<vmem>>, vector<1x16xf32>,
        %get3A_406 = vector.shape_cast %get3A_405 : vector<1x16xf32> to vector<16xf32>
        %get3A_407 = arith.index_cast %scan3A_383 : i32 to index
        %get3A_408 = arith.constant 16 : index
        %get3A_409 = tpu.vector_load %arg13[%get3A_407, %get3A_408] {strides = array<i32>} : memref<80x64xf32, #tpu.memory_space<vmem>>, vector<1x16xf32>,
        %get3A_410 = vector.shape_cast %get3A_409 : vector<1x16xf32> to vector<16xf32>
        %add3A_411 = arith.addf %get3A_406, %get3A_410 : vector<16xf32>
        %get3A_412 = arith.index_cast %scan3A_383 : i32 to index
        %get3A_413 = arith.constant 16 : index
        %get3A_414 = tpu.vector_load %arg14[%get3A_412, %get3A_413] {strides = array<i32>} : memref<80x64xf32, #tpu.memory_space<vmem>>, vector<1x16xf32>,
        %get3A_415 = vector.shape_cast %get3A_414 : vector<1x16xf32> to vector<16xf32>
        %add3A_416 = arith.addf %add3A_411, %get3A_415 : vector<16xf32>
        %max3A_417 = arith.constant 0.000000e+00 : f32
        %max3A_418 = vector.broadcast %max3A_417 : f32 to vector<16xf32>
        %max3A_419 = arith.maximumf %add3A_416, %max3A_418 : vector<16xf32>
        %swap3A_420 = arith.index_cast %scan3A_383 : i32 to index
        %swap3A_421 = arith.constant 16 : index
        %swap3A_422 = tpu.vector_load %arg15[%swap3A_420, %swap3A_421] {strides = array<i32>} : memref<80x64xf32, #tpu.memory_space<vmem>>, vector<1x16xf32>,
        %swap3A_423 = vector.shape_cast %swap3A_422 : vector<1x16xf32> to vector<16xf32>
        %swap3A_424 = vector.shape_cast %max3A_419 : vector<16xf32> to vector<1x16xf32>
        tpu.vector_store %arg15[%swap3A_420, %swap3A_421], %swap3A_424 {strides = array<i32>} : memref<80x64xf32, #tpu.memory_space<vmem>>, vector<1x16xf32>,
        %get3A_425 = arith.index_cast %scan3A_383 : i32 to index
        %get3A_426 = arith.constant 32 : index
        %get3A_427 = tpu.vector_load %arg12[%get3A_425, %get3A_426] {strides = array<i32>} : memref<80x64xf32, #tpu.memory_space<vmem>>, vector<1x16xf32>,
        %get3A_428 = vector.shape_cast %get3A_427 : vector<1x16xf32> to vector<16xf32>
        %get3A_429 = arith.index_cast %scan3A_383 : i32 to index
        %get3A_430 = arith.constant 32 : index
        %get3A_431 = tpu.vector_load %arg13[%get3A_429, %get3A_430] {strides = array<i32>} : memref<80x64xf32, #tpu.memory_space<vmem>>, vector<1x16xf32>,
        %get3A_432 = vector.shape_cast %get3A_431 : vector<1x16xf32> to vector<16xf32>
        %add3A_433 = arith.addf %get3A_428, %get3A_432 : vector<16xf32>
        %get3A_434 = arith.index_cast %scan3A_383 : i32 to index
        %get3A_435 = arith.constant 32 : index
        %get3A_436 = tpu.vector_load %arg14[%get3A_434, %get3A_435] {strides = array<i32>} : memref<80x64xf32, #tpu.memory_space<vmem>>, vector<1x16xf32>,
        %get3A_437 = vector.shape_cast %get3A_436 : vector<1x16xf32> to vector<16xf32>
        %add3A_438 = arith.addf %add3A_433, %get3A_437 : vector<16xf32>
        %max3A_439 = arith.constant 0.000000e+00 : f32
        %max3A_440 = vector.broadcast %max3A_439 : f32 to vector<16xf32>
        %max3A_441 = arith.maximumf %add3A_438, %max3A_440 : vector<16xf32>
        %swap3A_442 = arith.index_cast %scan3A_383 : i32 to index
        %swap3A_443 = arith.constant 32 : index
        %swap3A_444 = tpu.vector_load %arg15[%swap3A_442, %swap3A_443] {strides = array<i32>} : memref<80x64xf32, #tpu.memory_space<vmem>>, vector<1x16xf32>,
        %swap3A_445 = vector.shape_cast %swap3A_444 : vector<1x16xf32> to vector<16xf32>
        %swap3A_446 = vector.shape_cast %max3A_441 : vector<16xf32> to vector<1x16xf32>
        tpu.vector_store %arg15[%swap3A_442, %swap3A_443], %swap3A_446 {strides = array<i32>} : memref<80x64xf32, #tpu.memory_space<vmem>>, vector<1x16xf32>,
        %get3A_447 = arith.index_cast %scan3A_383 : i32 to index
        %get3A_448 = arith.constant 48 : index
        %get3A_449 = tpu.vector_load %arg12[%get3A_447, %get3A_448] {strides = array<i32>} : memref<80x64xf32, #tpu.memory_space<vmem>>, vector<1x16xf32>,
        %get3A_450 = vector.shape_cast %get3A_449 : vector<1x16xf32> to vector<16xf32>
        %get3A_451 = arith.index_cast %scan3A_383 : i32 to index
        %get3A_452 = arith.constant 48 : index
        %get3A_453 = tpu.vector_load %arg13[%get3A_451, %get3A_452] {strides = array<i32>} : memref<80x64xf32, #tpu.memory_space<vmem>>, vector<1x16xf32>,
        %get3A_454 = vector.shape_cast %get3A_453 : vector<1x16xf32> to vector<16xf32>
        %add3A_455 = arith.addf %get3A_450, %get3A_454 : vector<16xf32>
        %get3A_456 = arith.index_cast %scan3A_383 : i32 to index
        %get3A_457 = arith.constant 48 : index
        %get3A_458 = tpu.vector_load %arg14[%get3A_456, %get3A_457] {strides = array<i32>} : memref<80x64xf32, #tpu.memory_space<vmem>>, vector<1x16xf32>,
        %get3A_459 = vector.shape_cast %get3A_458 : vector<1x16xf32> to vector<16xf32>
        %add3A_460 = arith.addf %add3A_455, %get3A_459 : vector<16xf32>
        %max3A_461 = arith.constant 0.000000e+00 : f32
        %max3A_462 = vector.broadcast %max3A_461 : f32 to vector<16xf32>
        %max3A_463 = arith.maximumf %add3A_460, %max3A_462 : vector<16xf32>
        %swap3A_464 = arith.index_cast %scan3A_383 : i32 to index
        %swap3A_465 = arith.constant 48 : index
        %swap3A_466 = tpu.vector_load %arg15[%swap3A_464, %swap3A_465] {strides = array<i32>} : memref<80x64xf32, #tpu.memory_space<vmem>>, vector<1x16xf32>,
        %swap3A_467 = vector.shape_cast %swap3A_466 : vector<1x16xf32> to vector<16xf32>
        %swap3A_468 = vector.shape_cast %max3A_463 : vector<16xf32> to vector<1x16xf32>
        tpu.vector_store %arg15[%swap3A_464, %swap3A_465], %swap3A_468 {strides = array<i32>} : memref<80x64xf32, #tpu.memory_space<vmem>>, vector<1x16xf32>,
        %scan3A_469 = arith.constant 1 : i32
        %scan3A_470 = arith.addi %scan3A_383, %scan3A_469 : i32
        %get3A_471 = arith.index_cast %scan3A_470 : i32 to index
        %get3A_472 = arith.constant 0 : index
        %get3A_473 = tpu.vector_load %arg12[%get3A_471, %get3A_472] {strides = array<i32>} : memref<80x64xf32, #tpu.memory_space<vmem>>, vector<1x16xf32>,
        %get3A_474 = vector.shape_cast %get3A_473 : vector<1x16xf32> to vector<16xf32>
        %get3A_475 = arith.index_cast %scan3A_470 : i32 to index
        %get3A_476 = arith.constant 0 : index
        %get3A_477 = tpu.vector_load %arg13[%get3A_475, %get3A_476] {strides = array<i32>} : memref<80x64xf32, #tpu.memory_space<vmem>>, vector<1x16xf32>,
        %get3A_478 = vector.shape_cast %get3A_477 : vector<1x16xf32> to vector<16xf32>
        %add3A_479 = arith.addf %get3A_474, %get3A_478 : vector<16xf32>
        %get3A_480 = arith.index_cast %scan3A_470 : i32 to index
        %get3A_481 = arith.constant 0 : index
        %get3A_482 = tpu.vector_load %arg14[%get3A_480, %get3A_481] {strides = array<i32>} : memref<80x64xf32, #tpu.memory_space<vmem>>, vector<1x16xf32>,
        %get3A_483 = vector.shape_cast %get3A_482 : vector<1x16xf32> to vector<16xf32>
        %add3A_484 = arith.addf %add3A_479, %get3A_483 : vector<16xf32>
        %max3A_485 = arith.constant 0.000000e+00 : f32
        %max3A_486 = vector.broadcast %max3A_485 : f32 to vector<16xf32>
        %max3A_487 = arith.maximumf %add3A_484, %max3A_486 : vector<16xf32>
        %swap3A_488 = arith.index_cast %scan3A_470 : i32 to index
        %swap3A_489 = arith.constant 0 : index
        %swap3A_490 = tpu.vector_load %arg15[%swap3A_488, %swap3A_489] {strides = array<i32>} : memref<80x64xf32, #tpu.memory_space<vmem>>, vector<1x16xf32>,
        %swap3A_491 = vector.shape_cast %swap3A_490 : vector<1x16xf32> to vector<16xf32>
        %swap3A_492 = vector.shape_cast %max3A_487 : vector<16xf32> to vector<1x16xf32>
        tpu.vector_store %arg15[%swap3A_488, %swap3A_489], %swap3A_492 {strides = array<i32>} : memref<80x64xf32, #tpu.memory_space<vmem>>, vector<1x16xf32>,
        %get3A_493 = arith.index_cast %scan3A_470 : i32 to index
        %get3A_494 = arith.constant 16 : index
        %get3A_495 = tpu.vector_load %arg12[%get3A_493, %get3A_494] {strides = array<i32>} : memref<80x64xf32, #tpu.memory_space<vmem>>, vector<1x16xf32>,
        %get3A_496 = vector.shape_cast %get3A_495 : vector<1x16xf32> to vector<16xf32>
        %get3A_497 = arith.index_cast %scan3A_470 : i32 to index
        %get3A_498 = arith.constant 16 : index
        %get3A_499 = tpu.vector_load %arg13[%get3A_497, %get3A_498] {strides = array<i32>} : memref<80x64xf32, #tpu.memory_space<vmem>>, vector<1x16xf32>,
        %get3A_500 = vector.shape_cast %get3A_499 : vector<1x16xf32> to vector<16xf32>
        %add3A_501 = arith.addf %get3A_496, %get3A_500 : vector<16xf32>
        %get3A_502 = arith.index_cast %scan3A_470 : i32 to index
        %get3A_503 = arith.constant 16 : index
        %get3A_504 = tpu.vector_load %arg14[%get3A_502, %get3A_503] {strides = array<i32>} : memref<80x64xf32, #tpu.memory_space<vmem>>, vector<1x16xf32>,
        %get3A_505 = vector.shape_cast %get3A_504 : vector<1x16xf32> to vector<16xf32>
        %add3A_506 = arith.addf %add3A_501, %get3A_505 : vector<16xf32>
        %max3A_507 = arith.constant 0.000000e+00 : f32
        %max3A_508 = vector.broadcast %max3A_507 : f32 to vector<16xf32>
        %max3A_509 = arith.maximumf %add3A_506, %max3A_508 : vector<16xf32>
        %swap3A_510 = arith.index_cast %scan3A_470 : i32 to index
        %swap3A_511 = arith.constant 16 : index
        %swap3A_512 = tpu.vector_load %arg15[%swap3A_510, %swap3A_511] {strides = array<i32>} : memref<80x64xf32, #tpu.memory_space<vmem>>, vector<1x16xf32>,
        %swap3A_513 = vector.shape_cast %swap3A_512 : vector<1x16xf32> to vector<16xf32>
        %swap3A_514 = vector.shape_cast %max3A_509 : vector<16xf32> to vector<1x16xf32>
        tpu.vector_store %arg15[%swap3A_510, %swap3A_511], %swap3A_514 {strides = array<i32>} : memref<80x64xf32, #tpu.memory_space<vmem>>, vector<1x16xf32>,
        %get3A_515 = arith.index_cast %scan3A_470 : i32 to index
        %get3A_516 = arith.constant 32 : index
        %get3A_517 = tpu.vector_load %arg12[%get3A_515, %get3A_516] {strides = array<i32>} : memref<80x64xf32, #tpu.memory_space<vmem>>, vector<1x16xf32>,
        %get3A_518 = vector.shape_cast %get3A_517 : vector<1x16xf32> to vector<16xf32>
        %get3A_519 = arith.index_cast %scan3A_470 : i32 to index
        %get3A_520 = arith.constant 32 : index
        %get3A_521 = tpu.vector_load %arg13[%get3A_519, %get3A_520] {strides = array<i32>} : memref<80x64xf32, #tpu.memory_space<vmem>>, vector<1x16xf32>,
        %get3A_522 = vector.shape_cast %get3A_521 : vector<1x16xf32> to vector<16xf32>
        %add3A_523 = arith.addf %get3A_518, %get3A_522 : vector<16xf32>
        %get3A_524 = arith.index_cast %scan3A_470 : i32 to index
        %get3A_525 = arith.constant 32 : index
        %get3A_526 = tpu.vector_load %arg14[%get3A_524, %get3A_525] {strides = array<i32>} : memref<80x64xf32, #tpu.memory_space<vmem>>, vector<1x16xf32>,
        %get3A_527 = vector.shape_cast %get3A_526 : vector<1x16xf32> to vector<16xf32>
        %add3A_528 = arith.addf %add3A_523, %get3A_527 : vector<16xf32>
        %max3A_529 = arith.constant 0.000000e+00 : f32
        %max3A_530 = vector.broadcast %max3A_529 : f32 to vector<16xf32>
        %max3A_531 = arith.maximumf %add3A_528, %max3A_530 : vector<16xf32>
        %swap3A_532 = arith.index_cast %scan3A_470 : i32 to index
        %swap3A_533 = arith.constant 32 : index
        %swap3A_534 = tpu.vector_load %arg15[%swap3A_532, %swap3A_533] {strides = array<i32>} : memref<80x64xf32, #tpu.memory_space<vmem>>, vector<1x16xf32>,
        %swap3A_535 = vector.shape_cast %swap3A_534 : vector<1x16xf32> to vector<16xf32>
        %swap3A_536 = vector.shape_cast %max3A_531 : vector<16xf32> to vector<1x16xf32>
        tpu.vector_store %arg15[%swap3A_532, %swap3A_533], %swap3A_536 {strides = array<i32>} : memref<80x64xf32, #tpu.memory_space<vmem>>, vector<1x16xf32>,
        %get3A_537 = arith.index_cast %scan3A_470 : i32 to index
        %get3A_538 = arith.constant 48 : index
        %get3A_539 = tpu.vector_load %arg12[%get3A_537, %get3A_538] {strides = array<i32>} : memref<80x64xf32, #tpu.memory_space<vmem>>, vector<1x16xf32>,
        %get3A_540 = vector.shape_cast %get3A_539 : vector<1x16xf32> to vector<16xf32>
        %get3A_541 = arith.index_cast %scan3A_470 : i32 to index
        %get3A_542 = arith.constant 48 : index
        %get3A_543 = tpu.vector_load %arg13[%get3A_541, %get3A_542] {strides = array<i32>} : memref<80x64xf32, #tpu.memory_space<vmem>>, vector<1x16xf32>,
        %get3A_544 = vector.shape_cast %get3A_543 : vector<1x16xf32> to vector<16xf32>
        %add3A_545 = arith.addf %get3A_540, %get3A_544 : vector<16xf32>
        %get3A_546 = arith.index_cast %scan3A_470 : i32 to index
        %get3A_547 = arith.constant 48 : index
        %get3A_548 = tpu.vector_load %arg14[%get3A_546, %get3A_547] {strides = array<i32>} : memref<80x64xf32, #tpu.memory_space<vmem>>, vector<1x16xf32>,
        %get3A_549 = vector.shape_cast %get3A_548 : vector<1x16xf32> to vector<16xf32>
        %add3A_550 = arith.addf %add3A_545, %get3A_549 : vector<16xf32>
        %max3A_551 = arith.constant 0.000000e+00 : f32
        %max3A_552 = vector.broadcast %max3A_551 : f32 to vector<16xf32>
        %max3A_553 = arith.maximumf %add3A_550, %max3A_552 : vector<16xf32>
        %swap3A_554 = arith.index_cast %scan3A_470 : i32 to index
        %swap3A_555 = arith.constant 48 : index
        %swap3A_556 = tpu.vector_load %arg15[%swap3A_554, %swap3A_555] {strides = array<i32>} : memref<80x64xf32, #tpu.memory_space<vmem>>, vector<1x16xf32>,
        %swap3A_557 = vector.shape_cast %swap3A_556 : vector<1x16xf32> to vector<16xf32>
        %swap3A_558 = vector.shape_cast %max3A_553 : vector<16xf32> to vector<1x16xf32>
        tpu.vector_store %arg15[%swap3A_554, %swap3A_555], %swap3A_558 {strides = array<i32>} : memref<80x64xf32, #tpu.memory_space<vmem>>, vector<1x16xf32>,
      }
      %scan3A_224 = arith.constant 80 : i32
      %add3A_225 = arith.constant 3 : i32
      %add3A_226 = arith.addi %add3A_195, %add3A_225 : i32
      %min3A = arith.constant 124 : i32
      %min3A_227 = arith.minsi %add3A_226, %min3A : i32
      %mul3A_228 = arith.constant 80 : i32
      %mul3A_229 = arith.muli %min3A_227, %mul3A_228 : i32
      %add3A_230 = arith.addi %mul3A_2, %mul3A_229 : i32
      %dma_start3A_231 = arith.constant 0 : i32
      %dma_start3A_232 = tpu.memref_slice %arg2[%add3A_230, %dma_start3A_231] : memref<320000x64xf32, #tpu.memory_space<hbm>> -> memref<80x64xf32, #tpu.memory_space<hbm>>
      %dma_start3A_233 = arith.constant 0 : i32
      %dma_start3A_234 = tpu.memref_slice %arg2[%add3A_230, %dma_start3A_233] : memref<320000x64xf32, #tpu.memory_space<hbm>> -> memref<80x64xf32, #tpu.memory_space<hbm>>
      tpu.enqueue_dma source(%dma_start3A_234 : memref<80x64xf32, #tpu.memory_space<hbm>>) target(%arg12 : memref<80x64xf32, #tpu.memory_space<vmem>>) target_semaphore(%arg25 : memref<!tpu.dma_semaphore, #tpu.memory_space<semaphore_mem>>)
      %dma_start3A_235 = arith.constant 0 : i32
      %dma_start3A_236 = tpu.memref_slice %arg10[%min3A_227, %dma_start3A_235] : memref<125x80xi32, #tpu.memory_space<vmem>> -> memref<1x80xi32, #tpu.memory_space<vmem>>
      %dma_start3A_237 = tpu.memref_squeeze %dma_start3A_236 : memref<1x80xi32, #tpu.memory_space<vmem>> -> memref<80xi32, #tpu.memory_space<vmem>>
      %dma_start3A_238 = arith.constant 0 : i32
      %dma_start3A_239 = arith.constant 0 : i32
      %dma_start3A_240 = tpu.memref_slice %arg3[%dma_start3A_238, %dma_start3A_239] : memref<10000x64xf32, #tpu.memory_space<hbm>> -> memref<10000x64xf32, #tpu.memory_space<hbm>>
      tpu.enqueue_indirect_dma source(%dma_start3A_240 : memref<10000x64xf32, #tpu.memory_space<hbm>>) target(%arg13 : memref<80x64xf32, #tpu.memory_space<vmem>>) offsets(%dma_start3A_237 : memref<80xi32, #tpu.memory_space<vmem>>) semaphore(%arg25 : memref<!tpu.dma_semaphore, #tpu.memory_space<semaphore_mem>>)
      %dma_start3A_241 = arith.constant 0 : i32
      %dma_start3A_242 = tpu.memref_slice %arg11[%min3A_227, %dma_start3A_241] : memref<125x80xi32, #tpu.memory_space<vmem>> -> memref<1x80xi32, #tpu.memory_space<vmem>>
      %dma_start3A_243 = tpu.memref_squeeze %dma_start3A_242 : memref<1x80xi32, #tpu.memory_space<vmem>> -> memref<80xi32, #tpu.memory_space<vmem>>
      %dma_start3A_244 = arith.constant 0 : i32
      %dma_start3A_245 = arith.constant 0 : i32
      %dma_start3A_246 = tpu.memref_slice %arg4[%dma_start3A_244, %dma_start3A_245] : memref<10000x64xf32, #tpu.memory_space<hbm>> -> memref<10000x64xf32, #tpu.memory_space<hbm>>
      tpu.enqueue_indirect_dma source(%dma_start3A_246 : memref<10000x64xf32, #tpu.memory_space<hbm>>) target(%arg14 : memref<80x64xf32, #tpu.memory_space<vmem>>) offsets(%dma_start3A_243 : memref<80xi32, #tpu.memory_space<vmem>>) semaphore(%arg25 : memref<!tpu.dma_semaphore, #tpu.memory_space<semaphore_mem>>)
      %mul3A_247 = arith.constant 80 : i32
      %mul3A_248 = arith.muli %add3A_195, %mul3A_247 : i32
      %add3A_249 = arith.addi %mul3A_2, %mul3A_248 : i32
      %dma_start3A_250 = arith.constant 0 : i32
      %dma_start3A_251 = tpu.memref_slice %arg8[%add3A_249, %dma_start3A_250] : memref<320000x64xf32, #tpu.memory_space<hbm>> -> memref<80x64xf32, #tpu.memory_space<hbm>>
      %dma_start3A_252 = arith.constant 0 : i32
      %dma_start3A_253 = tpu.memref_slice %arg8[%add3A_249, %dma_start3A_252] : memref<320000x64xf32, #tpu.memory_space<hbm>> -> memref<80x64xf32, #tpu.memory_space<hbm>>
      tpu.enqueue_dma source(%arg15 : memref<80x64xf32, #tpu.memory_space<vmem>>) target(%dma_start3A_253 : memref<80x64xf32, #tpu.memory_space<hbm>>) target_semaphore(%arg28 : memref<!tpu.dma_semaphore, #tpu.memory_space<semaphore_mem>>)
      "tpu.region"() ({
        %run_scoped3A_383 = tpu.sem_alloc : memref<!tpu.dma_semaphore, #tpu.memory_space<semaphore_mem>>
        %dma_start3A_384 = arith.constant 0 : i32
        %dma_start3A_385 = tpu.memref_slice %arg11[%add3A_195, %dma_start3A_384] : memref<125x80xi32, #tpu.memory_space<vmem>> -> memref<1x80xi32, #tpu.memory_space<vmem>>
        %dma_start3A_386 = tpu.memref_squeeze %dma_start3A_385 : memref<1x80xi32, #tpu.memory_space<vmem>> -> memref<80xi32, #tpu.memory_space<vmem>>
        %dma_start3A_387 = arith.constant 0 : i32
        %dma_start3A_388 = arith.constant 0 : i32
        %dma_start3A_389 = tpu.memref_slice %arg24[%dma_start3A_387, %dma_start3A_388] : memref<10000x64xf32, #tpu.memory_space<vmem_shared>> -> memref<10000x64xf32, #tpu.memory_space<vmem_shared>>
        tpu.enqueue_indirect_dma source(%arg15 : memref<80x64xf32, #tpu.memory_space<vmem>>) target(%dma_start3A_389 : memref<10000x64xf32, #tpu.memory_space<vmem_shared>>) offsets(%dma_start3A_386 : memref<80xi32, #tpu.memory_space<vmem>>) semaphore(%run_scoped3A_383 : memref<!tpu.dma_semaphore, #tpu.memory_space<semaphore_mem>>) {add = true}
        %dma_wait3A_390 = arith.constant 0 : i32
        %dma_wait3A_391 = tpu.memref_slice %arg11[%add3A_195, %dma_wait3A_390] : memref<125x80xi32, #tpu.memory_space<vmem>> -> memref<1x80xi32, #tpu.memory_space<vmem>>
        %dma_wait3A_392 = tpu.memref_squeeze %dma_wait3A_391 : memref<1x80xi32, #tpu.memory_space<vmem>> -> memref<80xi32, #tpu.memory_space<vmem>>
        %dma_wait3A_393 = arith.constant 0 : i32
        %dma_wait3A_394 = arith.constant 0 : i32
        %dma_wait3A_395 = tpu.memref_slice %arg24[%dma_wait3A_393, %dma_wait3A_394] : memref<10000x64xf32, #tpu.memory_space<vmem_shared>> -> memref<10000x64xf32, #tpu.memory_space<vmem_shared>>
        tpu.wait_indirect_dma semaphore(%run_scoped3A_383 : memref<!tpu.dma_semaphore, #tpu.memory_space<semaphore_mem>>) src(%arg15 : memref<80x64xf32, #tpu.memory_space<vmem>>) dst(%dma_wait3A_395 : memref<10000x64xf32, #tpu.memory_space<vmem_shared>>)
        tpu.yield
      }) : () -> ()
      %mul3A_254 = arith.constant 3 : i32
      %mul3A_255 = arith.muli %mul3A_254, %scan3A_190 : i32
      %add3A_256 = arith.constant 1 : i32
      %add3A_257 = arith.addi %mul3A_255, %add3A_256 : i32
      %mul3A_258 = arith.constant 80 : i32
      %mul3A_259 = arith.muli %add3A_257, %mul3A_258 : i32
      %add3A_260 = arith.addi %mul3A_2, %mul3A_259 : i32
      %dma_wait3A_261 = arith.constant 0 : i32
      %dma_wait3A_262 = tpu.memref_slice %arg2[%add3A_260, %dma_wait3A_261] : memref<320000x64xf32, #tpu.memory_space<hbm>> -> memref<80x64xf32, #tpu.memory_space<hbm>>
      %dma_wait3A_263 = arith.constant 0 : i32
      %dma_wait3A_264 = tpu.memref_slice %arg2[%add3A_260, %dma_wait3A_263] : memref<320000x64xf32, #tpu.memory_space<hbm>> -> memref<80x64xf32, #tpu.memory_space<hbm>>
      tpu.wait_dma2 semaphore(%arg26 : memref<!tpu.dma_semaphore, #tpu.memory_space<semaphore_mem>>) src(%dma_wait3A_264 : memref<80x64xf32, #tpu.memory_space<hbm>>) dst(%arg16 : memref<80x64xf32, #tpu.memory_space<vmem>>)
      %dma_wait3A_265 = arith.constant 0 : i32
      %dma_wait3A_266 = tpu.memref_slice %arg10[%add3A_257, %dma_wait3A_265] : memref<125x80xi32, #tpu.memory_space<vmem>> -> memref<1x80xi32, #tpu.memory_space<vmem>>
      %dma_wait3A_267 = tpu.memref_squeeze %dma_wait3A_266 : memref<1x80xi32, #tpu.memory_space<vmem>> -> memref<80xi32, #tpu.memory_space<vmem>>
      %dma_wait3A_268 = arith.constant 0 : i32
      %dma_wait3A_269 = arith.constant 0 : i32
      %dma_wait3A_270 = tpu.memref_slice %arg3[%dma_wait3A_268, %dma_wait3A_269] : memref<10000x64xf32, #tpu.memory_space<hbm>> -> memref<10000x64xf32, #tpu.memory_space<hbm>>
      tpu.wait_indirect_dma semaphore(%arg26 : memref<!tpu.dma_semaphore, #tpu.memory_space<semaphore_mem>>) src(%dma_wait3A_270 : memref<10000x64xf32, #tpu.memory_space<hbm>>) dst(%arg17 : memref<80x64xf32, #tpu.memory_space<vmem>>)
      %dma_wait3A_271 = arith.constant 0 : i32
      %dma_wait3A_272 = tpu.memref_slice %arg11[%add3A_257, %dma_wait3A_271] : memref<125x80xi32, #tpu.memory_space<vmem>> -> memref<1x80xi32, #tpu.memory_space<vmem>>
      %dma_wait3A_273 = tpu.memref_squeeze %dma_wait3A_272 : memref<1x80xi32, #tpu.memory_space<vmem>> -> memref<80xi32, #tpu.memory_space<vmem>>
      %dma_wait3A_274 = arith.constant 0 : i32
      %dma_wait3A_275 = arith.constant 0 : i32
      %dma_wait3A_276 = tpu.memref_slice %arg4[%dma_wait3A_274, %dma_wait3A_275] : memref<10000x64xf32, #tpu.memory_space<hbm>> -> memref<10000x64xf32, #tpu.memory_space<hbm>>
      tpu.wait_indirect_dma semaphore(%arg26 : memref<!tpu.dma_semaphore, #tpu.memory_space<semaphore_mem>>) src(%dma_wait3A_276 : memref<10000x64xf32, #tpu.memory_space<hbm>>) dst(%arg18 : memref<80x64xf32, #tpu.memory_space<vmem>>)
      %ge3A_277 = arith.constant 3 : i32
      %ge3A_278 = arith.cmpi sge, %add3A_257, %ge3A_277 : i32
      %convert_element_type3A_279 = arith.extui %ge3A_278 : i1 to i32
      %cond3A_280 = arith.constant 0 : i32
      %cond3A_281 = arith.cmpi ne, %convert_element_type3A_279, %cond3A_280 : i32
      scf.if %cond3A_281 {
        %sub3A = arith.constant 3 : i32
        %sub3A_383 = arith.subi %add3A_257, %sub3A : i32
        %mul3A_384 = arith.constant 80 : i32
        %mul3A_385 = arith.muli %sub3A_383, %mul3A_384 : i32
        %add3A_386 = arith.addi %mul3A_2, %mul3A_385 : i32
        %dma_wait3A_387 = arith.constant 0 : i32
        %dma_wait3A_388 = tpu.memref_slice %arg8[%add3A_386, %dma_wait3A_387] : memref<320000x64xf32, #tpu.memory_space<hbm>> -> memref<80x64xf32, #tpu.memory_space<hbm>>
        %dma_wait3A_389 = arith.constant 0 : i32
        %dma_wait3A_390 = tpu.memref_slice %arg8[%add3A_386, %dma_wait3A_389] : memref<320000x64xf32, #tpu.memory_space<hbm>> -> memref<80x64xf32, #tpu.memory_space<hbm>>
        tpu.wait_dma2 semaphore(%arg29 : memref<!tpu.dma_semaphore, #tpu.memory_space<semaphore_mem>>) src(%arg19 : memref<80x64xf32, #tpu.memory_space<vmem>>) dst(%dma_wait3A_390 : memref<80x64xf32, #tpu.memory_space<hbm>>)
      } else {
      }
      %scan3A_282 = arith.constant 0 : i32
      %scan3A_283 = arith.constant 0 : i32
      %scan3A_284 = arith.constant 80 : i32
      %scan3A_285 = arith.addi %scan3A_283, %scan3A_284 : i32
      %scan3A_286 = arith.constant 2 : i32
      scf.for %scan3A_383 = %scan3A_283 to %scan3A_285 step %scan3A_286  : i32 {
        %get3A = arith.index_cast %scan3A_383 : i32 to index
        %get3A_384 = arith.constant 0 : index
        %get3A_385 = tpu.vector_load %arg16[%get3A, %get3A_384] {strides = array<i32>} : memref<80x64xf32, #tpu.memory_space<vmem>>, vector<1x16xf32>,
        %get3A_386 = vector.shape_cast %get3A_385 : vector<1x16xf32> to vector<16xf32>
        %get3A_387 = arith.index_cast %scan3A_383 : i32 to index
        %get3A_388 = arith.constant 0 : index
        %get3A_389 = tpu.vector_load %arg17[%get3A_387, %get3A_388] {strides = array<i32>} : memref<80x64xf32, #tpu.memory_space<vmem>>, vector<1x16xf32>,
        %get3A_390 = vector.shape_cast %get3A_389 : vector<1x16xf32> to vector<16xf32>
        %add3A_391 = arith.addf %get3A_386, %get3A_390 : vector<16xf32>
        %get3A_392 = arith.index_cast %scan3A_383 : i32 to index
        %get3A_393 = arith.constant 0 : index
        %get3A_394 = tpu.vector_load %arg18[%get3A_392, %get3A_393] {strides = array<i32>} : memref<80x64xf32, #tpu.memory_space<vmem>>, vector<1x16xf32>,
        %get3A_395 = vector.shape_cast %get3A_394 : vector<1x16xf32> to vector<16xf32>
        %add3A_396 = arith.addf %add3A_391, %get3A_395 : vector<16xf32>
        %max3A = arith.constant 0.000000e+00 : f32
        %max3A_397 = vector.broadcast %max3A : f32 to vector<16xf32>
        %max3A_398 = arith.maximumf %add3A_396, %max3A_397 : vector<16xf32>
        %swap3A = arith.index_cast %scan3A_383 : i32 to index
        %swap3A_399 = arith.constant 0 : index
        %swap3A_400 = tpu.vector_load %arg19[%swap3A, %swap3A_399] {strides = array<i32>} : memref<80x64xf32, #tpu.memory_space<vmem>>, vector<1x16xf32>,
        %swap3A_401 = vector.shape_cast %swap3A_400 : vector<1x16xf32> to vector<16xf32>
        %swap3A_402 = vector.shape_cast %max3A_398 : vector<16xf32> to vector<1x16xf32>
        tpu.vector_store %arg19[%swap3A, %swap3A_399], %swap3A_402 {strides = array<i32>} : memref<80x64xf32, #tpu.memory_space<vmem>>, vector<1x16xf32>,
        %get3A_403 = arith.index_cast %scan3A_383 : i32 to index
        %get3A_404 = arith.constant 16 : index
        %get3A_405 = tpu.vector_load %arg16[%get3A_403, %get3A_404] {strides = array<i32>} : memref<80x64xf32, #tpu.memory_space<vmem>>, vector<1x16xf32>,
        %get3A_406 = vector.shape_cast %get3A_405 : vector<1x16xf32> to vector<16xf32>
        %get3A_407 = arith.index_cast %scan3A_383 : i32 to index
        %get3A_408 = arith.constant 16 : index
        %get3A_409 = tpu.vector_load %arg17[%get3A_407, %get3A_408] {strides = array<i32>} : memref<80x64xf32, #tpu.memory_space<vmem>>, vector<1x16xf32>,
        %get3A_410 = vector.shape_cast %get3A_409 : vector<1x16xf32> to vector<16xf32>
        %add3A_411 = arith.addf %get3A_406, %get3A_410 : vector<16xf32>
        %get3A_412 = arith.index_cast %scan3A_383 : i32 to index
        %get3A_413 = arith.constant 16 : index
        %get3A_414 = tpu.vector_load %arg18[%get3A_412, %get3A_413] {strides = array<i32>} : memref<80x64xf32, #tpu.memory_space<vmem>>, vector<1x16xf32>,
        %get3A_415 = vector.shape_cast %get3A_414 : vector<1x16xf32> to vector<16xf32>
        %add3A_416 = arith.addf %add3A_411, %get3A_415 : vector<16xf32>
        %max3A_417 = arith.constant 0.000000e+00 : f32
        %max3A_418 = vector.broadcast %max3A_417 : f32 to vector<16xf32>
        %max3A_419 = arith.maximumf %add3A_416, %max3A_418 : vector<16xf32>
        %swap3A_420 = arith.index_cast %scan3A_383 : i32 to index
        %swap3A_421 = arith.constant 16 : index
        %swap3A_422 = tpu.vector_load %arg19[%swap3A_420, %swap3A_421] {strides = array<i32>} : memref<80x64xf32, #tpu.memory_space<vmem>>, vector<1x16xf32>,
        %swap3A_423 = vector.shape_cast %swap3A_422 : vector<1x16xf32> to vector<16xf32>
        %swap3A_424 = vector.shape_cast %max3A_419 : vector<16xf32> to vector<1x16xf32>
        tpu.vector_store %arg19[%swap3A_420, %swap3A_421], %swap3A_424 {strides = array<i32>} : memref<80x64xf32, #tpu.memory_space<vmem>>, vector<1x16xf32>,
        %get3A_425 = arith.index_cast %scan3A_383 : i32 to index
        %get3A_426 = arith.constant 32 : index
        %get3A_427 = tpu.vector_load %arg16[%get3A_425, %get3A_426] {strides = array<i32>} : memref<80x64xf32, #tpu.memory_space<vmem>>, vector<1x16xf32>,
        %get3A_428 = vector.shape_cast %get3A_427 : vector<1x16xf32> to vector<16xf32>
        %get3A_429 = arith.index_cast %scan3A_383 : i32 to index
        %get3A_430 = arith.constant 32 : index
        %get3A_431 = tpu.vector_load %arg17[%get3A_429, %get3A_430] {strides = array<i32>} : memref<80x64xf32, #tpu.memory_space<vmem>>, vector<1x16xf32>,
        %get3A_432 = vector.shape_cast %get3A_431 : vector<1x16xf32> to vector<16xf32>
        %add3A_433 = arith.addf %get3A_428, %get3A_432 : vector<16xf32>
        %get3A_434 = arith.index_cast %scan3A_383 : i32 to index
        %get3A_435 = arith.constant 32 : index
        %get3A_436 = tpu.vector_load %arg18[%get3A_434, %get3A_435] {strides = array<i32>} : memref<80x64xf32, #tpu.memory_space<vmem>>, vector<1x16xf32>,
        %get3A_437 = vector.shape_cast %get3A_436 : vector<1x16xf32> to vector<16xf32>
        %add3A_438 = arith.addf %add3A_433, %get3A_437 : vector<16xf32>
        %max3A_439 = arith.constant 0.000000e+00 : f32
        %max3A_440 = vector.broadcast %max3A_439 : f32 to vector<16xf32>
        %max3A_441 = arith.maximumf %add3A_438, %max3A_440 : vector<16xf32>
        %swap3A_442 = arith.index_cast %scan3A_383 : i32 to index
        %swap3A_443 = arith.constant 32 : index
        %swap3A_444 = tpu.vector_load %arg19[%swap3A_442, %swap3A_443] {strides = array<i32>} : memref<80x64xf32, #tpu.memory_space<vmem>>, vector<1x16xf32>,
        %swap3A_445 = vector.shape_cast %swap3A_444 : vector<1x16xf32> to vector<16xf32>
        %swap3A_446 = vector.shape_cast %max3A_441 : vector<16xf32> to vector<1x16xf32>
        tpu.vector_store %arg19[%swap3A_442, %swap3A_443], %swap3A_446 {strides = array<i32>} : memref<80x64xf32, #tpu.memory_space<vmem>>, vector<1x16xf32>,
        %get3A_447 = arith.index_cast %scan3A_383 : i32 to index
        %get3A_448 = arith.constant 48 : index
        %get3A_449 = tpu.vector_load %arg16[%get3A_447, %get3A_448] {strides = array<i32>} : memref<80x64xf32, #tpu.memory_space<vmem>>, vector<1x16xf32>,
        %get3A_450 = vector.shape_cast %get3A_449 : vector<1x16xf32> to vector<16xf32>
        %get3A_451 = arith.index_cast %scan3A_383 : i32 to index
        %get3A_452 = arith.constant 48 : index
        %get3A_453 = tpu.vector_load %arg17[%get3A_451, %get3A_452] {strides = array<i32>} : memref<80x64xf32, #tpu.memory_space<vmem>>, vector<1x16xf32>,
        %get3A_454 = vector.shape_cast %get3A_453 : vector<1x16xf32> to vector<16xf32>
        %add3A_455 = arith.addf %get3A_450, %get3A_454 : vector<16xf32>
        %get3A_456 = arith.index_cast %scan3A_383 : i32 to index
        %get3A_457 = arith.constant 48 : index
        %get3A_458 = tpu.vector_load %arg18[%get3A_456, %get3A_457] {strides = array<i32>} : memref<80x64xf32, #tpu.memory_space<vmem>>, vector<1x16xf32>,
        %get3A_459 = vector.shape_cast %get3A_458 : vector<1x16xf32> to vector<16xf32>
        %add3A_460 = arith.addf %add3A_455, %get3A_459 : vector<16xf32>
        %max3A_461 = arith.constant 0.000000e+00 : f32
        %max3A_462 = vector.broadcast %max3A_461 : f32 to vector<16xf32>
        %max3A_463 = arith.maximumf %add3A_460, %max3A_462 : vector<16xf32>
        %swap3A_464 = arith.index_cast %scan3A_383 : i32 to index
        %swap3A_465 = arith.constant 48 : index
        %swap3A_466 = tpu.vector_load %arg19[%swap3A_464, %swap3A_465] {strides = array<i32>} : memref<80x64xf32, #tpu.memory_space<vmem>>, vector<1x16xf32>,
        %swap3A_467 = vector.shape_cast %swap3A_466 : vector<1x16xf32> to vector<16xf32>
        %swap3A_468 = vector.shape_cast %max3A_463 : vector<16xf32> to vector<1x16xf32>
        tpu.vector_store %arg19[%swap3A_464, %swap3A_465], %swap3A_468 {strides = array<i32>} : memref<80x64xf32, #tpu.memory_space<vmem>>, vector<1x16xf32>,
        %scan3A_469 = arith.constant 1 : i32
        %scan3A_470 = arith.addi %scan3A_383, %scan3A_469 : i32
        %get3A_471 = arith.index_cast %scan3A_470 : i32 to index
        %get3A_472 = arith.constant 0 : index
        %get3A_473 = tpu.vector_load %arg16[%get3A_471, %get3A_472] {strides = array<i32>} : memref<80x64xf32, #tpu.memory_space<vmem>>, vector<1x16xf32>,
        %get3A_474 = vector.shape_cast %get3A_473 : vector<1x16xf32> to vector<16xf32>
        %get3A_475 = arith.index_cast %scan3A_470 : i32 to index
        %get3A_476 = arith.constant 0 : index
        %get3A_477 = tpu.vector_load %arg17[%get3A_475, %get3A_476] {strides = array<i32>} : memref<80x64xf32, #tpu.memory_space<vmem>>, vector<1x16xf32>,
        %get3A_478 = vector.shape_cast %get3A_477 : vector<1x16xf32> to vector<16xf32>
        %add3A_479 = arith.addf %get3A_474, %get3A_478 : vector<16xf32>
        %get3A_480 = arith.index_cast %scan3A_470 : i32 to index
        %get3A_481 = arith.constant 0 : index
        %get3A_482 = tpu.vector_load %arg18[%get3A_480, %get3A_481] {strides = array<i32>} : memref<80x64xf32, #tpu.memory_space<vmem>>, vector<1x16xf32>,
        %get3A_483 = vector.shape_cast %get3A_482 : vector<1x16xf32> to vector<16xf32>
        %add3A_484 = arith.addf %add3A_479, %get3A_483 : vector<16xf32>
        %max3A_485 = arith.constant 0.000000e+00 : f32
        %max3A_486 = vector.broadcast %max3A_485 : f32 to vector<16xf32>
        %max3A_487 = arith.maximumf %add3A_484, %max3A_486 : vector<16xf32>
        %swap3A_488 = arith.index_cast %scan3A_470 : i32 to index
        %swap3A_489 = arith.constant 0 : index
        %swap3A_490 = tpu.vector_load %arg19[%swap3A_488, %swap3A_489] {strides = array<i32>} : memref<80x64xf32, #tpu.memory_space<vmem>>, vector<1x16xf32>,
        %swap3A_491 = vector.shape_cast %swap3A_490 : vector<1x16xf32> to vector<16xf32>
        %swap3A_492 = vector.shape_cast %max3A_487 : vector<16xf32> to vector<1x16xf32>
        tpu.vector_store %arg19[%swap3A_488, %swap3A_489], %swap3A_492 {strides = array<i32>} : memref<80x64xf32, #tpu.memory_space<vmem>>, vector<1x16xf32>,
        %get3A_493 = arith.index_cast %scan3A_470 : i32 to index
        %get3A_494 = arith.constant 16 : index
        %get3A_495 = tpu.vector_load %arg16[%get3A_493, %get3A_494] {strides = array<i32>} : memref<80x64xf32, #tpu.memory_space<vmem>>, vector<1x16xf32>,
        %get3A_496 = vector.shape_cast %get3A_495 : vector<1x16xf32> to vector<16xf32>
        %get3A_497 = arith.index_cast %scan3A_470 : i32 to index
        %get3A_498 = arith.constant 16 : index
        %get3A_499 = tpu.vector_load %arg17[%get3A_497, %get3A_498] {strides = array<i32>} : memref<80x64xf32, #tpu.memory_space<vmem>>, vector<1x16xf32>,
        %get3A_500 = vector.shape_cast %get3A_499 : vector<1x16xf32> to vector<16xf32>
        %add3A_501 = arith.addf %get3A_496, %get3A_500 : vector<16xf32>
        %get3A_502 = arith.index_cast %scan3A_470 : i32 to index
        %get3A_503 = arith.constant 16 : index
        %get3A_504 = tpu.vector_load %arg18[%get3A_502, %get3A_503] {strides = array<i32>} : memref<80x64xf32, #tpu.memory_space<vmem>>, vector<1x16xf32>,
        %get3A_505 = vector.shape_cast %get3A_504 : vector<1x16xf32> to vector<16xf32>
        %add3A_506 = arith.addf %add3A_501, %get3A_505 : vector<16xf32>
        %max3A_507 = arith.constant 0.000000e+00 : f32
        %max3A_508 = vector.broadcast %max3A_507 : f32 to vector<16xf32>
        %max3A_509 = arith.maximumf %add3A_506, %max3A_508 : vector<16xf32>
        %swap3A_510 = arith.index_cast %scan3A_470 : i32 to index
        %swap3A_511 = arith.constant 16 : index
        %swap3A_512 = tpu.vector_load %arg19[%swap3A_510, %swap3A_511] {strides = array<i32>} : memref<80x64xf32, #tpu.memory_space<vmem>>, vector<1x16xf32>,
        %swap3A_513 = vector.shape_cast %swap3A_512 : vector<1x16xf32> to vector<16xf32>
        %swap3A_514 = vector.shape_cast %max3A_509 : vector<16xf32> to vector<1x16xf32>
        tpu.vector_store %arg19[%swap3A_510, %swap3A_511], %swap3A_514 {strides = array<i32>} : memref<80x64xf32, #tpu.memory_space<vmem>>, vector<1x16xf32>,
        %get3A_515 = arith.index_cast %scan3A_470 : i32 to index
        %get3A_516 = arith.constant 32 : index
        %get3A_517 = tpu.vector_load %arg16[%get3A_515, %get3A_516] {strides = array<i32>} : memref<80x64xf32, #tpu.memory_space<vmem>>, vector<1x16xf32>,
        %get3A_518 = vector.shape_cast %get3A_517 : vector<1x16xf32> to vector<16xf32>
        %get3A_519 = arith.index_cast %scan3A_470 : i32 to index
        %get3A_520 = arith.constant 32 : index
        %get3A_521 = tpu.vector_load %arg17[%get3A_519, %get3A_520] {strides = array<i32>} : memref<80x64xf32, #tpu.memory_space<vmem>>, vector<1x16xf32>,
        %get3A_522 = vector.shape_cast %get3A_521 : vector<1x16xf32> to vector<16xf32>
        %add3A_523 = arith.addf %get3A_518, %get3A_522 : vector<16xf32>
        %get3A_524 = arith.index_cast %scan3A_470 : i32 to index
        %get3A_525 = arith.constant 32 : index
        %get3A_526 = tpu.vector_load %arg18[%get3A_524, %get3A_525] {strides = array<i32>} : memref<80x64xf32, #tpu.memory_space<vmem>>, vector<1x16xf32>,
        %get3A_527 = vector.shape_cast %get3A_526 : vector<1x16xf32> to vector<16xf32>
        %add3A_528 = arith.addf %add3A_523, %get3A_527 : vector<16xf32>
        %max3A_529 = arith.constant 0.000000e+00 : f32
        %max3A_530 = vector.broadcast %max3A_529 : f32 to vector<16xf32>
        %max3A_531 = arith.maximumf %add3A_528, %max3A_530 : vector<16xf32>
        %swap3A_532 = arith.index_cast %scan3A_470 : i32 to index
        %swap3A_533 = arith.constant 32 : index
        %swap3A_534 = tpu.vector_load %arg19[%swap3A_532, %swap3A_533] {strides = array<i32>} : memref<80x64xf32, #tpu.memory_space<vmem>>, vector<1x16xf32>,
        %swap3A_535 = vector.shape_cast %swap3A_534 : vector<1x16xf32> to vector<16xf32>
        %swap3A_536 = vector.shape_cast %max3A_531 : vector<16xf32> to vector<1x16xf32>
        tpu.vector_store %arg19[%swap3A_532, %swap3A_533], %swap3A_536 {strides = array<i32>} : memref<80x64xf32, #tpu.memory_space<vmem>>, vector<1x16xf32>,
        %get3A_537 = arith.index_cast %scan3A_470 : i32 to index
        %get3A_538 = arith.constant 48 : index
        %get3A_539 = tpu.vector_load %arg16[%get3A_537, %get3A_538] {strides = array<i32>} : memref<80x64xf32, #tpu.memory_space<vmem>>, vector<1x16xf32>,
        %get3A_540 = vector.shape_cast %get3A_539 : vector<1x16xf32> to vector<16xf32>
        %get3A_541 = arith.index_cast %scan3A_470 : i32 to index
        %get3A_542 = arith.constant 48 : index
        %get3A_543 = tpu.vector_load %arg17[%get3A_541, %get3A_542] {strides = array<i32>} : memref<80x64xf32, #tpu.memory_space<vmem>>, vector<1x16xf32>,
        %get3A_544 = vector.shape_cast %get3A_543 : vector<1x16xf32> to vector<16xf32>
        %add3A_545 = arith.addf %get3A_540, %get3A_544 : vector<16xf32>
        %get3A_546 = arith.index_cast %scan3A_470 : i32 to index
        %get3A_547 = arith.constant 48 : index
        %get3A_548 = tpu.vector_load %arg18[%get3A_546, %get3A_547] {strides = array<i32>} : memref<80x64xf32, #tpu.memory_space<vmem>>, vector<1x16xf32>,
        %get3A_549 = vector.shape_cast %get3A_548 : vector<1x16xf32> to vector<16xf32>
        %add3A_550 = arith.addf %add3A_545, %get3A_549 : vector<16xf32>
        %max3A_551 = arith.constant 0.000000e+00 : f32
        %max3A_552 = vector.broadcast %max3A_551 : f32 to vector<16xf32>
        %max3A_553 = arith.maximumf %add3A_550, %max3A_552 : vector<16xf32>
        %swap3A_554 = arith.index_cast %scan3A_470 : i32 to index
        %swap3A_555 = arith.constant 48 : index
        %swap3A_556 = tpu.vector_load %arg19[%swap3A_554, %swap3A_555] {strides = array<i32>} : memref<80x64xf32, #tpu.memory_space<vmem>>, vector<1x16xf32>,
        %swap3A_557 = vector.shape_cast %swap3A_556 : vector<1x16xf32> to vector<16xf32>
        %swap3A_558 = vector.shape_cast %max3A_553 : vector<16xf32> to vector<1x16xf32>
        tpu.vector_store %arg19[%swap3A_554, %swap3A_555], %swap3A_558 {strides = array<i32>} : memref<80x64xf32, #tpu.memory_space<vmem>>, vector<1x16xf32>,
      }
      %scan3A_287 = arith.constant 80 : i32
      %add3A_288 = arith.constant 3 : i32
      %add3A_289 = arith.addi %add3A_257, %add3A_288 : i32
      %min3A_290 = arith.constant 124 : i32
      %min3A_291 = arith.minsi %add3A_289, %min3A_290 : i32
      %mul3A_292 = arith.constant 80 : i32
      %mul3A_293 = arith.muli %min3A_291, %mul3A_292 : i32
      %add3A_294 = arith.addi %mul3A_2, %mul3A_293 : i32
      %dma_start3A_295 = arith.constant 0 : i32
      %dma_start3A_296 = tpu.memref_slice %arg2[%add3A_294, %dma_start3A_295] : memref<320000x64xf32, #tpu.memory_space<hbm>> -> memref<80x64xf32, #tpu.memory_space<hbm>>
      %dma_start3A_297 = arith.constant 0 : i32
      %dma_start3A_298 = tpu.memref_slice %arg2[%add3A_294, %dma_start3A_297] : memref<320000x64xf32, #tpu.memory_space<hbm>> -> memref<80x64xf32, #tpu.memory_space<hbm>>
      tpu.enqueue_dma source(%dma_start3A_298 : memref<80x64xf32, #tpu.memory_space<hbm>>) target(%arg16 : memref<80x64xf32, #tpu.memory_space<vmem>>) target_semaphore(%arg26 : memref<!tpu.dma_semaphore, #tpu.memory_space<semaphore_mem>>)
      %dma_start3A_299 = arith.constant 0 : i32
      %dma_start3A_300 = tpu.memref_slice %arg10[%min3A_291, %dma_start3A_299] : memref<125x80xi32, #tpu.memory_space<vmem>> -> memref<1x80xi32, #tpu.memory_space<vmem>>
      %dma_start3A_301 = tpu.memref_squeeze %dma_start3A_300 : memref<1x80xi32, #tpu.memory_space<vmem>> -> memref<80xi32, #tpu.memory_space<vmem>>
      %dma_start3A_302 = arith.constant 0 : i32
      %dma_start3A_303 = arith.constant 0 : i32
      %dma_start3A_304 = tpu.memref_slice %arg3[%dma_start3A_302, %dma_start3A_303] : memref<10000x64xf32, #tpu.memory_space<hbm>> -> memref<10000x64xf32, #tpu.memory_space<hbm>>
      tpu.enqueue_indirect_dma source(%dma_start3A_304 : memref<10000x64xf32, #tpu.memory_space<hbm>>) target(%arg17 : memref<80x64xf32, #tpu.memory_space<vmem>>) offsets(%dma_start3A_301 : memref<80xi32, #tpu.memory_space<vmem>>) semaphore(%arg26 : memref<!tpu.dma_semaphore, #tpu.memory_space<semaphore_mem>>)
      %dma_start3A_305 = arith.constant 0 : i32
      %dma_start3A_306 = tpu.memref_slice %arg11[%min3A_291, %dma_start3A_305] : memref<125x80xi32, #tpu.memory_space<vmem>> -> memref<1x80xi32, #tpu.memory_space<vmem>>
      %dma_start3A_307 = tpu.memref_squeeze %dma_start3A_306 : memref<1x80xi32, #tpu.memory_space<vmem>> -> memref<80xi32, #tpu.memory_space<vmem>>
      %dma_start3A_308 = arith.constant 0 : i32
      %dma_start3A_309 = arith.constant 0 : i32
      %dma_start3A_310 = tpu.memref_slice %arg4[%dma_start3A_308, %dma_start3A_309] : memref<10000x64xf32, #tpu.memory_space<hbm>> -> memref<10000x64xf32, #tpu.memory_space<hbm>>
      tpu.enqueue_indirect_dma source(%dma_start3A_310 : memref<10000x64xf32, #tpu.memory_space<hbm>>) target(%arg18 : memref<80x64xf32, #tpu.memory_space<vmem>>) offsets(%dma_start3A_307 : memref<80xi32, #tpu.memory_space<vmem>>) semaphore(%arg26 : memref<!tpu.dma_semaphore, #tpu.memory_space<semaphore_mem>>)
      %mul3A_311 = arith.constant 80 : i32
      %mul3A_312 = arith.muli %add3A_257, %mul3A_311 : i32
      %add3A_313 = arith.addi %mul3A_2, %mul3A_312 : i32
      %dma_start3A_314 = arith.constant 0 : i32
      %dma_start3A_315 = tpu.memref_slice %arg8[%add3A_313, %dma_start3A_314] : memref<320000x64xf32, #tpu.memory_space<hbm>> -> memref<80x64xf32, #tpu.memory_space<hbm>>
      %dma_start3A_316 = arith.constant 0 : i32
      %dma_start3A_317 = tpu.memref_slice %arg8[%add3A_313, %dma_start3A_316] : memref<320000x64xf32, #tpu.memory_space<hbm>> -> memref<80x64xf32, #tpu.memory_space<hbm>>
      tpu.enqueue_dma source(%arg19 : memref<80x64xf32, #tpu.memory_space<vmem>>) target(%dma_start3A_317 : memref<80x64xf32, #tpu.memory_space<hbm>>) target_semaphore(%arg29 : memref<!tpu.dma_semaphore, #tpu.memory_space<semaphore_mem>>)
      "tpu.region"() ({
        %run_scoped3A_383 = tpu.sem_alloc : memref<!tpu.dma_semaphore, #tpu.memory_space<semaphore_mem>>
        %dma_start3A_384 = arith.constant 0 : i32
        %dma_start3A_385 = tpu.memref_slice %arg11[%add3A_257, %dma_start3A_384] : memref<125x80xi32, #tpu.memory_space<vmem>> -> memref<1x80xi32, #tpu.memory_space<vmem>>
        %dma_start3A_386 = tpu.memref_squeeze %dma_start3A_385 : memref<1x80xi32, #tpu.memory_space<vmem>> -> memref<80xi32, #tpu.memory_space<vmem>>
        %dma_start3A_387 = arith.constant 0 : i32
        %dma_start3A_388 = arith.constant 0 : i32
        %dma_start3A_389 = tpu.memref_slice %arg24[%dma_start3A_387, %dma_start3A_388] : memref<10000x64xf32, #tpu.memory_space<vmem_shared>> -> memref<10000x64xf32, #tpu.memory_space<vmem_shared>>
        tpu.enqueue_indirect_dma source(%arg19 : memref<80x64xf32, #tpu.memory_space<vmem>>) target(%dma_start3A_389 : memref<10000x64xf32, #tpu.memory_space<vmem_shared>>) offsets(%dma_start3A_386 : memref<80xi32, #tpu.memory_space<vmem>>) semaphore(%run_scoped3A_383 : memref<!tpu.dma_semaphore, #tpu.memory_space<semaphore_mem>>) {add = true}
        %dma_wait3A_390 = arith.constant 0 : i32
        %dma_wait3A_391 = tpu.memref_slice %arg11[%add3A_257, %dma_wait3A_390] : memref<125x80xi32, #tpu.memory_space<vmem>> -> memref<1x80xi32, #tpu.memory_space<vmem>>
        %dma_wait3A_392 = tpu.memref_squeeze %dma_wait3A_391 : memref<1x80xi32, #tpu.memory_space<vmem>> -> memref<80xi32, #tpu.memory_space<vmem>>
        %dma_wait3A_393 = arith.constant 0 : i32
        %dma_wait3A_394 = arith.constant 0 : i32
        %dma_wait3A_395 = tpu.memref_slice %arg24[%dma_wait3A_393, %dma_wait3A_394] : memref<10000x64xf32, #tpu.memory_space<vmem_shared>> -> memref<10000x64xf32, #tpu.memory_space<vmem_shared>>
        tpu.wait_indirect_dma semaphore(%run_scoped3A_383 : memref<!tpu.dma_semaphore, #tpu.memory_space<semaphore_mem>>) src(%arg19 : memref<80x64xf32, #tpu.memory_space<vmem>>) dst(%dma_wait3A_395 : memref<10000x64xf32, #tpu.memory_space<vmem_shared>>)
        tpu.yield
      }) : () -> ()
      %mul3A_318 = arith.constant 3 : i32
      %mul3A_319 = arith.muli %mul3A_318, %scan3A_190 : i32
      %add3A_320 = arith.constant 2 : i32
      %add3A_321 = arith.addi %mul3A_319, %add3A_320 : i32
      %mul3A_322 = arith.constant 80 : i32
      %mul3A_323 = arith.muli %add3A_321, %mul3A_322 : i32
      %add3A_324 = arith.addi %mul3A_2, %mul3A_323 : i32
      %dma_wait3A_325 = arith.constant 0 : i32
      %dma_wait3A_326 = tpu.memref_slice %arg2[%add3A_324, %dma_wait3A_325] : memref<320000x64xf32, #tpu.memory_space<hbm>> -> memref<80x64xf32, #tpu.memory_space<hbm>>
      %dma_wait3A_327 = arith.constant 0 : i32
      %dma_wait3A_328 = tpu.memref_slice %arg2[%add3A_324, %dma_wait3A_327] : memref<320000x64xf32, #tpu.memory_space<hbm>> -> memref<80x64xf32, #tpu.memory_space<hbm>>
      tpu.wait_dma2 semaphore(%arg27 : memref<!tpu.dma_semaphore, #tpu.memory_space<semaphore_mem>>) src(%dma_wait3A_328 : memref<80x64xf32, #tpu.memory_space<hbm>>) dst(%arg20 : memref<80x64xf32, #tpu.memory_space<vmem>>)
      %dma_wait3A_329 = arith.constant 0 : i32
      %dma_wait3A_330 = tpu.memref_slice %arg10[%add3A_321, %dma_wait3A_329] : memref<125x80xi32, #tpu.memory_space<vmem>> -> memref<1x80xi32, #tpu.memory_space<vmem>>
      %dma_wait3A_331 = tpu.memref_squeeze %dma_wait3A_330 : memref<1x80xi32, #tpu.memory_space<vmem>> -> memref<80xi32, #tpu.memory_space<vmem>>
      %dma_wait3A_332 = arith.constant 0 : i32
      %dma_wait3A_333 = arith.constant 0 : i32
      %dma_wait3A_334 = tpu.memref_slice %arg3[%dma_wait3A_332, %dma_wait3A_333] : memref<10000x64xf32, #tpu.memory_space<hbm>> -> memref<10000x64xf32, #tpu.memory_space<hbm>>
      tpu.wait_indirect_dma semaphore(%arg27 : memref<!tpu.dma_semaphore, #tpu.memory_space<semaphore_mem>>) src(%dma_wait3A_334 : memref<10000x64xf32, #tpu.memory_space<hbm>>) dst(%arg21 : memref<80x64xf32, #tpu.memory_space<vmem>>)
      %dma_wait3A_335 = arith.constant 0 : i32
      %dma_wait3A_336 = tpu.memref_slice %arg11[%add3A_321, %dma_wait3A_335] : memref<125x80xi32, #tpu.memory_space<vmem>> -> memref<1x80xi32, #tpu.memory_space<vmem>>
      %dma_wait3A_337 = tpu.memref_squeeze %dma_wait3A_336 : memref<1x80xi32, #tpu.memory_space<vmem>> -> memref<80xi32, #tpu.memory_space<vmem>>
      %dma_wait3A_338 = arith.constant 0 : i32
      %dma_wait3A_339 = arith.constant 0 : i32
      %dma_wait3A_340 = tpu.memref_slice %arg4[%dma_wait3A_338, %dma_wait3A_339] : memref<10000x64xf32, #tpu.memory_space<hbm>> -> memref<10000x64xf32, #tpu.memory_space<hbm>>
      tpu.wait_indirect_dma semaphore(%arg27 : memref<!tpu.dma_semaphore, #tpu.memory_space<semaphore_mem>>) src(%dma_wait3A_340 : memref<10000x64xf32, #tpu.memory_space<hbm>>) dst(%arg22 : memref<80x64xf32, #tpu.memory_space<vmem>>)
      %ge3A_341 = arith.constant 3 : i32
      %ge3A_342 = arith.cmpi sge, %add3A_321, %ge3A_341 : i32
      %convert_element_type3A_343 = arith.extui %ge3A_342 : i1 to i32
      %cond3A_344 = arith.constant 0 : i32
      %cond3A_345 = arith.cmpi ne, %convert_element_type3A_343, %cond3A_344 : i32
      scf.if %cond3A_345 {
        %sub3A = arith.constant 3 : i32
        %sub3A_383 = arith.subi %add3A_321, %sub3A : i32
        %mul3A_384 = arith.constant 80 : i32
        %mul3A_385 = arith.muli %sub3A_383, %mul3A_384 : i32
        %add3A_386 = arith.addi %mul3A_2, %mul3A_385 : i32
        %dma_wait3A_387 = arith.constant 0 : i32
        %dma_wait3A_388 = tpu.memref_slice %arg8[%add3A_386, %dma_wait3A_387] : memref<320000x64xf32, #tpu.memory_space<hbm>> -> memref<80x64xf32, #tpu.memory_space<hbm>>
        %dma_wait3A_389 = arith.constant 0 : i32
        %dma_wait3A_390 = tpu.memref_slice %arg8[%add3A_386, %dma_wait3A_389] : memref<320000x64xf32, #tpu.memory_space<hbm>> -> memref<80x64xf32, #tpu.memory_space<hbm>>
        tpu.wait_dma2 semaphore(%arg30 : memref<!tpu.dma_semaphore, #tpu.memory_space<semaphore_mem>>) src(%arg23 : memref<80x64xf32, #tpu.memory_space<vmem>>) dst(%dma_wait3A_390 : memref<80x64xf32, #tpu.memory_space<hbm>>)
      } else {
      }
      %scan3A_346 = arith.constant 0 : i32
      %scan3A_347 = arith.constant 0 : i32
      %scan3A_348 = arith.constant 80 : i32
      %scan3A_349 = arith.addi %scan3A_347, %scan3A_348 : i32
      %scan3A_350 = arith.constant 2 : i32
      scf.for %scan3A_383 = %scan3A_347 to %scan3A_349 step %scan3A_350  : i32 {
        %get3A = arith.index_cast %scan3A_383 : i32 to index
        %get3A_384 = arith.constant 0 : index
        %get3A_385 = tpu.vector_load %arg20[%get3A, %get3A_384] {strides = array<i32>} : memref<80x64xf32, #tpu.memory_space<vmem>>, vector<1x16xf32>,
        %get3A_386 = vector.shape_cast %get3A_385 : vector<1x16xf32> to vector<16xf32>
        %get3A_387 = arith.index_cast %scan3A_383 : i32 to index
        %get3A_388 = arith.constant 0 : index
        %get3A_389 = tpu.vector_load %arg21[%get3A_387, %get3A_388] {strides = array<i32>} : memref<80x64xf32, #tpu.memory_space<vmem>>, vector<1x16xf32>,
        %get3A_390 = vector.shape_cast %get3A_389 : vector<1x16xf32> to vector<16xf32>
        %add3A_391 = arith.addf %get3A_386, %get3A_390 : vector<16xf32>
        %get3A_392 = arith.index_cast %scan3A_383 : i32 to index
        %get3A_393 = arith.constant 0 : index
        %get3A_394 = tpu.vector_load %arg22[%get3A_392, %get3A_393] {strides = array<i32>} : memref<80x64xf32, #tpu.memory_space<vmem>>, vector<1x16xf32>,
        %get3A_395 = vector.shape_cast %get3A_394 : vector<1x16xf32> to vector<16xf32>
        %add3A_396 = arith.addf %add3A_391, %get3A_395 : vector<16xf32>
        %max3A = arith.constant 0.000000e+00 : f32
        %max3A_397 = vector.broadcast %max3A : f32 to vector<16xf32>
        %max3A_398 = arith.maximumf %add3A_396, %max3A_397 : vector<16xf32>
        %swap3A = arith.index_cast %scan3A_383 : i32 to index
        %swap3A_399 = arith.constant 0 : index
        %swap3A_400 = tpu.vector_load %arg23[%swap3A, %swap3A_399] {strides = array<i32>} : memref<80x64xf32, #tpu.memory_space<vmem>>, vector<1x16xf32>,
        %swap3A_401 = vector.shape_cast %swap3A_400 : vector<1x16xf32> to vector<16xf32>
        %swap3A_402 = vector.shape_cast %max3A_398 : vector<16xf32> to vector<1x16xf32>
        tpu.vector_store %arg23[%swap3A, %swap3A_399], %swap3A_402 {strides = array<i32>} : memref<80x64xf32, #tpu.memory_space<vmem>>, vector<1x16xf32>,
        %get3A_403 = arith.index_cast %scan3A_383 : i32 to index
        %get3A_404 = arith.constant 16 : index
        %get3A_405 = tpu.vector_load %arg20[%get3A_403, %get3A_404] {strides = array<i32>} : memref<80x64xf32, #tpu.memory_space<vmem>>, vector<1x16xf32>,
        %get3A_406 = vector.shape_cast %get3A_405 : vector<1x16xf32> to vector<16xf32>
        %get3A_407 = arith.index_cast %scan3A_383 : i32 to index
        %get3A_408 = arith.constant 16 : index
        %get3A_409 = tpu.vector_load %arg21[%get3A_407, %get3A_408] {strides = array<i32>} : memref<80x64xf32, #tpu.memory_space<vmem>>, vector<1x16xf32>,
        %get3A_410 = vector.shape_cast %get3A_409 : vector<1x16xf32> to vector<16xf32>
        %add3A_411 = arith.addf %get3A_406, %get3A_410 : vector<16xf32>
        %get3A_412 = arith.index_cast %scan3A_383 : i32 to index
        %get3A_413 = arith.constant 16 : index
        %get3A_414 = tpu.vector_load %arg22[%get3A_412, %get3A_413] {strides = array<i32>} : memref<80x64xf32, #tpu.memory_space<vmem>>, vector<1x16xf32>,
        %get3A_415 = vector.shape_cast %get3A_414 : vector<1x16xf32> to vector<16xf32>
        %add3A_416 = arith.addf %add3A_411, %get3A_415 : vector<16xf32>
        %max3A_417 = arith.constant 0.000000e+00 : f32
        %max3A_418 = vector.broadcast %max3A_417 : f32 to vector<16xf32>
        %max3A_419 = arith.maximumf %add3A_416, %max3A_418 : vector<16xf32>
        %swap3A_420 = arith.index_cast %scan3A_383 : i32 to index
        %swap3A_421 = arith.constant 16 : index
        %swap3A_422 = tpu.vector_load %arg23[%swap3A_420, %swap3A_421] {strides = array<i32>} : memref<80x64xf32, #tpu.memory_space<vmem>>, vector<1x16xf32>,
        %swap3A_423 = vector.shape_cast %swap3A_422 : vector<1x16xf32> to vector<16xf32>
        %swap3A_424 = vector.shape_cast %max3A_419 : vector<16xf32> to vector<1x16xf32>
        tpu.vector_store %arg23[%swap3A_420, %swap3A_421], %swap3A_424 {strides = array<i32>} : memref<80x64xf32, #tpu.memory_space<vmem>>, vector<1x16xf32>,
        %get3A_425 = arith.index_cast %scan3A_383 : i32 to index
        %get3A_426 = arith.constant 32 : index
        %get3A_427 = tpu.vector_load %arg20[%get3A_425, %get3A_426] {strides = array<i32>} : memref<80x64xf32, #tpu.memory_space<vmem>>, vector<1x16xf32>,
        %get3A_428 = vector.shape_cast %get3A_427 : vector<1x16xf32> to vector<16xf32>
        %get3A_429 = arith.index_cast %scan3A_383 : i32 to index
        %get3A_430 = arith.constant 32 : index
        %get3A_431 = tpu.vector_load %arg21[%get3A_429, %get3A_430] {strides = array<i32>} : memref<80x64xf32, #tpu.memory_space<vmem>>, vector<1x16xf32>,
        %get3A_432 = vector.shape_cast %get3A_431 : vector<1x16xf32> to vector<16xf32>
        %add3A_433 = arith.addf %get3A_428, %get3A_432 : vector<16xf32>
        %get3A_434 = arith.index_cast %scan3A_383 : i32 to index
        %get3A_435 = arith.constant 32 : index
        %get3A_436 = tpu.vector_load %arg22[%get3A_434, %get3A_435] {strides = array<i32>} : memref<80x64xf32, #tpu.memory_space<vmem>>, vector<1x16xf32>,
        %get3A_437 = vector.shape_cast %get3A_436 : vector<1x16xf32> to vector<16xf32>
        %add3A_438 = arith.addf %add3A_433, %get3A_437 : vector<16xf32>
        %max3A_439 = arith.constant 0.000000e+00 : f32
        %max3A_440 = vector.broadcast %max3A_439 : f32 to vector<16xf32>
        %max3A_441 = arith.maximumf %add3A_438, %max3A_440 : vector<16xf32>
        %swap3A_442 = arith.index_cast %scan3A_383 : i32 to index
        %swap3A_443 = arith.constant 32 : index
        %swap3A_444 = tpu.vector_load %arg23[%swap3A_442, %swap3A_443] {strides = array<i32>} : memref<80x64xf32, #tpu.memory_space<vmem>>, vector<1x16xf32>,
        %swap3A_445 = vector.shape_cast %swap3A_444 : vector<1x16xf32> to vector<16xf32>
        %swap3A_446 = vector.shape_cast %max3A_441 : vector<16xf32> to vector<1x16xf32>
        tpu.vector_store %arg23[%swap3A_442, %swap3A_443], %swap3A_446 {strides = array<i32>} : memref<80x64xf32, #tpu.memory_space<vmem>>, vector<1x16xf32>,
        %get3A_447 = arith.index_cast %scan3A_383 : i32 to index
        %get3A_448 = arith.constant 48 : index
        %get3A_449 = tpu.vector_load %arg20[%get3A_447, %get3A_448] {strides = array<i32>} : memref<80x64xf32, #tpu.memory_space<vmem>>, vector<1x16xf32>,
        %get3A_450 = vector.shape_cast %get3A_449 : vector<1x16xf32> to vector<16xf32>
        %get3A_451 = arith.index_cast %scan3A_383 : i32 to index
        %get3A_452 = arith.constant 48 : index
        %get3A_453 = tpu.vector_load %arg21[%get3A_451, %get3A_452] {strides = array<i32>} : memref<80x64xf32, #tpu.memory_space<vmem>>, vector<1x16xf32>,
        %get3A_454 = vector.shape_cast %get3A_453 : vector<1x16xf32> to vector<16xf32>
        %add3A_455 = arith.addf %get3A_450, %get3A_454 : vector<16xf32>
        %get3A_456 = arith.index_cast %scan3A_383 : i32 to index
        %get3A_457 = arith.constant 48 : index
        %get3A_458 = tpu.vector_load %arg22[%get3A_456, %get3A_457] {strides = array<i32>} : memref<80x64xf32, #tpu.memory_space<vmem>>, vector<1x16xf32>,
        %get3A_459 = vector.shape_cast %get3A_458 : vector<1x16xf32> to vector<16xf32>
        %add3A_460 = arith.addf %add3A_455, %get3A_459 : vector<16xf32>
        %max3A_461 = arith.constant 0.000000e+00 : f32
        %max3A_462 = vector.broadcast %max3A_461 : f32 to vector<16xf32>
        %max3A_463 = arith.maximumf %add3A_460, %max3A_462 : vector<16xf32>
        %swap3A_464 = arith.index_cast %scan3A_383 : i32 to index
        %swap3A_465 = arith.constant 48 : index
        %swap3A_466 = tpu.vector_load %arg23[%swap3A_464, %swap3A_465] {strides = array<i32>} : memref<80x64xf32, #tpu.memory_space<vmem>>, vector<1x16xf32>,
        %swap3A_467 = vector.shape_cast %swap3A_466 : vector<1x16xf32> to vector<16xf32>
        %swap3A_468 = vector.shape_cast %max3A_463 : vector<16xf32> to vector<1x16xf32>
        tpu.vector_store %arg23[%swap3A_464, %swap3A_465], %swap3A_468 {strides = array<i32>} : memref<80x64xf32, #tpu.memory_space<vmem>>, vector<1x16xf32>,
        %scan3A_469 = arith.constant 1 : i32
        %scan3A_470 = arith.addi %scan3A_383, %scan3A_469 : i32
        %get3A_471 = arith.index_cast %scan3A_470 : i32 to index
        %get3A_472 = arith.constant 0 : index
        %get3A_473 = tpu.vector_load %arg20[%get3A_471, %get3A_472] {strides = array<i32>} : memref<80x64xf32, #tpu.memory_space<vmem>>, vector<1x16xf32>,
        %get3A_474 = vector.shape_cast %get3A_473 : vector<1x16xf32> to vector<16xf32>
        %get3A_475 = arith.index_cast %scan3A_470 : i32 to index
        %get3A_476 = arith.constant 0 : index
        %get3A_477 = tpu.vector_load %arg21[%get3A_475, %get3A_476] {strides = array<i32>} : memref<80x64xf32, #tpu.memory_space<vmem>>, vector<1x16xf32>,
        %get3A_478 = vector.shape_cast %get3A_477 : vector<1x16xf32> to vector<16xf32>
        %add3A_479 = arith.addf %get3A_474, %get3A_478 : vector<16xf32>
        %get3A_480 = arith.index_cast %scan3A_470 : i32 to index
        %get3A_481 = arith.constant 0 : index
        %get3A_482 = tpu.vector_load %arg22[%get3A_480, %get3A_481] {strides = array<i32>} : memref<80x64xf32, #tpu.memory_space<vmem>>, vector<1x16xf32>,
        %get3A_483 = vector.shape_cast %get3A_482 : vector<1x16xf32> to vector<16xf32>
        %add3A_484 = arith.addf %add3A_479, %get3A_483 : vector<16xf32>
        %max3A_485 = arith.constant 0.000000e+00 : f32
        %max3A_486 = vector.broadcast %max3A_485 : f32 to vector<16xf32>
        %max3A_487 = arith.maximumf %add3A_484, %max3A_486 : vector<16xf32>
        %swap3A_488 = arith.index_cast %scan3A_470 : i32 to index
        %swap3A_489 = arith.constant 0 : index
        %swap3A_490 = tpu.vector_load %arg23[%swap3A_488, %swap3A_489] {strides = array<i32>} : memref<80x64xf32, #tpu.memory_space<vmem>>, vector<1x16xf32>,
        %swap3A_491 = vector.shape_cast %swap3A_490 : vector<1x16xf32> to vector<16xf32>
        %swap3A_492 = vector.shape_cast %max3A_487 : vector<16xf32> to vector<1x16xf32>
        tpu.vector_store %arg23[%swap3A_488, %swap3A_489], %swap3A_492 {strides = array<i32>} : memref<80x64xf32, #tpu.memory_space<vmem>>, vector<1x16xf32>,
        %get3A_493 = arith.index_cast %scan3A_470 : i32 to index
        %get3A_494 = arith.constant 16 : index
        %get3A_495 = tpu.vector_load %arg20[%get3A_493, %get3A_494] {strides = array<i32>} : memref<80x64xf32, #tpu.memory_space<vmem>>, vector<1x16xf32>,
        %get3A_496 = vector.shape_cast %get3A_495 : vector<1x16xf32> to vector<16xf32>
        %get3A_497 = arith.index_cast %scan3A_470 : i32 to index
        %get3A_498 = arith.constant 16 : index
        %get3A_499 = tpu.vector_load %arg21[%get3A_497, %get3A_498] {strides = array<i32>} : memref<80x64xf32, #tpu.memory_space<vmem>>, vector<1x16xf32>,
        %get3A_500 = vector.shape_cast %get3A_499 : vector<1x16xf32> to vector<16xf32>
        %add3A_501 = arith.addf %get3A_496, %get3A_500 : vector<16xf32>
        %get3A_502 = arith.index_cast %scan3A_470 : i32 to index
        %get3A_503 = arith.constant 16 : index
        %get3A_504 = tpu.vector_load %arg22[%get3A_502, %get3A_503] {strides = array<i32>} : memref<80x64xf32, #tpu.memory_space<vmem>>, vector<1x16xf32>,
        %get3A_505 = vector.shape_cast %get3A_504 : vector<1x16xf32> to vector<16xf32>
        %add3A_506 = arith.addf %add3A_501, %get3A_505 : vector<16xf32>
        %max3A_507 = arith.constant 0.000000e+00 : f32
        %max3A_508 = vector.broadcast %max3A_507 : f32 to vector<16xf32>
        %max3A_509 = arith.maximumf %add3A_506, %max3A_508 : vector<16xf32>
        %swap3A_510 = arith.index_cast %scan3A_470 : i32 to index
        %swap3A_511 = arith.constant 16 : index
        %swap3A_512 = tpu.vector_load %arg23[%swap3A_510, %swap3A_511] {strides = array<i32>} : memref<80x64xf32, #tpu.memory_space<vmem>>, vector<1x16xf32>,
        %swap3A_513 = vector.shape_cast %swap3A_512 : vector<1x16xf32> to vector<16xf32>
        %swap3A_514 = vector.shape_cast %max3A_509 : vector<16xf32> to vector<1x16xf32>
        tpu.vector_store %arg23[%swap3A_510, %swap3A_511], %swap3A_514 {strides = array<i32>} : memref<80x64xf32, #tpu.memory_space<vmem>>, vector<1x16xf32>,
        %get3A_515 = arith.index_cast %scan3A_470 : i32 to index
        %get3A_516 = arith.constant 32 : index
        %get3A_517 = tpu.vector_load %arg20[%get3A_515, %get3A_516] {strides = array<i32>} : memref<80x64xf32, #tpu.memory_space<vmem>>, vector<1x16xf32>,
        %get3A_518 = vector.shape_cast %get3A_517 : vector<1x16xf32> to vector<16xf32>
        %get3A_519 = arith.index_cast %scan3A_470 : i32 to index
        %get3A_520 = arith.constant 32 : index
        %get3A_521 = tpu.vector_load %arg21[%get3A_519, %get3A_520] {strides = array<i32>} : memref<80x64xf32, #tpu.memory_space<vmem>>, vector<1x16xf32>,
        %get3A_522 = vector.shape_cast %get3A_521 : vector<1x16xf32> to vector<16xf32>
        %add3A_523 = arith.addf %get3A_518, %get3A_522 : vector<16xf32>
        %get3A_524 = arith.index_cast %scan3A_470 : i32 to index
        %get3A_525 = arith.constant 32 : index
        %get3A_526 = tpu.vector_load %arg22[%get3A_524, %get3A_525] {strides = array<i32>} : memref<80x64xf32, #tpu.memory_space<vmem>>, vector<1x16xf32>,
        %get3A_527 = vector.shape_cast %get3A_526 : vector<1x16xf32> to vector<16xf32>
        %add3A_528 = arith.addf %add3A_523, %get3A_527 : vector<16xf32>
        %max3A_529 = arith.constant 0.000000e+00 : f32
        %max3A_530 = vector.broadcast %max3A_529 : f32 to vector<16xf32>
        %max3A_531 = arith.maximumf %add3A_528, %max3A_530 : vector<16xf32>
        %swap3A_532 = arith.index_cast %scan3A_470 : i32 to index
        %swap3A_533 = arith.constant 32 : index
        %swap3A_534 = tpu.vector_load %arg23[%swap3A_532, %swap3A_533] {strides = array<i32>} : memref<80x64xf32, #tpu.memory_space<vmem>>, vector<1x16xf32>,
        %swap3A_535 = vector.shape_cast %swap3A_534 : vector<1x16xf32> to vector<16xf32>
        %swap3A_536 = vector.shape_cast %max3A_531 : vector<16xf32> to vector<1x16xf32>
        tpu.vector_store %arg23[%swap3A_532, %swap3A_533], %swap3A_536 {strides = array<i32>} : memref<80x64xf32, #tpu.memory_space<vmem>>, vector<1x16xf32>,
        %get3A_537 = arith.index_cast %scan3A_470 : i32 to index
        %get3A_538 = arith.constant 48 : index
        %get3A_539 = tpu.vector_load %arg20[%get3A_537, %get3A_538] {strides = array<i32>} : memref<80x64xf32, #tpu.memory_space<vmem>>, vector<1x16xf32>,
        %get3A_540 = vector.shape_cast %get3A_539 : vector<1x16xf32> to vector<16xf32>
        %get3A_541 = arith.index_cast %scan3A_470 : i32 to index
        %get3A_542 = arith.constant 48 : index
        %get3A_543 = tpu.vector_load %arg21[%get3A_541, %get3A_542] {strides = array<i32>} : memref<80x64xf32, #tpu.memory_space<vmem>>, vector<1x16xf32>,
        %get3A_544 = vector.shape_cast %get3A_543 : vector<1x16xf32> to vector<16xf32>
        %add3A_545 = arith.addf %get3A_540, %get3A_544 : vector<16xf32>
        %get3A_546 = arith.index_cast %scan3A_470 : i32 to index
        %get3A_547 = arith.constant 48 : index
        %get3A_548 = tpu.vector_load %arg22[%get3A_546, %get3A_547] {strides = array<i32>} : memref<80x64xf32, #tpu.memory_space<vmem>>, vector<1x16xf32>,
        %get3A_549 = vector.shape_cast %get3A_548 : vector<1x16xf32> to vector<16xf32>
        %add3A_550 = arith.addf %add3A_545, %get3A_549 : vector<16xf32>
        %max3A_551 = arith.constant 0.000000e+00 : f32
        %max3A_552 = vector.broadcast %max3A_551 : f32 to vector<16xf32>
        %max3A_553 = arith.maximumf %add3A_550, %max3A_552 : vector<16xf32>
        %swap3A_554 = arith.index_cast %scan3A_470 : i32 to index
        %swap3A_555 = arith.constant 48 : index
        %swap3A_556 = tpu.vector_load %arg23[%swap3A_554, %swap3A_555] {strides = array<i32>} : memref<80x64xf32, #tpu.memory_space<vmem>>, vector<1x16xf32>,
        %swap3A_557 = vector.shape_cast %swap3A_556 : vector<1x16xf32> to vector<16xf32>
        %swap3A_558 = vector.shape_cast %max3A_553 : vector<16xf32> to vector<1x16xf32>
        tpu.vector_store %arg23[%swap3A_554, %swap3A_555], %swap3A_558 {strides = array<i32>} : memref<80x64xf32, #tpu.memory_space<vmem>>, vector<1x16xf32>,
      }
      %scan3A_351 = arith.constant 80 : i32
      %add3A_352 = arith.constant 3 : i32
      %add3A_353 = arith.addi %add3A_321, %add3A_352 : i32
      %min3A_354 = arith.constant 124 : i32
      %min3A_355 = arith.minsi %add3A_353, %min3A_354 : i32
      %mul3A_356 = arith.constant 80 : i32
      %mul3A_357 = arith.muli %min3A_355, %mul3A_356 : i32
      %add3A_358 = arith.addi %mul3A_2, %mul3A_357 : i32
      %dma_start3A_359 = arith.constant 0 : i32
      %dma_start3A_360 = tpu.memref_slice %arg2[%add3A_358, %dma_start3A_359] : memref<320000x64xf32, #tpu.memory_space<hbm>> -> memref<80x64xf32, #tpu.memory_space<hbm>>
      %dma_start3A_361 = arith.constant 0 : i32
      %dma_start3A_362 = tpu.memref_slice %arg2[%add3A_358, %dma_start3A_361] : memref<320000x64xf32, #tpu.memory_space<hbm>> -> memref<80x64xf32, #tpu.memory_space<hbm>>
      tpu.enqueue_dma source(%dma_start3A_362 : memref<80x64xf32, #tpu.memory_space<hbm>>) target(%arg20 : memref<80x64xf32, #tpu.memory_space<vmem>>) target_semaphore(%arg27 : memref<!tpu.dma_semaphore, #tpu.memory_space<semaphore_mem>>)
      %dma_start3A_363 = arith.constant 0 : i32
      %dma_start3A_364 = tpu.memref_slice %arg10[%min3A_355, %dma_start3A_363] : memref<125x80xi32, #tpu.memory_space<vmem>> -> memref<1x80xi32, #tpu.memory_space<vmem>>
      %dma_start3A_365 = tpu.memref_squeeze %dma_start3A_364 : memref<1x80xi32, #tpu.memory_space<vmem>> -> memref<80xi32, #tpu.memory_space<vmem>>
      %dma_start3A_366 = arith.constant 0 : i32
      %dma_start3A_367 = arith.constant 0 : i32
      %dma_start3A_368 = tpu.memref_slice %arg3[%dma_start3A_366, %dma_start3A_367] : memref<10000x64xf32, #tpu.memory_space<hbm>> -> memref<10000x64xf32, #tpu.memory_space<hbm>>
      tpu.enqueue_indirect_dma source(%dma_start3A_368 : memref<10000x64xf32, #tpu.memory_space<hbm>>) target(%arg21 : memref<80x64xf32, #tpu.memory_space<vmem>>) offsets(%dma_start3A_365 : memref<80xi32, #tpu.memory_space<vmem>>) semaphore(%arg27 : memref<!tpu.dma_semaphore, #tpu.memory_space<semaphore_mem>>)
      %dma_start3A_369 = arith.constant 0 : i32
      %dma_start3A_370 = tpu.memref_slice %arg11[%min3A_355, %dma_start3A_369] : memref<125x80xi32, #tpu.memory_space<vmem>> -> memref<1x80xi32, #tpu.memory_space<vmem>>
      %dma_start3A_371 = tpu.memref_squeeze %dma_start3A_370 : memref<1x80xi32, #tpu.memory_space<vmem>> -> memref<80xi32, #tpu.memory_space<vmem>>
      %dma_start3A_372 = arith.constant 0 : i32
      %dma_start3A_373 = arith.constant 0 : i32
      %dma_start3A_374 = tpu.memref_slice %arg4[%dma_start3A_372, %dma_start3A_373] : memref<10000x64xf32, #tpu.memory_space<hbm>> -> memref<10000x64xf32, #tpu.memory_space<hbm>>
      tpu.enqueue_indirect_dma source(%dma_start3A_374 : memref<10000x64xf32, #tpu.memory_space<hbm>>) target(%arg22 : memref<80x64xf32, #tpu.memory_space<vmem>>) offsets(%dma_start3A_371 : memref<80xi32, #tpu.memory_space<vmem>>) semaphore(%arg27 : memref<!tpu.dma_semaphore, #tpu.memory_space<semaphore_mem>>)
      %mul3A_375 = arith.constant 80 : i32
      %mul3A_376 = arith.muli %add3A_321, %mul3A_375 : i32
      %add3A_377 = arith.addi %mul3A_2, %mul3A_376 : i32
      %dma_start3A_378 = arith.constant 0 : i32
      %dma_start3A_379 = tpu.memref_slice %arg8[%add3A_377, %dma_start3A_378] : memref<320000x64xf32, #tpu.memory_space<hbm>> -> memref<80x64xf32, #tpu.memory_space<hbm>>
      %dma_start3A_380 = arith.constant 0 : i32
      %dma_start3A_381 = tpu.memref_slice %arg8[%add3A_377, %dma_start3A_380] : memref<320000x64xf32, #tpu.memory_space<hbm>> -> memref<80x64xf32, #tpu.memory_space<hbm>>
      tpu.enqueue_dma source(%arg23 : memref<80x64xf32, #tpu.memory_space<vmem>>) target(%dma_start3A_381 : memref<80x64xf32, #tpu.memory_space<hbm>>) target_semaphore(%arg30 : memref<!tpu.dma_semaphore, #tpu.memory_space<semaphore_mem>>)
      "tpu.region"() ({
        %run_scoped3A_383 = tpu.sem_alloc : memref<!tpu.dma_semaphore, #tpu.memory_space<semaphore_mem>>
        %dma_start3A_384 = arith.constant 0 : i32
        %dma_start3A_385 = tpu.memref_slice %arg11[%add3A_321, %dma_start3A_384] : memref<125x80xi32, #tpu.memory_space<vmem>> -> memref<1x80xi32, #tpu.memory_space<vmem>>
        %dma_start3A_386 = tpu.memref_squeeze %dma_start3A_385 : memref<1x80xi32, #tpu.memory_space<vmem>> -> memref<80xi32, #tpu.memory_space<vmem>>
        %dma_start3A_387 = arith.constant 0 : i32
        %dma_start3A_388 = arith.constant 0 : i32
        %dma_start3A_389 = tpu.memref_slice %arg24[%dma_start3A_387, %dma_start3A_388] : memref<10000x64xf32, #tpu.memory_space<vmem_shared>> -> memref<10000x64xf32, #tpu.memory_space<vmem_shared>>
        tpu.enqueue_indirect_dma source(%arg23 : memref<80x64xf32, #tpu.memory_space<vmem>>) target(%dma_start3A_389 : memref<10000x64xf32, #tpu.memory_space<vmem_shared>>) offsets(%dma_start3A_386 : memref<80xi32, #tpu.memory_space<vmem>>) semaphore(%run_scoped3A_383 : memref<!tpu.dma_semaphore, #tpu.memory_space<semaphore_mem>>) {add = true}
        %dma_wait3A_390 = arith.constant 0 : i32
        %dma_wait3A_391 = tpu.memref_slice %arg11[%add3A_321, %dma_wait3A_390] : memref<125x80xi32, #tpu.memory_space<vmem>> -> memref<1x80xi32, #tpu.memory_space<vmem>>
        %dma_wait3A_392 = tpu.memref_squeeze %dma_wait3A_391 : memref<1x80xi32, #tpu.memory_space<vmem>> -> memref<80xi32, #tpu.memory_space<vmem>>
        %dma_wait3A_393 = arith.constant 0 : i32
        %dma_wait3A_394 = arith.constant 0 : i32
        %dma_wait3A_395 = tpu.memref_slice %arg24[%dma_wait3A_393, %dma_wait3A_394] : memref<10000x64xf32, #tpu.memory_space<vmem_shared>> -> memref<10000x64xf32, #tpu.memory_space<vmem_shared>>
        tpu.wait_indirect_dma semaphore(%run_scoped3A_383 : memref<!tpu.dma_semaphore, #tpu.memory_space<semaphore_mem>>) src(%arg23 : memref<80x64xf32, #tpu.memory_space<vmem>>) dst(%dma_wait3A_395 : memref<10000x64xf32, #tpu.memory_space<vmem_shared>>)
        tpu.yield
      }) : () -> ()
      %scan3A_382 = arith.constant 0 : i32
      scf.yield %scan3A_382 : i32
    }
    %scan3A_69 = arith.constant 41 : i32
    %add3A_70 = arith.constant 9840 : i32
    %add3A_71 = arith.addi %mul3A_2, %add3A_70 : i32
    %dma_wait3A = arith.constant 0 : i32
    %dma_wait3A_72 = tpu.memref_slice %arg2[%add3A_71, %dma_wait3A] : memref<320000x64xf32, #tpu.memory_space<hbm>> -> memref<80x64xf32, #tpu.memory_space<hbm>>
    %dma_wait3A_73 = arith.constant 0 : i32
    %dma_wait3A_74 = tpu.memref_slice %arg2[%add3A_71, %dma_wait3A_73] : memref<320000x64xf32, #tpu.memory_space<hbm>> -> memref<80x64xf32, #tpu.memory_space<hbm>>
    tpu.wait_dma2 semaphore(%arg25 : memref<!tpu.dma_semaphore, #tpu.memory_space<semaphore_mem>>) src(%dma_wait3A_74 : memref<80x64xf32, #tpu.memory_space<hbm>>) dst(%arg12 : memref<80x64xf32, #tpu.memory_space<vmem>>)
    %dma_wait3A_75 = arith.constant 123 : i32
    %dma_wait3A_76 = arith.constant 0 : i32
    %dma_wait3A_77 = tpu.memref_slice %arg10[%dma_wait3A_75, %dma_wait3A_76] : memref<125x80xi32, #tpu.memory_space<vmem>> -> memref<1x80xi32, #tpu.memory_space<vmem>>
    %dma_wait3A_78 = tpu.memref_squeeze %dma_wait3A_77 : memref<1x80xi32, #tpu.memory_space<vmem>> -> memref<80xi32, #tpu.memory_space<vmem>>
    %dma_wait3A_79 = arith.constant 0 : i32
    %dma_wait3A_80 = arith.constant 0 : i32
    %dma_wait3A_81 = tpu.memref_slice %arg3[%dma_wait3A_79, %dma_wait3A_80] : memref<10000x64xf32, #tpu.memory_space<hbm>> -> memref<10000x64xf32, #tpu.memory_space<hbm>>
    tpu.wait_indirect_dma semaphore(%arg25 : memref<!tpu.dma_semaphore, #tpu.memory_space<semaphore_mem>>) src(%dma_wait3A_81 : memref<10000x64xf32, #tpu.memory_space<hbm>>) dst(%arg13 : memref<80x64xf32, #tpu.memory_space<vmem>>)
    %dma_wait3A_82 = arith.constant 123 : i32
    %dma_wait3A_83 = arith.constant 0 : i32
    %dma_wait3A_84 = tpu.memref_slice %arg11[%dma_wait3A_82, %dma_wait3A_83] : memref<125x80xi32, #tpu.memory_space<vmem>> -> memref<1x80xi32, #tpu.memory_space<vmem>>
    %dma_wait3A_85 = tpu.memref_squeeze %dma_wait3A_84 : memref<1x80xi32, #tpu.memory_space<vmem>> -> memref<80xi32, #tpu.memory_space<vmem>>
    %dma_wait3A_86 = arith.constant 0 : i32
    %dma_wait3A_87 = arith.constant 0 : i32
    %dma_wait3A_88 = tpu.memref_slice %arg4[%dma_wait3A_86, %dma_wait3A_87] : memref<10000x64xf32, #tpu.memory_space<hbm>> -> memref<10000x64xf32, #tpu.memory_space<hbm>>
    tpu.wait_indirect_dma semaphore(%arg25 : memref<!tpu.dma_semaphore, #tpu.memory_space<semaphore_mem>>) src(%dma_wait3A_88 : memref<10000x64xf32, #tpu.memory_space<hbm>>) dst(%arg14 : memref<80x64xf32, #tpu.memory_space<vmem>>)
    %add3A_89 = arith.constant 9600 : i32
    %add3A_90 = arith.addi %mul3A_2, %add3A_89 : i32
    %dma_wait3A_91 = arith.constant 0 : i32
    %dma_wait3A_92 = tpu.memref_slice %arg8[%add3A_90, %dma_wait3A_91] : memref<320000x64xf32, #tpu.memory_space<hbm>> -> memref<80x64xf32, #tpu.memory_space<hbm>>
    %dma_wait3A_93 = arith.constant 0 : i32
    %dma_wait3A_94 = tpu.memref_slice %arg8[%add3A_90, %dma_wait3A_93] : memref<320000x64xf32, #tpu.memory_space<hbm>> -> memref<80x64xf32, #tpu.memory_space<hbm>>
    tpu.wait_dma2 semaphore(%arg28 : memref<!tpu.dma_semaphore, #tpu.memory_space<semaphore_mem>>) src(%arg15 : memref<80x64xf32, #tpu.memory_space<vmem>>) dst(%dma_wait3A_94 : memref<80x64xf32, #tpu.memory_space<hbm>>)
    %scan3A_95 = arith.constant 0 : i32
    %scan3A_96 = arith.constant 0 : i32
    %scan3A_97 = arith.constant 80 : i32
    %scan3A_98 = arith.addi %scan3A_96, %scan3A_97 : i32
    %scan3A_99 = arith.constant 2 : i32
    scf.for %scan3A_190 = %scan3A_96 to %scan3A_98 step %scan3A_99  : i32 {
      %get3A = arith.index_cast %scan3A_190 : i32 to index
      %get3A_191 = arith.constant 0 : index
      %get3A_192 = tpu.vector_load %arg12[%get3A, %get3A_191] {strides = array<i32>} : memref<80x64xf32, #tpu.memory_space<vmem>>, vector<1x16xf32>,
      %get3A_193 = vector.shape_cast %get3A_192 : vector<1x16xf32> to vector<16xf32>
      %get3A_194 = arith.index_cast %scan3A_190 : i32 to index
      %get3A_195 = arith.constant 0 : index
      %get3A_196 = tpu.vector_load %arg13[%get3A_194, %get3A_195] {strides = array<i32>} : memref<80x64xf32, #tpu.memory_space<vmem>>, vector<1x16xf32>,
      %get3A_197 = vector.shape_cast %get3A_196 : vector<1x16xf32> to vector<16xf32>
      %add3A_198 = arith.addf %get3A_193, %get3A_197 : vector<16xf32>
      %get3A_199 = arith.index_cast %scan3A_190 : i32 to index
      %get3A_200 = arith.constant 0 : index
      %get3A_201 = tpu.vector_load %arg14[%get3A_199, %get3A_200] {strides = array<i32>} : memref<80x64xf32, #tpu.memory_space<vmem>>, vector<1x16xf32>,
      %get3A_202 = vector.shape_cast %get3A_201 : vector<1x16xf32> to vector<16xf32>
      %add3A_203 = arith.addf %add3A_198, %get3A_202 : vector<16xf32>
      %max3A = arith.constant 0.000000e+00 : f32
      %max3A_204 = vector.broadcast %max3A : f32 to vector<16xf32>
      %max3A_205 = arith.maximumf %add3A_203, %max3A_204 : vector<16xf32>
      %swap3A = arith.index_cast %scan3A_190 : i32 to index
      %swap3A_206 = arith.constant 0 : index
      %swap3A_207 = tpu.vector_load %arg15[%swap3A, %swap3A_206] {strides = array<i32>} : memref<80x64xf32, #tpu.memory_space<vmem>>, vector<1x16xf32>,
      %swap3A_208 = vector.shape_cast %swap3A_207 : vector<1x16xf32> to vector<16xf32>
      %swap3A_209 = vector.shape_cast %max3A_205 : vector<16xf32> to vector<1x16xf32>
      tpu.vector_store %arg15[%swap3A, %swap3A_206], %swap3A_209 {strides = array<i32>} : memref<80x64xf32, #tpu.memory_space<vmem>>, vector<1x16xf32>,
      %get3A_210 = arith.index_cast %scan3A_190 : i32 to index
      %get3A_211 = arith.constant 16 : index
      %get3A_212 = tpu.vector_load %arg12[%get3A_210, %get3A_211] {strides = array<i32>} : memref<80x64xf32, #tpu.memory_space<vmem>>, vector<1x16xf32>,
      %get3A_213 = vector.shape_cast %get3A_212 : vector<1x16xf32> to vector<16xf32>
      %get3A_214 = arith.index_cast %scan3A_190 : i32 to index
      %get3A_215 = arith.constant 16 : index
      %get3A_216 = tpu.vector_load %arg13[%get3A_214, %get3A_215] {strides = array<i32>} : memref<80x64xf32, #tpu.memory_space<vmem>>, vector<1x16xf32>,
      %get3A_217 = vector.shape_cast %get3A_216 : vector<1x16xf32> to vector<16xf32>
      %add3A_218 = arith.addf %get3A_213, %get3A_217 : vector<16xf32>
      %get3A_219 = arith.index_cast %scan3A_190 : i32 to index
      %get3A_220 = arith.constant 16 : index
      %get3A_221 = tpu.vector_load %arg14[%get3A_219, %get3A_220] {strides = array<i32>} : memref<80x64xf32, #tpu.memory_space<vmem>>, vector<1x16xf32>,
      %get3A_222 = vector.shape_cast %get3A_221 : vector<1x16xf32> to vector<16xf32>
      %add3A_223 = arith.addf %add3A_218, %get3A_222 : vector<16xf32>
      %max3A_224 = arith.constant 0.000000e+00 : f32
      %max3A_225 = vector.broadcast %max3A_224 : f32 to vector<16xf32>
      %max3A_226 = arith.maximumf %add3A_223, %max3A_225 : vector<16xf32>
      %swap3A_227 = arith.index_cast %scan3A_190 : i32 to index
      %swap3A_228 = arith.constant 16 : index
      %swap3A_229 = tpu.vector_load %arg15[%swap3A_227, %swap3A_228] {strides = array<i32>} : memref<80x64xf32, #tpu.memory_space<vmem>>, vector<1x16xf32>,
      %swap3A_230 = vector.shape_cast %swap3A_229 : vector<1x16xf32> to vector<16xf32>
      %swap3A_231 = vector.shape_cast %max3A_226 : vector<16xf32> to vector<1x16xf32>
      tpu.vector_store %arg15[%swap3A_227, %swap3A_228], %swap3A_231 {strides = array<i32>} : memref<80x64xf32, #tpu.memory_space<vmem>>, vector<1x16xf32>,
      %get3A_232 = arith.index_cast %scan3A_190 : i32 to index
      %get3A_233 = arith.constant 32 : index
      %get3A_234 = tpu.vector_load %arg12[%get3A_232, %get3A_233] {strides = array<i32>} : memref<80x64xf32, #tpu.memory_space<vmem>>, vector<1x16xf32>,
      %get3A_235 = vector.shape_cast %get3A_234 : vector<1x16xf32> to vector<16xf32>
      %get3A_236 = arith.index_cast %scan3A_190 : i32 to index
      %get3A_237 = arith.constant 32 : index
      %get3A_238 = tpu.vector_load %arg13[%get3A_236, %get3A_237] {strides = array<i32>} : memref<80x64xf32, #tpu.memory_space<vmem>>, vector<1x16xf32>,
      %get3A_239 = vector.shape_cast %get3A_238 : vector<1x16xf32> to vector<16xf32>
      %add3A_240 = arith.addf %get3A_235, %get3A_239 : vector<16xf32>
      %get3A_241 = arith.index_cast %scan3A_190 : i32 to index
      %get3A_242 = arith.constant 32 : index
      %get3A_243 = tpu.vector_load %arg14[%get3A_241, %get3A_242] {strides = array<i32>} : memref<80x64xf32, #tpu.memory_space<vmem>>, vector<1x16xf32>,
      %get3A_244 = vector.shape_cast %get3A_243 : vector<1x16xf32> to vector<16xf32>
      %add3A_245 = arith.addf %add3A_240, %get3A_244 : vector<16xf32>
      %max3A_246 = arith.constant 0.000000e+00 : f32
      %max3A_247 = vector.broadcast %max3A_246 : f32 to vector<16xf32>
      %max3A_248 = arith.maximumf %add3A_245, %max3A_247 : vector<16xf32>
      %swap3A_249 = arith.index_cast %scan3A_190 : i32 to index
      %swap3A_250 = arith.constant 32 : index
      %swap3A_251 = tpu.vector_load %arg15[%swap3A_249, %swap3A_250] {strides = array<i32>} : memref<80x64xf32, #tpu.memory_space<vmem>>, vector<1x16xf32>,
      %swap3A_252 = vector.shape_cast %swap3A_251 : vector<1x16xf32> to vector<16xf32>
      %swap3A_253 = vector.shape_cast %max3A_248 : vector<16xf32> to vector<1x16xf32>
      tpu.vector_store %arg15[%swap3A_249, %swap3A_250], %swap3A_253 {strides = array<i32>} : memref<80x64xf32, #tpu.memory_space<vmem>>, vector<1x16xf32>,
      %get3A_254 = arith.index_cast %scan3A_190 : i32 to index
      %get3A_255 = arith.constant 48 : index
      %get3A_256 = tpu.vector_load %arg12[%get3A_254, %get3A_255] {strides = array<i32>} : memref<80x64xf32, #tpu.memory_space<vmem>>, vector<1x16xf32>,
      %get3A_257 = vector.shape_cast %get3A_256 : vector<1x16xf32> to vector<16xf32>
      %get3A_258 = arith.index_cast %scan3A_190 : i32 to index
      %get3A_259 = arith.constant 48 : index
      %get3A_260 = tpu.vector_load %arg13[%get3A_258, %get3A_259] {strides = array<i32>} : memref<80x64xf32, #tpu.memory_space<vmem>>, vector<1x16xf32>,
      %get3A_261 = vector.shape_cast %get3A_260 : vector<1x16xf32> to vector<16xf32>
      %add3A_262 = arith.addf %get3A_257, %get3A_261 : vector<16xf32>
      %get3A_263 = arith.index_cast %scan3A_190 : i32 to index
      %get3A_264 = arith.constant 48 : index
      %get3A_265 = tpu.vector_load %arg14[%get3A_263, %get3A_264] {strides = array<i32>} : memref<80x64xf32, #tpu.memory_space<vmem>>, vector<1x16xf32>,
      %get3A_266 = vector.shape_cast %get3A_265 : vector<1x16xf32> to vector<16xf32>
      %add3A_267 = arith.addf %add3A_262, %get3A_266 : vector<16xf32>
      %max3A_268 = arith.constant 0.000000e+00 : f32
      %max3A_269 = vector.broadcast %max3A_268 : f32 to vector<16xf32>
      %max3A_270 = arith.maximumf %add3A_267, %max3A_269 : vector<16xf32>
      %swap3A_271 = arith.index_cast %scan3A_190 : i32 to index
      %swap3A_272 = arith.constant 48 : index
      %swap3A_273 = tpu.vector_load %arg15[%swap3A_271, %swap3A_272] {strides = array<i32>} : memref<80x64xf32, #tpu.memory_space<vmem>>, vector<1x16xf32>,
      %swap3A_274 = vector.shape_cast %swap3A_273 : vector<1x16xf32> to vector<16xf32>
      %swap3A_275 = vector.shape_cast %max3A_270 : vector<16xf32> to vector<1x16xf32>
      tpu.vector_store %arg15[%swap3A_271, %swap3A_272], %swap3A_275 {strides = array<i32>} : memref<80x64xf32, #tpu.memory_space<vmem>>, vector<1x16xf32>,
      %scan3A_276 = arith.constant 1 : i32
      %scan3A_277 = arith.addi %scan3A_190, %scan3A_276 : i32
      %get3A_278 = arith.index_cast %scan3A_277 : i32 to index
      %get3A_279 = arith.constant 0 : index
      %get3A_280 = tpu.vector_load %arg12[%get3A_278, %get3A_279] {strides = array<i32>} : memref<80x64xf32, #tpu.memory_space<vmem>>, vector<1x16xf32>,
      %get3A_281 = vector.shape_cast %get3A_280 : vector<1x16xf32> to vector<16xf32>
      %get3A_282 = arith.index_cast %scan3A_277 : i32 to index
      %get3A_283 = arith.constant 0 : index
      %get3A_284 = tpu.vector_load %arg13[%get3A_282, %get3A_283] {strides = array<i32>} : memref<80x64xf32, #tpu.memory_space<vmem>>, vector<1x16xf32>,
      %get3A_285 = vector.shape_cast %get3A_284 : vector<1x16xf32> to vector<16xf32>
      %add3A_286 = arith.addf %get3A_281, %get3A_285 : vector<16xf32>
      %get3A_287 = arith.index_cast %scan3A_277 : i32 to index
      %get3A_288 = arith.constant 0 : index
      %get3A_289 = tpu.vector_load %arg14[%get3A_287, %get3A_288] {strides = array<i32>} : memref<80x64xf32, #tpu.memory_space<vmem>>, vector<1x16xf32>,
      %get3A_290 = vector.shape_cast %get3A_289 : vector<1x16xf32> to vector<16xf32>
      %add3A_291 = arith.addf %add3A_286, %get3A_290 : vector<16xf32>
      %max3A_292 = arith.constant 0.000000e+00 : f32
      %max3A_293 = vector.broadcast %max3A_292 : f32 to vector<16xf32>
      %max3A_294 = arith.maximumf %add3A_291, %max3A_293 : vector<16xf32>
      %swap3A_295 = arith.index_cast %scan3A_277 : i32 to index
      %swap3A_296 = arith.constant 0 : index
      %swap3A_297 = tpu.vector_load %arg15[%swap3A_295, %swap3A_296] {strides = array<i32>} : memref<80x64xf32, #tpu.memory_space<vmem>>, vector<1x16xf32>,
      %swap3A_298 = vector.shape_cast %swap3A_297 : vector<1x16xf32> to vector<16xf32>
      %swap3A_299 = vector.shape_cast %max3A_294 : vector<16xf32> to vector<1x16xf32>
      tpu.vector_store %arg15[%swap3A_295, %swap3A_296], %swap3A_299 {strides = array<i32>} : memref<80x64xf32, #tpu.memory_space<vmem>>, vector<1x16xf32>,
      %get3A_300 = arith.index_cast %scan3A_277 : i32 to index
      %get3A_301 = arith.constant 16 : index
      %get3A_302 = tpu.vector_load %arg12[%get3A_300, %get3A_301] {strides = array<i32>} : memref<80x64xf32, #tpu.memory_space<vmem>>, vector<1x16xf32>,
      %get3A_303 = vector.shape_cast %get3A_302 : vector<1x16xf32> to vector<16xf32>
      %get3A_304 = arith.index_cast %scan3A_277 : i32 to index
      %get3A_305 = arith.constant 16 : index
      %get3A_306 = tpu.vector_load %arg13[%get3A_304, %get3A_305] {strides = array<i32>} : memref<80x64xf32, #tpu.memory_space<vmem>>, vector<1x16xf32>,
      %get3A_307 = vector.shape_cast %get3A_306 : vector<1x16xf32> to vector<16xf32>
      %add3A_308 = arith.addf %get3A_303, %get3A_307 : vector<16xf32>
      %get3A_309 = arith.index_cast %scan3A_277 : i32 to index
      %get3A_310 = arith.constant 16 : index
      %get3A_311 = tpu.vector_load %arg14[%get3A_309, %get3A_310] {strides = array<i32>} : memref<80x64xf32, #tpu.memory_space<vmem>>, vector<1x16xf32>,
      %get3A_312 = vector.shape_cast %get3A_311 : vector<1x16xf32> to vector<16xf32>
      %add3A_313 = arith.addf %add3A_308, %get3A_312 : vector<16xf32>
      %max3A_314 = arith.constant 0.000000e+00 : f32
      %max3A_315 = vector.broadcast %max3A_314 : f32 to vector<16xf32>
      %max3A_316 = arith.maximumf %add3A_313, %max3A_315 : vector<16xf32>
      %swap3A_317 = arith.index_cast %scan3A_277 : i32 to index
      %swap3A_318 = arith.constant 16 : index
      %swap3A_319 = tpu.vector_load %arg15[%swap3A_317, %swap3A_318] {strides = array<i32>} : memref<80x64xf32, #tpu.memory_space<vmem>>, vector<1x16xf32>,
      %swap3A_320 = vector.shape_cast %swap3A_319 : vector<1x16xf32> to vector<16xf32>
      %swap3A_321 = vector.shape_cast %max3A_316 : vector<16xf32> to vector<1x16xf32>
      tpu.vector_store %arg15[%swap3A_317, %swap3A_318], %swap3A_321 {strides = array<i32>} : memref<80x64xf32, #tpu.memory_space<vmem>>, vector<1x16xf32>,
      %get3A_322 = arith.index_cast %scan3A_277 : i32 to index
      %get3A_323 = arith.constant 32 : index
      %get3A_324 = tpu.vector_load %arg12[%get3A_322, %get3A_323] {strides = array<i32>} : memref<80x64xf32, #tpu.memory_space<vmem>>, vector<1x16xf32>,
      %get3A_325 = vector.shape_cast %get3A_324 : vector<1x16xf32> to vector<16xf32>
      %get3A_326 = arith.index_cast %scan3A_277 : i32 to index
      %get3A_327 = arith.constant 32 : index
      %get3A_328 = tpu.vector_load %arg13[%get3A_326, %get3A_327] {strides = array<i32>} : memref<80x64xf32, #tpu.memory_space<vmem>>, vector<1x16xf32>,
      %get3A_329 = vector.shape_cast %get3A_328 : vector<1x16xf32> to vector<16xf32>
      %add3A_330 = arith.addf %get3A_325, %get3A_329 : vector<16xf32>
      %get3A_331 = arith.index_cast %scan3A_277 : i32 to index
      %get3A_332 = arith.constant 32 : index
      %get3A_333 = tpu.vector_load %arg14[%get3A_331, %get3A_332] {strides = array<i32>} : memref<80x64xf32, #tpu.memory_space<vmem>>, vector<1x16xf32>,
      %get3A_334 = vector.shape_cast %get3A_333 : vector<1x16xf32> to vector<16xf32>
      %add3A_335 = arith.addf %add3A_330, %get3A_334 : vector<16xf32>
      %max3A_336 = arith.constant 0.000000e+00 : f32
      %max3A_337 = vector.broadcast %max3A_336 : f32 to vector<16xf32>
      %max3A_338 = arith.maximumf %add3A_335, %max3A_337 : vector<16xf32>
      %swap3A_339 = arith.index_cast %scan3A_277 : i32 to index
      %swap3A_340 = arith.constant 32 : index
      %swap3A_341 = tpu.vector_load %arg15[%swap3A_339, %swap3A_340] {strides = array<i32>} : memref<80x64xf32, #tpu.memory_space<vmem>>, vector<1x16xf32>,
      %swap3A_342 = vector.shape_cast %swap3A_341 : vector<1x16xf32> to vector<16xf32>
      %swap3A_343 = vector.shape_cast %max3A_338 : vector<16xf32> to vector<1x16xf32>
      tpu.vector_store %arg15[%swap3A_339, %swap3A_340], %swap3A_343 {strides = array<i32>} : memref<80x64xf32, #tpu.memory_space<vmem>>, vector<1x16xf32>,
      %get3A_344 = arith.index_cast %scan3A_277 : i32 to index
      %get3A_345 = arith.constant 48 : index
      %get3A_346 = tpu.vector_load %arg12[%get3A_344, %get3A_345] {strides = array<i32>} : memref<80x64xf32, #tpu.memory_space<vmem>>, vector<1x16xf32>,
      %get3A_347 = vector.shape_cast %get3A_346 : vector<1x16xf32> to vector<16xf32>
      %get3A_348 = arith.index_cast %scan3A_277 : i32 to index
      %get3A_349 = arith.constant 48 : index
      %get3A_350 = tpu.vector_load %arg13[%get3A_348, %get3A_349] {strides = array<i32>} : memref<80x64xf32, #tpu.memory_space<vmem>>, vector<1x16xf32>,
      %get3A_351 = vector.shape_cast %get3A_350 : vector<1x16xf32> to vector<16xf32>
      %add3A_352 = arith.addf %get3A_347, %get3A_351 : vector<16xf32>
      %get3A_353 = arith.index_cast %scan3A_277 : i32 to index
      %get3A_354 = arith.constant 48 : index
      %get3A_355 = tpu.vector_load %arg14[%get3A_353, %get3A_354] {strides = array<i32>} : memref<80x64xf32, #tpu.memory_space<vmem>>, vector<1x16xf32>,
      %get3A_356 = vector.shape_cast %get3A_355 : vector<1x16xf32> to vector<16xf32>
      %add3A_357 = arith.addf %add3A_352, %get3A_356 : vector<16xf32>
      %max3A_358 = arith.constant 0.000000e+00 : f32
      %max3A_359 = vector.broadcast %max3A_358 : f32 to vector<16xf32>
      %max3A_360 = arith.maximumf %add3A_357, %max3A_359 : vector<16xf32>
      %swap3A_361 = arith.index_cast %scan3A_277 : i32 to index
      %swap3A_362 = arith.constant 48 : index
      %swap3A_363 = tpu.vector_load %arg15[%swap3A_361, %swap3A_362] {strides = array<i32>} : memref<80x64xf32, #tpu.memory_space<vmem>>, vector<1x16xf32>,
      %swap3A_364 = vector.shape_cast %swap3A_363 : vector<1x16xf32> to vector<16xf32>
      %swap3A_365 = vector.shape_cast %max3A_360 : vector<16xf32> to vector<1x16xf32>
      tpu.vector_store %arg15[%swap3A_361, %swap3A_362], %swap3A_365 {strides = array<i32>} : memref<80x64xf32, #tpu.memory_space<vmem>>, vector<1x16xf32>,
    }
    %scan3A_100 = arith.constant 80 : i32
    %add3A_101 = arith.constant 9840 : i32
    %add3A_102 = arith.addi %mul3A_2, %add3A_101 : i32
    %dma_start3A_103 = arith.constant 0 : i32
    %dma_start3A_104 = tpu.memref_slice %arg8[%add3A_102, %dma_start3A_103] : memref<320000x64xf32, #tpu.memory_space<hbm>> -> memref<80x64xf32, #tpu.memory_space<hbm>>
    %dma_start3A_105 = arith.constant 0 : i32
    %dma_start3A_106 = tpu.memref_slice %arg8[%add3A_102, %dma_start3A_105] : memref<320000x64xf32, #tpu.memory_space<hbm>> -> memref<80x64xf32, #tpu.memory_space<hbm>>
    tpu.enqueue_dma source(%arg15 : memref<80x64xf32, #tpu.memory_space<vmem>>) target(%dma_start3A_106 : memref<80x64xf32, #tpu.memory_space<hbm>>) target_semaphore(%arg28 : memref<!tpu.dma_semaphore, #tpu.memory_space<semaphore_mem>>)
    %run_scoped3A = arith.constant 123 : i32
    "tpu.region"() ({
      %run_scoped3A_190 = tpu.sem_alloc : memref<!tpu.dma_semaphore, #tpu.memory_space<semaphore_mem>>
      %dma_start3A_191 = arith.constant 0 : i32
      %dma_start3A_192 = tpu.memref_slice %arg11[%run_scoped3A, %dma_start3A_191] : memref<125x80xi32, #tpu.memory_space<vmem>> -> memref<1x80xi32, #tpu.memory_space<vmem>>
      %dma_start3A_193 = tpu.memref_squeeze %dma_start3A_192 : memref<1x80xi32, #tpu.memory_space<vmem>> -> memref<80xi32, #tpu.memory_space<vmem>>
      %dma_start3A_194 = arith.constant 0 : i32
      %dma_start3A_195 = arith.constant 0 : i32
      %dma_start3A_196 = tpu.memref_slice %arg24[%dma_start3A_194, %dma_start3A_195] : memref<10000x64xf32, #tpu.memory_space<vmem_shared>> -> memref<10000x64xf32, #tpu.memory_space<vmem_shared>>
      tpu.enqueue_indirect_dma source(%arg15 : memref<80x64xf32, #tpu.memory_space<vmem>>) target(%dma_start3A_196 : memref<10000x64xf32, #tpu.memory_space<vmem_shared>>) offsets(%dma_start3A_193 : memref<80xi32, #tpu.memory_space<vmem>>) semaphore(%run_scoped3A_190 : memref<!tpu.dma_semaphore, #tpu.memory_space<semaphore_mem>>) {add = true}
      %dma_wait3A_197 = arith.constant 0 : i32
      %dma_wait3A_198 = tpu.memref_slice %arg11[%run_scoped3A, %dma_wait3A_197] : memref<125x80xi32, #tpu.memory_space<vmem>> -> memref<1x80xi32, #tpu.memory_space<vmem>>
      %dma_wait3A_199 = tpu.memref_squeeze %dma_wait3A_198 : memref<1x80xi32, #tpu.memory_space<vmem>> -> memref<80xi32, #tpu.memory_space<vmem>>
      %dma_wait3A_200 = arith.constant 0 : i32
      %dma_wait3A_201 = arith.constant 0 : i32
      %dma_wait3A_202 = tpu.memref_slice %arg24[%dma_wait3A_200, %dma_wait3A_201] : memref<10000x64xf32, #tpu.memory_space<vmem_shared>> -> memref<10000x64xf32, #tpu.memory_space<vmem_shared>>
      tpu.wait_indirect_dma semaphore(%run_scoped3A_190 : memref<!tpu.dma_semaphore, #tpu.memory_space<semaphore_mem>>) src(%arg15 : memref<80x64xf32, #tpu.memory_space<vmem>>) dst(%dma_wait3A_202 : memref<10000x64xf32, #tpu.memory_space<vmem_shared>>)
      tpu.yield
    }) : () -> ()
    %add3A_107 = arith.constant 9920 : i32
    %add3A_108 = arith.addi %mul3A_2, %add3A_107 : i32
    %dma_wait3A_109 = arith.constant 0 : i32
    %dma_wait3A_110 = tpu.memref_slice %arg2[%add3A_108, %dma_wait3A_109] : memref<320000x64xf32, #tpu.memory_space<hbm>> -> memref<80x64xf32, #tpu.memory_space<hbm>>
    %dma_wait3A_111 = arith.constant 0 : i32
    %dma_wait3A_112 = tpu.memref_slice %arg2[%add3A_108, %dma_wait3A_111] : memref<320000x64xf32, #tpu.memory_space<hbm>> -> memref<80x64xf32, #tpu.memory_space<hbm>>
    tpu.wait_dma2 semaphore(%arg26 : memref<!tpu.dma_semaphore, #tpu.memory_space<semaphore_mem>>) src(%dma_wait3A_112 : memref<80x64xf32, #tpu.memory_space<hbm>>) dst(%arg16 : memref<80x64xf32, #tpu.memory_space<vmem>>)
    %dma_wait3A_113 = arith.constant 124 : i32
    %dma_wait3A_114 = arith.constant 0 : i32
    %dma_wait3A_115 = tpu.memref_slice %arg10[%dma_wait3A_113, %dma_wait3A_114] : memref<125x80xi32, #tpu.memory_space<vmem>> -> memref<1x80xi32, #tpu.memory_space<vmem>>
    %dma_wait3A_116 = tpu.memref_squeeze %dma_wait3A_115 : memref<1x80xi32, #tpu.memory_space<vmem>> -> memref<80xi32, #tpu.memory_space<vmem>>
    %dma_wait3A_117 = arith.constant 0 : i32
    %dma_wait3A_118 = arith.constant 0 : i32
    %dma_wait3A_119 = tpu.memref_slice %arg3[%dma_wait3A_117, %dma_wait3A_118] : memref<10000x64xf32, #tpu.memory_space<hbm>> -> memref<10000x64xf32, #tpu.memory_space<hbm>>
    tpu.wait_indirect_dma semaphore(%arg26 : memref<!tpu.dma_semaphore, #tpu.memory_space<semaphore_mem>>) src(%dma_wait3A_119 : memref<10000x64xf32, #tpu.memory_space<hbm>>) dst(%arg17 : memref<80x64xf32, #tpu.memory_space<vmem>>)
    %dma_wait3A_120 = arith.constant 124 : i32
    %dma_wait3A_121 = arith.constant 0 : i32
    %dma_wait3A_122 = tpu.memref_slice %arg11[%dma_wait3A_120, %dma_wait3A_121] : memref<125x80xi32, #tpu.memory_space<vmem>> -> memref<1x80xi32, #tpu.memory_space<vmem>>
    %dma_wait3A_123 = tpu.memref_squeeze %dma_wait3A_122 : memref<1x80xi32, #tpu.memory_space<vmem>> -> memref<80xi32, #tpu.memory_space<vmem>>
    %dma_wait3A_124 = arith.constant 0 : i32
    %dma_wait3A_125 = arith.constant 0 : i32
    %dma_wait3A_126 = tpu.memref_slice %arg4[%dma_wait3A_124, %dma_wait3A_125] : memref<10000x64xf32, #tpu.memory_space<hbm>> -> memref<10000x64xf32, #tpu.memory_space<hbm>>
    tpu.wait_indirect_dma semaphore(%arg26 : memref<!tpu.dma_semaphore, #tpu.memory_space<semaphore_mem>>) src(%dma_wait3A_126 : memref<10000x64xf32, #tpu.memory_space<hbm>>) dst(%arg18 : memref<80x64xf32, #tpu.memory_space<vmem>>)
    %add3A_127 = arith.constant 9680 : i32
    %add3A_128 = arith.addi %mul3A_2, %add3A_127 : i32
    %dma_wait3A_129 = arith.constant 0 : i32
    %dma_wait3A_130 = tpu.memref_slice %arg8[%add3A_128, %dma_wait3A_129] : memref<320000x64xf32, #tpu.memory_space<hbm>> -> memref<80x64xf32, #tpu.memory_space<hbm>>
    %dma_wait3A_131 = arith.constant 0 : i32
    %dma_wait3A_132 = tpu.memref_slice %arg8[%add3A_128, %dma_wait3A_131] : memref<320000x64xf32, #tpu.memory_space<hbm>> -> memref<80x64xf32, #tpu.memory_space<hbm>>
    tpu.wait_dma2 semaphore(%arg29 : memref<!tpu.dma_semaphore, #tpu.memory_space<semaphore_mem>>) src(%arg19 : memref<80x64xf32, #tpu.memory_space<vmem>>) dst(%dma_wait3A_132 : memref<80x64xf32, #tpu.memory_space<hbm>>)
    %scan3A_133 = arith.constant 0 : i32
    %scan3A_134 = arith.constant 0 : i32
    %scan3A_135 = arith.constant 80 : i32
    %scan3A_136 = arith.addi %scan3A_134, %scan3A_135 : i32
    %scan3A_137 = arith.constant 2 : i32
    scf.for %scan3A_190 = %scan3A_134 to %scan3A_136 step %scan3A_137  : i32 {
      %get3A = arith.index_cast %scan3A_190 : i32 to index
      %get3A_191 = arith.constant 0 : index
      %get3A_192 = tpu.vector_load %arg16[%get3A, %get3A_191] {strides = array<i32>} : memref<80x64xf32, #tpu.memory_space<vmem>>, vector<1x16xf32>,
      %get3A_193 = vector.shape_cast %get3A_192 : vector<1x16xf32> to vector<16xf32>
      %get3A_194 = arith.index_cast %scan3A_190 : i32 to index
      %get3A_195 = arith.constant 0 : index
      %get3A_196 = tpu.vector_load %arg17[%get3A_194, %get3A_195] {strides = array<i32>} : memref<80x64xf32, #tpu.memory_space<vmem>>, vector<1x16xf32>,
      %get3A_197 = vector.shape_cast %get3A_196 : vector<1x16xf32> to vector<16xf32>
      %add3A_198 = arith.addf %get3A_193, %get3A_197 : vector<16xf32>
      %get3A_199 = arith.index_cast %scan3A_190 : i32 to index
      %get3A_200 = arith.constant 0 : index
      %get3A_201 = tpu.vector_load %arg18[%get3A_199, %get3A_200] {strides = array<i32>} : memref<80x64xf32, #tpu.memory_space<vmem>>, vector<1x16xf32>,
      %get3A_202 = vector.shape_cast %get3A_201 : vector<1x16xf32> to vector<16xf32>
      %add3A_203 = arith.addf %add3A_198, %get3A_202 : vector<16xf32>
      %max3A = arith.constant 0.000000e+00 : f32
      %max3A_204 = vector.broadcast %max3A : f32 to vector<16xf32>
      %max3A_205 = arith.maximumf %add3A_203, %max3A_204 : vector<16xf32>
      %swap3A = arith.index_cast %scan3A_190 : i32 to index
      %swap3A_206 = arith.constant 0 : index
      %swap3A_207 = tpu.vector_load %arg19[%swap3A, %swap3A_206] {strides = array<i32>} : memref<80x64xf32, #tpu.memory_space<vmem>>, vector<1x16xf32>,
      %swap3A_208 = vector.shape_cast %swap3A_207 : vector<1x16xf32> to vector<16xf32>
      %swap3A_209 = vector.shape_cast %max3A_205 : vector<16xf32> to vector<1x16xf32>
      tpu.vector_store %arg19[%swap3A, %swap3A_206], %swap3A_209 {strides = array<i32>} : memref<80x64xf32, #tpu.memory_space<vmem>>, vector<1x16xf32>,
      %get3A_210 = arith.index_cast %scan3A_190 : i32 to index
      %get3A_211 = arith.constant 16 : index
      %get3A_212 = tpu.vector_load %arg16[%get3A_210, %get3A_211] {strides = array<i32>} : memref<80x64xf32, #tpu.memory_space<vmem>>, vector<1x16xf32>,
      %get3A_213 = vector.shape_cast %get3A_212 : vector<1x16xf32> to vector<16xf32>
      %get3A_214 = arith.index_cast %scan3A_190 : i32 to index
      %get3A_215 = arith.constant 16 : index
      %get3A_216 = tpu.vector_load %arg17[%get3A_214, %get3A_215] {strides = array<i32>} : memref<80x64xf32, #tpu.memory_space<vmem>>, vector<1x16xf32>,
      %get3A_217 = vector.shape_cast %get3A_216 : vector<1x16xf32> to vector<16xf32>
      %add3A_218 = arith.addf %get3A_213, %get3A_217 : vector<16xf32>
      %get3A_219 = arith.index_cast %scan3A_190 : i32 to index
      %get3A_220 = arith.constant 16 : index
      %get3A_221 = tpu.vector_load %arg18[%get3A_219, %get3A_220] {strides = array<i32>} : memref<80x64xf32, #tpu.memory_space<vmem>>, vector<1x16xf32>,
      %get3A_222 = vector.shape_cast %get3A_221 : vector<1x16xf32> to vector<16xf32>
      %add3A_223 = arith.addf %add3A_218, %get3A_222 : vector<16xf32>
      %max3A_224 = arith.constant 0.000000e+00 : f32
      %max3A_225 = vector.broadcast %max3A_224 : f32 to vector<16xf32>
      %max3A_226 = arith.maximumf %add3A_223, %max3A_225 : vector<16xf32>
      %swap3A_227 = arith.index_cast %scan3A_190 : i32 to index
      %swap3A_228 = arith.constant 16 : index
      %swap3A_229 = tpu.vector_load %arg19[%swap3A_227, %swap3A_228] {strides = array<i32>} : memref<80x64xf32, #tpu.memory_space<vmem>>, vector<1x16xf32>,
      %swap3A_230 = vector.shape_cast %swap3A_229 : vector<1x16xf32> to vector<16xf32>
      %swap3A_231 = vector.shape_cast %max3A_226 : vector<16xf32> to vector<1x16xf32>
      tpu.vector_store %arg19[%swap3A_227, %swap3A_228], %swap3A_231 {strides = array<i32>} : memref<80x64xf32, #tpu.memory_space<vmem>>, vector<1x16xf32>,
      %get3A_232 = arith.index_cast %scan3A_190 : i32 to index
      %get3A_233 = arith.constant 32 : index
      %get3A_234 = tpu.vector_load %arg16[%get3A_232, %get3A_233] {strides = array<i32>} : memref<80x64xf32, #tpu.memory_space<vmem>>, vector<1x16xf32>,
      %get3A_235 = vector.shape_cast %get3A_234 : vector<1x16xf32> to vector<16xf32>
      %get3A_236 = arith.index_cast %scan3A_190 : i32 to index
      %get3A_237 = arith.constant 32 : index
      %get3A_238 = tpu.vector_load %arg17[%get3A_236, %get3A_237] {strides = array<i32>} : memref<80x64xf32, #tpu.memory_space<vmem>>, vector<1x16xf32>,
      %get3A_239 = vector.shape_cast %get3A_238 : vector<1x16xf32> to vector<16xf32>
      %add3A_240 = arith.addf %get3A_235, %get3A_239 : vector<16xf32>
      %get3A_241 = arith.index_cast %scan3A_190 : i32 to index
      %get3A_242 = arith.constant 32 : index
      %get3A_243 = tpu.vector_load %arg18[%get3A_241, %get3A_242] {strides = array<i32>} : memref<80x64xf32, #tpu.memory_space<vmem>>, vector<1x16xf32>,
      %get3A_244 = vector.shape_cast %get3A_243 : vector<1x16xf32> to vector<16xf32>
      %add3A_245 = arith.addf %add3A_240, %get3A_244 : vector<16xf32>
      %max3A_246 = arith.constant 0.000000e+00 : f32
      %max3A_247 = vector.broadcast %max3A_246 : f32 to vector<16xf32>
      %max3A_248 = arith.maximumf %add3A_245, %max3A_247 : vector<16xf32>
      %swap3A_249 = arith.index_cast %scan3A_190 : i32 to index
      %swap3A_250 = arith.constant 32 : index
      %swap3A_251 = tpu.vector_load %arg19[%swap3A_249, %swap3A_250] {strides = array<i32>} : memref<80x64xf32, #tpu.memory_space<vmem>>, vector<1x16xf32>,
      %swap3A_252 = vector.shape_cast %swap3A_251 : vector<1x16xf32> to vector<16xf32>
      %swap3A_253 = vector.shape_cast %max3A_248 : vector<16xf32> to vector<1x16xf32>
      tpu.vector_store %arg19[%swap3A_249, %swap3A_250], %swap3A_253 {strides = array<i32>} : memref<80x64xf32, #tpu.memory_space<vmem>>, vector<1x16xf32>,
      %get3A_254 = arith.index_cast %scan3A_190 : i32 to index
      %get3A_255 = arith.constant 48 : index
      %get3A_256 = tpu.vector_load %arg16[%get3A_254, %get3A_255] {strides = array<i32>} : memref<80x64xf32, #tpu.memory_space<vmem>>, vector<1x16xf32>,
      %get3A_257 = vector.shape_cast %get3A_256 : vector<1x16xf32> to vector<16xf32>
      %get3A_258 = arith.index_cast %scan3A_190 : i32 to index
      %get3A_259 = arith.constant 48 : index
      %get3A_260 = tpu.vector_load %arg17[%get3A_258, %get3A_259] {strides = array<i32>} : memref<80x64xf32, #tpu.memory_space<vmem>>, vector<1x16xf32>,
      %get3A_261 = vector.shape_cast %get3A_260 : vector<1x16xf32> to vector<16xf32>
      %add3A_262 = arith.addf %get3A_257, %get3A_261 : vector<16xf32>
      %get3A_263 = arith.index_cast %scan3A_190 : i32 to index
      %get3A_264 = arith.constant 48 : index
      %get3A_265 = tpu.vector_load %arg18[%get3A_263, %get3A_264] {strides = array<i32>} : memref<80x64xf32, #tpu.memory_space<vmem>>, vector<1x16xf32>,
      %get3A_266 = vector.shape_cast %get3A_265 : vector<1x16xf32> to vector<16xf32>
      %add3A_267 = arith.addf %add3A_262, %get3A_266 : vector<16xf32>
      %max3A_268 = arith.constant 0.000000e+00 : f32
      %max3A_269 = vector.broadcast %max3A_268 : f32 to vector<16xf32>
      %max3A_270 = arith.maximumf %add3A_267, %max3A_269 : vector<16xf32>
      %swap3A_271 = arith.index_cast %scan3A_190 : i32 to index
      %swap3A_272 = arith.constant 48 : index
      %swap3A_273 = tpu.vector_load %arg19[%swap3A_271, %swap3A_272] {strides = array<i32>} : memref<80x64xf32, #tpu.memory_space<vmem>>, vector<1x16xf32>,
      %swap3A_274 = vector.shape_cast %swap3A_273 : vector<1x16xf32> to vector<16xf32>
      %swap3A_275 = vector.shape_cast %max3A_270 : vector<16xf32> to vector<1x16xf32>
      tpu.vector_store %arg19[%swap3A_271, %swap3A_272], %swap3A_275 {strides = array<i32>} : memref<80x64xf32, #tpu.memory_space<vmem>>, vector<1x16xf32>,
      %scan3A_276 = arith.constant 1 : i32
      %scan3A_277 = arith.addi %scan3A_190, %scan3A_276 : i32
      %get3A_278 = arith.index_cast %scan3A_277 : i32 to index
      %get3A_279 = arith.constant 0 : index
      %get3A_280 = tpu.vector_load %arg16[%get3A_278, %get3A_279] {strides = array<i32>} : memref<80x64xf32, #tpu.memory_space<vmem>>, vector<1x16xf32>,
      %get3A_281 = vector.shape_cast %get3A_280 : vector<1x16xf32> to vector<16xf32>
      %get3A_282 = arith.index_cast %scan3A_277 : i32 to index
      %get3A_283 = arith.constant 0 : index
      %get3A_284 = tpu.vector_load %arg17[%get3A_282, %get3A_283] {strides = array<i32>} : memref<80x64xf32, #tpu.memory_space<vmem>>, vector<1x16xf32>,
      %get3A_285 = vector.shape_cast %get3A_284 : vector<1x16xf32> to vector<16xf32>
      %add3A_286 = arith.addf %get3A_281, %get3A_285 : vector<16xf32>
      %get3A_287 = arith.index_cast %scan3A_277 : i32 to index
      %get3A_288 = arith.constant 0 : index
      %get3A_289 = tpu.vector_load %arg18[%get3A_287, %get3A_288] {strides = array<i32>} : memref<80x64xf32, #tpu.memory_space<vmem>>, vector<1x16xf32>,
      %get3A_290 = vector.shape_cast %get3A_289 : vector<1x16xf32> to vector<16xf32>
      %add3A_291 = arith.addf %add3A_286, %get3A_290 : vector<16xf32>
      %max3A_292 = arith.constant 0.000000e+00 : f32
      %max3A_293 = vector.broadcast %max3A_292 : f32 to vector<16xf32>
      %max3A_294 = arith.maximumf %add3A_291, %max3A_293 : vector<16xf32>
      %swap3A_295 = arith.index_cast %scan3A_277 : i32 to index
      %swap3A_296 = arith.constant 0 : index
      %swap3A_297 = tpu.vector_load %arg19[%swap3A_295, %swap3A_296] {strides = array<i32>} : memref<80x64xf32, #tpu.memory_space<vmem>>, vector<1x16xf32>,
      %swap3A_298 = vector.shape_cast %swap3A_297 : vector<1x16xf32> to vector<16xf32>
      %swap3A_299 = vector.shape_cast %max3A_294 : vector<16xf32> to vector<1x16xf32>
      tpu.vector_store %arg19[%swap3A_295, %swap3A_296], %swap3A_299 {strides = array<i32>} : memref<80x64xf32, #tpu.memory_space<vmem>>, vector<1x16xf32>,
      %get3A_300 = arith.index_cast %scan3A_277 : i32 to index
      %get3A_301 = arith.constant 16 : index
      %get3A_302 = tpu.vector_load %arg16[%get3A_300, %get3A_301] {strides = array<i32>} : memref<80x64xf32, #tpu.memory_space<vmem>>, vector<1x16xf32>,
      %get3A_303 = vector.shape_cast %get3A_302 : vector<1x16xf32> to vector<16xf32>
      %get3A_304 = arith.index_cast %scan3A_277 : i32 to index
      %get3A_305 = arith.constant 16 : index
      %get3A_306 = tpu.vector_load %arg17[%get3A_304, %get3A_305] {strides = array<i32>} : memref<80x64xf32, #tpu.memory_space<vmem>>, vector<1x16xf32>,
      %get3A_307 = vector.shape_cast %get3A_306 : vector<1x16xf32> to vector<16xf32>
      %add3A_308 = arith.addf %get3A_303, %get3A_307 : vector<16xf32>
      %get3A_309 = arith.index_cast %scan3A_277 : i32 to index
      %get3A_310 = arith.constant 16 : index
      %get3A_311 = tpu.vector_load %arg18[%get3A_309, %get3A_310] {strides = array<i32>} : memref<80x64xf32, #tpu.memory_space<vmem>>, vector<1x16xf32>,
      %get3A_312 = vector.shape_cast %get3A_311 : vector<1x16xf32> to vector<16xf32>
      %add3A_313 = arith.addf %add3A_308, %get3A_312 : vector<16xf32>
      %max3A_314 = arith.constant 0.000000e+00 : f32
      %max3A_315 = vector.broadcast %max3A_314 : f32 to vector<16xf32>
      %max3A_316 = arith.maximumf %add3A_313, %max3A_315 : vector<16xf32>
      %swap3A_317 = arith.index_cast %scan3A_277 : i32 to index
      %swap3A_318 = arith.constant 16 : index
      %swap3A_319 = tpu.vector_load %arg19[%swap3A_317, %swap3A_318] {strides = array<i32>} : memref<80x64xf32, #tpu.memory_space<vmem>>, vector<1x16xf32>,
      %swap3A_320 = vector.shape_cast %swap3A_319 : vector<1x16xf32> to vector<16xf32>
      %swap3A_321 = vector.shape_cast %max3A_316 : vector<16xf32> to vector<1x16xf32>
      tpu.vector_store %arg19[%swap3A_317, %swap3A_318], %swap3A_321 {strides = array<i32>} : memref<80x64xf32, #tpu.memory_space<vmem>>, vector<1x16xf32>,
      %get3A_322 = arith.index_cast %scan3A_277 : i32 to index
      %get3A_323 = arith.constant 32 : index
      %get3A_324 = tpu.vector_load %arg16[%get3A_322, %get3A_323] {strides = array<i32>} : memref<80x64xf32, #tpu.memory_space<vmem>>, vector<1x16xf32>,
      %get3A_325 = vector.shape_cast %get3A_324 : vector<1x16xf32> to vector<16xf32>
      %get3A_326 = arith.index_cast %scan3A_277 : i32 to index
      %get3A_327 = arith.constant 32 : index
      %get3A_328 = tpu.vector_load %arg17[%get3A_326, %get3A_327] {strides = array<i32>} : memref<80x64xf32, #tpu.memory_space<vmem>>, vector<1x16xf32>,
      %get3A_329 = vector.shape_cast %get3A_328 : vector<1x16xf32> to vector<16xf32>
      %add3A_330 = arith.addf %get3A_325, %get3A_329 : vector<16xf32>
      %get3A_331 = arith.index_cast %scan3A_277 : i32 to index
      %get3A_332 = arith.constant 32 : index
      %get3A_333 = tpu.vector_load %arg18[%get3A_331, %get3A_332] {strides = array<i32>} : memref<80x64xf32, #tpu.memory_space<vmem>>, vector<1x16xf32>,
      %get3A_334 = vector.shape_cast %get3A_333 : vector<1x16xf32> to vector<16xf32>
      %add3A_335 = arith.addf %add3A_330, %get3A_334 : vector<16xf32>
      %max3A_336 = arith.constant 0.000000e+00 : f32
      %max3A_337 = vector.broadcast %max3A_336 : f32 to vector<16xf32>
      %max3A_338 = arith.maximumf %add3A_335, %max3A_337 : vector<16xf32>
      %swap3A_339 = arith.index_cast %scan3A_277 : i32 to index
      %swap3A_340 = arith.constant 32 : index
      %swap3A_341 = tpu.vector_load %arg19[%swap3A_339, %swap3A_340] {strides = array<i32>} : memref<80x64xf32, #tpu.memory_space<vmem>>, vector<1x16xf32>,
      %swap3A_342 = vector.shape_cast %swap3A_341 : vector<1x16xf32> to vector<16xf32>
      %swap3A_343 = vector.shape_cast %max3A_338 : vector<16xf32> to vector<1x16xf32>
      tpu.vector_store %arg19[%swap3A_339, %swap3A_340], %swap3A_343 {strides = array<i32>} : memref<80x64xf32, #tpu.memory_space<vmem>>, vector<1x16xf32>,
      %get3A_344 = arith.index_cast %scan3A_277 : i32 to index
      %get3A_345 = arith.constant 48 : index
      %get3A_346 = tpu.vector_load %arg16[%get3A_344, %get3A_345] {strides = array<i32>} : memref<80x64xf32, #tpu.memory_space<vmem>>, vector<1x16xf32>,
      %get3A_347 = vector.shape_cast %get3A_346 : vector<1x16xf32> to vector<16xf32>
      %get3A_348 = arith.index_cast %scan3A_277 : i32 to index
      %get3A_349 = arith.constant 48 : index
      %get3A_350 = tpu.vector_load %arg17[%get3A_348, %get3A_349] {strides = array<i32>} : memref<80x64xf32, #tpu.memory_space<vmem>>, vector<1x16xf32>,
      %get3A_351 = vector.shape_cast %get3A_350 : vector<1x16xf32> to vector<16xf32>
      %add3A_352 = arith.addf %get3A_347, %get3A_351 : vector<16xf32>
      %get3A_353 = arith.index_cast %scan3A_277 : i32 to index
      %get3A_354 = arith.constant 48 : index
      %get3A_355 = tpu.vector_load %arg18[%get3A_353, %get3A_354] {strides = array<i32>} : memref<80x64xf32, #tpu.memory_space<vmem>>, vector<1x16xf32>,
      %get3A_356 = vector.shape_cast %get3A_355 : vector<1x16xf32> to vector<16xf32>
      %add3A_357 = arith.addf %add3A_352, %get3A_356 : vector<16xf32>
      %max3A_358 = arith.constant 0.000000e+00 : f32
      %max3A_359 = vector.broadcast %max3A_358 : f32 to vector<16xf32>
      %max3A_360 = arith.maximumf %add3A_357, %max3A_359 : vector<16xf32>
      %swap3A_361 = arith.index_cast %scan3A_277 : i32 to index
      %swap3A_362 = arith.constant 48 : index
      %swap3A_363 = tpu.vector_load %arg19[%swap3A_361, %swap3A_362] {strides = array<i32>} : memref<80x64xf32, #tpu.memory_space<vmem>>, vector<1x16xf32>,
      %swap3A_364 = vector.shape_cast %swap3A_363 : vector<1x16xf32> to vector<16xf32>
      %swap3A_365 = vector.shape_cast %max3A_360 : vector<16xf32> to vector<1x16xf32>
      tpu.vector_store %arg19[%swap3A_361, %swap3A_362], %swap3A_365 {strides = array<i32>} : memref<80x64xf32, #tpu.memory_space<vmem>>, vector<1x16xf32>,
    }
    %scan3A_138 = arith.constant 80 : i32
    %add3A_139 = arith.constant 9920 : i32
    %add3A_140 = arith.addi %mul3A_2, %add3A_139 : i32
    %dma_start3A_141 = arith.constant 0 : i32
    %dma_start3A_142 = tpu.memref_slice %arg8[%add3A_140, %dma_start3A_141] : memref<320000x64xf32, #tpu.memory_space<hbm>> -> memref<80x64xf32, #tpu.memory_space<hbm>>
    %dma_start3A_143 = arith.constant 0 : i32
    %dma_start3A_144 = tpu.memref_slice %arg8[%add3A_140, %dma_start3A_143] : memref<320000x64xf32, #tpu.memory_space<hbm>> -> memref<80x64xf32, #tpu.memory_space<hbm>>
    tpu.enqueue_dma source(%arg19 : memref<80x64xf32, #tpu.memory_space<vmem>>) target(%dma_start3A_144 : memref<80x64xf32, #tpu.memory_space<hbm>>) target_semaphore(%arg29 : memref<!tpu.dma_semaphore, #tpu.memory_space<semaphore_mem>>)
    %run_scoped3A_145 = arith.constant 124 : i32
    "tpu.region"() ({
      %run_scoped3A_190 = tpu.sem_alloc : memref<!tpu.dma_semaphore, #tpu.memory_space<semaphore_mem>>
      %dma_start3A_191 = arith.constant 0 : i32
      %dma_start3A_192 = tpu.memref_slice %arg11[%run_scoped3A_145, %dma_start3A_191] : memref<125x80xi32, #tpu.memory_space<vmem>> -> memref<1x80xi32, #tpu.memory_space<vmem>>
      %dma_start3A_193 = tpu.memref_squeeze %dma_start3A_192 : memref<1x80xi32, #tpu.memory_space<vmem>> -> memref<80xi32, #tpu.memory_space<vmem>>
      %dma_start3A_194 = arith.constant 0 : i32
      %dma_start3A_195 = arith.constant 0 : i32
      %dma_start3A_196 = tpu.memref_slice %arg24[%dma_start3A_194, %dma_start3A_195] : memref<10000x64xf32, #tpu.memory_space<vmem_shared>> -> memref<10000x64xf32, #tpu.memory_space<vmem_shared>>
      tpu.enqueue_indirect_dma source(%arg19 : memref<80x64xf32, #tpu.memory_space<vmem>>) target(%dma_start3A_196 : memref<10000x64xf32, #tpu.memory_space<vmem_shared>>) offsets(%dma_start3A_193 : memref<80xi32, #tpu.memory_space<vmem>>) semaphore(%run_scoped3A_190 : memref<!tpu.dma_semaphore, #tpu.memory_space<semaphore_mem>>) {add = true}
      %dma_wait3A_197 = arith.constant 0 : i32
      %dma_wait3A_198 = tpu.memref_slice %arg11[%run_scoped3A_145, %dma_wait3A_197] : memref<125x80xi32, #tpu.memory_space<vmem>> -> memref<1x80xi32, #tpu.memory_space<vmem>>
      %dma_wait3A_199 = tpu.memref_squeeze %dma_wait3A_198 : memref<1x80xi32, #tpu.memory_space<vmem>> -> memref<80xi32, #tpu.memory_space<vmem>>
      %dma_wait3A_200 = arith.constant 0 : i32
      %dma_wait3A_201 = arith.constant 0 : i32
      %dma_wait3A_202 = tpu.memref_slice %arg24[%dma_wait3A_200, %dma_wait3A_201] : memref<10000x64xf32, #tpu.memory_space<vmem_shared>> -> memref<10000x64xf32, #tpu.memory_space<vmem_shared>>
      tpu.wait_indirect_dma semaphore(%run_scoped3A_190 : memref<!tpu.dma_semaphore, #tpu.memory_space<semaphore_mem>>) src(%arg19 : memref<80x64xf32, #tpu.memory_space<vmem>>) dst(%dma_wait3A_202 : memref<10000x64xf32, #tpu.memory_space<vmem_shared>>)
      tpu.yield
    }) : () -> ()
    %add3A_146 = arith.constant 9920 : i32
    %add3A_147 = arith.addi %mul3A_2, %add3A_146 : i32
    %dma_wait3A_148 = arith.constant 0 : i32
    %dma_wait3A_149 = tpu.memref_slice %arg2[%add3A_147, %dma_wait3A_148] : memref<320000x64xf32, #tpu.memory_space<hbm>> -> memref<80x64xf32, #tpu.memory_space<hbm>>
    %dma_wait3A_150 = arith.constant 0 : i32
    %dma_wait3A_151 = tpu.memref_slice %arg2[%add3A_147, %dma_wait3A_150] : memref<320000x64xf32, #tpu.memory_space<hbm>> -> memref<80x64xf32, #tpu.memory_space<hbm>>
    tpu.wait_dma2 semaphore(%arg27 : memref<!tpu.dma_semaphore, #tpu.memory_space<semaphore_mem>>) src(%dma_wait3A_151 : memref<80x64xf32, #tpu.memory_space<hbm>>) dst(%arg20 : memref<80x64xf32, #tpu.memory_space<vmem>>)
    %dma_wait3A_152 = arith.constant 124 : i32
    %dma_wait3A_153 = arith.constant 0 : i32
    %dma_wait3A_154 = tpu.memref_slice %arg10[%dma_wait3A_152, %dma_wait3A_153] : memref<125x80xi32, #tpu.memory_space<vmem>> -> memref<1x80xi32, #tpu.memory_space<vmem>>
    %dma_wait3A_155 = tpu.memref_squeeze %dma_wait3A_154 : memref<1x80xi32, #tpu.memory_space<vmem>> -> memref<80xi32, #tpu.memory_space<vmem>>
    %dma_wait3A_156 = arith.constant 0 : i32
    %dma_wait3A_157 = arith.constant 0 : i32
    %dma_wait3A_158 = tpu.memref_slice %arg3[%dma_wait3A_156, %dma_wait3A_157] : memref<10000x64xf32, #tpu.memory_space<hbm>> -> memref<10000x64xf32, #tpu.memory_space<hbm>>
    tpu.wait_indirect_dma semaphore(%arg27 : memref<!tpu.dma_semaphore, #tpu.memory_space<semaphore_mem>>) src(%dma_wait3A_158 : memref<10000x64xf32, #tpu.memory_space<hbm>>) dst(%arg21 : memref<80x64xf32, #tpu.memory_space<vmem>>)
    %dma_wait3A_159 = arith.constant 124 : i32
    %dma_wait3A_160 = arith.constant 0 : i32
    %dma_wait3A_161 = tpu.memref_slice %arg11[%dma_wait3A_159, %dma_wait3A_160] : memref<125x80xi32, #tpu.memory_space<vmem>> -> memref<1x80xi32, #tpu.memory_space<vmem>>
    %dma_wait3A_162 = tpu.memref_squeeze %dma_wait3A_161 : memref<1x80xi32, #tpu.memory_space<vmem>> -> memref<80xi32, #tpu.memory_space<vmem>>
    %dma_wait3A_163 = arith.constant 0 : i32
    %dma_wait3A_164 = arith.constant 0 : i32
    %dma_wait3A_165 = tpu.memref_slice %arg4[%dma_wait3A_163, %dma_wait3A_164] : memref<10000x64xf32, #tpu.memory_space<hbm>> -> memref<10000x64xf32, #tpu.memory_space<hbm>>
    tpu.wait_indirect_dma semaphore(%arg27 : memref<!tpu.dma_semaphore, #tpu.memory_space<semaphore_mem>>) src(%dma_wait3A_165 : memref<10000x64xf32, #tpu.memory_space<hbm>>) dst(%arg22 : memref<80x64xf32, #tpu.memory_space<vmem>>)
    %add3A_166 = arith.constant 9760 : i32
    %add3A_167 = arith.addi %mul3A_2, %add3A_166 : i32
    %dma_wait3A_168 = arith.constant 0 : i32
    %dma_wait3A_169 = tpu.memref_slice %arg8[%add3A_167, %dma_wait3A_168] : memref<320000x64xf32, #tpu.memory_space<hbm>> -> memref<80x64xf32, #tpu.memory_space<hbm>>
    %dma_wait3A_170 = arith.constant 0 : i32
    %dma_wait3A_171 = tpu.memref_slice %arg8[%add3A_167, %dma_wait3A_170] : memref<320000x64xf32, #tpu.memory_space<hbm>> -> memref<80x64xf32, #tpu.memory_space<hbm>>
    tpu.wait_dma2 semaphore(%arg30 : memref<!tpu.dma_semaphore, #tpu.memory_space<semaphore_mem>>) src(%arg23 : memref<80x64xf32, #tpu.memory_space<vmem>>) dst(%dma_wait3A_171 : memref<80x64xf32, #tpu.memory_space<hbm>>)
    %add3A_172 = arith.constant 9840 : i32
    %add3A_173 = arith.addi %mul3A_2, %add3A_172 : i32
    %dma_wait3A_174 = arith.constant 0 : i32
    %dma_wait3A_175 = tpu.memref_slice %arg8[%add3A_173, %dma_wait3A_174] : memref<320000x64xf32, #tpu.memory_space<hbm>> -> memref<80x64xf32, #tpu.memory_space<hbm>>
    %dma_wait3A_176 = arith.constant 0 : i32
    %dma_wait3A_177 = tpu.memref_slice %arg8[%add3A_173, %dma_wait3A_176] : memref<320000x64xf32, #tpu.memory_space<hbm>> -> memref<80x64xf32, #tpu.memory_space<hbm>>
    tpu.wait_dma2 semaphore(%arg28 : memref<!tpu.dma_semaphore, #tpu.memory_space<semaphore_mem>>) src(%arg15 : memref<80x64xf32, #tpu.memory_space<vmem>>) dst(%dma_wait3A_177 : memref<80x64xf32, #tpu.memory_space<hbm>>)
    %add3A_178 = arith.constant 9920 : i32
    %add3A_179 = arith.addi %mul3A_2, %add3A_178 : i32
    %dma_wait3A_180 = arith.constant 0 : i32
    %dma_wait3A_181 = tpu.memref_slice %arg8[%add3A_179, %dma_wait3A_180] : memref<320000x64xf32, #tpu.memory_space<hbm>> -> memref<80x64xf32, #tpu.memory_space<hbm>>
    %dma_wait3A_182 = arith.constant 0 : i32
    %dma_wait3A_183 = tpu.memref_slice %arg8[%add3A_179, %dma_wait3A_182] : memref<320000x64xf32, #tpu.memory_space<hbm>> -> memref<80x64xf32, #tpu.memory_space<hbm>>
    tpu.wait_dma2 semaphore(%arg29 : memref<!tpu.dma_semaphore, #tpu.memory_space<semaphore_mem>>) src(%arg19 : memref<80x64xf32, #tpu.memory_space<vmem>>) dst(%dma_wait3A_183 : memref<80x64xf32, #tpu.memory_space<hbm>>)
    %barrier3A_184 = arith.constant 0 : index
    tpu.barrier barrier_id(%barrier3A_184)
    %eq3A_185 = arith.constant 0 : i32
    %eq3A_186 = arith.cmpi eq, %arg1, %eq3A_185 : i32
    %convert_element_type3A_187 = arith.extui %eq3A_186 : i1 to i32
    %cond3A_188 = arith.constant 0 : i32
    %cond3A_189 = arith.cmpi ne, %convert_element_type3A_187, %cond3A_188 : i32
    scf.if %cond3A_189 {
      %mul3A_190 = arith.constant 10000 : i32
      %mul3A_191 = arith.muli %arg0, %mul3A_190 : i32
      "tpu.region"() ({
        %run_scoped3A_192 = tpu.sem_alloc : memref<!tpu.dma_semaphore, #tpu.memory_space<semaphore_mem>>
        %dma_start3A_193 = arith.constant 0 : i32
        %dma_start3A_194 = tpu.memref_slice %arg9[%mul3A_191, %dma_start3A_193] : memref<20000x64xf32, #tpu.memory_space<hbm>> -> memref<10000x64xf32, #tpu.memory_space<hbm>>
        tpu.enqueue_dma source(%arg24 : memref<10000x64xf32, #tpu.memory_space<vmem_shared>>) target(%dma_start3A_194 : memref<10000x64xf32, #tpu.memory_space<hbm>>) target_semaphore(%run_scoped3A_192 : memref<!tpu.dma_semaphore, #tpu.memory_space<semaphore_mem>>)
        %dma_wait3A_195 = arith.constant 0 : i32
        %dma_wait3A_196 = tpu.memref_slice %arg9[%mul3A_191, %dma_wait3A_195] : memref<20000x64xf32, #tpu.memory_space<hbm>> -> memref<10000x64xf32, #tpu.memory_space<hbm>>
        tpu.wait_dma2 semaphore(%run_scoped3A_192 : memref<!tpu.dma_semaphore, #tpu.memory_space<semaphore_mem>>) src(%arg24 : memref<10000x64xf32, #tpu.memory_space<vmem_shared>>) dst(%dma_wait3A_196 : memref<10000x64xf32, #tpu.memory_space<hbm>>)
        tpu.yield
      }) : () -> ()
    } else {
    }
    return
  }
}

#map = affine_map<(d0, d1) -> (0, 0)>
#map1 = affine_map<(d0, d1) -> (0, 0, 0)>
module attributes {stable_mosaic.version = 14 : i64} {
  func.func @_sc2_body(%arg0: i32, %arg1: i32, %arg2: memref<10000x128xf32, #tpu.memory_space<hbm>>, %arg3: memref<32x125x80xi32, #tpu.memory_space<hbm>>, %arg4: memref<32x125x80xi32, #tpu.memory_space<hbm>>, %arg5: memref<320000x64xf32, #tpu.memory_space<hbm>>, %arg6: memref<125x80xi32, #tpu.memory_space<vmem>>, %arg7: memref<125x80xi32, #tpu.memory_space<vmem>>, %arg8: memref<80x128xf32, #tpu.memory_space<vmem>>, %arg9: memref<80x128xf32, #tpu.memory_space<vmem>>, %arg10: memref<80x64xf32, #tpu.memory_space<vmem>>, %arg11: memref<80x128xf32, #tpu.memory_space<vmem>>, %arg12: memref<80x128xf32, #tpu.memory_space<vmem>>, %arg13: memref<80x64xf32, #tpu.memory_space<vmem>>, %arg14: memref<80x128xf32, #tpu.memory_space<vmem>>, %arg15: memref<80x128xf32, #tpu.memory_space<vmem>>, %arg16: memref<80x64xf32, #tpu.memory_space<vmem>>, %arg17: memref<!tpu.dma_semaphore, #tpu.memory_space<semaphore_mem>>, %arg18: memref<!tpu.dma_semaphore, #tpu.memory_space<semaphore_mem>>, %arg19: memref<!tpu.dma_semaphore, #tpu.memory_space<semaphore_mem>>, %arg20: memref<!tpu.dma_semaphore, #tpu.memory_space<semaphore_mem>>, %arg21: memref<!tpu.dma_semaphore, #tpu.memory_space<semaphore_mem>>, %arg22: memref<!tpu.dma_semaphore, #tpu.memory_space<semaphore_mem>>) attributes {dimension_semantics = [#tpu.dimension_semantics<core_parallel>, #tpu.dimension_semantics<subcore_parallel>], iteration_bounds = array<i64: 2, 16>, scalar_prefetch = 0 : i64, scratch_operands = 17 : i64, tpu.core_type = #tpu.core_type<sc_vector_subcore>, window_params = [{transform_indices = #map}, {transform_indices = #map1}, {transform_indices = #map1}, {transform_indices = #map}]} {
    %mul3A = arith.constant 16 : i32
    %mul3A_0 = arith.muli %arg0, %mul3A : i32
    %add3A = arith.addi %mul3A_0, %arg1 : i32
    %mul3A_1 = arith.constant 10000 : i32
    %mul3A_2 = arith.muli %add3A, %mul3A_1 : i32
    "tpu.region"() ({
      %run_scoped3A = tpu.sem_alloc : memref<!tpu.dma_semaphore, #tpu.memory_space<semaphore_mem>>
      %dma_start3A_145 = arith.constant 0 : i32
      %dma_start3A_146 = arith.constant 0 : i32
      %dma_start3A_147 = tpu.memref_slice %arg3[%add3A, %dma_start3A_145, %dma_start3A_146] : memref<32x125x80xi32, #tpu.memory_space<hbm>> -> memref<1x125x80xi32, #tpu.memory_space<hbm>>
      %dma_start3A_148 = tpu.memref_squeeze %dma_start3A_147 : memref<1x125x80xi32, #tpu.memory_space<hbm>> -> memref<125x80xi32, #tpu.memory_space<hbm>>
      %dma_start3A_149 = arith.constant 0 : i32
      %dma_start3A_150 = arith.constant 0 : i32
      %dma_start3A_151 = tpu.memref_slice %arg3[%add3A, %dma_start3A_149, %dma_start3A_150] : memref<32x125x80xi32, #tpu.memory_space<hbm>> -> memref<1x125x80xi32, #tpu.memory_space<hbm>>
      %dma_start3A_152 = tpu.memref_squeeze %dma_start3A_151 : memref<1x125x80xi32, #tpu.memory_space<hbm>> -> memref<125x80xi32, #tpu.memory_space<hbm>>
      tpu.enqueue_dma source(%dma_start3A_152 : memref<125x80xi32, #tpu.memory_space<hbm>>) target(%arg6 : memref<125x80xi32, #tpu.memory_space<vmem>>) target_semaphore(%run_scoped3A : memref<!tpu.dma_semaphore, #tpu.memory_space<semaphore_mem>>)
      %dma_wait3A_153 = arith.constant 0 : i32
      %dma_wait3A_154 = arith.constant 0 : i32
      %dma_wait3A_155 = tpu.memref_slice %arg3[%add3A, %dma_wait3A_153, %dma_wait3A_154] : memref<32x125x80xi32, #tpu.memory_space<hbm>> -> memref<1x125x80xi32, #tpu.memory_space<hbm>>
      %dma_wait3A_156 = tpu.memref_squeeze %dma_wait3A_155 : memref<1x125x80xi32, #tpu.memory_space<hbm>> -> memref<125x80xi32, #tpu.memory_space<hbm>>
      %dma_wait3A_157 = arith.constant 0 : i32
      %dma_wait3A_158 = arith.constant 0 : i32
      %dma_wait3A_159 = tpu.memref_slice %arg3[%add3A, %dma_wait3A_157, %dma_wait3A_158] : memref<32x125x80xi32, #tpu.memory_space<hbm>> -> memref<1x125x80xi32, #tpu.memory_space<hbm>>
      %dma_wait3A_160 = tpu.memref_squeeze %dma_wait3A_159 : memref<1x125x80xi32, #tpu.memory_space<hbm>> -> memref<125x80xi32, #tpu.memory_space<hbm>>
      tpu.wait_dma2 semaphore(%run_scoped3A : memref<!tpu.dma_semaphore, #tpu.memory_space<semaphore_mem>>) src(%dma_wait3A_160 : memref<125x80xi32, #tpu.memory_space<hbm>>) dst(%arg6 : memref<125x80xi32, #tpu.memory_space<vmem>>)
      tpu.yield
    }) : () -> ()
    "tpu.region"() ({
      %run_scoped3A = tpu.sem_alloc : memref<!tpu.dma_semaphore, #tpu.memory_space<semaphore_mem>>
      %dma_start3A_145 = arith.constant 0 : i32
      %dma_start3A_146 = arith.constant 0 : i32
      %dma_start3A_147 = tpu.memref_slice %arg4[%add3A, %dma_start3A_145, %dma_start3A_146] : memref<32x125x80xi32, #tpu.memory_space<hbm>> -> memref<1x125x80xi32, #tpu.memory_space<hbm>>
      %dma_start3A_148 = tpu.memref_squeeze %dma_start3A_147 : memref<1x125x80xi32, #tpu.memory_space<hbm>> -> memref<125x80xi32, #tpu.memory_space<hbm>>
      %dma_start3A_149 = arith.constant 0 : i32
      %dma_start3A_150 = arith.constant 0 : i32
      %dma_start3A_151 = tpu.memref_slice %arg4[%add3A, %dma_start3A_149, %dma_start3A_150] : memref<32x125x80xi32, #tpu.memory_space<hbm>> -> memref<1x125x80xi32, #tpu.memory_space<hbm>>
      %dma_start3A_152 = tpu.memref_squeeze %dma_start3A_151 : memref<1x125x80xi32, #tpu.memory_space<hbm>> -> memref<125x80xi32, #tpu.memory_space<hbm>>
      tpu.enqueue_dma source(%dma_start3A_152 : memref<125x80xi32, #tpu.memory_space<hbm>>) target(%arg7 : memref<125x80xi32, #tpu.memory_space<vmem>>) target_semaphore(%run_scoped3A : memref<!tpu.dma_semaphore, #tpu.memory_space<semaphore_mem>>)
      %dma_wait3A_153 = arith.constant 0 : i32
      %dma_wait3A_154 = arith.constant 0 : i32
      %dma_wait3A_155 = tpu.memref_slice %arg4[%add3A, %dma_wait3A_153, %dma_wait3A_154] : memref<32x125x80xi32, #tpu.memory_space<hbm>> -> memref<1x125x80xi32, #tpu.memory_space<hbm>>
      %dma_wait3A_156 = tpu.memref_squeeze %dma_wait3A_155 : memref<1x125x80xi32, #tpu.memory_space<hbm>> -> memref<125x80xi32, #tpu.memory_space<hbm>>
      %dma_wait3A_157 = arith.constant 0 : i32
      %dma_wait3A_158 = arith.constant 0 : i32
      %dma_wait3A_159 = tpu.memref_slice %arg4[%add3A, %dma_wait3A_157, %dma_wait3A_158] : memref<32x125x80xi32, #tpu.memory_space<hbm>> -> memref<1x125x80xi32, #tpu.memory_space<hbm>>
      %dma_wait3A_160 = tpu.memref_squeeze %dma_wait3A_159 : memref<1x125x80xi32, #tpu.memory_space<hbm>> -> memref<125x80xi32, #tpu.memory_space<hbm>>
      tpu.wait_dma2 semaphore(%run_scoped3A : memref<!tpu.dma_semaphore, #tpu.memory_space<semaphore_mem>>) src(%dma_wait3A_160 : memref<125x80xi32, #tpu.memory_space<hbm>>) dst(%arg7 : memref<125x80xi32, #tpu.memory_space<vmem>>)
      tpu.yield
    }) : () -> ()
    %dma_start3A = arith.constant 0 : i32
    %dma_start3A_3 = arith.constant 0 : i32
    %dma_start3A_4 = tpu.memref_slice %arg6[%dma_start3A, %dma_start3A_3] : memref<125x80xi32, #tpu.memory_space<vmem>> -> memref<1x80xi32, #tpu.memory_space<vmem>>
    %dma_start3A_5 = tpu.memref_squeeze %dma_start3A_4 : memref<1x80xi32, #tpu.memory_space<vmem>> -> memref<80xi32, #tpu.memory_space<vmem>>
    %dma_start3A_6 = arith.constant 0 : i32
    %dma_start3A_7 = arith.constant 0 : i32
    %dma_start3A_8 = tpu.memref_slice %arg2[%dma_start3A_6, %dma_start3A_7] : memref<10000x128xf32, #tpu.memory_space<hbm>> -> memref<10000x128xf32, #tpu.memory_space<hbm>>
    tpu.enqueue_indirect_dma source(%dma_start3A_8 : memref<10000x128xf32, #tpu.memory_space<hbm>>) target(%arg8 : memref<80x128xf32, #tpu.memory_space<vmem>>) offsets(%dma_start3A_5 : memref<80xi32, #tpu.memory_space<vmem>>) semaphore(%arg17 : memref<!tpu.dma_semaphore, #tpu.memory_space<semaphore_mem>>)
    %dma_start3A_9 = arith.constant 0 : i32
    %dma_start3A_10 = arith.constant 0 : i32
    %dma_start3A_11 = tpu.memref_slice %arg7[%dma_start3A_9, %dma_start3A_10] : memref<125x80xi32, #tpu.memory_space<vmem>> -> memref<1x80xi32, #tpu.memory_space<vmem>>
    %dma_start3A_12 = tpu.memref_squeeze %dma_start3A_11 : memref<1x80xi32, #tpu.memory_space<vmem>> -> memref<80xi32, #tpu.memory_space<vmem>>
    %dma_start3A_13 = arith.constant 0 : i32
    %dma_start3A_14 = arith.constant 0 : i32
    %dma_start3A_15 = tpu.memref_slice %arg2[%dma_start3A_13, %dma_start3A_14] : memref<10000x128xf32, #tpu.memory_space<hbm>> -> memref<10000x128xf32, #tpu.memory_space<hbm>>
    tpu.enqueue_indirect_dma source(%dma_start3A_15 : memref<10000x128xf32, #tpu.memory_space<hbm>>) target(%arg9 : memref<80x128xf32, #tpu.memory_space<vmem>>) offsets(%dma_start3A_12 : memref<80xi32, #tpu.memory_space<vmem>>) semaphore(%arg17 : memref<!tpu.dma_semaphore, #tpu.memory_space<semaphore_mem>>)
    %dma_start3A_16 = arith.constant 1 : i32
    %dma_start3A_17 = arith.constant 0 : i32
    %dma_start3A_18 = tpu.memref_slice %arg6[%dma_start3A_16, %dma_start3A_17] : memref<125x80xi32, #tpu.memory_space<vmem>> -> memref<1x80xi32, #tpu.memory_space<vmem>>
    %dma_start3A_19 = tpu.memref_squeeze %dma_start3A_18 : memref<1x80xi32, #tpu.memory_space<vmem>> -> memref<80xi32, #tpu.memory_space<vmem>>
    %dma_start3A_20 = arith.constant 0 : i32
    %dma_start3A_21 = arith.constant 0 : i32
    %dma_start3A_22 = tpu.memref_slice %arg2[%dma_start3A_20, %dma_start3A_21] : memref<10000x128xf32, #tpu.memory_space<hbm>> -> memref<10000x128xf32, #tpu.memory_space<hbm>>
    tpu.enqueue_indirect_dma source(%dma_start3A_22 : memref<10000x128xf32, #tpu.memory_space<hbm>>) target(%arg11 : memref<80x128xf32, #tpu.memory_space<vmem>>) offsets(%dma_start3A_19 : memref<80xi32, #tpu.memory_space<vmem>>) semaphore(%arg18 : memref<!tpu.dma_semaphore, #tpu.memory_space<semaphore_mem>>)
    %dma_start3A_23 = arith.constant 1 : i32
    %dma_start3A_24 = arith.constant 0 : i32
    %dma_start3A_25 = tpu.memref_slice %arg7[%dma_start3A_23, %dma_start3A_24] : memref<125x80xi32, #tpu.memory_space<vmem>> -> memref<1x80xi32, #tpu.memory_space<vmem>>
    %dma_start3A_26 = tpu.memref_squeeze %dma_start3A_25 : memref<1x80xi32, #tpu.memory_space<vmem>> -> memref<80xi32, #tpu.memory_space<vmem>>
    %dma_start3A_27 = arith.constant 0 : i32
    %dma_start3A_28 = arith.constant 0 : i32
    %dma_start3A_29 = tpu.memref_slice %arg2[%dma_start3A_27, %dma_start3A_28] : memref<10000x128xf32, #tpu.memory_space<hbm>> -> memref<10000x128xf32, #tpu.memory_space<hbm>>
    tpu.enqueue_indirect_dma source(%dma_start3A_29 : memref<10000x128xf32, #tpu.memory_space<hbm>>) target(%arg12 : memref<80x128xf32, #tpu.memory_space<vmem>>) offsets(%dma_start3A_26 : memref<80xi32, #tpu.memory_space<vmem>>) semaphore(%arg18 : memref<!tpu.dma_semaphore, #tpu.memory_space<semaphore_mem>>)
    %dma_start3A_30 = arith.constant 2 : i32
    %dma_start3A_31 = arith.constant 0 : i32
    %dma_start3A_32 = tpu.memref_slice %arg6[%dma_start3A_30, %dma_start3A_31] : memref<125x80xi32, #tpu.memory_space<vmem>> -> memref<1x80xi32, #tpu.memory_space<vmem>>
    %dma_start3A_33 = tpu.memref_squeeze %dma_start3A_32 : memref<1x80xi32, #tpu.memory_space<vmem>> -> memref<80xi32, #tpu.memory_space<vmem>>
    %dma_start3A_34 = arith.constant 0 : i32
    %dma_start3A_35 = arith.constant 0 : i32
    %dma_start3A_36 = tpu.memref_slice %arg2[%dma_start3A_34, %dma_start3A_35] : memref<10000x128xf32, #tpu.memory_space<hbm>> -> memref<10000x128xf32, #tpu.memory_space<hbm>>
    tpu.enqueue_indirect_dma source(%dma_start3A_36 : memref<10000x128xf32, #tpu.memory_space<hbm>>) target(%arg14 : memref<80x128xf32, #tpu.memory_space<vmem>>) offsets(%dma_start3A_33 : memref<80xi32, #tpu.memory_space<vmem>>) semaphore(%arg19 : memref<!tpu.dma_semaphore, #tpu.memory_space<semaphore_mem>>)
    %dma_start3A_37 = arith.constant 2 : i32
    %dma_start3A_38 = arith.constant 0 : i32
    %dma_start3A_39 = tpu.memref_slice %arg7[%dma_start3A_37, %dma_start3A_38] : memref<125x80xi32, #tpu.memory_space<vmem>> -> memref<1x80xi32, #tpu.memory_space<vmem>>
    %dma_start3A_40 = tpu.memref_squeeze %dma_start3A_39 : memref<1x80xi32, #tpu.memory_space<vmem>> -> memref<80xi32, #tpu.memory_space<vmem>>
    %dma_start3A_41 = arith.constant 0 : i32
    %dma_start3A_42 = arith.constant 0 : i32
    %dma_start3A_43 = tpu.memref_slice %arg2[%dma_start3A_41, %dma_start3A_42] : memref<10000x128xf32, #tpu.memory_space<hbm>> -> memref<10000x128xf32, #tpu.memory_space<hbm>>
    tpu.enqueue_indirect_dma source(%dma_start3A_43 : memref<10000x128xf32, #tpu.memory_space<hbm>>) target(%arg15 : memref<80x128xf32, #tpu.memory_space<vmem>>) offsets(%dma_start3A_40 : memref<80xi32, #tpu.memory_space<vmem>>) semaphore(%arg19 : memref<!tpu.dma_semaphore, #tpu.memory_space<semaphore_mem>>)
    %scan3A = arith.constant 0 : i32
    %scan3A_44 = arith.constant 0 : i32
    %scan3A_45 = arith.constant 41 : i32
    %scan3A_46 = arith.addi %scan3A_44, %scan3A_45 : i32
    %scan3A_47 = arith.constant 1 : i32
    %scan3A_48 = scf.for %scan3A_145 = %scan3A_44 to %scan3A_46 step %scan3A_47 iter_args(%scan3A_146 = %scan3A) -> (i32)  : i32 {
      %mul3A_147 = arith.constant 3 : i32
      %mul3A_148 = arith.muli %mul3A_147, %scan3A_145 : i32
      %add3A_149 = arith.constant 0 : i32
      %add3A_150 = arith.addi %mul3A_148, %add3A_149 : i32
      %dma_wait3A_151 = arith.constant 0 : i32
      %dma_wait3A_152 = tpu.memref_slice %arg6[%add3A_150, %dma_wait3A_151] : memref<125x80xi32, #tpu.memory_space<vmem>> -> memref<1x80xi32, #tpu.memory_space<vmem>>
      %dma_wait3A_153 = tpu.memref_squeeze %dma_wait3A_152 : memref<1x80xi32, #tpu.memory_space<vmem>> -> memref<80xi32, #tpu.memory_space<vmem>>
      %dma_wait3A_154 = arith.constant 0 : i32
      %dma_wait3A_155 = arith.constant 0 : i32
      %dma_wait3A_156 = tpu.memref_slice %arg2[%dma_wait3A_154, %dma_wait3A_155] : memref<10000x128xf32, #tpu.memory_space<hbm>> -> memref<10000x128xf32, #tpu.memory_space<hbm>>
      tpu.wait_indirect_dma semaphore(%arg17 : memref<!tpu.dma_semaphore, #tpu.memory_space<semaphore_mem>>) src(%dma_wait3A_156 : memref<10000x128xf32, #tpu.memory_space<hbm>>) dst(%arg8 : memref<80x128xf32, #tpu.memory_space<vmem>>)
      %dma_wait3A_157 = arith.constant 0 : i32
      %dma_wait3A_158 = tpu.memref_slice %arg7[%add3A_150, %dma_wait3A_157] : memref<125x80xi32, #tpu.memory_space<vmem>> -> memref<1x80xi32, #tpu.memory_space<vmem>>
      %dma_wait3A_159 = tpu.memref_squeeze %dma_wait3A_158 : memref<1x80xi32, #tpu.memory_space<vmem>> -> memref<80xi32, #tpu.memory_space<vmem>>
      %dma_wait3A_160 = arith.constant 0 : i32
      %dma_wait3A_161 = arith.constant 0 : i32
      %dma_wait3A_162 = tpu.memref_slice %arg2[%dma_wait3A_160, %dma_wait3A_161] : memref<10000x128xf32, #tpu.memory_space<hbm>> -> memref<10000x128xf32, #tpu.memory_space<hbm>>
      tpu.wait_indirect_dma semaphore(%arg17 : memref<!tpu.dma_semaphore, #tpu.memory_space<semaphore_mem>>) src(%dma_wait3A_162 : memref<10000x128xf32, #tpu.memory_space<hbm>>) dst(%arg9 : memref<80x128xf32, #tpu.memory_space<vmem>>)
      %ge3A = arith.constant 3 : i32
      %ge3A_163 = arith.cmpi sge, %add3A_150, %ge3A : i32
      %convert_element_type3A = arith.extui %ge3A_163 : i1 to i32
      %cond3A = arith.constant 0 : i32
      %cond3A_164 = arith.cmpi ne, %convert_element_type3A, %cond3A : i32
      scf.if %cond3A_164 {
        %sub3A = arith.constant 3 : i32
        %sub3A_294 = arith.subi %add3A_150, %sub3A : i32
        %mul3A_295 = arith.constant 80 : i32
        %mul3A_296 = arith.muli %sub3A_294, %mul3A_295 : i32
        %add3A_297 = arith.addi %mul3A_2, %mul3A_296 : i32
        %dma_wait3A_298 = arith.constant 0 : i32
        %dma_wait3A_299 = tpu.memref_slice %arg5[%add3A_297, %dma_wait3A_298] : memref<320000x64xf32, #tpu.memory_space<hbm>> -> memref<80x64xf32, #tpu.memory_space<hbm>>
        %dma_wait3A_300 = arith.constant 0 : i32
        %dma_wait3A_301 = tpu.memref_slice %arg5[%add3A_297, %dma_wait3A_300] : memref<320000x64xf32, #tpu.memory_space<hbm>> -> memref<80x64xf32, #tpu.memory_space<hbm>>
        tpu.wait_dma2 semaphore(%arg20 : memref<!tpu.dma_semaphore, #tpu.memory_space<semaphore_mem>>) src(%arg10 : memref<80x64xf32, #tpu.memory_space<vmem>>) dst(%dma_wait3A_301 : memref<80x64xf32, #tpu.memory_space<hbm>>)
      } else {
      }
      %scan3A_165 = arith.constant 0 : i32
      %scan3A_166 = arith.constant 0 : i32
      %scan3A_167 = arith.constant 80 : i32
      %scan3A_168 = arith.addi %scan3A_166, %scan3A_167 : i32
      %scan3A_169 = arith.constant 2 : i32
      scf.for %scan3A_294 = %scan3A_166 to %scan3A_168 step %scan3A_169  : i32 {
        %get3A = arith.index_cast %scan3A_294 : i32 to index
        %get3A_295 = arith.constant 0 : index
        %get3A_296 = tpu.vector_load %arg8[%get3A, %get3A_295] {strides = array<i32>} : memref<80x128xf32, #tpu.memory_space<vmem>>, vector<1x16xf32>,
        %get3A_297 = vector.shape_cast %get3A_296 : vector<1x16xf32> to vector<16xf32>
        %get3A_298 = arith.index_cast %scan3A_294 : i32 to index
        %get3A_299 = arith.constant 64 : index
        %get3A_300 = tpu.vector_load %arg9[%get3A_298, %get3A_299] {strides = array<i32>} : memref<80x128xf32, #tpu.memory_space<vmem>>, vector<1x16xf32>,
        %get3A_301 = vector.shape_cast %get3A_300 : vector<1x16xf32> to vector<16xf32>
        %add3A_302 = arith.addf %get3A_297, %get3A_301 : vector<16xf32>
        %swap3A = arith.index_cast %scan3A_294 : i32 to index
        %swap3A_303 = arith.constant 0 : index
        %swap3A_304 = tpu.vector_load %arg10[%swap3A, %swap3A_303] {strides = array<i32>} : memref<80x64xf32, #tpu.memory_space<vmem>>, vector<1x16xf32>,
        %swap3A_305 = vector.shape_cast %swap3A_304 : vector<1x16xf32> to vector<16xf32>
        %swap3A_306 = vector.shape_cast %add3A_302 : vector<16xf32> to vector<1x16xf32>
        tpu.vector_store %arg10[%swap3A, %swap3A_303], %swap3A_306 {strides = array<i32>} : memref<80x64xf32, #tpu.memory_space<vmem>>, vector<1x16xf32>,
        %get3A_307 = arith.index_cast %scan3A_294 : i32 to index
        %get3A_308 = arith.constant 16 : index
        %get3A_309 = tpu.vector_load %arg8[%get3A_307, %get3A_308] {strides = array<i32>} : memref<80x128xf32, #tpu.memory_space<vmem>>, vector<1x16xf32>,
        %get3A_310 = vector.shape_cast %get3A_309 : vector<1x16xf32> to vector<16xf32>
        %get3A_311 = arith.index_cast %scan3A_294 : i32 to index
        %get3A_312 = arith.constant 80 : index
        %get3A_313 = tpu.vector_load %arg9[%get3A_311, %get3A_312] {strides = array<i32>} : memref<80x128xf32, #tpu.memory_space<vmem>>, vector<1x16xf32>,
        %get3A_314 = vector.shape_cast %get3A_313 : vector<1x16xf32> to vector<16xf32>
        %add3A_315 = arith.addf %get3A_310, %get3A_314 : vector<16xf32>
        %swap3A_316 = arith.index_cast %scan3A_294 : i32 to index
        %swap3A_317 = arith.constant 16 : index
        %swap3A_318 = tpu.vector_load %arg10[%swap3A_316, %swap3A_317] {strides = array<i32>} : memref<80x64xf32, #tpu.memory_space<vmem>>, vector<1x16xf32>,
        %swap3A_319 = vector.shape_cast %swap3A_318 : vector<1x16xf32> to vector<16xf32>
        %swap3A_320 = vector.shape_cast %add3A_315 : vector<16xf32> to vector<1x16xf32>
        tpu.vector_store %arg10[%swap3A_316, %swap3A_317], %swap3A_320 {strides = array<i32>} : memref<80x64xf32, #tpu.memory_space<vmem>>, vector<1x16xf32>,
        %get3A_321 = arith.index_cast %scan3A_294 : i32 to index
        %get3A_322 = arith.constant 32 : index
        %get3A_323 = tpu.vector_load %arg8[%get3A_321, %get3A_322] {strides = array<i32>} : memref<80x128xf32, #tpu.memory_space<vmem>>, vector<1x16xf32>,
        %get3A_324 = vector.shape_cast %get3A_323 : vector<1x16xf32> to vector<16xf32>
        %get3A_325 = arith.index_cast %scan3A_294 : i32 to index
        %get3A_326 = arith.constant 96 : index
        %get3A_327 = tpu.vector_load %arg9[%get3A_325, %get3A_326] {strides = array<i32>} : memref<80x128xf32, #tpu.memory_space<vmem>>, vector<1x16xf32>,
        %get3A_328 = vector.shape_cast %get3A_327 : vector<1x16xf32> to vector<16xf32>
        %add3A_329 = arith.addf %get3A_324, %get3A_328 : vector<16xf32>
        %swap3A_330 = arith.index_cast %scan3A_294 : i32 to index
        %swap3A_331 = arith.constant 32 : index
        %swap3A_332 = tpu.vector_load %arg10[%swap3A_330, %swap3A_331] {strides = array<i32>} : memref<80x64xf32, #tpu.memory_space<vmem>>, vector<1x16xf32>,
        %swap3A_333 = vector.shape_cast %swap3A_332 : vector<1x16xf32> to vector<16xf32>
        %swap3A_334 = vector.shape_cast %add3A_329 : vector<16xf32> to vector<1x16xf32>
        tpu.vector_store %arg10[%swap3A_330, %swap3A_331], %swap3A_334 {strides = array<i32>} : memref<80x64xf32, #tpu.memory_space<vmem>>, vector<1x16xf32>,
        %get3A_335 = arith.index_cast %scan3A_294 : i32 to index
        %get3A_336 = arith.constant 48 : index
        %get3A_337 = tpu.vector_load %arg8[%get3A_335, %get3A_336] {strides = array<i32>} : memref<80x128xf32, #tpu.memory_space<vmem>>, vector<1x16xf32>,
        %get3A_338 = vector.shape_cast %get3A_337 : vector<1x16xf32> to vector<16xf32>
        %get3A_339 = arith.index_cast %scan3A_294 : i32 to index
        %get3A_340 = arith.constant 112 : index
        %get3A_341 = tpu.vector_load %arg9[%get3A_339, %get3A_340] {strides = array<i32>} : memref<80x128xf32, #tpu.memory_space<vmem>>, vector<1x16xf32>,
        %get3A_342 = vector.shape_cast %get3A_341 : vector<1x16xf32> to vector<16xf32>
        %add3A_343 = arith.addf %get3A_338, %get3A_342 : vector<16xf32>
        %swap3A_344 = arith.index_cast %scan3A_294 : i32 to index
        %swap3A_345 = arith.constant 48 : index
        %swap3A_346 = tpu.vector_load %arg10[%swap3A_344, %swap3A_345] {strides = array<i32>} : memref<80x64xf32, #tpu.memory_space<vmem>>, vector<1x16xf32>,
        %swap3A_347 = vector.shape_cast %swap3A_346 : vector<1x16xf32> to vector<16xf32>
        %swap3A_348 = vector.shape_cast %add3A_343 : vector<16xf32> to vector<1x16xf32>
        tpu.vector_store %arg10[%swap3A_344, %swap3A_345], %swap3A_348 {strides = array<i32>} : memref<80x64xf32, #tpu.memory_space<vmem>>, vector<1x16xf32>,
        %scan3A_349 = arith.constant 1 : i32
        %scan3A_350 = arith.addi %scan3A_294, %scan3A_349 : i32
        %get3A_351 = arith.index_cast %scan3A_350 : i32 to index
        %get3A_352 = arith.constant 0 : index
        %get3A_353 = tpu.vector_load %arg8[%get3A_351, %get3A_352] {strides = array<i32>} : memref<80x128xf32, #tpu.memory_space<vmem>>, vector<1x16xf32>,
        %get3A_354 = vector.shape_cast %get3A_353 : vector<1x16xf32> to vector<16xf32>
        %get3A_355 = arith.index_cast %scan3A_350 : i32 to index
        %get3A_356 = arith.constant 64 : index
        %get3A_357 = tpu.vector_load %arg9[%get3A_355, %get3A_356] {strides = array<i32>} : memref<80x128xf32, #tpu.memory_space<vmem>>, vector<1x16xf32>,
        %get3A_358 = vector.shape_cast %get3A_357 : vector<1x16xf32> to vector<16xf32>
        %add3A_359 = arith.addf %get3A_354, %get3A_358 : vector<16xf32>
        %swap3A_360 = arith.index_cast %scan3A_350 : i32 to index
        %swap3A_361 = arith.constant 0 : index
        %swap3A_362 = tpu.vector_load %arg10[%swap3A_360, %swap3A_361] {strides = array<i32>} : memref<80x64xf32, #tpu.memory_space<vmem>>, vector<1x16xf32>,
        %swap3A_363 = vector.shape_cast %swap3A_362 : vector<1x16xf32> to vector<16xf32>
        %swap3A_364 = vector.shape_cast %add3A_359 : vector<16xf32> to vector<1x16xf32>
        tpu.vector_store %arg10[%swap3A_360, %swap3A_361], %swap3A_364 {strides = array<i32>} : memref<80x64xf32, #tpu.memory_space<vmem>>, vector<1x16xf32>,
        %get3A_365 = arith.index_cast %scan3A_350 : i32 to index
        %get3A_366 = arith.constant 16 : index
        %get3A_367 = tpu.vector_load %arg8[%get3A_365, %get3A_366] {strides = array<i32>} : memref<80x128xf32, #tpu.memory_space<vmem>>, vector<1x16xf32>,
        %get3A_368 = vector.shape_cast %get3A_367 : vector<1x16xf32> to vector<16xf32>
        %get3A_369 = arith.index_cast %scan3A_350 : i32 to index
        %get3A_370 = arith.constant 80 : index
        %get3A_371 = tpu.vector_load %arg9[%get3A_369, %get3A_370] {strides = array<i32>} : memref<80x128xf32, #tpu.memory_space<vmem>>, vector<1x16xf32>,
        %get3A_372 = vector.shape_cast %get3A_371 : vector<1x16xf32> to vector<16xf32>
        %add3A_373 = arith.addf %get3A_368, %get3A_372 : vector<16xf32>
        %swap3A_374 = arith.index_cast %scan3A_350 : i32 to index
        %swap3A_375 = arith.constant 16 : index
        %swap3A_376 = tpu.vector_load %arg10[%swap3A_374, %swap3A_375] {strides = array<i32>} : memref<80x64xf32, #tpu.memory_space<vmem>>, vector<1x16xf32>,
        %swap3A_377 = vector.shape_cast %swap3A_376 : vector<1x16xf32> to vector<16xf32>
        %swap3A_378 = vector.shape_cast %add3A_373 : vector<16xf32> to vector<1x16xf32>
        tpu.vector_store %arg10[%swap3A_374, %swap3A_375], %swap3A_378 {strides = array<i32>} : memref<80x64xf32, #tpu.memory_space<vmem>>, vector<1x16xf32>,
        %get3A_379 = arith.index_cast %scan3A_350 : i32 to index
        %get3A_380 = arith.constant 32 : index
        %get3A_381 = tpu.vector_load %arg8[%get3A_379, %get3A_380] {strides = array<i32>} : memref<80x128xf32, #tpu.memory_space<vmem>>, vector<1x16xf32>,
        %get3A_382 = vector.shape_cast %get3A_381 : vector<1x16xf32> to vector<16xf32>
        %get3A_383 = arith.index_cast %scan3A_350 : i32 to index
        %get3A_384 = arith.constant 96 : index
        %get3A_385 = tpu.vector_load %arg9[%get3A_383, %get3A_384] {strides = array<i32>} : memref<80x128xf32, #tpu.memory_space<vmem>>, vector<1x16xf32>,
        %get3A_386 = vector.shape_cast %get3A_385 : vector<1x16xf32> to vector<16xf32>
        %add3A_387 = arith.addf %get3A_382, %get3A_386 : vector<16xf32>
        %swap3A_388 = arith.index_cast %scan3A_350 : i32 to index
        %swap3A_389 = arith.constant 32 : index
        %swap3A_390 = tpu.vector_load %arg10[%swap3A_388, %swap3A_389] {strides = array<i32>} : memref<80x64xf32, #tpu.memory_space<vmem>>, vector<1x16xf32>,
        %swap3A_391 = vector.shape_cast %swap3A_390 : vector<1x16xf32> to vector<16xf32>
        %swap3A_392 = vector.shape_cast %add3A_387 : vector<16xf32> to vector<1x16xf32>
        tpu.vector_store %arg10[%swap3A_388, %swap3A_389], %swap3A_392 {strides = array<i32>} : memref<80x64xf32, #tpu.memory_space<vmem>>, vector<1x16xf32>,
        %get3A_393 = arith.index_cast %scan3A_350 : i32 to index
        %get3A_394 = arith.constant 48 : index
        %get3A_395 = tpu.vector_load %arg8[%get3A_393, %get3A_394] {strides = array<i32>} : memref<80x128xf32, #tpu.memory_space<vmem>>, vector<1x16xf32>,
        %get3A_396 = vector.shape_cast %get3A_395 : vector<1x16xf32> to vector<16xf32>
        %get3A_397 = arith.index_cast %scan3A_350 : i32 to index
        %get3A_398 = arith.constant 112 : index
        %get3A_399 = tpu.vector_load %arg9[%get3A_397, %get3A_398] {strides = array<i32>} : memref<80x128xf32, #tpu.memory_space<vmem>>, vector<1x16xf32>,
        %get3A_400 = vector.shape_cast %get3A_399 : vector<1x16xf32> to vector<16xf32>
        %add3A_401 = arith.addf %get3A_396, %get3A_400 : vector<16xf32>
        %swap3A_402 = arith.index_cast %scan3A_350 : i32 to index
        %swap3A_403 = arith.constant 48 : index
        %swap3A_404 = tpu.vector_load %arg10[%swap3A_402, %swap3A_403] {strides = array<i32>} : memref<80x64xf32, #tpu.memory_space<vmem>>, vector<1x16xf32>,
        %swap3A_405 = vector.shape_cast %swap3A_404 : vector<1x16xf32> to vector<16xf32>
        %swap3A_406 = vector.shape_cast %add3A_401 : vector<16xf32> to vector<1x16xf32>
        tpu.vector_store %arg10[%swap3A_402, %swap3A_403], %swap3A_406 {strides = array<i32>} : memref<80x64xf32, #tpu.memory_space<vmem>>, vector<1x16xf32>,
      }
      %scan3A_170 = arith.constant 80 : i32
      %add3A_171 = arith.constant 3 : i32
      %add3A_172 = arith.addi %add3A_150, %add3A_171 : i32
      %min3A = arith.constant 124 : i32
      %min3A_173 = arith.minsi %add3A_172, %min3A : i32
      %dma_start3A_174 = arith.constant 0 : i32
      %dma_start3A_175 = tpu.memref_slice %arg6[%min3A_173, %dma_start3A_174] : memref<125x80xi32, #tpu.memory_space<vmem>> -> memref<1x80xi32, #tpu.memory_space<vmem>>
      %dma_start3A_176 = tpu.memref_squeeze %dma_start3A_175 : memref<1x80xi32, #tpu.memory_space<vmem>> -> memref<80xi32, #tpu.memory_space<vmem>>
      %dma_start3A_177 = arith.constant 0 : i32
      %dma_start3A_178 = arith.constant 0 : i32
      %dma_start3A_179 = tpu.memref_slice %arg2[%dma_start3A_177, %dma_start3A_178] : memref<10000x128xf32, #tpu.memory_space<hbm>> -> memref<10000x128xf32, #tpu.memory_space<hbm>>
      tpu.enqueue_indirect_dma source(%dma_start3A_179 : memref<10000x128xf32, #tpu.memory_space<hbm>>) target(%arg8 : memref<80x128xf32, #tpu.memory_space<vmem>>) offsets(%dma_start3A_176 : memref<80xi32, #tpu.memory_space<vmem>>) semaphore(%arg17 : memref<!tpu.dma_semaphore, #tpu.memory_space<semaphore_mem>>)
      %dma_start3A_180 = arith.constant 0 : i32
      %dma_start3A_181 = tpu.memref_slice %arg7[%min3A_173, %dma_start3A_180] : memref<125x80xi32, #tpu.memory_space<vmem>> -> memref<1x80xi32, #tpu.memory_space<vmem>>
      %dma_start3A_182 = tpu.memref_squeeze %dma_start3A_181 : memref<1x80xi32, #tpu.memory_space<vmem>> -> memref<80xi32, #tpu.memory_space<vmem>>
      %dma_start3A_183 = arith.constant 0 : i32
      %dma_start3A_184 = arith.constant 0 : i32
      %dma_start3A_185 = tpu.memref_slice %arg2[%dma_start3A_183, %dma_start3A_184] : memref<10000x128xf32, #tpu.memory_space<hbm>> -> memref<10000x128xf32, #tpu.memory_space<hbm>>
      tpu.enqueue_indirect_dma source(%dma_start3A_185 : memref<10000x128xf32, #tpu.memory_space<hbm>>) target(%arg9 : memref<80x128xf32, #tpu.memory_space<vmem>>) offsets(%dma_start3A_182 : memref<80xi32, #tpu.memory_space<vmem>>) semaphore(%arg17 : memref<!tpu.dma_semaphore, #tpu.memory_space<semaphore_mem>>)
      %mul3A_186 = arith.constant 80 : i32
      %mul3A_187 = arith.muli %add3A_150, %mul3A_186 : i32
      %add3A_188 = arith.addi %mul3A_2, %mul3A_187 : i32
      %dma_start3A_189 = arith.constant 0 : i32
      %dma_start3A_190 = tpu.memref_slice %arg5[%add3A_188, %dma_start3A_189] : memref<320000x64xf32, #tpu.memory_space<hbm>> -> memref<80x64xf32, #tpu.memory_space<hbm>>
      %dma_start3A_191 = arith.constant 0 : i32
      %dma_start3A_192 = tpu.memref_slice %arg5[%add3A_188, %dma_start3A_191] : memref<320000x64xf32, #tpu.memory_space<hbm>> -> memref<80x64xf32, #tpu.memory_space<hbm>>
      tpu.enqueue_dma source(%arg10 : memref<80x64xf32, #tpu.memory_space<vmem>>) target(%dma_start3A_192 : memref<80x64xf32, #tpu.memory_space<hbm>>) target_semaphore(%arg20 : memref<!tpu.dma_semaphore, #tpu.memory_space<semaphore_mem>>)
      %mul3A_193 = arith.constant 3 : i32
      %mul3A_194 = arith.muli %mul3A_193, %scan3A_145 : i32
      %add3A_195 = arith.constant 1 : i32
      %add3A_196 = arith.addi %mul3A_194, %add3A_195 : i32
      %dma_wait3A_197 = arith.constant 0 : i32
      %dma_wait3A_198 = tpu.memref_slice %arg6[%add3A_196, %dma_wait3A_197] : memref<125x80xi32, #tpu.memory_space<vmem>> -> memref<1x80xi32, #tpu.memory_space<vmem>>
      %dma_wait3A_199 = tpu.memref_squeeze %dma_wait3A_198 : memref<1x80xi32, #tpu.memory_space<vmem>> -> memref<80xi32, #tpu.memory_space<vmem>>
      %dma_wait3A_200 = arith.constant 0 : i32
      %dma_wait3A_201 = arith.constant 0 : i32
      %dma_wait3A_202 = tpu.memref_slice %arg2[%dma_wait3A_200, %dma_wait3A_201] : memref<10000x128xf32, #tpu.memory_space<hbm>> -> memref<10000x128xf32, #tpu.memory_space<hbm>>
      tpu.wait_indirect_dma semaphore(%arg18 : memref<!tpu.dma_semaphore, #tpu.memory_space<semaphore_mem>>) src(%dma_wait3A_202 : memref<10000x128xf32, #tpu.memory_space<hbm>>) dst(%arg11 : memref<80x128xf32, #tpu.memory_space<vmem>>)
      %dma_wait3A_203 = arith.constant 0 : i32
      %dma_wait3A_204 = tpu.memref_slice %arg7[%add3A_196, %dma_wait3A_203] : memref<125x80xi32, #tpu.memory_space<vmem>> -> memref<1x80xi32, #tpu.memory_space<vmem>>
      %dma_wait3A_205 = tpu.memref_squeeze %dma_wait3A_204 : memref<1x80xi32, #tpu.memory_space<vmem>> -> memref<80xi32, #tpu.memory_space<vmem>>
      %dma_wait3A_206 = arith.constant 0 : i32
      %dma_wait3A_207 = arith.constant 0 : i32
      %dma_wait3A_208 = tpu.memref_slice %arg2[%dma_wait3A_206, %dma_wait3A_207] : memref<10000x128xf32, #tpu.memory_space<hbm>> -> memref<10000x128xf32, #tpu.memory_space<hbm>>
      tpu.wait_indirect_dma semaphore(%arg18 : memref<!tpu.dma_semaphore, #tpu.memory_space<semaphore_mem>>) src(%dma_wait3A_208 : memref<10000x128xf32, #tpu.memory_space<hbm>>) dst(%arg12 : memref<80x128xf32, #tpu.memory_space<vmem>>)
      %ge3A_209 = arith.constant 3 : i32
      %ge3A_210 = arith.cmpi sge, %add3A_196, %ge3A_209 : i32
      %convert_element_type3A_211 = arith.extui %ge3A_210 : i1 to i32
      %cond3A_212 = arith.constant 0 : i32
      %cond3A_213 = arith.cmpi ne, %convert_element_type3A_211, %cond3A_212 : i32
      scf.if %cond3A_213 {
        %sub3A = arith.constant 3 : i32
        %sub3A_294 = arith.subi %add3A_196, %sub3A : i32
        %mul3A_295 = arith.constant 80 : i32
        %mul3A_296 = arith.muli %sub3A_294, %mul3A_295 : i32
        %add3A_297 = arith.addi %mul3A_2, %mul3A_296 : i32
        %dma_wait3A_298 = arith.constant 0 : i32
        %dma_wait3A_299 = tpu.memref_slice %arg5[%add3A_297, %dma_wait3A_298] : memref<320000x64xf32, #tpu.memory_space<hbm>> -> memref<80x64xf32, #tpu.memory_space<hbm>>
        %dma_wait3A_300 = arith.constant 0 : i32
        %dma_wait3A_301 = tpu.memref_slice %arg5[%add3A_297, %dma_wait3A_300] : memref<320000x64xf32, #tpu.memory_space<hbm>> -> memref<80x64xf32, #tpu.memory_space<hbm>>
        tpu.wait_dma2 semaphore(%arg21 : memref<!tpu.dma_semaphore, #tpu.memory_space<semaphore_mem>>) src(%arg13 : memref<80x64xf32, #tpu.memory_space<vmem>>) dst(%dma_wait3A_301 : memref<80x64xf32, #tpu.memory_space<hbm>>)
      } else {
      }
      %scan3A_214 = arith.constant 0 : i32
      %scan3A_215 = arith.constant 0 : i32
      %scan3A_216 = arith.constant 80 : i32
      %scan3A_217 = arith.addi %scan3A_215, %scan3A_216 : i32
      %scan3A_218 = arith.constant 2 : i32
      scf.for %scan3A_294 = %scan3A_215 to %scan3A_217 step %scan3A_218  : i32 {
        %get3A = arith.index_cast %scan3A_294 : i32 to index
        %get3A_295 = arith.constant 0 : index
        %get3A_296 = tpu.vector_load %arg11[%get3A, %get3A_295] {strides = array<i32>} : memref<80x128xf32, #tpu.memory_space<vmem>>, vector<1x16xf32>,
        %get3A_297 = vector.shape_cast %get3A_296 : vector<1x16xf32> to vector<16xf32>
        %get3A_298 = arith.index_cast %scan3A_294 : i32 to index
        %get3A_299 = arith.constant 64 : index
        %get3A_300 = tpu.vector_load %arg12[%get3A_298, %get3A_299] {strides = array<i32>} : memref<80x128xf32, #tpu.memory_space<vmem>>, vector<1x16xf32>,
        %get3A_301 = vector.shape_cast %get3A_300 : vector<1x16xf32> to vector<16xf32>
        %add3A_302 = arith.addf %get3A_297, %get3A_301 : vector<16xf32>
        %swap3A = arith.index_cast %scan3A_294 : i32 to index
        %swap3A_303 = arith.constant 0 : index
        %swap3A_304 = tpu.vector_load %arg13[%swap3A, %swap3A_303] {strides = array<i32>} : memref<80x64xf32, #tpu.memory_space<vmem>>, vector<1x16xf32>,
        %swap3A_305 = vector.shape_cast %swap3A_304 : vector<1x16xf32> to vector<16xf32>
        %swap3A_306 = vector.shape_cast %add3A_302 : vector<16xf32> to vector<1x16xf32>
        tpu.vector_store %arg13[%swap3A, %swap3A_303], %swap3A_306 {strides = array<i32>} : memref<80x64xf32, #tpu.memory_space<vmem>>, vector<1x16xf32>,
        %get3A_307 = arith.index_cast %scan3A_294 : i32 to index
        %get3A_308 = arith.constant 16 : index
        %get3A_309 = tpu.vector_load %arg11[%get3A_307, %get3A_308] {strides = array<i32>} : memref<80x128xf32, #tpu.memory_space<vmem>>, vector<1x16xf32>,
        %get3A_310 = vector.shape_cast %get3A_309 : vector<1x16xf32> to vector<16xf32>
        %get3A_311 = arith.index_cast %scan3A_294 : i32 to index
        %get3A_312 = arith.constant 80 : index
        %get3A_313 = tpu.vector_load %arg12[%get3A_311, %get3A_312] {strides = array<i32>} : memref<80x128xf32, #tpu.memory_space<vmem>>, vector<1x16xf32>,
        %get3A_314 = vector.shape_cast %get3A_313 : vector<1x16xf32> to vector<16xf32>
        %add3A_315 = arith.addf %get3A_310, %get3A_314 : vector<16xf32>
        %swap3A_316 = arith.index_cast %scan3A_294 : i32 to index
        %swap3A_317 = arith.constant 16 : index
        %swap3A_318 = tpu.vector_load %arg13[%swap3A_316, %swap3A_317] {strides = array<i32>} : memref<80x64xf32, #tpu.memory_space<vmem>>, vector<1x16xf32>,
        %swap3A_319 = vector.shape_cast %swap3A_318 : vector<1x16xf32> to vector<16xf32>
        %swap3A_320 = vector.shape_cast %add3A_315 : vector<16xf32> to vector<1x16xf32>
        tpu.vector_store %arg13[%swap3A_316, %swap3A_317], %swap3A_320 {strides = array<i32>} : memref<80x64xf32, #tpu.memory_space<vmem>>, vector<1x16xf32>,
        %get3A_321 = arith.index_cast %scan3A_294 : i32 to index
        %get3A_322 = arith.constant 32 : index
        %get3A_323 = tpu.vector_load %arg11[%get3A_321, %get3A_322] {strides = array<i32>} : memref<80x128xf32, #tpu.memory_space<vmem>>, vector<1x16xf32>,
        %get3A_324 = vector.shape_cast %get3A_323 : vector<1x16xf32> to vector<16xf32>
        %get3A_325 = arith.index_cast %scan3A_294 : i32 to index
        %get3A_326 = arith.constant 96 : index
        %get3A_327 = tpu.vector_load %arg12[%get3A_325, %get3A_326] {strides = array<i32>} : memref<80x128xf32, #tpu.memory_space<vmem>>, vector<1x16xf32>,
        %get3A_328 = vector.shape_cast %get3A_327 : vector<1x16xf32> to vector<16xf32>
        %add3A_329 = arith.addf %get3A_324, %get3A_328 : vector<16xf32>
        %swap3A_330 = arith.index_cast %scan3A_294 : i32 to index
        %swap3A_331 = arith.constant 32 : index
        %swap3A_332 = tpu.vector_load %arg13[%swap3A_330, %swap3A_331] {strides = array<i32>} : memref<80x64xf32, #tpu.memory_space<vmem>>, vector<1x16xf32>,
        %swap3A_333 = vector.shape_cast %swap3A_332 : vector<1x16xf32> to vector<16xf32>
        %swap3A_334 = vector.shape_cast %add3A_329 : vector<16xf32> to vector<1x16xf32>
        tpu.vector_store %arg13[%swap3A_330, %swap3A_331], %swap3A_334 {strides = array<i32>} : memref<80x64xf32, #tpu.memory_space<vmem>>, vector<1x16xf32>,
        %get3A_335 = arith.index_cast %scan3A_294 : i32 to index
        %get3A_336 = arith.constant 48 : index
        %get3A_337 = tpu.vector_load %arg11[%get3A_335, %get3A_336] {strides = array<i32>} : memref<80x128xf32, #tpu.memory_space<vmem>>, vector<1x16xf32>,
        %get3A_338 = vector.shape_cast %get3A_337 : vector<1x16xf32> to vector<16xf32>
        %get3A_339 = arith.index_cast %scan3A_294 : i32 to index
        %get3A_340 = arith.constant 112 : index
        %get3A_341 = tpu.vector_load %arg12[%get3A_339, %get3A_340] {strides = array<i32>} : memref<80x128xf32, #tpu.memory_space<vmem>>, vector<1x16xf32>,
        %get3A_342 = vector.shape_cast %get3A_341 : vector<1x16xf32> to vector<16xf32>
        %add3A_343 = arith.addf %get3A_338, %get3A_342 : vector<16xf32>
        %swap3A_344 = arith.index_cast %scan3A_294 : i32 to index
        %swap3A_345 = arith.constant 48 : index
        %swap3A_346 = tpu.vector_load %arg13[%swap3A_344, %swap3A_345] {strides = array<i32>} : memref<80x64xf32, #tpu.memory_space<vmem>>, vector<1x16xf32>,
        %swap3A_347 = vector.shape_cast %swap3A_346 : vector<1x16xf32> to vector<16xf32>
        %swap3A_348 = vector.shape_cast %add3A_343 : vector<16xf32> to vector<1x16xf32>
        tpu.vector_store %arg13[%swap3A_344, %swap3A_345], %swap3A_348 {strides = array<i32>} : memref<80x64xf32, #tpu.memory_space<vmem>>, vector<1x16xf32>,
        %scan3A_349 = arith.constant 1 : i32
        %scan3A_350 = arith.addi %scan3A_294, %scan3A_349 : i32
        %get3A_351 = arith.index_cast %scan3A_350 : i32 to index
        %get3A_352 = arith.constant 0 : index
        %get3A_353 = tpu.vector_load %arg11[%get3A_351, %get3A_352] {strides = array<i32>} : memref<80x128xf32, #tpu.memory_space<vmem>>, vector<1x16xf32>,
        %get3A_354 = vector.shape_cast %get3A_353 : vector<1x16xf32> to vector<16xf32>
        %get3A_355 = arith.index_cast %scan3A_350 : i32 to index
        %get3A_356 = arith.constant 64 : index
        %get3A_357 = tpu.vector_load %arg12[%get3A_355, %get3A_356] {strides = array<i32>} : memref<80x128xf32, #tpu.memory_space<vmem>>, vector<1x16xf32>,
        %get3A_358 = vector.shape_cast %get3A_357 : vector<1x16xf32> to vector<16xf32>
        %add3A_359 = arith.addf %get3A_354, %get3A_358 : vector<16xf32>
        %swap3A_360 = arith.index_cast %scan3A_350 : i32 to index
        %swap3A_361 = arith.constant 0 : index
        %swap3A_362 = tpu.vector_load %arg13[%swap3A_360, %swap3A_361] {strides = array<i32>} : memref<80x64xf32, #tpu.memory_space<vmem>>, vector<1x16xf32>,
        %swap3A_363 = vector.shape_cast %swap3A_362 : vector<1x16xf32> to vector<16xf32>
        %swap3A_364 = vector.shape_cast %add3A_359 : vector<16xf32> to vector<1x16xf32>
        tpu.vector_store %arg13[%swap3A_360, %swap3A_361], %swap3A_364 {strides = array<i32>} : memref<80x64xf32, #tpu.memory_space<vmem>>, vector<1x16xf32>,
        %get3A_365 = arith.index_cast %scan3A_350 : i32 to index
        %get3A_366 = arith.constant 16 : index
        %get3A_367 = tpu.vector_load %arg11[%get3A_365, %get3A_366] {strides = array<i32>} : memref<80x128xf32, #tpu.memory_space<vmem>>, vector<1x16xf32>,
        %get3A_368 = vector.shape_cast %get3A_367 : vector<1x16xf32> to vector<16xf32>
        %get3A_369 = arith.index_cast %scan3A_350 : i32 to index
        %get3A_370 = arith.constant 80 : index
        %get3A_371 = tpu.vector_load %arg12[%get3A_369, %get3A_370] {strides = array<i32>} : memref<80x128xf32, #tpu.memory_space<vmem>>, vector<1x16xf32>,
        %get3A_372 = vector.shape_cast %get3A_371 : vector<1x16xf32> to vector<16xf32>
        %add3A_373 = arith.addf %get3A_368, %get3A_372 : vector<16xf32>
        %swap3A_374 = arith.index_cast %scan3A_350 : i32 to index
        %swap3A_375 = arith.constant 16 : index
        %swap3A_376 = tpu.vector_load %arg13[%swap3A_374, %swap3A_375] {strides = array<i32>} : memref<80x64xf32, #tpu.memory_space<vmem>>, vector<1x16xf32>,
        %swap3A_377 = vector.shape_cast %swap3A_376 : vector<1x16xf32> to vector<16xf32>
        %swap3A_378 = vector.shape_cast %add3A_373 : vector<16xf32> to vector<1x16xf32>
        tpu.vector_store %arg13[%swap3A_374, %swap3A_375], %swap3A_378 {strides = array<i32>} : memref<80x64xf32, #tpu.memory_space<vmem>>, vector<1x16xf32>,
        %get3A_379 = arith.index_cast %scan3A_350 : i32 to index
        %get3A_380 = arith.constant 32 : index
        %get3A_381 = tpu.vector_load %arg11[%get3A_379, %get3A_380] {strides = array<i32>} : memref<80x128xf32, #tpu.memory_space<vmem>>, vector<1x16xf32>,
        %get3A_382 = vector.shape_cast %get3A_381 : vector<1x16xf32> to vector<16xf32>
        %get3A_383 = arith.index_cast %scan3A_350 : i32 to index
        %get3A_384 = arith.constant 96 : index
        %get3A_385 = tpu.vector_load %arg12[%get3A_383, %get3A_384] {strides = array<i32>} : memref<80x128xf32, #tpu.memory_space<vmem>>, vector<1x16xf32>,
        %get3A_386 = vector.shape_cast %get3A_385 : vector<1x16xf32> to vector<16xf32>
        %add3A_387 = arith.addf %get3A_382, %get3A_386 : vector<16xf32>
        %swap3A_388 = arith.index_cast %scan3A_350 : i32 to index
        %swap3A_389 = arith.constant 32 : index
        %swap3A_390 = tpu.vector_load %arg13[%swap3A_388, %swap3A_389] {strides = array<i32>} : memref<80x64xf32, #tpu.memory_space<vmem>>, vector<1x16xf32>,
        %swap3A_391 = vector.shape_cast %swap3A_390 : vector<1x16xf32> to vector<16xf32>
        %swap3A_392 = vector.shape_cast %add3A_387 : vector<16xf32> to vector<1x16xf32>
        tpu.vector_store %arg13[%swap3A_388, %swap3A_389], %swap3A_392 {strides = array<i32>} : memref<80x64xf32, #tpu.memory_space<vmem>>, vector<1x16xf32>,
        %get3A_393 = arith.index_cast %scan3A_350 : i32 to index
        %get3A_394 = arith.constant 48 : index
        %get3A_395 = tpu.vector_load %arg11[%get3A_393, %get3A_394] {strides = array<i32>} : memref<80x128xf32, #tpu.memory_space<vmem>>, vector<1x16xf32>,
        %get3A_396 = vector.shape_cast %get3A_395 : vector<1x16xf32> to vector<16xf32>
        %get3A_397 = arith.index_cast %scan3A_350 : i32 to index
        %get3A_398 = arith.constant 112 : index
        %get3A_399 = tpu.vector_load %arg12[%get3A_397, %get3A_398] {strides = array<i32>} : memref<80x128xf32, #tpu.memory_space<vmem>>, vector<1x16xf32>,
        %get3A_400 = vector.shape_cast %get3A_399 : vector<1x16xf32> to vector<16xf32>
        %add3A_401 = arith.addf %get3A_396, %get3A_400 : vector<16xf32>
        %swap3A_402 = arith.index_cast %scan3A_350 : i32 to index
        %swap3A_403 = arith.constant 48 : index
        %swap3A_404 = tpu.vector_load %arg13[%swap3A_402, %swap3A_403] {strides = array<i32>} : memref<80x64xf32, #tpu.memory_space<vmem>>, vector<1x16xf32>,
        %swap3A_405 = vector.shape_cast %swap3A_404 : vector<1x16xf32> to vector<16xf32>
        %swap3A_406 = vector.shape_cast %add3A_401 : vector<16xf32> to vector<1x16xf32>
        tpu.vector_store %arg13[%swap3A_402, %swap3A_403], %swap3A_406 {strides = array<i32>} : memref<80x64xf32, #tpu.memory_space<vmem>>, vector<1x16xf32>,
      }
      %scan3A_219 = arith.constant 80 : i32
      %add3A_220 = arith.constant 3 : i32
      %add3A_221 = arith.addi %add3A_196, %add3A_220 : i32
      %min3A_222 = arith.constant 124 : i32
      %min3A_223 = arith.minsi %add3A_221, %min3A_222 : i32
      %dma_start3A_224 = arith.constant 0 : i32
      %dma_start3A_225 = tpu.memref_slice %arg6[%min3A_223, %dma_start3A_224] : memref<125x80xi32, #tpu.memory_space<vmem>> -> memref<1x80xi32, #tpu.memory_space<vmem>>
      %dma_start3A_226 = tpu.memref_squeeze %dma_start3A_225 : memref<1x80xi32, #tpu.memory_space<vmem>> -> memref<80xi32, #tpu.memory_space<vmem>>
      %dma_start3A_227 = arith.constant 0 : i32
      %dma_start3A_228 = arith.constant 0 : i32
      %dma_start3A_229 = tpu.memref_slice %arg2[%dma_start3A_227, %dma_start3A_228] : memref<10000x128xf32, #tpu.memory_space<hbm>> -> memref<10000x128xf32, #tpu.memory_space<hbm>>
      tpu.enqueue_indirect_dma source(%dma_start3A_229 : memref<10000x128xf32, #tpu.memory_space<hbm>>) target(%arg11 : memref<80x128xf32, #tpu.memory_space<vmem>>) offsets(%dma_start3A_226 : memref<80xi32, #tpu.memory_space<vmem>>) semaphore(%arg18 : memref<!tpu.dma_semaphore, #tpu.memory_space<semaphore_mem>>)
      %dma_start3A_230 = arith.constant 0 : i32
      %dma_start3A_231 = tpu.memref_slice %arg7[%min3A_223, %dma_start3A_230] : memref<125x80xi32, #tpu.memory_space<vmem>> -> memref<1x80xi32, #tpu.memory_space<vmem>>
      %dma_start3A_232 = tpu.memref_squeeze %dma_start3A_231 : memref<1x80xi32, #tpu.memory_space<vmem>> -> memref<80xi32, #tpu.memory_space<vmem>>
      %dma_start3A_233 = arith.constant 0 : i32
      %dma_start3A_234 = arith.constant 0 : i32
      %dma_start3A_235 = tpu.memref_slice %arg2[%dma_start3A_233, %dma_start3A_234] : memref<10000x128xf32, #tpu.memory_space<hbm>> -> memref<10000x128xf32, #tpu.memory_space<hbm>>
      tpu.enqueue_indirect_dma source(%dma_start3A_235 : memref<10000x128xf32, #tpu.memory_space<hbm>>) target(%arg12 : memref<80x128xf32, #tpu.memory_space<vmem>>) offsets(%dma_start3A_232 : memref<80xi32, #tpu.memory_space<vmem>>) semaphore(%arg18 : memref<!tpu.dma_semaphore, #tpu.memory_space<semaphore_mem>>)
      %mul3A_236 = arith.constant 80 : i32
      %mul3A_237 = arith.muli %add3A_196, %mul3A_236 : i32
      %add3A_238 = arith.addi %mul3A_2, %mul3A_237 : i32
      %dma_start3A_239 = arith.constant 0 : i32
      %dma_start3A_240 = tpu.memref_slice %arg5[%add3A_238, %dma_start3A_239] : memref<320000x64xf32, #tpu.memory_space<hbm>> -> memref<80x64xf32, #tpu.memory_space<hbm>>
      %dma_start3A_241 = arith.constant 0 : i32
      %dma_start3A_242 = tpu.memref_slice %arg5[%add3A_238, %dma_start3A_241] : memref<320000x64xf32, #tpu.memory_space<hbm>> -> memref<80x64xf32, #tpu.memory_space<hbm>>
      tpu.enqueue_dma source(%arg13 : memref<80x64xf32, #tpu.memory_space<vmem>>) target(%dma_start3A_242 : memref<80x64xf32, #tpu.memory_space<hbm>>) target_semaphore(%arg21 : memref<!tpu.dma_semaphore, #tpu.memory_space<semaphore_mem>>)
      %mul3A_243 = arith.constant 3 : i32
      %mul3A_244 = arith.muli %mul3A_243, %scan3A_145 : i32
      %add3A_245 = arith.constant 2 : i32
      %add3A_246 = arith.addi %mul3A_244, %add3A_245 : i32
      %dma_wait3A_247 = arith.constant 0 : i32
      %dma_wait3A_248 = tpu.memref_slice %arg6[%add3A_246, %dma_wait3A_247] : memref<125x80xi32, #tpu.memory_space<vmem>> -> memref<1x80xi32, #tpu.memory_space<vmem>>
      %dma_wait3A_249 = tpu.memref_squeeze %dma_wait3A_248 : memref<1x80xi32, #tpu.memory_space<vmem>> -> memref<80xi32, #tpu.memory_space<vmem>>
      %dma_wait3A_250 = arith.constant 0 : i32
      %dma_wait3A_251 = arith.constant 0 : i32
      %dma_wait3A_252 = tpu.memref_slice %arg2[%dma_wait3A_250, %dma_wait3A_251] : memref<10000x128xf32, #tpu.memory_space<hbm>> -> memref<10000x128xf32, #tpu.memory_space<hbm>>
      tpu.wait_indirect_dma semaphore(%arg19 : memref<!tpu.dma_semaphore, #tpu.memory_space<semaphore_mem>>) src(%dma_wait3A_252 : memref<10000x128xf32, #tpu.memory_space<hbm>>) dst(%arg14 : memref<80x128xf32, #tpu.memory_space<vmem>>)
      %dma_wait3A_253 = arith.constant 0 : i32
      %dma_wait3A_254 = tpu.memref_slice %arg7[%add3A_246, %dma_wait3A_253] : memref<125x80xi32, #tpu.memory_space<vmem>> -> memref<1x80xi32, #tpu.memory_space<vmem>>
      %dma_wait3A_255 = tpu.memref_squeeze %dma_wait3A_254 : memref<1x80xi32, #tpu.memory_space<vmem>> -> memref<80xi32, #tpu.memory_space<vmem>>
      %dma_wait3A_256 = arith.constant 0 : i32
      %dma_wait3A_257 = arith.constant 0 : i32
      %dma_wait3A_258 = tpu.memref_slice %arg2[%dma_wait3A_256, %dma_wait3A_257] : memref<10000x128xf32, #tpu.memory_space<hbm>> -> memref<10000x128xf32, #tpu.memory_space<hbm>>
      tpu.wait_indirect_dma semaphore(%arg19 : memref<!tpu.dma_semaphore, #tpu.memory_space<semaphore_mem>>) src(%dma_wait3A_258 : memref<10000x128xf32, #tpu.memory_space<hbm>>) dst(%arg15 : memref<80x128xf32, #tpu.memory_space<vmem>>)
      %ge3A_259 = arith.constant 3 : i32
      %ge3A_260 = arith.cmpi sge, %add3A_246, %ge3A_259 : i32
      %convert_element_type3A_261 = arith.extui %ge3A_260 : i1 to i32
      %cond3A_262 = arith.constant 0 : i32
      %cond3A_263 = arith.cmpi ne, %convert_element_type3A_261, %cond3A_262 : i32
      scf.if %cond3A_263 {
        %sub3A = arith.constant 3 : i32
        %sub3A_294 = arith.subi %add3A_246, %sub3A : i32
        %mul3A_295 = arith.constant 80 : i32
        %mul3A_296 = arith.muli %sub3A_294, %mul3A_295 : i32
        %add3A_297 = arith.addi %mul3A_2, %mul3A_296 : i32
        %dma_wait3A_298 = arith.constant 0 : i32
        %dma_wait3A_299 = tpu.memref_slice %arg5[%add3A_297, %dma_wait3A_298] : memref<320000x64xf32, #tpu.memory_space<hbm>> -> memref<80x64xf32, #tpu.memory_space<hbm>>
        %dma_wait3A_300 = arith.constant 0 : i32
        %dma_wait3A_301 = tpu.memref_slice %arg5[%add3A_297, %dma_wait3A_300] : memref<320000x64xf32, #tpu.memory_space<hbm>> -> memref<80x64xf32, #tpu.memory_space<hbm>>
        tpu.wait_dma2 semaphore(%arg22 : memref<!tpu.dma_semaphore, #tpu.memory_space<semaphore_mem>>) src(%arg16 : memref<80x64xf32, #tpu.memory_space<vmem>>) dst(%dma_wait3A_301 : memref<80x64xf32, #tpu.memory_space<hbm>>)
      } else {
      }
      %scan3A_264 = arith.constant 0 : i32
      %scan3A_265 = arith.constant 0 : i32
      %scan3A_266 = arith.constant 80 : i32
      %scan3A_267 = arith.addi %scan3A_265, %scan3A_266 : i32
      %scan3A_268 = arith.constant 2 : i32
      scf.for %scan3A_294 = %scan3A_265 to %scan3A_267 step %scan3A_268  : i32 {
        %get3A = arith.index_cast %scan3A_294 : i32 to index
        %get3A_295 = arith.constant 0 : index
        %get3A_296 = tpu.vector_load %arg14[%get3A, %get3A_295] {strides = array<i32>} : memref<80x128xf32, #tpu.memory_space<vmem>>, vector<1x16xf32>,
        %get3A_297 = vector.shape_cast %get3A_296 : vector<1x16xf32> to vector<16xf32>
        %get3A_298 = arith.index_cast %scan3A_294 : i32 to index
        %get3A_299 = arith.constant 64 : index
        %get3A_300 = tpu.vector_load %arg15[%get3A_298, %get3A_299] {strides = array<i32>} : memref<80x128xf32, #tpu.memory_space<vmem>>, vector<1x16xf32>,
        %get3A_301 = vector.shape_cast %get3A_300 : vector<1x16xf32> to vector<16xf32>
        %add3A_302 = arith.addf %get3A_297, %get3A_301 : vector<16xf32>
        %swap3A = arith.index_cast %scan3A_294 : i32 to index
        %swap3A_303 = arith.constant 0 : index
        %swap3A_304 = tpu.vector_load %arg16[%swap3A, %swap3A_303] {strides = array<i32>} : memref<80x64xf32, #tpu.memory_space<vmem>>, vector<1x16xf32>,
        %swap3A_305 = vector.shape_cast %swap3A_304 : vector<1x16xf32> to vector<16xf32>
        %swap3A_306 = vector.shape_cast %add3A_302 : vector<16xf32> to vector<1x16xf32>
        tpu.vector_store %arg16[%swap3A, %swap3A_303], %swap3A_306 {strides = array<i32>} : memref<80x64xf32, #tpu.memory_space<vmem>>, vector<1x16xf32>,
        %get3A_307 = arith.index_cast %scan3A_294 : i32 to index
        %get3A_308 = arith.constant 16 : index
        %get3A_309 = tpu.vector_load %arg14[%get3A_307, %get3A_308] {strides = array<i32>} : memref<80x128xf32, #tpu.memory_space<vmem>>, vector<1x16xf32>,
        %get3A_310 = vector.shape_cast %get3A_309 : vector<1x16xf32> to vector<16xf32>
        %get3A_311 = arith.index_cast %scan3A_294 : i32 to index
        %get3A_312 = arith.constant 80 : index
        %get3A_313 = tpu.vector_load %arg15[%get3A_311, %get3A_312] {strides = array<i32>} : memref<80x128xf32, #tpu.memory_space<vmem>>, vector<1x16xf32>,
        %get3A_314 = vector.shape_cast %get3A_313 : vector<1x16xf32> to vector<16xf32>
        %add3A_315 = arith.addf %get3A_310, %get3A_314 : vector<16xf32>
        %swap3A_316 = arith.index_cast %scan3A_294 : i32 to index
        %swap3A_317 = arith.constant 16 : index
        %swap3A_318 = tpu.vector_load %arg16[%swap3A_316, %swap3A_317] {strides = array<i32>} : memref<80x64xf32, #tpu.memory_space<vmem>>, vector<1x16xf32>,
        %swap3A_319 = vector.shape_cast %swap3A_318 : vector<1x16xf32> to vector<16xf32>
        %swap3A_320 = vector.shape_cast %add3A_315 : vector<16xf32> to vector<1x16xf32>
        tpu.vector_store %arg16[%swap3A_316, %swap3A_317], %swap3A_320 {strides = array<i32>} : memref<80x64xf32, #tpu.memory_space<vmem>>, vector<1x16xf32>,
        %get3A_321 = arith.index_cast %scan3A_294 : i32 to index
        %get3A_322 = arith.constant 32 : index
        %get3A_323 = tpu.vector_load %arg14[%get3A_321, %get3A_322] {strides = array<i32>} : memref<80x128xf32, #tpu.memory_space<vmem>>, vector<1x16xf32>,
        %get3A_324 = vector.shape_cast %get3A_323 : vector<1x16xf32> to vector<16xf32>
        %get3A_325 = arith.index_cast %scan3A_294 : i32 to index
        %get3A_326 = arith.constant 96 : index
        %get3A_327 = tpu.vector_load %arg15[%get3A_325, %get3A_326] {strides = array<i32>} : memref<80x128xf32, #tpu.memory_space<vmem>>, vector<1x16xf32>,
        %get3A_328 = vector.shape_cast %get3A_327 : vector<1x16xf32> to vector<16xf32>
        %add3A_329 = arith.addf %get3A_324, %get3A_328 : vector<16xf32>
        %swap3A_330 = arith.index_cast %scan3A_294 : i32 to index
        %swap3A_331 = arith.constant 32 : index
        %swap3A_332 = tpu.vector_load %arg16[%swap3A_330, %swap3A_331] {strides = array<i32>} : memref<80x64xf32, #tpu.memory_space<vmem>>, vector<1x16xf32>,
        %swap3A_333 = vector.shape_cast %swap3A_332 : vector<1x16xf32> to vector<16xf32>
        %swap3A_334 = vector.shape_cast %add3A_329 : vector<16xf32> to vector<1x16xf32>
        tpu.vector_store %arg16[%swap3A_330, %swap3A_331], %swap3A_334 {strides = array<i32>} : memref<80x64xf32, #tpu.memory_space<vmem>>, vector<1x16xf32>,
        %get3A_335 = arith.index_cast %scan3A_294 : i32 to index
        %get3A_336 = arith.constant 48 : index
        %get3A_337 = tpu.vector_load %arg14[%get3A_335, %get3A_336] {strides = array<i32>} : memref<80x128xf32, #tpu.memory_space<vmem>>, vector<1x16xf32>,
        %get3A_338 = vector.shape_cast %get3A_337 : vector<1x16xf32> to vector<16xf32>
        %get3A_339 = arith.index_cast %scan3A_294 : i32 to index
        %get3A_340 = arith.constant 112 : index
        %get3A_341 = tpu.vector_load %arg15[%get3A_339, %get3A_340] {strides = array<i32>} : memref<80x128xf32, #tpu.memory_space<vmem>>, vector<1x16xf32>,
        %get3A_342 = vector.shape_cast %get3A_341 : vector<1x16xf32> to vector<16xf32>
        %add3A_343 = arith.addf %get3A_338, %get3A_342 : vector<16xf32>
        %swap3A_344 = arith.index_cast %scan3A_294 : i32 to index
        %swap3A_345 = arith.constant 48 : index
        %swap3A_346 = tpu.vector_load %arg16[%swap3A_344, %swap3A_345] {strides = array<i32>} : memref<80x64xf32, #tpu.memory_space<vmem>>, vector<1x16xf32>,
        %swap3A_347 = vector.shape_cast %swap3A_346 : vector<1x16xf32> to vector<16xf32>
        %swap3A_348 = vector.shape_cast %add3A_343 : vector<16xf32> to vector<1x16xf32>
        tpu.vector_store %arg16[%swap3A_344, %swap3A_345], %swap3A_348 {strides = array<i32>} : memref<80x64xf32, #tpu.memory_space<vmem>>, vector<1x16xf32>,
        %scan3A_349 = arith.constant 1 : i32
        %scan3A_350 = arith.addi %scan3A_294, %scan3A_349 : i32
        %get3A_351 = arith.index_cast %scan3A_350 : i32 to index
        %get3A_352 = arith.constant 0 : index
        %get3A_353 = tpu.vector_load %arg14[%get3A_351, %get3A_352] {strides = array<i32>} : memref<80x128xf32, #tpu.memory_space<vmem>>, vector<1x16xf32>,
        %get3A_354 = vector.shape_cast %get3A_353 : vector<1x16xf32> to vector<16xf32>
        %get3A_355 = arith.index_cast %scan3A_350 : i32 to index
        %get3A_356 = arith.constant 64 : index
        %get3A_357 = tpu.vector_load %arg15[%get3A_355, %get3A_356] {strides = array<i32>} : memref<80x128xf32, #tpu.memory_space<vmem>>, vector<1x16xf32>,
        %get3A_358 = vector.shape_cast %get3A_357 : vector<1x16xf32> to vector<16xf32>
        %add3A_359 = arith.addf %get3A_354, %get3A_358 : vector<16xf32>
        %swap3A_360 = arith.index_cast %scan3A_350 : i32 to index
        %swap3A_361 = arith.constant 0 : index
        %swap3A_362 = tpu.vector_load %arg16[%swap3A_360, %swap3A_361] {strides = array<i32>} : memref<80x64xf32, #tpu.memory_space<vmem>>, vector<1x16xf32>,
        %swap3A_363 = vector.shape_cast %swap3A_362 : vector<1x16xf32> to vector<16xf32>
        %swap3A_364 = vector.shape_cast %add3A_359 : vector<16xf32> to vector<1x16xf32>
        tpu.vector_store %arg16[%swap3A_360, %swap3A_361], %swap3A_364 {strides = array<i32>} : memref<80x64xf32, #tpu.memory_space<vmem>>, vector<1x16xf32>,
        %get3A_365 = arith.index_cast %scan3A_350 : i32 to index
        %get3A_366 = arith.constant 16 : index
        %get3A_367 = tpu.vector_load %arg14[%get3A_365, %get3A_366] {strides = array<i32>} : memref<80x128xf32, #tpu.memory_space<vmem>>, vector<1x16xf32>,
        %get3A_368 = vector.shape_cast %get3A_367 : vector<1x16xf32> to vector<16xf32>
        %get3A_369 = arith.index_cast %scan3A_350 : i32 to index
        %get3A_370 = arith.constant 80 : index
        %get3A_371 = tpu.vector_load %arg15[%get3A_369, %get3A_370] {strides = array<i32>} : memref<80x128xf32, #tpu.memory_space<vmem>>, vector<1x16xf32>,
        %get3A_372 = vector.shape_cast %get3A_371 : vector<1x16xf32> to vector<16xf32>
        %add3A_373 = arith.addf %get3A_368, %get3A_372 : vector<16xf32>
        %swap3A_374 = arith.index_cast %scan3A_350 : i32 to index
        %swap3A_375 = arith.constant 16 : index
        %swap3A_376 = tpu.vector_load %arg16[%swap3A_374, %swap3A_375] {strides = array<i32>} : memref<80x64xf32, #tpu.memory_space<vmem>>, vector<1x16xf32>,
        %swap3A_377 = vector.shape_cast %swap3A_376 : vector<1x16xf32> to vector<16xf32>
        %swap3A_378 = vector.shape_cast %add3A_373 : vector<16xf32> to vector<1x16xf32>
        tpu.vector_store %arg16[%swap3A_374, %swap3A_375], %swap3A_378 {strides = array<i32>} : memref<80x64xf32, #tpu.memory_space<vmem>>, vector<1x16xf32>,
        %get3A_379 = arith.index_cast %scan3A_350 : i32 to index
        %get3A_380 = arith.constant 32 : index
        %get3A_381 = tpu.vector_load %arg14[%get3A_379, %get3A_380] {strides = array<i32>} : memref<80x128xf32, #tpu.memory_space<vmem>>, vector<1x16xf32>,
        %get3A_382 = vector.shape_cast %get3A_381 : vector<1x16xf32> to vector<16xf32>
        %get3A_383 = arith.index_cast %scan3A_350 : i32 to index
        %get3A_384 = arith.constant 96 : index
        %get3A_385 = tpu.vector_load %arg15[%get3A_383, %get3A_384] {strides = array<i32>} : memref<80x128xf32, #tpu.memory_space<vmem>>, vector<1x16xf32>,
        %get3A_386 = vector.shape_cast %get3A_385 : vector<1x16xf32> to vector<16xf32>
        %add3A_387 = arith.addf %get3A_382, %get3A_386 : vector<16xf32>
        %swap3A_388 = arith.index_cast %scan3A_350 : i32 to index
        %swap3A_389 = arith.constant 32 : index
        %swap3A_390 = tpu.vector_load %arg16[%swap3A_388, %swap3A_389] {strides = array<i32>} : memref<80x64xf32, #tpu.memory_space<vmem>>, vector<1x16xf32>,
        %swap3A_391 = vector.shape_cast %swap3A_390 : vector<1x16xf32> to vector<16xf32>
        %swap3A_392 = vector.shape_cast %add3A_387 : vector<16xf32> to vector<1x16xf32>
        tpu.vector_store %arg16[%swap3A_388, %swap3A_389], %swap3A_392 {strides = array<i32>} : memref<80x64xf32, #tpu.memory_space<vmem>>, vector<1x16xf32>,
        %get3A_393 = arith.index_cast %scan3A_350 : i32 to index
        %get3A_394 = arith.constant 48 : index
        %get3A_395 = tpu.vector_load %arg14[%get3A_393, %get3A_394] {strides = array<i32>} : memref<80x128xf32, #tpu.memory_space<vmem>>, vector<1x16xf32>,
        %get3A_396 = vector.shape_cast %get3A_395 : vector<1x16xf32> to vector<16xf32>
        %get3A_397 = arith.index_cast %scan3A_350 : i32 to index
        %get3A_398 = arith.constant 112 : index
        %get3A_399 = tpu.vector_load %arg15[%get3A_397, %get3A_398] {strides = array<i32>} : memref<80x128xf32, #tpu.memory_space<vmem>>, vector<1x16xf32>,
        %get3A_400 = vector.shape_cast %get3A_399 : vector<1x16xf32> to vector<16xf32>
        %add3A_401 = arith.addf %get3A_396, %get3A_400 : vector<16xf32>
        %swap3A_402 = arith.index_cast %scan3A_350 : i32 to index
        %swap3A_403 = arith.constant 48 : index
        %swap3A_404 = tpu.vector_load %arg16[%swap3A_402, %swap3A_403] {strides = array<i32>} : memref<80x64xf32, #tpu.memory_space<vmem>>, vector<1x16xf32>,
        %swap3A_405 = vector.shape_cast %swap3A_404 : vector<1x16xf32> to vector<16xf32>
        %swap3A_406 = vector.shape_cast %add3A_401 : vector<16xf32> to vector<1x16xf32>
        tpu.vector_store %arg16[%swap3A_402, %swap3A_403], %swap3A_406 {strides = array<i32>} : memref<80x64xf32, #tpu.memory_space<vmem>>, vector<1x16xf32>,
      }
      %scan3A_269 = arith.constant 80 : i32
      %add3A_270 = arith.constant 3 : i32
      %add3A_271 = arith.addi %add3A_246, %add3A_270 : i32
      %min3A_272 = arith.constant 124 : i32
      %min3A_273 = arith.minsi %add3A_271, %min3A_272 : i32
      %dma_start3A_274 = arith.constant 0 : i32
      %dma_start3A_275 = tpu.memref_slice %arg6[%min3A_273, %dma_start3A_274] : memref<125x80xi32, #tpu.memory_space<vmem>> -> memref<1x80xi32, #tpu.memory_space<vmem>>
      %dma_start3A_276 = tpu.memref_squeeze %dma_start3A_275 : memref<1x80xi32, #tpu.memory_space<vmem>> -> memref<80xi32, #tpu.memory_space<vmem>>
      %dma_start3A_277 = arith.constant 0 : i32
      %dma_start3A_278 = arith.constant 0 : i32
      %dma_start3A_279 = tpu.memref_slice %arg2[%dma_start3A_277, %dma_start3A_278] : memref<10000x128xf32, #tpu.memory_space<hbm>> -> memref<10000x128xf32, #tpu.memory_space<hbm>>
      tpu.enqueue_indirect_dma source(%dma_start3A_279 : memref<10000x128xf32, #tpu.memory_space<hbm>>) target(%arg14 : memref<80x128xf32, #tpu.memory_space<vmem>>) offsets(%dma_start3A_276 : memref<80xi32, #tpu.memory_space<vmem>>) semaphore(%arg19 : memref<!tpu.dma_semaphore, #tpu.memory_space<semaphore_mem>>)
      %dma_start3A_280 = arith.constant 0 : i32
      %dma_start3A_281 = tpu.memref_slice %arg7[%min3A_273, %dma_start3A_280] : memref<125x80xi32, #tpu.memory_space<vmem>> -> memref<1x80xi32, #tpu.memory_space<vmem>>
      %dma_start3A_282 = tpu.memref_squeeze %dma_start3A_281 : memref<1x80xi32, #tpu.memory_space<vmem>> -> memref<80xi32, #tpu.memory_space<vmem>>
      %dma_start3A_283 = arith.constant 0 : i32
      %dma_start3A_284 = arith.constant 0 : i32
      %dma_start3A_285 = tpu.memref_slice %arg2[%dma_start3A_283, %dma_start3A_284] : memref<10000x128xf32, #tpu.memory_space<hbm>> -> memref<10000x128xf32, #tpu.memory_space<hbm>>
      tpu.enqueue_indirect_dma source(%dma_start3A_285 : memref<10000x128xf32, #tpu.memory_space<hbm>>) target(%arg15 : memref<80x128xf32, #tpu.memory_space<vmem>>) offsets(%dma_start3A_282 : memref<80xi32, #tpu.memory_space<vmem>>) semaphore(%arg19 : memref<!tpu.dma_semaphore, #tpu.memory_space<semaphore_mem>>)
      %mul3A_286 = arith.constant 80 : i32
      %mul3A_287 = arith.muli %add3A_246, %mul3A_286 : i32
      %add3A_288 = arith.addi %mul3A_2, %mul3A_287 : i32
      %dma_start3A_289 = arith.constant 0 : i32
      %dma_start3A_290 = tpu.memref_slice %arg5[%add3A_288, %dma_start3A_289] : memref<320000x64xf32, #tpu.memory_space<hbm>> -> memref<80x64xf32, #tpu.memory_space<hbm>>
      %dma_start3A_291 = arith.constant 0 : i32
      %dma_start3A_292 = tpu.memref_slice %arg5[%add3A_288, %dma_start3A_291] : memref<320000x64xf32, #tpu.memory_space<hbm>> -> memref<80x64xf32, #tpu.memory_space<hbm>>
      tpu.enqueue_dma source(%arg16 : memref<80x64xf32, #tpu.memory_space<vmem>>) target(%dma_start3A_292 : memref<80x64xf32, #tpu.memory_space<hbm>>) target_semaphore(%arg22 : memref<!tpu.dma_semaphore, #tpu.memory_space<semaphore_mem>>)
      %scan3A_293 = arith.constant 0 : i32
      scf.yield %scan3A_293 : i32
    }
    %scan3A_49 = arith.constant 41 : i32
    %dma_wait3A = arith.constant 123 : i32
    %dma_wait3A_50 = arith.constant 0 : i32
    %dma_wait3A_51 = tpu.memref_slice %arg6[%dma_wait3A, %dma_wait3A_50] : memref<125x80xi32, #tpu.memory_space<vmem>> -> memref<1x80xi32, #tpu.memory_space<vmem>>
    %dma_wait3A_52 = tpu.memref_squeeze %dma_wait3A_51 : memref<1x80xi32, #tpu.memory_space<vmem>> -> memref<80xi32, #tpu.memory_space<vmem>>
    %dma_wait3A_53 = arith.constant 0 : i32
    %dma_wait3A_54 = arith.constant 0 : i32
    %dma_wait3A_55 = tpu.memref_slice %arg2[%dma_wait3A_53, %dma_wait3A_54] : memref<10000x128xf32, #tpu.memory_space<hbm>> -> memref<10000x128xf32, #tpu.memory_space<hbm>>
    tpu.wait_indirect_dma semaphore(%arg17 : memref<!tpu.dma_semaphore, #tpu.memory_space<semaphore_mem>>) src(%dma_wait3A_55 : memref<10000x128xf32, #tpu.memory_space<hbm>>) dst(%arg8 : memref<80x128xf32, #tpu.memory_space<vmem>>)
    %dma_wait3A_56 = arith.constant 123 : i32
    %dma_wait3A_57 = arith.constant 0 : i32
    %dma_wait3A_58 = tpu.memref_slice %arg7[%dma_wait3A_56, %dma_wait3A_57] : memref<125x80xi32, #tpu.memory_space<vmem>> -> memref<1x80xi32, #tpu.memory_space<vmem>>
    %dma_wait3A_59 = tpu.memref_squeeze %dma_wait3A_58 : memref<1x80xi32, #tpu.memory_space<vmem>> -> memref<80xi32, #tpu.memory_space<vmem>>
    %dma_wait3A_60 = arith.constant 0 : i32
    %dma_wait3A_61 = arith.constant 0 : i32
    %dma_wait3A_62 = tpu.memref_slice %arg2[%dma_wait3A_60, %dma_wait3A_61] : memref<10000x128xf32, #tpu.memory_space<hbm>> -> memref<10000x128xf32, #tpu.memory_space<hbm>>
    tpu.wait_indirect_dma semaphore(%arg17 : memref<!tpu.dma_semaphore, #tpu.memory_space<semaphore_mem>>) src(%dma_wait3A_62 : memref<10000x128xf32, #tpu.memory_space<hbm>>) dst(%arg9 : memref<80x128xf32, #tpu.memory_space<vmem>>)
    %add3A_63 = arith.constant 9600 : i32
    %add3A_64 = arith.addi %mul3A_2, %add3A_63 : i32
    %dma_wait3A_65 = arith.constant 0 : i32
    %dma_wait3A_66 = tpu.memref_slice %arg5[%add3A_64, %dma_wait3A_65] : memref<320000x64xf32, #tpu.memory_space<hbm>> -> memref<80x64xf32, #tpu.memory_space<hbm>>
    %dma_wait3A_67 = arith.constant 0 : i32
    %dma_wait3A_68 = tpu.memref_slice %arg5[%add3A_64, %dma_wait3A_67] : memref<320000x64xf32, #tpu.memory_space<hbm>> -> memref<80x64xf32, #tpu.memory_space<hbm>>
    tpu.wait_dma2 semaphore(%arg20 : memref<!tpu.dma_semaphore, #tpu.memory_space<semaphore_mem>>) src(%arg10 : memref<80x64xf32, #tpu.memory_space<vmem>>) dst(%dma_wait3A_68 : memref<80x64xf32, #tpu.memory_space<hbm>>)
    %scan3A_69 = arith.constant 0 : i32
    %scan3A_70 = arith.constant 0 : i32
    %scan3A_71 = arith.constant 80 : i32
    %scan3A_72 = arith.addi %scan3A_70, %scan3A_71 : i32
    %scan3A_73 = arith.constant 2 : i32
    scf.for %scan3A_145 = %scan3A_70 to %scan3A_72 step %scan3A_73  : i32 {
      %get3A = arith.index_cast %scan3A_145 : i32 to index
      %get3A_146 = arith.constant 0 : index
      %get3A_147 = tpu.vector_load %arg8[%get3A, %get3A_146] {strides = array<i32>} : memref<80x128xf32, #tpu.memory_space<vmem>>, vector<1x16xf32>,
      %get3A_148 = vector.shape_cast %get3A_147 : vector<1x16xf32> to vector<16xf32>
      %get3A_149 = arith.index_cast %scan3A_145 : i32 to index
      %get3A_150 = arith.constant 64 : index
      %get3A_151 = tpu.vector_load %arg9[%get3A_149, %get3A_150] {strides = array<i32>} : memref<80x128xf32, #tpu.memory_space<vmem>>, vector<1x16xf32>,
      %get3A_152 = vector.shape_cast %get3A_151 : vector<1x16xf32> to vector<16xf32>
      %add3A_153 = arith.addf %get3A_148, %get3A_152 : vector<16xf32>
      %swap3A = arith.index_cast %scan3A_145 : i32 to index
      %swap3A_154 = arith.constant 0 : index
      %swap3A_155 = tpu.vector_load %arg10[%swap3A, %swap3A_154] {strides = array<i32>} : memref<80x64xf32, #tpu.memory_space<vmem>>, vector<1x16xf32>,
      %swap3A_156 = vector.shape_cast %swap3A_155 : vector<1x16xf32> to vector<16xf32>
      %swap3A_157 = vector.shape_cast %add3A_153 : vector<16xf32> to vector<1x16xf32>
      tpu.vector_store %arg10[%swap3A, %swap3A_154], %swap3A_157 {strides = array<i32>} : memref<80x64xf32, #tpu.memory_space<vmem>>, vector<1x16xf32>,
      %get3A_158 = arith.index_cast %scan3A_145 : i32 to index
      %get3A_159 = arith.constant 16 : index
      %get3A_160 = tpu.vector_load %arg8[%get3A_158, %get3A_159] {strides = array<i32>} : memref<80x128xf32, #tpu.memory_space<vmem>>, vector<1x16xf32>,
      %get3A_161 = vector.shape_cast %get3A_160 : vector<1x16xf32> to vector<16xf32>
      %get3A_162 = arith.index_cast %scan3A_145 : i32 to index
      %get3A_163 = arith.constant 80 : index
      %get3A_164 = tpu.vector_load %arg9[%get3A_162, %get3A_163] {strides = array<i32>} : memref<80x128xf32, #tpu.memory_space<vmem>>, vector<1x16xf32>,
      %get3A_165 = vector.shape_cast %get3A_164 : vector<1x16xf32> to vector<16xf32>
      %add3A_166 = arith.addf %get3A_161, %get3A_165 : vector<16xf32>
      %swap3A_167 = arith.index_cast %scan3A_145 : i32 to index
      %swap3A_168 = arith.constant 16 : index
      %swap3A_169 = tpu.vector_load %arg10[%swap3A_167, %swap3A_168] {strides = array<i32>} : memref<80x64xf32, #tpu.memory_space<vmem>>, vector<1x16xf32>,
      %swap3A_170 = vector.shape_cast %swap3A_169 : vector<1x16xf32> to vector<16xf32>
      %swap3A_171 = vector.shape_cast %add3A_166 : vector<16xf32> to vector<1x16xf32>
      tpu.vector_store %arg10[%swap3A_167, %swap3A_168], %swap3A_171 {strides = array<i32>} : memref<80x64xf32, #tpu.memory_space<vmem>>, vector<1x16xf32>,
      %get3A_172 = arith.index_cast %scan3A_145 : i32 to index
      %get3A_173 = arith.constant 32 : index
      %get3A_174 = tpu.vector_load %arg8[%get3A_172, %get3A_173] {strides = array<i32>} : memref<80x128xf32, #tpu.memory_space<vmem>>, vector<1x16xf32>,
      %get3A_175 = vector.shape_cast %get3A_174 : vector<1x16xf32> to vector<16xf32>
      %get3A_176 = arith.index_cast %scan3A_145 : i32 to index
      %get3A_177 = arith.constant 96 : index
      %get3A_178 = tpu.vector_load %arg9[%get3A_176, %get3A_177] {strides = array<i32>} : memref<80x128xf32, #tpu.memory_space<vmem>>, vector<1x16xf32>,
      %get3A_179 = vector.shape_cast %get3A_178 : vector<1x16xf32> to vector<16xf32>
      %add3A_180 = arith.addf %get3A_175, %get3A_179 : vector<16xf32>
      %swap3A_181 = arith.index_cast %scan3A_145 : i32 to index
      %swap3A_182 = arith.constant 32 : index
      %swap3A_183 = tpu.vector_load %arg10[%swap3A_181, %swap3A_182] {strides = array<i32>} : memref<80x64xf32, #tpu.memory_space<vmem>>, vector<1x16xf32>,
      %swap3A_184 = vector.shape_cast %swap3A_183 : vector<1x16xf32> to vector<16xf32>
      %swap3A_185 = vector.shape_cast %add3A_180 : vector<16xf32> to vector<1x16xf32>
      tpu.vector_store %arg10[%swap3A_181, %swap3A_182], %swap3A_185 {strides = array<i32>} : memref<80x64xf32, #tpu.memory_space<vmem>>, vector<1x16xf32>,
      %get3A_186 = arith.index_cast %scan3A_145 : i32 to index
      %get3A_187 = arith.constant 48 : index
      %get3A_188 = tpu.vector_load %arg8[%get3A_186, %get3A_187] {strides = array<i32>} : memref<80x128xf32, #tpu.memory_space<vmem>>, vector<1x16xf32>,
      %get3A_189 = vector.shape_cast %get3A_188 : vector<1x16xf32> to vector<16xf32>
      %get3A_190 = arith.index_cast %scan3A_145 : i32 to index
      %get3A_191 = arith.constant 112 : index
      %get3A_192 = tpu.vector_load %arg9[%get3A_190, %get3A_191] {strides = array<i32>} : memref<80x128xf32, #tpu.memory_space<vmem>>, vector<1x16xf32>,
      %get3A_193 = vector.shape_cast %get3A_192 : vector<1x16xf32> to vector<16xf32>
      %add3A_194 = arith.addf %get3A_189, %get3A_193 : vector<16xf32>
      %swap3A_195 = arith.index_cast %scan3A_145 : i32 to index
      %swap3A_196 = arith.constant 48 : index
      %swap3A_197 = tpu.vector_load %arg10[%swap3A_195, %swap3A_196] {strides = array<i32>} : memref<80x64xf32, #tpu.memory_space<vmem>>, vector<1x16xf32>,
      %swap3A_198 = vector.shape_cast %swap3A_197 : vector<1x16xf32> to vector<16xf32>
      %swap3A_199 = vector.shape_cast %add3A_194 : vector<16xf32> to vector<1x16xf32>
      tpu.vector_store %arg10[%swap3A_195, %swap3A_196], %swap3A_199 {strides = array<i32>} : memref<80x64xf32, #tpu.memory_space<vmem>>, vector<1x16xf32>,
      %scan3A_200 = arith.constant 1 : i32
      %scan3A_201 = arith.addi %scan3A_145, %scan3A_200 : i32
      %get3A_202 = arith.index_cast %scan3A_201 : i32 to index
      %get3A_203 = arith.constant 0 : index
      %get3A_204 = tpu.vector_load %arg8[%get3A_202, %get3A_203] {strides = array<i32>} : memref<80x128xf32, #tpu.memory_space<vmem>>, vector<1x16xf32>,
      %get3A_205 = vector.shape_cast %get3A_204 : vector<1x16xf32> to vector<16xf32>
      %get3A_206 = arith.index_cast %scan3A_201 : i32 to index
      %get3A_207 = arith.constant 64 : index
      %get3A_208 = tpu.vector_load %arg9[%get3A_206, %get3A_207] {strides = array<i32>} : memref<80x128xf32, #tpu.memory_space<vmem>>, vector<1x16xf32>,
      %get3A_209 = vector.shape_cast %get3A_208 : vector<1x16xf32> to vector<16xf32>
      %add3A_210 = arith.addf %get3A_205, %get3A_209 : vector<16xf32>
      %swap3A_211 = arith.index_cast %scan3A_201 : i32 to index
      %swap3A_212 = arith.constant 0 : index
      %swap3A_213 = tpu.vector_load %arg10[%swap3A_211, %swap3A_212] {strides = array<i32>} : memref<80x64xf32, #tpu.memory_space<vmem>>, vector<1x16xf32>,
      %swap3A_214 = vector.shape_cast %swap3A_213 : vector<1x16xf32> to vector<16xf32>
      %swap3A_215 = vector.shape_cast %add3A_210 : vector<16xf32> to vector<1x16xf32>
      tpu.vector_store %arg10[%swap3A_211, %swap3A_212], %swap3A_215 {strides = array<i32>} : memref<80x64xf32, #tpu.memory_space<vmem>>, vector<1x16xf32>,
      %get3A_216 = arith.index_cast %scan3A_201 : i32 to index
      %get3A_217 = arith.constant 16 : index
      %get3A_218 = tpu.vector_load %arg8[%get3A_216, %get3A_217] {strides = array<i32>} : memref<80x128xf32, #tpu.memory_space<vmem>>, vector<1x16xf32>,
      %get3A_219 = vector.shape_cast %get3A_218 : vector<1x16xf32> to vector<16xf32>
      %get3A_220 = arith.index_cast %scan3A_201 : i32 to index
      %get3A_221 = arith.constant 80 : index
      %get3A_222 = tpu.vector_load %arg9[%get3A_220, %get3A_221] {strides = array<i32>} : memref<80x128xf32, #tpu.memory_space<vmem>>, vector<1x16xf32>,
      %get3A_223 = vector.shape_cast %get3A_222 : vector<1x16xf32> to vector<16xf32>
      %add3A_224 = arith.addf %get3A_219, %get3A_223 : vector<16xf32>
      %swap3A_225 = arith.index_cast %scan3A_201 : i32 to index
      %swap3A_226 = arith.constant 16 : index
      %swap3A_227 = tpu.vector_load %arg10[%swap3A_225, %swap3A_226] {strides = array<i32>} : memref<80x64xf32, #tpu.memory_space<vmem>>, vector<1x16xf32>,
      %swap3A_228 = vector.shape_cast %swap3A_227 : vector<1x16xf32> to vector<16xf32>
      %swap3A_229 = vector.shape_cast %add3A_224 : vector<16xf32> to vector<1x16xf32>
      tpu.vector_store %arg10[%swap3A_225, %swap3A_226], %swap3A_229 {strides = array<i32>} : memref<80x64xf32, #tpu.memory_space<vmem>>, vector<1x16xf32>,
      %get3A_230 = arith.index_cast %scan3A_201 : i32 to index
      %get3A_231 = arith.constant 32 : index
      %get3A_232 = tpu.vector_load %arg8[%get3A_230, %get3A_231] {strides = array<i32>} : memref<80x128xf32, #tpu.memory_space<vmem>>, vector<1x16xf32>,
      %get3A_233 = vector.shape_cast %get3A_232 : vector<1x16xf32> to vector<16xf32>
      %get3A_234 = arith.index_cast %scan3A_201 : i32 to index
      %get3A_235 = arith.constant 96 : index
      %get3A_236 = tpu.vector_load %arg9[%get3A_234, %get3A_235] {strides = array<i32>} : memref<80x128xf32, #tpu.memory_space<vmem>>, vector<1x16xf32>,
      %get3A_237 = vector.shape_cast %get3A_236 : vector<1x16xf32> to vector<16xf32>
      %add3A_238 = arith.addf %get3A_233, %get3A_237 : vector<16xf32>
      %swap3A_239 = arith.index_cast %scan3A_201 : i32 to index
      %swap3A_240 = arith.constant 32 : index
      %swap3A_241 = tpu.vector_load %arg10[%swap3A_239, %swap3A_240] {strides = array<i32>} : memref<80x64xf32, #tpu.memory_space<vmem>>, vector<1x16xf32>,
      %swap3A_242 = vector.shape_cast %swap3A_241 : vector<1x16xf32> to vector<16xf32>
      %swap3A_243 = vector.shape_cast %add3A_238 : vector<16xf32> to vector<1x16xf32>
      tpu.vector_store %arg10[%swap3A_239, %swap3A_240], %swap3A_243 {strides = array<i32>} : memref<80x64xf32, #tpu.memory_space<vmem>>, vector<1x16xf32>,
      %get3A_244 = arith.index_cast %scan3A_201 : i32 to index
      %get3A_245 = arith.constant 48 : index
      %get3A_246 = tpu.vector_load %arg8[%get3A_244, %get3A_245] {strides = array<i32>} : memref<80x128xf32, #tpu.memory_space<vmem>>, vector<1x16xf32>,
      %get3A_247 = vector.shape_cast %get3A_246 : vector<1x16xf32> to vector<16xf32>
      %get3A_248 = arith.index_cast %scan3A_201 : i32 to index
      %get3A_249 = arith.constant 112 : index
      %get3A_250 = tpu.vector_load %arg9[%get3A_248, %get3A_249] {strides = array<i32>} : memref<80x128xf32, #tpu.memory_space<vmem>>, vector<1x16xf32>,
      %get3A_251 = vector.shape_cast %get3A_250 : vector<1x16xf32> to vector<16xf32>
      %add3A_252 = arith.addf %get3A_247, %get3A_251 : vector<16xf32>
      %swap3A_253 = arith.index_cast %scan3A_201 : i32 to index
      %swap3A_254 = arith.constant 48 : index
      %swap3A_255 = tpu.vector_load %arg10[%swap3A_253, %swap3A_254] {strides = array<i32>} : memref<80x64xf32, #tpu.memory_space<vmem>>, vector<1x16xf32>,
      %swap3A_256 = vector.shape_cast %swap3A_255 : vector<1x16xf32> to vector<16xf32>
      %swap3A_257 = vector.shape_cast %add3A_252 : vector<16xf32> to vector<1x16xf32>
      tpu.vector_store %arg10[%swap3A_253, %swap3A_254], %swap3A_257 {strides = array<i32>} : memref<80x64xf32, #tpu.memory_space<vmem>>, vector<1x16xf32>,
    }
    %scan3A_74 = arith.constant 80 : i32
    %add3A_75 = arith.constant 9840 : i32
    %add3A_76 = arith.addi %mul3A_2, %add3A_75 : i32
    %dma_start3A_77 = arith.constant 0 : i32
    %dma_start3A_78 = tpu.memref_slice %arg5[%add3A_76, %dma_start3A_77] : memref<320000x64xf32, #tpu.memory_space<hbm>> -> memref<80x64xf32, #tpu.memory_space<hbm>>
    %dma_start3A_79 = arith.constant 0 : i32
    %dma_start3A_80 = tpu.memref_slice %arg5[%add3A_76, %dma_start3A_79] : memref<320000x64xf32, #tpu.memory_space<hbm>> -> memref<80x64xf32, #tpu.memory_space<hbm>>
    tpu.enqueue_dma source(%arg10 : memref<80x64xf32, #tpu.memory_space<vmem>>) target(%dma_start3A_80 : memref<80x64xf32, #tpu.memory_space<hbm>>) target_semaphore(%arg20 : memref<!tpu.dma_semaphore, #tpu.memory_space<semaphore_mem>>)
    %dma_wait3A_81 = arith.constant 124 : i32
    %dma_wait3A_82 = arith.constant 0 : i32
    %dma_wait3A_83 = tpu.memref_slice %arg6[%dma_wait3A_81, %dma_wait3A_82] : memref<125x80xi32, #tpu.memory_space<vmem>> -> memref<1x80xi32, #tpu.memory_space<vmem>>
    %dma_wait3A_84 = tpu.memref_squeeze %dma_wait3A_83 : memref<1x80xi32, #tpu.memory_space<vmem>> -> memref<80xi32, #tpu.memory_space<vmem>>
    %dma_wait3A_85 = arith.constant 0 : i32
    %dma_wait3A_86 = arith.constant 0 : i32
    %dma_wait3A_87 = tpu.memref_slice %arg2[%dma_wait3A_85, %dma_wait3A_86] : memref<10000x128xf32, #tpu.memory_space<hbm>> -> memref<10000x128xf32, #tpu.memory_space<hbm>>
    tpu.wait_indirect_dma semaphore(%arg18 : memref<!tpu.dma_semaphore, #tpu.memory_space<semaphore_mem>>) src(%dma_wait3A_87 : memref<10000x128xf32, #tpu.memory_space<hbm>>) dst(%arg11 : memref<80x128xf32, #tpu.memory_space<vmem>>)
    %dma_wait3A_88 = arith.constant 124 : i32
    %dma_wait3A_89 = arith.constant 0 : i32
    %dma_wait3A_90 = tpu.memref_slice %arg7[%dma_wait3A_88, %dma_wait3A_89] : memref<125x80xi32, #tpu.memory_space<vmem>> -> memref<1x80xi32, #tpu.memory_space<vmem>>
    %dma_wait3A_91 = tpu.memref_squeeze %dma_wait3A_90 : memref<1x80xi32, #tpu.memory_space<vmem>> -> memref<80xi32, #tpu.memory_space<vmem>>
    %dma_wait3A_92 = arith.constant 0 : i32
    %dma_wait3A_93 = arith.constant 0 : i32
    %dma_wait3A_94 = tpu.memref_slice %arg2[%dma_wait3A_92, %dma_wait3A_93] : memref<10000x128xf32, #tpu.memory_space<hbm>> -> memref<10000x128xf32, #tpu.memory_space<hbm>>
    tpu.wait_indirect_dma semaphore(%arg18 : memref<!tpu.dma_semaphore, #tpu.memory_space<semaphore_mem>>) src(%dma_wait3A_94 : memref<10000x128xf32, #tpu.memory_space<hbm>>) dst(%arg12 : memref<80x128xf32, #tpu.memory_space<vmem>>)
    %add3A_95 = arith.constant 9680 : i32
    %add3A_96 = arith.addi %mul3A_2, %add3A_95 : i32
    %dma_wait3A_97 = arith.constant 0 : i32
    %dma_wait3A_98 = tpu.memref_slice %arg5[%add3A_96, %dma_wait3A_97] : memref<320000x64xf32, #tpu.memory_space<hbm>> -> memref<80x64xf32, #tpu.memory_space<hbm>>
    %dma_wait3A_99 = arith.constant 0 : i32
    %dma_wait3A_100 = tpu.memref_slice %arg5[%add3A_96, %dma_wait3A_99] : memref<320000x64xf32, #tpu.memory_space<hbm>> -> memref<80x64xf32, #tpu.memory_space<hbm>>
    tpu.wait_dma2 semaphore(%arg21 : memref<!tpu.dma_semaphore, #tpu.memory_space<semaphore_mem>>) src(%arg13 : memref<80x64xf32, #tpu.memory_space<vmem>>) dst(%dma_wait3A_100 : memref<80x64xf32, #tpu.memory_space<hbm>>)
    %scan3A_101 = arith.constant 0 : i32
    %scan3A_102 = arith.constant 0 : i32
    %scan3A_103 = arith.constant 80 : i32
    %scan3A_104 = arith.addi %scan3A_102, %scan3A_103 : i32
    %scan3A_105 = arith.constant 2 : i32
    scf.for %scan3A_145 = %scan3A_102 to %scan3A_104 step %scan3A_105  : i32 {
      %get3A = arith.index_cast %scan3A_145 : i32 to index
      %get3A_146 = arith.constant 0 : index
      %get3A_147 = tpu.vector_load %arg11[%get3A, %get3A_146] {strides = array<i32>} : memref<80x128xf32, #tpu.memory_space<vmem>>, vector<1x16xf32>,
      %get3A_148 = vector.shape_cast %get3A_147 : vector<1x16xf32> to vector<16xf32>
      %get3A_149 = arith.index_cast %scan3A_145 : i32 to index
      %get3A_150 = arith.constant 64 : index
      %get3A_151 = tpu.vector_load %arg12[%get3A_149, %get3A_150] {strides = array<i32>} : memref<80x128xf32, #tpu.memory_space<vmem>>, vector<1x16xf32>,
      %get3A_152 = vector.shape_cast %get3A_151 : vector<1x16xf32> to vector<16xf32>
      %add3A_153 = arith.addf %get3A_148, %get3A_152 : vector<16xf32>
      %swap3A = arith.index_cast %scan3A_145 : i32 to index
      %swap3A_154 = arith.constant 0 : index
      %swap3A_155 = tpu.vector_load %arg13[%swap3A, %swap3A_154] {strides = array<i32>} : memref<80x64xf32, #tpu.memory_space<vmem>>, vector<1x16xf32>,
      %swap3A_156 = vector.shape_cast %swap3A_155 : vector<1x16xf32> to vector<16xf32>
      %swap3A_157 = vector.shape_cast %add3A_153 : vector<16xf32> to vector<1x16xf32>
      tpu.vector_store %arg13[%swap3A, %swap3A_154], %swap3A_157 {strides = array<i32>} : memref<80x64xf32, #tpu.memory_space<vmem>>, vector<1x16xf32>,
      %get3A_158 = arith.index_cast %scan3A_145 : i32 to index
      %get3A_159 = arith.constant 16 : index
      %get3A_160 = tpu.vector_load %arg11[%get3A_158, %get3A_159] {strides = array<i32>} : memref<80x128xf32, #tpu.memory_space<vmem>>, vector<1x16xf32>,
      %get3A_161 = vector.shape_cast %get3A_160 : vector<1x16xf32> to vector<16xf32>
      %get3A_162 = arith.index_cast %scan3A_145 : i32 to index
      %get3A_163 = arith.constant 80 : index
      %get3A_164 = tpu.vector_load %arg12[%get3A_162, %get3A_163] {strides = array<i32>} : memref<80x128xf32, #tpu.memory_space<vmem>>, vector<1x16xf32>,
      %get3A_165 = vector.shape_cast %get3A_164 : vector<1x16xf32> to vector<16xf32>
      %add3A_166 = arith.addf %get3A_161, %get3A_165 : vector<16xf32>
      %swap3A_167 = arith.index_cast %scan3A_145 : i32 to index
      %swap3A_168 = arith.constant 16 : index
      %swap3A_169 = tpu.vector_load %arg13[%swap3A_167, %swap3A_168] {strides = array<i32>} : memref<80x64xf32, #tpu.memory_space<vmem>>, vector<1x16xf32>,
      %swap3A_170 = vector.shape_cast %swap3A_169 : vector<1x16xf32> to vector<16xf32>
      %swap3A_171 = vector.shape_cast %add3A_166 : vector<16xf32> to vector<1x16xf32>
      tpu.vector_store %arg13[%swap3A_167, %swap3A_168], %swap3A_171 {strides = array<i32>} : memref<80x64xf32, #tpu.memory_space<vmem>>, vector<1x16xf32>,
      %get3A_172 = arith.index_cast %scan3A_145 : i32 to index
      %get3A_173 = arith.constant 32 : index
      %get3A_174 = tpu.vector_load %arg11[%get3A_172, %get3A_173] {strides = array<i32>} : memref<80x128xf32, #tpu.memory_space<vmem>>, vector<1x16xf32>,
      %get3A_175 = vector.shape_cast %get3A_174 : vector<1x16xf32> to vector<16xf32>
      %get3A_176 = arith.index_cast %scan3A_145 : i32 to index
      %get3A_177 = arith.constant 96 : index
      %get3A_178 = tpu.vector_load %arg12[%get3A_176, %get3A_177] {strides = array<i32>} : memref<80x128xf32, #tpu.memory_space<vmem>>, vector<1x16xf32>,
      %get3A_179 = vector.shape_cast %get3A_178 : vector<1x16xf32> to vector<16xf32>
      %add3A_180 = arith.addf %get3A_175, %get3A_179 : vector<16xf32>
      %swap3A_181 = arith.index_cast %scan3A_145 : i32 to index
      %swap3A_182 = arith.constant 32 : index
      %swap3A_183 = tpu.vector_load %arg13[%swap3A_181, %swap3A_182] {strides = array<i32>} : memref<80x64xf32, #tpu.memory_space<vmem>>, vector<1x16xf32>,
      %swap3A_184 = vector.shape_cast %swap3A_183 : vector<1x16xf32> to vector<16xf32>
      %swap3A_185 = vector.shape_cast %add3A_180 : vector<16xf32> to vector<1x16xf32>
      tpu.vector_store %arg13[%swap3A_181, %swap3A_182], %swap3A_185 {strides = array<i32>} : memref<80x64xf32, #tpu.memory_space<vmem>>, vector<1x16xf32>,
      %get3A_186 = arith.index_cast %scan3A_145 : i32 to index
      %get3A_187 = arith.constant 48 : index
      %get3A_188 = tpu.vector_load %arg11[%get3A_186, %get3A_187] {strides = array<i32>} : memref<80x128xf32, #tpu.memory_space<vmem>>, vector<1x16xf32>,
      %get3A_189 = vector.shape_cast %get3A_188 : vector<1x16xf32> to vector<16xf32>
      %get3A_190 = arith.index_cast %scan3A_145 : i32 to index
      %get3A_191 = arith.constant 112 : index
      %get3A_192 = tpu.vector_load %arg12[%get3A_190, %get3A_191] {strides = array<i32>} : memref<80x128xf32, #tpu.memory_space<vmem>>, vector<1x16xf32>,
      %get3A_193 = vector.shape_cast %get3A_192 : vector<1x16xf32> to vector<16xf32>
      %add3A_194 = arith.addf %get3A_189, %get3A_193 : vector<16xf32>
      %swap3A_195 = arith.index_cast %scan3A_145 : i32 to index
      %swap3A_196 = arith.constant 48 : index
      %swap3A_197 = tpu.vector_load %arg13[%swap3A_195, %swap3A_196] {strides = array<i32>} : memref<80x64xf32, #tpu.memory_space<vmem>>, vector<1x16xf32>,
      %swap3A_198 = vector.shape_cast %swap3A_197 : vector<1x16xf32> to vector<16xf32>
      %swap3A_199 = vector.shape_cast %add3A_194 : vector<16xf32> to vector<1x16xf32>
      tpu.vector_store %arg13[%swap3A_195, %swap3A_196], %swap3A_199 {strides = array<i32>} : memref<80x64xf32, #tpu.memory_space<vmem>>, vector<1x16xf32>,
      %scan3A_200 = arith.constant 1 : i32
      %scan3A_201 = arith.addi %scan3A_145, %scan3A_200 : i32
      %get3A_202 = arith.index_cast %scan3A_201 : i32 to index
      %get3A_203 = arith.constant 0 : index
      %get3A_204 = tpu.vector_load %arg11[%get3A_202, %get3A_203] {strides = array<i32>} : memref<80x128xf32, #tpu.memory_space<vmem>>, vector<1x16xf32>,
      %get3A_205 = vector.shape_cast %get3A_204 : vector<1x16xf32> to vector<16xf32>
      %get3A_206 = arith.index_cast %scan3A_201 : i32 to index
      %get3A_207 = arith.constant 64 : index
      %get3A_208 = tpu.vector_load %arg12[%get3A_206, %get3A_207] {strides = array<i32>} : memref<80x128xf32, #tpu.memory_space<vmem>>, vector<1x16xf32>,
      %get3A_209 = vector.shape_cast %get3A_208 : vector<1x16xf32> to vector<16xf32>
      %add3A_210 = arith.addf %get3A_205, %get3A_209 : vector<16xf32>
      %swap3A_211 = arith.index_cast %scan3A_201 : i32 to index
      %swap3A_212 = arith.constant 0 : index
      %swap3A_213 = tpu.vector_load %arg13[%swap3A_211, %swap3A_212] {strides = array<i32>} : memref<80x64xf32, #tpu.memory_space<vmem>>, vector<1x16xf32>,
      %swap3A_214 = vector.shape_cast %swap3A_213 : vector<1x16xf32> to vector<16xf32>
      %swap3A_215 = vector.shape_cast %add3A_210 : vector<16xf32> to vector<1x16xf32>
      tpu.vector_store %arg13[%swap3A_211, %swap3A_212], %swap3A_215 {strides = array<i32>} : memref<80x64xf32, #tpu.memory_space<vmem>>, vector<1x16xf32>,
      %get3A_216 = arith.index_cast %scan3A_201 : i32 to index
      %get3A_217 = arith.constant 16 : index
      %get3A_218 = tpu.vector_load %arg11[%get3A_216, %get3A_217] {strides = array<i32>} : memref<80x128xf32, #tpu.memory_space<vmem>>, vector<1x16xf32>,
      %get3A_219 = vector.shape_cast %get3A_218 : vector<1x16xf32> to vector<16xf32>
      %get3A_220 = arith.index_cast %scan3A_201 : i32 to index
      %get3A_221 = arith.constant 80 : index
      %get3A_222 = tpu.vector_load %arg12[%get3A_220, %get3A_221] {strides = array<i32>} : memref<80x128xf32, #tpu.memory_space<vmem>>, vector<1x16xf32>,
      %get3A_223 = vector.shape_cast %get3A_222 : vector<1x16xf32> to vector<16xf32>
      %add3A_224 = arith.addf %get3A_219, %get3A_223 : vector<16xf32>
      %swap3A_225 = arith.index_cast %scan3A_201 : i32 to index
      %swap3A_226 = arith.constant 16 : index
      %swap3A_227 = tpu.vector_load %arg13[%swap3A_225, %swap3A_226] {strides = array<i32>} : memref<80x64xf32, #tpu.memory_space<vmem>>, vector<1x16xf32>,
      %swap3A_228 = vector.shape_cast %swap3A_227 : vector<1x16xf32> to vector<16xf32>
      %swap3A_229 = vector.shape_cast %add3A_224 : vector<16xf32> to vector<1x16xf32>
      tpu.vector_store %arg13[%swap3A_225, %swap3A_226], %swap3A_229 {strides = array<i32>} : memref<80x64xf32, #tpu.memory_space<vmem>>, vector<1x16xf32>,
      %get3A_230 = arith.index_cast %scan3A_201 : i32 to index
      %get3A_231 = arith.constant 32 : index
      %get3A_232 = tpu.vector_load %arg11[%get3A_230, %get3A_231] {strides = array<i32>} : memref<80x128xf32, #tpu.memory_space<vmem>>, vector<1x16xf32>,
      %get3A_233 = vector.shape_cast %get3A_232 : vector<1x16xf32> to vector<16xf32>
      %get3A_234 = arith.index_cast %scan3A_201 : i32 to index
      %get3A_235 = arith.constant 96 : index
      %get3A_236 = tpu.vector_load %arg12[%get3A_234, %get3A_235] {strides = array<i32>} : memref<80x128xf32, #tpu.memory_space<vmem>>, vector<1x16xf32>,
      %get3A_237 = vector.shape_cast %get3A_236 : vector<1x16xf32> to vector<16xf32>
      %add3A_238 = arith.addf %get3A_233, %get3A_237 : vector<16xf32>
      %swap3A_239 = arith.index_cast %scan3A_201 : i32 to index
      %swap3A_240 = arith.constant 32 : index
      %swap3A_241 = tpu.vector_load %arg13[%swap3A_239, %swap3A_240] {strides = array<i32>} : memref<80x64xf32, #tpu.memory_space<vmem>>, vector<1x16xf32>,
      %swap3A_242 = vector.shape_cast %swap3A_241 : vector<1x16xf32> to vector<16xf32>
      %swap3A_243 = vector.shape_cast %add3A_238 : vector<16xf32> to vector<1x16xf32>
      tpu.vector_store %arg13[%swap3A_239, %swap3A_240], %swap3A_243 {strides = array<i32>} : memref<80x64xf32, #tpu.memory_space<vmem>>, vector<1x16xf32>,
      %get3A_244 = arith.index_cast %scan3A_201 : i32 to index
      %get3A_245 = arith.constant 48 : index
      %get3A_246 = tpu.vector_load %arg11[%get3A_244, %get3A_245] {strides = array<i32>} : memref<80x128xf32, #tpu.memory_space<vmem>>, vector<1x16xf32>,
      %get3A_247 = vector.shape_cast %get3A_246 : vector<1x16xf32> to vector<16xf32>
      %get3A_248 = arith.index_cast %scan3A_201 : i32 to index
      %get3A_249 = arith.constant 112 : index
      %get3A_250 = tpu.vector_load %arg12[%get3A_248, %get3A_249] {strides = array<i32>} : memref<80x128xf32, #tpu.memory_space<vmem>>, vector<1x16xf32>,
      %get3A_251 = vector.shape_cast %get3A_250 : vector<1x16xf32> to vector<16xf32>
      %add3A_252 = arith.addf %get3A_247, %get3A_251 : vector<16xf32>
      %swap3A_253 = arith.index_cast %scan3A_201 : i32 to index
      %swap3A_254 = arith.constant 48 : index
      %swap3A_255 = tpu.vector_load %arg13[%swap3A_253, %swap3A_254] {strides = array<i32>} : memref<80x64xf32, #tpu.memory_space<vmem>>, vector<1x16xf32>,
      %swap3A_256 = vector.shape_cast %swap3A_255 : vector<1x16xf32> to vector<16xf32>
      %swap3A_257 = vector.shape_cast %add3A_252 : vector<16xf32> to vector<1x16xf32>
      tpu.vector_store %arg13[%swap3A_253, %swap3A_254], %swap3A_257 {strides = array<i32>} : memref<80x64xf32, #tpu.memory_space<vmem>>, vector<1x16xf32>,
    }
    %scan3A_106 = arith.constant 80 : i32
    %add3A_107 = arith.constant 9920 : i32
    %add3A_108 = arith.addi %mul3A_2, %add3A_107 : i32
    %dma_start3A_109 = arith.constant 0 : i32
    %dma_start3A_110 = tpu.memref_slice %arg5[%add3A_108, %dma_start3A_109] : memref<320000x64xf32, #tpu.memory_space<hbm>> -> memref<80x64xf32, #tpu.memory_space<hbm>>
    %dma_start3A_111 = arith.constant 0 : i32
    %dma_start3A_112 = tpu.memref_slice %arg5[%add3A_108, %dma_start3A_111] : memref<320000x64xf32, #tpu.memory_space<hbm>> -> memref<80x64xf32, #tpu.memory_space<hbm>>
    tpu.enqueue_dma source(%arg13 : memref<80x64xf32, #tpu.memory_space<vmem>>) target(%dma_start3A_112 : memref<80x64xf32, #tpu.memory_space<hbm>>) target_semaphore(%arg21 : memref<!tpu.dma_semaphore, #tpu.memory_space<semaphore_mem>>)
    %dma_wait3A_113 = arith.constant 124 : i32
    %dma_wait3A_114 = arith.constant 0 : i32
    %dma_wait3A_115 = tpu.memref_slice %arg6[%dma_wait3A_113, %dma_wait3A_114] : memref<125x80xi32, #tpu.memory_space<vmem>> -> memref<1x80xi32, #tpu.memory_space<vmem>>
    %dma_wait3A_116 = tpu.memref_squeeze %dma_wait3A_115 : memref<1x80xi32, #tpu.memory_space<vmem>> -> memref<80xi32, #tpu.memory_space<vmem>>
    %dma_wait3A_117 = arith.constant 0 : i32
    %dma_wait3A_118 = arith.constant 0 : i32
    %dma_wait3A_119 = tpu.memref_slice %arg2[%dma_wait3A_117, %dma_wait3A_118] : memref<10000x128xf32, #tpu.memory_space<hbm>> -> memref<10000x128xf32, #tpu.memory_space<hbm>>
    tpu.wait_indirect_dma semaphore(%arg19 : memref<!tpu.dma_semaphore, #tpu.memory_space<semaphore_mem>>) src(%dma_wait3A_119 : memref<10000x128xf32, #tpu.memory_space<hbm>>) dst(%arg14 : memref<80x128xf32, #tpu.memory_space<vmem>>)
    %dma_wait3A_120 = arith.constant 124 : i32
    %dma_wait3A_121 = arith.constant 0 : i32
    %dma_wait3A_122 = tpu.memref_slice %arg7[%dma_wait3A_120, %dma_wait3A_121] : memref<125x80xi32, #tpu.memory_space<vmem>> -> memref<1x80xi32, #tpu.memory_space<vmem>>
    %dma_wait3A_123 = tpu.memref_squeeze %dma_wait3A_122 : memref<1x80xi32, #tpu.memory_space<vmem>> -> memref<80xi32, #tpu.memory_space<vmem>>
    %dma_wait3A_124 = arith.constant 0 : i32
    %dma_wait3A_125 = arith.constant 0 : i32
    %dma_wait3A_126 = tpu.memref_slice %arg2[%dma_wait3A_124, %dma_wait3A_125] : memref<10000x128xf32, #tpu.memory_space<hbm>> -> memref<10000x128xf32, #tpu.memory_space<hbm>>
    tpu.wait_indirect_dma semaphore(%arg19 : memref<!tpu.dma_semaphore, #tpu.memory_space<semaphore_mem>>) src(%dma_wait3A_126 : memref<10000x128xf32, #tpu.memory_space<hbm>>) dst(%arg15 : memref<80x128xf32, #tpu.memory_space<vmem>>)
    %add3A_127 = arith.constant 9760 : i32
    %add3A_128 = arith.addi %mul3A_2, %add3A_127 : i32
    %dma_wait3A_129 = arith.constant 0 : i32
    %dma_wait3A_130 = tpu.memref_slice %arg5[%add3A_128, %dma_wait3A_129] : memref<320000x64xf32, #tpu.memory_space<hbm>> -> memref<80x64xf32, #tpu.memory_space<hbm>>
    %dma_wait3A_131 = arith.constant 0 : i32
    %dma_wait3A_132 = tpu.memref_slice %arg5[%add3A_128, %dma_wait3A_131] : memref<320000x64xf32, #tpu.memory_space<hbm>> -> memref<80x64xf32, #tpu.memory_space<hbm>>
    tpu.wait_dma2 semaphore(%arg22 : memref<!tpu.dma_semaphore, #tpu.memory_space<semaphore_mem>>) src(%arg16 : memref<80x64xf32, #tpu.memory_space<vmem>>) dst(%dma_wait3A_132 : memref<80x64xf32, #tpu.memory_space<hbm>>)
    %add3A_133 = arith.constant 9840 : i32
    %add3A_134 = arith.addi %mul3A_2, %add3A_133 : i32
    %dma_wait3A_135 = arith.constant 0 : i32
    %dma_wait3A_136 = tpu.memref_slice %arg5[%add3A_134, %dma_wait3A_135] : memref<320000x64xf32, #tpu.memory_space<hbm>> -> memref<80x64xf32, #tpu.memory_space<hbm>>
    %dma_wait3A_137 = arith.constant 0 : i32
    %dma_wait3A_138 = tpu.memref_slice %arg5[%add3A_134, %dma_wait3A_137] : memref<320000x64xf32, #tpu.memory_space<hbm>> -> memref<80x64xf32, #tpu.memory_space<hbm>>
    tpu.wait_dma2 semaphore(%arg20 : memref<!tpu.dma_semaphore, #tpu.memory_space<semaphore_mem>>) src(%arg10 : memref<80x64xf32, #tpu.memory_space<vmem>>) dst(%dma_wait3A_138 : memref<80x64xf32, #tpu.memory_space<hbm>>)
    %add3A_139 = arith.constant 9920 : i32
    %add3A_140 = arith.addi %mul3A_2, %add3A_139 : i32
    %dma_wait3A_141 = arith.constant 0 : i32
    %dma_wait3A_142 = tpu.memref_slice %arg5[%add3A_140, %dma_wait3A_141] : memref<320000x64xf32, #tpu.memory_space<hbm>> -> memref<80x64xf32, #tpu.memory_space<hbm>>
    %dma_wait3A_143 = arith.constant 0 : i32
    %dma_wait3A_144 = tpu.memref_slice %arg5[%add3A_140, %dma_wait3A_143] : memref<320000x64xf32, #tpu.memory_space<hbm>> -> memref<80x64xf32, #tpu.memory_space<hbm>>
    tpu.wait_dma2 semaphore(%arg21 : memref<!tpu.dma_semaphore, #tpu.memory_space<semaphore_mem>>) src(%arg13 : memref<80x64xf32, #tpu.memory_space<vmem>>) dst(%dma_wait3A_144 : memref<80x64xf32, #tpu.memory_space<hbm>>)
    return
  }
}

module attributes {stable_mosaic.version = 14 : i64} {
  func.func @_proj_body(%arg0: i32, %arg1: memref<2000x128xf32, #tpu.memory_space<vmem>>, %arg2: memref<128x64xf32, #tpu.memory_space<vmem>>, %arg3: memref<128x64xf32, #tpu.memory_space<vmem>>, %arg4: memref<2000x64xf32, #tpu.memory_space<vmem>>, %arg5: memref<2000x64xf32, #tpu.memory_space<vmem>>) attributes {dimension_semantics = [#tpu.dimension_semantics<arbitrary>], iteration_bounds = array<i64: 5>, scalar_prefetch = 0 : i64, scratch_operands = 0 : i64, tpu.core_type = #tpu.core_type<tc>, window_params = [{transform_indices = @transform_0, window_bounds = array<i64: 2000, 128>}, {pipeline_mode = #tpu.pipeline_mode<synchronous>, transform_indices = @transform_1, window_bounds = array<i64: 128, 64>}, {pipeline_mode = #tpu.pipeline_mode<synchronous>, transform_indices = @transform_2, window_bounds = array<i64: 128, 64>}, {transform_indices = @transform_3, window_bounds = array<i64: 2000, 64>}, {transform_indices = @transform_4, window_bounds = array<i64: 2000, 64>}]} {
    %get3A = arith.constant 0 : index
    %get3A_0 = arith.constant 0 : index
    %get3A_1 = vector.load %arg1[%get3A, %get3A_0] : memref<2000x128xf32, #tpu.memory_space<vmem>>, vector<2000x128xf32>
    %get3A_2 = arith.constant 0 : index
    %get3A_3 = arith.constant 0 : index
    %get3A_4 = vector.load %arg2[%get3A_2, %get3A_3] : memref<128x64xf32, #tpu.memory_space<vmem>>, vector<128x64xf32>
    %dot_general3A = arith.constant dense<0.000000e+00> : vector<2000x64xf32>
    %dot_general3A_5 = tpu.matmul %get3A_1, %get3A_4, %dot_general3A {dimension_numbers = #tpu.dot_dimension_numbers<[1], [0], [0], [1], [0, 0, 1, 1], [], []>, transpose_lhs_hint = false} : vector<2000x128xf32>, vector<128x64xf32>, vector<2000x64xf32> -> vector<2000x64xf32>
    %swap3A = arith.constant 0 : index
    %swap3A_6 = arith.constant 0 : index
    %swap3A_7 = vector.load %arg4[%swap3A, %swap3A_6] : memref<2000x64xf32, #tpu.memory_space<vmem>>, vector<2000x64xf32>
    tpu.vector_store %arg4[%swap3A, %swap3A_6], %dot_general3A_5 {strides = array<i32>} : memref<2000x64xf32, #tpu.memory_space<vmem>>, vector<2000x64xf32>,
    %get3A_8 = arith.constant 0 : index
    %get3A_9 = arith.constant 0 : index
    %get3A_10 = vector.load %arg3[%get3A_8, %get3A_9] : memref<128x64xf32, #tpu.memory_space<vmem>>, vector<128x64xf32>
    %dot_general3A_11 = arith.constant dense<0.000000e+00> : vector<2000x64xf32>
    %dot_general3A_12 = tpu.matmul %get3A_1, %get3A_10, %dot_general3A_11 {dimension_numbers = #tpu.dot_dimension_numbers<[1], [0], [0], [1], [0, 0, 1, 1], [], []>, transpose_lhs_hint = false} : vector<2000x128xf32>, vector<128x64xf32>, vector<2000x64xf32> -> vector<2000x64xf32>
    %swap3A_13 = arith.constant 0 : index
    %swap3A_14 = arith.constant 0 : index
    %swap3A_15 = vector.load %arg5[%swap3A_13, %swap3A_14] : memref<2000x64xf32, #tpu.memory_space<vmem>>, vector<2000x64xf32>
    tpu.vector_store %arg5[%swap3A_13, %swap3A_14], %dot_general3A_12 {strides = array<i32>} : memref<2000x64xf32, #tpu.memory_space<vmem>>, vector<2000x64xf32>,
    return
  }
  func.func @transform_0(%arg0: i32) -> (i32, i32) {
    %c0_i32 = arith.constant 0 : i32
    %c0_i32_0 = arith.constant 0 : i32
    return %arg0, %c0_i32 : i32, i32
  }
  func.func @transform_1(%arg0: i32) -> (i32, i32) {
    %c0_i32 = arith.constant 0 : i32
    %c0_i32_0 = arith.constant 0 : i32
    %c0_i32_1 = arith.constant 0 : i32
    return %c0_i32, %c0_i32_0 : i32, i32
  }
  func.func @transform_2(%arg0: i32) -> (i32, i32) {
    %c0_i32 = arith.constant 0 : i32
    %c0_i32_0 = arith.constant 0 : i32
    %c0_i32_1 = arith.constant 0 : i32
    return %c0_i32, %c0_i32_0 : i32, i32
  }
  func.func @transform_3(%arg0: i32) -> (i32, i32) {
    %c0_i32 = arith.constant 0 : i32
    %c0_i32_0 = arith.constant 0 : i32
    return %arg0, %c0_i32 : i32, i32
  }
  func.func @transform_4(%arg0: i32) -> (i32, i32) {
    %c0_i32 = arith.constant 0 : i32
    %c0_i32_0 = arith.constant 0 : i32
    return %arg0, %c0_i32 : i32, i32
  }
}

module attributes {stable_mosaic.version = 14 : i64} {
  func.func @_edge_base_body(%arg0: i32, %arg1: memref<3200x32xf32, #tpu.memory_space<vmem>>, %arg2: memref<32x128xf32, #tpu.memory_space<vmem>>, %arg3: memref<1x64xf32, #tpu.memory_space<vmem>>, %arg4: memref<64x64xf32, #tpu.memory_space<vmem>>, %arg5: memref<1x64xf32, #tpu.memory_space<vmem>>, %arg6: memref<3200x128xf32, #tpu.memory_space<vmem>>) attributes {dimension_semantics = [#tpu.dimension_semantics<arbitrary>], iteration_bounds = array<i64: 50>, scalar_prefetch = 0 : i64, scratch_operands = 0 : i64, tpu.core_type = #tpu.core_type<tc>, window_params = [{transform_indices = @transform_0, window_bounds = array<i64: 3200, 32>}, {pipeline_mode = #tpu.pipeline_mode<synchronous>, transform_indices = @transform_1, window_bounds = array<i64: 32, 128>}, {pipeline_mode = #tpu.pipeline_mode<synchronous>, transform_indices = @transform_2, window_bounds = array<i64: 1, 64>}, {pipeline_mode = #tpu.pipeline_mode<synchronous>, transform_indices = @transform_3, window_bounds = array<i64: 64, 64>}, {pipeline_mode = #tpu.pipeline_mode<synchronous>, transform_indices = @transform_4, window_bounds = array<i64: 1, 64>}, {transform_indices = @transform_5, window_bounds = array<i64: 3200, 128>}]} {
    %get3A = arith.constant 0 : index
    %get3A_0 = arith.constant 0 : index
    %get3A_1 = vector.load %arg3[%get3A, %get3A_0] : memref<1x64xf32, #tpu.memory_space<vmem>>, vector<1x64xf32>
    %get3A_2 = arith.constant 0 : index
    %get3A_3 = arith.constant 0 : index
    %get3A_4 = vector.load %arg4[%get3A_2, %get3A_3] : memref<64x64xf32, #tpu.memory_space<vmem>>, vector<64x64xf32>
    %dot_general3A = arith.constant dense<0.000000e+00> : vector<1x64xf32>
    %dot_general3A_5 = tpu.matmul %get3A_1, %get3A_4, %dot_general3A {dimension_numbers = #tpu.dot_dimension_numbers<[1], [0], [0], [1], [0, 0, 1, 1], [], []>, transpose_lhs_hint = false} : vector<1x64xf32>, vector<64x64xf32>, vector<1x64xf32> -> vector<1x64xf32>
    %get3A_6 = arith.constant 0 : index
    %get3A_7 = arith.constant 0 : index
    %get3A_8 = vector.load %arg5[%get3A_6, %get3A_7] : memref<1x64xf32, #tpu.memory_space<vmem>>, vector<1x64xf32>
    %add3A = arith.addf %dot_general3A_5, %get3A_8 : vector<1x64xf32>
    %concatenate3A = tpu.concatenate %add3A, %add3A in 1 : vector<1x64xf32>, vector<1x64xf32> -> vector<1x128xf32>
    %get3A_9 = arith.constant 0 : index
    %get3A_10 = arith.constant 0 : index
    %get3A_11 = vector.load %arg1[%get3A_9, %get3A_10] : memref<3200x32xf32, #tpu.memory_space<vmem>>, vector<3200x32xf32>
    %get3A_12 = arith.constant 0 : index
    %get3A_13 = arith.constant 0 : index
    %get3A_14 = vector.load %arg2[%get3A_12, %get3A_13] : memref<32x128xf32, #tpu.memory_space<vmem>>, vector<32x128xf32>
    %dot_general3A_15 = arith.constant dense<0.000000e+00> : vector<3200x128xf32>
    %dot_general3A_16 = tpu.matmul %get3A_11, %get3A_14, %dot_general3A_15 {dimension_numbers = #tpu.dot_dimension_numbers<[1], [0], [0], [1], [0, 0, 1, 1], [], []>, transpose_lhs_hint = false} : vector<3200x32xf32>, vector<32x128xf32>, vector<3200x128xf32> -> vector<3200x128xf32>
    %add3A_17 = vector.broadcast %concatenate3A : vector<1x128xf32> to vector<3200x128xf32>
    %add3A_18 = arith.addf %dot_general3A_16, %add3A_17 : vector<3200x128xf32>
    %swap3A = arith.constant 0 : index
    %swap3A_19 = arith.constant 0 : index
    %swap3A_20 = vector.load %arg6[%swap3A, %swap3A_19] : memref<3200x128xf32, #tpu.memory_space<vmem>>, vector<3200x128xf32>
    tpu.vector_store %arg6[%swap3A, %swap3A_19], %add3A_18 {strides = array<i32>} : memref<3200x128xf32, #tpu.memory_space<vmem>>, vector<3200x128xf32>,
    return
  }
  func.func @transform_0(%arg0: i32) -> (i32, i32) {
    %c0_i32 = arith.constant 0 : i32
    %c0_i32_0 = arith.constant 0 : i32
    return %arg0, %c0_i32 : i32, i32
  }
  func.func @transform_1(%arg0: i32) -> (i32, i32) {
    %c0_i32 = arith.constant 0 : i32
    %c0_i32_0 = arith.constant 0 : i32
    %c0_i32_1 = arith.constant 0 : i32
    return %c0_i32, %c0_i32_0 : i32, i32
  }
  func.func @transform_2(%arg0: i32) -> (i32, i32) {
    %c0_i32 = arith.constant 0 : i32
    %c0_i32_0 = arith.constant 0 : i32
    %c0_i32_1 = arith.constant 0 : i32
    return %c0_i32, %c0_i32_0 : i32, i32
  }
  func.func @transform_3(%arg0: i32) -> (i32, i32) {
    %c0_i32 = arith.constant 0 : i32
    %c0_i32_0 = arith.constant 0 : i32
    %c0_i32_1 = arith.constant 0 : i32
    return %c0_i32, %c0_i32_0 : i32, i32
  }
  func.func @transform_4(%arg0: i32) -> (i32, i32) {
    %c0_i32 = arith.constant 0 : i32
    %c0_i32_0 = arith.constant 0 : i32
    %c0_i32_1 = arith.constant 0 : i32
    return %c0_i32, %c0_i32_0 : i32, i32
  }
  func.func @transform_5(%arg0: i32) -> (i32, i32) {
    %c0_i32 = arith.constant 0 : i32
    %c0_i32_0 = arith.constant 0 : i32
    return %arg0, %c0_i32 : i32, i32
  }
}

module attributes {stable_mosaic.version = 14 : i64} {
  func.func @_node_body(%arg0: i32, %arg1: memref<2000x64xf32, #tpu.memory_space<vmem>>, %arg2: memref<2000x64xf32, #tpu.memory_space<vmem>>, %arg3: memref<2000x128xf32, #tpu.memory_space<vmem>>, %arg4: memref<1x64xf32, #tpu.memory_space<vmem>>, %arg5: memref<64x64xf32, #tpu.memory_space<vmem>>, %arg6: memref<128x64xf32, #tpu.memory_space<vmem>>, %arg7: memref<64x64xf32, #tpu.memory_space<vmem>>, %arg8: memref<1x64xf32, #tpu.memory_space<vmem>>, %arg9: memref<64x64xf32, #tpu.memory_space<vmem>>, %arg10: memref<64x64xf32, #tpu.memory_space<vmem>>, %arg11: memref<64x64xf32, #tpu.memory_space<vmem>>, %arg12: memref<1x64xf32, #tpu.memory_space<vmem>>, %arg13: memref<64x128xf32, #tpu.memory_space<vmem>>, %arg14: memref<64x64xf32, #tpu.memory_space<vmem>>, %arg15: memref<1x64xf32, #tpu.memory_space<vmem>>, %arg16: memref<2000x128xf32, #tpu.memory_space<vmem>>, %arg17: memref<1x64xf32, #tpu.memory_space<vmem>>, %arg18: memref<1x64xf32, #tpu.memory_space<vmem>>, %arg19: memref<1x64xf32, #tpu.memory_space<vmem>>) attributes {dimension_semantics = [#tpu.dimension_semantics<arbitrary>], iteration_bounds = array<i64: 5>, scalar_prefetch = 0 : i64, scratch_operands = 2 : i64, tpu.core_type = #tpu.core_type<tc>, window_params = [{transform_indices = @transform_0, window_bounds = array<i64: 2000, 64>}, {transform_indices = @transform_1, window_bounds = array<i64: 2000, 64>}, {transform_indices = @transform_2, window_bounds = array<i64: 2000, 128>}, {pipeline_mode = #tpu.pipeline_mode<synchronous>, transform_indices = @transform_3, window_bounds = array<i64: 1, 64>}, {pipeline_mode = #tpu.pipeline_mode<synchronous>, transform_indices = @transform_4, window_bounds = array<i64: 64, 64>}, {pipeline_mode = #tpu.pipeline_mode<synchronous>, transform_indices = @transform_5, window_bounds = array<i64: 128, 64>}, {pipeline_mode = #tpu.pipeline_mode<synchronous>, transform_indices = @transform_6, window_bounds = array<i64: 64, 64>}, {pipeline_mode = #tpu.pipeline_mode<synchronous>, transform_indices = @transform_7, window_bounds = array<i64: 1, 64>}, {pipeline_mode = #tpu.pipeline_mode<synchronous>, transform_indices = @transform_8, window_bounds = array<i64: 64, 64>}, {pipeline_mode = #tpu.pipeline_mode<synchronous>, transform_indices = @transform_9, window_bounds = array<i64: 64, 64>}, {pipeline_mode = #tpu.pipeline_mode<synchronous>, transform_indices = @transform_10, window_bounds = array<i64: 64, 64>}, {pipeline_mode = #tpu.pipeline_mode<synchronous>, transform_indices = @transform_11, window_bounds = array<i64: 1, 64>}, {pipeline_mode = #tpu.pipeline_mode<synchronous>, transform_indices = @transform_12, window_bounds = array<i64: 64, 128>}, {pipeline_mode = #tpu.pipeline_mode<synchronous>, transform_indices = @transform_13, window_bounds = array<i64: 64, 64>}, {pipeline_mode = #tpu.pipeline_mode<synchronous>, transform_indices = @transform_14, window_bounds = array<i64: 1, 64>}, {transform_indices = @transform_15, window_bounds = array<i64: 2000, 128>}, {pipeline_mode = #tpu.pipeline_mode<synchronous>, transform_indices = @transform_16, window_bounds = array<i64: 1, 64>}]} {
    %eq3A = arith.constant 0 : i32
    %eq3A_0 = arith.cmpi eq, %arg0, %eq3A : i32
    %convert_element_type3A = arith.extui %eq3A_0 : i1 to i32
    %cond3A = arith.constant 0 : i32
    %cond3A_1 = arith.cmpi ne, %convert_element_type3A, %cond3A : i32
    scf.if %cond3A_1 {
      %broadcast_in_dim3A_66 = arith.constant 0.000000e+00 : f32
      %broadcast_in_dim3A_67 = vector.broadcast %broadcast_in_dim3A_66 : f32 to vector<1x64xf32>
      %swap3A_68 = arith.constant 0 : index
      %swap3A_69 = arith.constant 0 : index
      %swap3A_70 = vector.load %arg18[%swap3A_68, %swap3A_69] : memref<1x64xf32, #tpu.memory_space<vmem>>, vector<1x64xf32>
      tpu.vector_store %arg18[%swap3A_68, %swap3A_69], %broadcast_in_dim3A_67 {strides = array<i32>} : memref<1x64xf32, #tpu.memory_space<vmem>>, vector<1x64xf32>,
      %broadcast_in_dim3A_71 = arith.constant 0.000000e+00 : f32
      %broadcast_in_dim3A_72 = vector.broadcast %broadcast_in_dim3A_71 : f32 to vector<1x64xf32>
      %swap3A_73 = arith.constant 0 : index
      %swap3A_74 = arith.constant 0 : index
      %swap3A_75 = vector.load %arg19[%swap3A_73, %swap3A_74] : memref<1x64xf32, #tpu.memory_space<vmem>>, vector<1x64xf32>
      tpu.vector_store %arg19[%swap3A_73, %swap3A_74], %broadcast_in_dim3A_72 {strides = array<i32>} : memref<1x64xf32, #tpu.memory_space<vmem>>, vector<1x64xf32>,
    } else {
    }
    %get3A = arith.constant 0 : index
    %get3A_2 = arith.constant 0 : index
    %get3A_3 = vector.load %arg1[%get3A, %get3A_2] : memref<2000x64xf32, #tpu.memory_space<vmem>>, vector<2000x64xf32>
    %get3A_4 = arith.constant 0 : index
    %get3A_5 = arith.constant 0 : index
    %get3A_6 = vector.load %arg2[%get3A_4, %get3A_5] : memref<2000x64xf32, #tpu.memory_space<vmem>>, vector<2000x64xf32>
    %add3A = arith.addf %get3A_3, %get3A_6 : vector<2000x64xf32>
    %get3A_7 = arith.constant 0 : index
    %get3A_8 = arith.constant 0 : index
    %get3A_9 = vector.load %arg19[%get3A_7, %get3A_8] : memref<1x64xf32, #tpu.memory_space<vmem>>, vector<1x64xf32>
    %reduce_sum3A = arith.constant dense<0.000000e+00> : vector<64xf32>
    %reduce_sum3A_10 = vector.multi_reduction <add>, %add3A, %reduce_sum3A [0] : vector<2000x64xf32> to vector<64xf32>
    %broadcast_in_dim3A = vector.shape_cast %reduce_sum3A_10 : vector<64xf32> to vector<1x64xf32>
    %add3A_11 = arith.addf %get3A_9, %broadcast_in_dim3A : vector<1x64xf32>
    %swap3A = arith.constant 0 : index
    %swap3A_12 = arith.constant 0 : index
    %swap3A_13 = vector.load %arg19[%swap3A, %swap3A_12] : memref<1x64xf32, #tpu.memory_space<vmem>>, vector<1x64xf32>
    tpu.vector_store %arg19[%swap3A, %swap3A_12], %add3A_11 {strides = array<i32>} : memref<1x64xf32, #tpu.memory_space<vmem>>, vector<1x64xf32>,
    %get3A_14 = arith.constant 0 : index
    %get3A_15 = arith.constant 0 : index
    %get3A_16 = vector.load %arg4[%get3A_14, %get3A_15] : memref<1x64xf32, #tpu.memory_space<vmem>>, vector<1x64xf32>
    %get3A_17 = arith.constant 0 : index
    %get3A_18 = arith.constant 0 : index
    %get3A_19 = vector.load %arg7[%get3A_17, %get3A_18] : memref<64x64xf32, #tpu.memory_space<vmem>>, vector<64x64xf32>
    %dot_general3A = arith.constant dense<0.000000e+00> : vector<1x64xf32>
    %dot_general3A_20 = tpu.matmul %get3A_16, %get3A_19, %dot_general3A {dimension_numbers = #tpu.dot_dimension_numbers<[1], [0], [0], [1], [0, 0, 1, 1], [], []>, transpose_lhs_hint = false} : vector<1x64xf32>, vector<64x64xf32>, vector<1x64xf32> -> vector<1x64xf32>
    %get3A_21 = arith.constant 0 : index
    %get3A_22 = arith.constant 0 : index
    %get3A_23 = vector.load %arg8[%get3A_21, %get3A_22] : memref<1x64xf32, #tpu.memory_space<vmem>>, vector<1x64xf32>
    %add3A_24 = arith.addf %dot_general3A_20, %get3A_23 : vector<1x64xf32>
    %get3A_25 = arith.constant 0 : index
    %get3A_26 = arith.constant 0 : index
    %get3A_27 = vector.load %arg5[%get3A_25, %get3A_26] : memref<64x64xf32, #tpu.memory_space<vmem>>, vector<64x64xf32>
    %dot_general3A_28 = arith.constant dense<0.000000e+00> : vector<2000x64xf32>
    %dot_general3A_29 = tpu.matmul %add3A, %get3A_27, %dot_general3A_28 {dimension_numbers = #tpu.dot_dimension_numbers<[1], [0], [0], [1], [0, 0, 1, 1], [], []>, transpose_lhs_hint = false} : vector<2000x64xf32>, vector<64x64xf32>, vector<2000x64xf32> -> vector<2000x64xf32>
    %get3A_30 = arith.constant 0 : index
    %get3A_31 = arith.constant 0 : index
    %get3A_32 = vector.load %arg3[%get3A_30, %get3A_31] : memref<2000x128xf32, #tpu.memory_space<vmem>>, vector<2000x128xf32>
    %get3A_33 = arith.constant 0 : index
    %get3A_34 = arith.constant 0 : index
    %get3A_35 = vector.load %arg6[%get3A_33, %get3A_34] : memref<128x64xf32, #tpu.memory_space<vmem>>, vector<128x64xf32>
    %dot_general3A_36 = arith.constant dense<0.000000e+00> : vector<2000x64xf32>
    %dot_general3A_37 = tpu.matmul %get3A_32, %get3A_35, %dot_general3A_36 {dimension_numbers = #tpu.dot_dimension_numbers<[1], [0], [0], [1], [0, 0, 1, 1], [], []>, transpose_lhs_hint = false} : vector<2000x128xf32>, vector<128x64xf32>, vector<2000x64xf32> -> vector<2000x64xf32>
    %add3A_38 = arith.addf %dot_general3A_29, %dot_general3A_37 : vector<2000x64xf32>
    %add3A_39 = vector.broadcast %add3A_24 : vector<1x64xf32> to vector<2000x64xf32>
    %add3A_40 = arith.addf %add3A_38, %add3A_39 : vector<2000x64xf32>
    %max3A = arith.constant 0.000000e+00 : f32
    %max3A_41 = vector.broadcast %max3A : f32 to vector<2000x64xf32>
    %max3A_42 = arith.maximumf %add3A_40, %max3A_41 : vector<2000x64xf32>
    %get3A_43 = arith.constant 0 : index
    %get3A_44 = arith.constant 0 : index
    %get3A_45 = vector.load %arg18[%get3A_43, %get3A_44] : memref<1x64xf32, #tpu.memory_space<vmem>>, vector<1x64xf32>
    %reduce_sum3A_46 = arith.constant dense<0.000000e+00> : vector<64xf32>
    %reduce_sum3A_47 = vector.multi_reduction <add>, %max3A_42, %reduce_sum3A_46 [0] : vector<2000x64xf32> to vector<64xf32>
    %broadcast_in_dim3A_48 = vector.shape_cast %reduce_sum3A_47 : vector<64xf32> to vector<1x64xf32>
    %add3A_49 = arith.addf %get3A_45, %broadcast_in_dim3A_48 : vector<1x64xf32>
    %swap3A_50 = arith.constant 0 : index
    %swap3A_51 = arith.constant 0 : index
    %swap3A_52 = vector.load %arg18[%swap3A_50, %swap3A_51] : memref<1x64xf32, #tpu.memory_space<vmem>>, vector<1x64xf32>
    tpu.vector_store %arg18[%swap3A_50, %swap3A_51], %add3A_49 {strides = array<i32>} : memref<1x64xf32, #tpu.memory_space<vmem>>, vector<1x64xf32>,
    %get3A_53 = arith.constant 0 : index
    %get3A_54 = arith.constant 0 : index
    %get3A_55 = vector.load %arg13[%get3A_53, %get3A_54] : memref<64x128xf32, #tpu.memory_space<vmem>>, vector<64x128xf32>
    %dot_general3A_56 = arith.constant dense<0.000000e+00> : vector<2000x128xf32>
    %dot_general3A_57 = tpu.matmul %max3A_42, %get3A_55, %dot_general3A_56 {dimension_numbers = #tpu.dot_dimension_numbers<[1], [0], [0], [1], [0, 0, 1, 1], [], []>, transpose_lhs_hint = false} : vector<2000x64xf32>, vector<64x128xf32>, vector<2000x128xf32> -> vector<2000x128xf32>
    %swap3A_58 = arith.constant 0 : index
    %swap3A_59 = arith.constant 0 : index
    %swap3A_60 = vector.load %arg16[%swap3A_58, %swap3A_59] : memref<2000x128xf32, #tpu.memory_space<vmem>>, vector<2000x128xf32>
    tpu.vector_store %arg16[%swap3A_58, %swap3A_59], %dot_general3A_57 {strides = array<i32>} : memref<2000x128xf32, #tpu.memory_space<vmem>>, vector<2000x128xf32>,
    %eq3A_61 = arith.constant 4 : i32
    %eq3A_62 = arith.cmpi eq, %arg0, %eq3A_61 : i32
    %convert_element_type3A_63 = arith.extui %eq3A_62 : i1 to i32
    %cond3A_64 = arith.constant 0 : i32
    %cond3A_65 = arith.cmpi ne, %convert_element_type3A_63, %cond3A_64 : i32
    scf.if %cond3A_65 {
      %get3A_66 = arith.constant 0 : index
      %get3A_67 = arith.constant 0 : index
      %get3A_68 = vector.load %arg19[%get3A_66, %get3A_67] : memref<1x64xf32, #tpu.memory_space<vmem>>, vector<1x64xf32>
      %mul3A = arith.constant 3.125000e-06 : f32
      %mul3A_69 = vector.broadcast %mul3A : f32 to vector<1x64xf32>
      %mul3A_70 = arith.mulf %get3A_68, %mul3A_69 : vector<1x64xf32>
      %get3A_71 = arith.constant 0 : index
      %get3A_72 = arith.constant 0 : index
      %get3A_73 = vector.load %arg18[%get3A_71, %get3A_72] : memref<1x64xf32, #tpu.memory_space<vmem>>, vector<1x64xf32>
      %mul3A_74 = arith.constant 9.99999974E-5 : f32
      %mul3A_75 = vector.broadcast %mul3A_74 : f32 to vector<1x64xf32>
      %mul3A_76 = arith.mulf %get3A_73, %mul3A_75 : vector<1x64xf32>
      %get3A_77 = arith.constant 0 : index
      %get3A_78 = arith.constant 0 : index
      %get3A_79 = vector.load %arg9[%get3A_77, %get3A_78] : memref<64x64xf32, #tpu.memory_space<vmem>>, vector<64x64xf32>
      %dot_general3A_80 = arith.constant dense<0.000000e+00> : vector<1x64xf32>
      %dot_general3A_81 = tpu.matmul %mul3A_70, %get3A_79, %dot_general3A_80 {dimension_numbers = #tpu.dot_dimension_numbers<[1], [0], [0], [1], [0, 0, 1, 1], [], []>, transpose_lhs_hint = false} : vector<1x64xf32>, vector<64x64xf32>, vector<1x64xf32> -> vector<1x64xf32>
      %get3A_82 = arith.constant 0 : index
      %get3A_83 = arith.constant 0 : index
      %get3A_84 = vector.load %arg10[%get3A_82, %get3A_83] : memref<64x64xf32, #tpu.memory_space<vmem>>, vector<64x64xf32>
      %dot_general3A_85 = arith.constant dense<0.000000e+00> : vector<1x64xf32>
      %dot_general3A_86 = tpu.matmul %mul3A_76, %get3A_84, %dot_general3A_85 {dimension_numbers = #tpu.dot_dimension_numbers<[1], [0], [0], [1], [0, 0, 1, 1], [], []>, transpose_lhs_hint = false} : vector<1x64xf32>, vector<64x64xf32>, vector<1x64xf32> -> vector<1x64xf32>
      %add3A_87 = arith.addf %dot_general3A_81, %dot_general3A_86 : vector<1x64xf32>
      %get3A_88 = arith.constant 0 : index
      %get3A_89 = arith.constant 0 : index
      %get3A_90 = vector.load %arg4[%get3A_88, %get3A_89] : memref<1x64xf32, #tpu.memory_space<vmem>>, vector<1x64xf32>
      %get3A_91 = arith.constant 0 : index
      %get3A_92 = arith.constant 0 : index
      %get3A_93 = vector.load %arg11[%get3A_91, %get3A_92] : memref<64x64xf32, #tpu.memory_space<vmem>>, vector<64x64xf32>
      %dot_general3A_94 = arith.constant dense<0.000000e+00> : vector<1x64xf32>
      %dot_general3A_95 = tpu.matmul %get3A_90, %get3A_93, %dot_general3A_94 {dimension_numbers = #tpu.dot_dimension_numbers<[1], [0], [0], [1], [0, 0, 1, 1], [], []>, transpose_lhs_hint = false} : vector<1x64xf32>, vector<64x64xf32>, vector<1x64xf32> -> vector<1x64xf32>
      %add3A_96 = arith.addf %add3A_87, %dot_general3A_95 : vector<1x64xf32>
      %get3A_97 = arith.constant 0 : index
      %get3A_98 = arith.constant 0 : index
      %get3A_99 = vector.load %arg12[%get3A_97, %get3A_98] : memref<1x64xf32, #tpu.memory_space<vmem>>, vector<1x64xf32>
      %add3A_100 = arith.addf %add3A_96, %get3A_99 : vector<1x64xf32>
      %max3A_101 = arith.constant 0.000000e+00 : f32
      %max3A_102 = vector.broadcast %max3A_101 : f32 to vector<1x64xf32>
      %max3A_103 = arith.maximumf %add3A_100, %max3A_102 : vector<1x64xf32>
      %get3A_104 = arith.constant 0 : index
      %get3A_105 = arith.constant 0 : index
      %get3A_106 = vector.load %arg14[%get3A_104, %get3A_105] : memref<64x64xf32, #tpu.memory_space<vmem>>, vector<64x64xf32>
      %dot_general3A_107 = arith.constant dense<0.000000e+00> : vector<1x64xf32>
      %dot_general3A_108 = tpu.matmul %max3A_103, %get3A_106, %dot_general3A_107 {dimension_numbers = #tpu.dot_dimension_numbers<[1], [0], [0], [1], [0, 0, 1, 1], [], []>, transpose_lhs_hint = false} : vector<1x64xf32>, vector<64x64xf32>, vector<1x64xf32> -> vector<1x64xf32>
      %get3A_109 = arith.constant 0 : index
      %get3A_110 = arith.constant 0 : index
      %get3A_111 = vector.load %arg15[%get3A_109, %get3A_110] : memref<1x64xf32, #tpu.memory_space<vmem>>, vector<1x64xf32>
      %add3A_112 = arith.addf %dot_general3A_108, %get3A_111 : vector<1x64xf32>
      %swap3A_113 = arith.constant 0 : index
      %swap3A_114 = arith.constant 0 : index
      %swap3A_115 = vector.load %arg17[%swap3A_113, %swap3A_114] : memref<1x64xf32, #tpu.memory_space<vmem>>, vector<1x64xf32>
      tpu.vector_store %arg17[%swap3A_113, %swap3A_114], %add3A_112 {strides = array<i32>} : memref<1x64xf32, #tpu.memory_space<vmem>>, vector<1x64xf32>,
    } else {
    }
    return
  }
  func.func @transform_0(%arg0: i32) -> (i32, i32) {
    %c0_i32 = arith.constant 0 : i32
    %c0_i32_0 = arith.constant 0 : i32
    return %arg0, %c0_i32 : i32, i32
  }
  func.func @transform_1(%arg0: i32) -> (i32, i32) {
    %c0_i32 = arith.constant 0 : i32
    %c0_i32_0 = arith.constant 0 : i32
    return %arg0, %c0_i32 : i32, i32
  }
  func.func @transform_2(%arg0: i32) -> (i32, i32) {
    %c0_i32 = arith.constant 0 : i32
    %c0_i32_0 = arith.constant 0 : i32
    return %arg0, %c0_i32 : i32, i32
  }
  func.func @transform_3(%arg0: i32) -> (i32, i32) {
    %c0_i32 = arith.constant 0 : i32
    %c0_i32_0 = arith.constant 0 : i32
    %c0_i32_1 = arith.constant 0 : i32
    return %c0_i32, %c0_i32_0 : i32, i32
  }
  func.func @transform_4(%arg0: i32) -> (i32, i32) {
    %c0_i32 = arith.constant 0 : i32
    %c0_i32_0 = arith.constant 0 : i32
    %c0_i32_1 = arith.constant 0 : i32
    return %c0_i32, %c0_i32_0 : i32, i32
  }
  func.func @transform_5(%arg0: i32) -> (i32, i32) {
    %c0_i32 = arith.constant 0 : i32
    %c0_i32_0 = arith.constant 0 : i32
    %c0_i32_1 = arith.constant 0 : i32
    return %c0_i32, %c0_i32_0 : i32, i32
  }
  func.func @transform_6(%arg0: i32) -> (i32, i32) {
    %c0_i32 = arith.constant 0 : i32
    %c0_i32_0 = arith.constant 0 : i32
    %c0_i32_1 = arith.constant 0 : i32
    return %c0_i32, %c0_i32_0 : i32, i32
  }
  func.func @transform_7(%arg0: i32) -> (i32, i32) {
    %c0_i32 = arith.constant 0 : i32
    %c0_i32_0 = arith.constant 0 : i32
    %c0_i32_1 = arith.constant 0 : i32
    return %c0_i32, %c0_i32_0 : i32, i32
  }
  func.func @transform_8(%arg0: i32) -> (i32, i32) {
    %c0_i32 = arith.constant 0 : i32
    %c0_i32_0 = arith.constant 0 : i32
    %c0_i32_1 = arith.constant 0 : i32
    return %c0_i32, %c0_i32_0 : i32, i32
  }
  func.func @transform_9(%arg0: i32) -> (i32, i32) {
    %c0_i32 = arith.constant 0 : i32
    %c0_i32_0 = arith.constant 0 : i32
    %c0_i32_1 = arith.constant 0 : i32
    return %c0_i32, %c0_i32_0 : i32, i32
  }
  func.func @transform_10(%arg0: i32) -> (i32, i32) {
    %c0_i32 = arith.constant 0 : i32
    %c0_i32_0 = arith.constant 0 : i32
    %c0_i32_1 = arith.constant 0 : i32
    return %c0_i32, %c0_i32_0 : i32, i32
  }
  func.func @transform_11(%arg0: i32) -> (i32, i32) {
    %c0_i32 = arith.constant 0 : i32
    %c0_i32_0 = arith.constant 0 : i32
    %c0_i32_1 = arith.constant 0 : i32
    return %c0_i32, %c0_i32_0 : i32, i32
  }
  func.func @transform_12(%arg0: i32) -> (i32, i32) {
    %c0_i32 = arith.constant 0 : i32
    %c0_i32_0 = arith.constant 0 : i32
    %c0_i32_1 = arith.constant 0 : i32
    return %c0_i32, %c0_i32_0 : i32, i32
  }
  func.func @transform_13(%arg0: i32) -> (i32, i32) {
    %c0_i32 = arith.constant 0 : i32
    %c0_i32_0 = arith.constant 0 : i32
    %c0_i32_1 = arith.constant 0 : i32
    return %c0_i32, %c0_i32_0 : i32, i32
  }
  func.func @transform_14(%arg0: i32) -> (i32, i32) {
    %c0_i32 = arith.constant 0 : i32
    %c0_i32_0 = arith.constant 0 : i32
    %c0_i32_1 = arith.constant 0 : i32
    return %c0_i32, %c0_i32_0 : i32, i32
  }
  func.func @transform_15(%arg0: i32) -> (i32, i32) {
    %c0_i32 = arith.constant 0 : i32
    %c0_i32_0 = arith.constant 0 : i32
    return %arg0, %c0_i32 : i32, i32
  }
  func.func @transform_16(%arg0: i32) -> (i32, i32) {
    %c0_i32 = arith.constant 0 : i32
    %c0_i32_0 = arith.constant 0 : i32
    %c0_i32_1 = arith.constant 0 : i32
    return %c0_i32, %c0_i32_0 : i32, i32
  }
}

module attributes {stable_mosaic.version = 14 : i64} {
  func.func @_dec_body(%arg0: i32, %arg1: memref<6400x64xf32, #tpu.memory_space<vmem>>, %arg2: memref<6400x64xf32, #tpu.memory_space<vmem>>, %arg3: memref<1x64xf32, #tpu.memory_space<vmem>>, %arg4: memref<64x64xf32, #tpu.memory_space<vmem>>, %arg5: memref<64x16xf32, #tpu.memory_space<vmem>>, %arg6: memref<1x16xf32, #tpu.memory_space<vmem>>, %arg7: memref<6400x16xf32, #tpu.memory_space<vmem>>) attributes {dimension_semantics = [#tpu.dimension_semantics<arbitrary>], iteration_bounds = array<i64: 50>, scalar_prefetch = 0 : i64, scratch_operands = 0 : i64, tpu.core_type = #tpu.core_type<tc>, window_params = [{transform_indices = @transform_0, window_bounds = array<i64: 6400, 64>}, {transform_indices = @transform_1, window_bounds = array<i64: 6400, 64>}, {pipeline_mode = #tpu.pipeline_mode<synchronous>, transform_indices = @transform_2, window_bounds = array<i64: 1, 64>}, {pipeline_mode = #tpu.pipeline_mode<synchronous>, transform_indices = @transform_3, window_bounds = array<i64: 64, 64>}, {pipeline_mode = #tpu.pipeline_mode<synchronous>, transform_indices = @transform_4, window_bounds = array<i64: 64, 16>}, {pipeline_mode = #tpu.pipeline_mode<synchronous>, transform_indices = @transform_5, window_bounds = array<i64: 1, 16>}, {transform_indices = @transform_6, window_bounds = array<i64: 6400, 16>}]} {
    %get3A = arith.constant 0 : index
    %get3A_0 = arith.constant 0 : index
    %get3A_1 = vector.load %arg1[%get3A, %get3A_0] : memref<6400x64xf32, #tpu.memory_space<vmem>>, vector<6400x64xf32>
    %get3A_2 = arith.constant 0 : index
    %get3A_3 = arith.constant 0 : index
    %get3A_4 = vector.load %arg4[%get3A_2, %get3A_3] : memref<64x64xf32, #tpu.memory_space<vmem>>, vector<64x64xf32>
    %dot_general3A = arith.constant dense<0.000000e+00> : vector<6400x64xf32>
    %dot_general3A_5 = tpu.matmul %get3A_1, %get3A_4, %dot_general3A {dimension_numbers = #tpu.dot_dimension_numbers<[1], [0], [0], [1], [0, 0, 1, 1], [], []>, transpose_lhs_hint = false} : vector<6400x64xf32>, vector<64x64xf32>, vector<6400x64xf32> -> vector<6400x64xf32>
    %get3A_6 = arith.constant 0 : index
    %get3A_7 = arith.constant 0 : index
    %get3A_8 = vector.load %arg2[%get3A_6, %get3A_7] : memref<6400x64xf32, #tpu.memory_space<vmem>>, vector<6400x64xf32>
    %add3A = arith.addf %dot_general3A_5, %get3A_8 : vector<6400x64xf32>
    %get3A_9 = arith.constant 0 : index
    %get3A_10 = arith.constant 0 : index
    %get3A_11 = vector.load %arg3[%get3A_9, %get3A_10] : memref<1x64xf32, #tpu.memory_space<vmem>>, vector<1x64xf32>
    %add3A_12 = vector.broadcast %get3A_11 : vector<1x64xf32> to vector<6400x64xf32>
    %add3A_13 = arith.addf %add3A, %add3A_12 : vector<6400x64xf32>
    %max3A = arith.constant 0.000000e+00 : f32
    %max3A_14 = vector.broadcast %max3A : f32 to vector<6400x64xf32>
    %max3A_15 = arith.maximumf %add3A_13, %max3A_14 : vector<6400x64xf32>
    %get3A_16 = arith.constant 0 : index
    %get3A_17 = arith.constant 0 : index
    %get3A_18 = vector.load %arg5[%get3A_16, %get3A_17] : memref<64x16xf32, #tpu.memory_space<vmem>>, vector<64x16xf32>
    %dot_general3A_19 = arith.constant dense<0.000000e+00> : vector<6400x16xf32>
    %dot_general3A_20 = tpu.matmul %max3A_15, %get3A_18, %dot_general3A_19 {dimension_numbers = #tpu.dot_dimension_numbers<[1], [0], [0], [1], [0, 0, 1, 1], [], []>, transpose_lhs_hint = false} : vector<6400x64xf32>, vector<64x16xf32>, vector<6400x16xf32> -> vector<6400x16xf32>
    %get3A_21 = arith.constant 0 : index
    %get3A_22 = arith.constant 0 : index
    %get3A_23 = vector.load %arg6[%get3A_21, %get3A_22] : memref<1x16xf32, #tpu.memory_space<vmem>>, vector<1x16xf32>
    %add3A_24 = vector.broadcast %get3A_23 : vector<1x16xf32> to vector<6400x16xf32>
    %add3A_25 = arith.addf %dot_general3A_20, %add3A_24 : vector<6400x16xf32>
    %swap3A = arith.constant 0 : index
    %swap3A_26 = arith.constant 0 : index
    %swap3A_27 = vector.load %arg7[%swap3A, %swap3A_26] : memref<6400x16xf32, #tpu.memory_space<vmem>>, vector<6400x16xf32>
    tpu.vector_store %arg7[%swap3A, %swap3A_26], %add3A_25 {strides = array<i32>} : memref<6400x16xf32, #tpu.memory_space<vmem>>, vector<6400x16xf32>,
    return
  }
  func.func @transform_0(%arg0: i32) -> (i32, i32) {
    %c0_i32 = arith.constant 0 : i32
    %c0_i32_0 = arith.constant 0 : i32
    return %arg0, %c0_i32 : i32, i32
  }
  func.func @transform_1(%arg0: i32) -> (i32, i32) {
    %c0_i32 = arith.constant 0 : i32
    %c0_i32_0 = arith.constant 0 : i32
    return %arg0, %c0_i32 : i32, i32
  }
  func.func @transform_2(%arg0: i32) -> (i32, i32) {
    %c0_i32 = arith.constant 0 : i32
    %c0_i32_0 = arith.constant 0 : i32
    %c0_i32_1 = arith.constant 0 : i32
    return %c0_i32, %c0_i32_0 : i32, i32
  }
  func.func @transform_3(%arg0: i32) -> (i32, i32) {
    %c0_i32 = arith.constant 0 : i32
    %c0_i32_0 = arith.constant 0 : i32
    %c0_i32_1 = arith.constant 0 : i32
    return %c0_i32, %c0_i32_0 : i32, i32
  }
  func.func @transform_4(%arg0: i32) -> (i32, i32) {
    %c0_i32 = arith.constant 0 : i32
    %c0_i32_0 = arith.constant 0 : i32
    %c0_i32_1 = arith.constant 0 : i32
    return %c0_i32, %c0_i32_0 : i32, i32
  }
  func.func @transform_5(%arg0: i32) -> (i32, i32) {
    %c0_i32 = arith.constant 0 : i32
    %c0_i32_0 = arith.constant 0 : i32
    %c0_i32_1 = arith.constant 0 : i32
    return %c0_i32, %c0_i32_0 : i32, i32
  }
  func.func @transform_6(%arg0: i32) -> (i32, i32) {
    %c0_i32 = arith.constant 0 : i32
    %c0_i32_0 = arith.constant 0 : i32
    return %arg0, %c0_i32 : i32, i32
  }
}

</mosaic_0001>

<sc_bundles>
// kernel: kernel.11.cloned.1.call-start
scs
__scs_entry_jumppad:
0x0: {  	(pc) =	sbr.rel $0x88, $3  }
0x1: {  	(tag) =	ssettag $0x0;
	lr =	simm.s32 $0x1  }
0x2: {  	[smem:$0x3F93] =	sst lr;
	_ =	strace $0xD0000000  }
0x3: {  	_ = 	snop  }
0x4: {  	_ = 	snop  }
0x5: {  	_ = 	snop  }
0x6: {  	_ = 	snop  }
0x7: {  	_ = 	snop  }
__scs_overlays_trampoline_lowered:
0x8: {  	[smem:$0x3FA2] =	sst s0  }
0x9: {  	[smem:$0x3FA3] =	sst s1  }
0xa: {  	[smem:$0x3FA4] =	sst s2  }
0xb: {  	[smem:$0x3FA5] =	sst s3  }
0xc: {  	[smem:$0x3FA6] =	sst s4  }
0xd: {  	[smem:$0x3FA7] =	sst s5  }
0xe: {  	[smem:$0x3FA8] =	sst s6  }
0xf: {  	[smem:$0x3FA9] =	sst s7  }
0x10: {  	[smem:$0x3FAA] =	sst s8  }
0x11: {  	[smem:$0x3FAB] =	sst s9;
	s0 =	simm.s32 @!p0 $0x0  }
0x12: {  	s1 =	sld [smem:$0x3F91];
	s0 =	simm.s32 @p0 $0x1  }
0x13: {  	[smem:$0x3FAC] =	sst s0;
	s0 =	simm.s32 @!p1 $0x0  }
0x14: {  	s2 =	sld [smem:$0x3F90];
	s0 =	simm.s32 @p1 $0x1  }
0x15: {  	[smem:$0x3FAD] =	sst s0;
	s0 =	simm.s32 @!p2 $0x0  }
0x16: {  	s3 =	sld [smem:$0x3FDB];
	s0 =	simm.s32 @p2 $0x1  }
0x17: {  	s4 =	simm.s32 $0x1BF5;
	[smem:$0x3FAF] =	sst s0  }
0x18: {  	s0 =	sld [smem:$0x3F92];
	_ =	swait.ge [sflag:s4], $0x0  }
0x19: {  	s7 =	sld [smem:$0x3F93]  }
0x1a: {  	s8 =	sadd.s32 $0xFFFFE003, lr  }
0x1b: {  	s9 =	sadd.s32 $0xFFFFFEF7, lr;
	s5 =	simm.s32 $0xFFFFFFFF;
	p2 =	slt.u32 s8, $0xFFFFF086  }
0x1c: {  	p1 =	slt.u32 s9, $0xF7A;
	s5 =	simm.s32 @!p2 $0x0  }
0x1d: {  	s5 =	simm.s32 @p1 $0x1;
	p0 =	seq.s32 s7, s2  }
0x1e: {  	s7 =	smul.u32 @!p0 $0xF7A, s2;
	p2 =	seq.s32 @!p0 s5, $0x0  }
0x1f: {  	s9 =	smul.u32 $0xF7A, s1;
	s8 =	simm.s32 @!p0 $0x1BF5;
	p2 =	por !p2, p0  }
0x20: {  	[sflag:s8] =	ssyncset.s32 @!p0 $0xFFFFF086;
	s6 =	sadd.s32 @!p0 s3, s7;
	s7 =	simm.s32 @!p0 $0x108  }
0x21: {  	s3 =	sadd.s32 s3, s9;
	s6 =	sadd.s32 @!p0 $0x88, s6;
	s7 =	simm.s32 @p2 $0x1082  }
0x22: {  	[simem:s7], [sflag:s8] =	dma.local @!p0 [hbm:s6], $0xF7A  }
0x23: {  	s9 =	sor.u32 $0xD0000000, s2;
	s6 =	simm.s32 $0x108;
	_ =	swait.ge @!p0 [sflag:s8], $0x0  }
0x24: {  	s3 =	sadd.s32 $0x88, s3;
	s6 =	simm.s32 @!p1 $0x1082;
	[sflag:s4] =	ssyncset.s32 $0xFFFFF086  }
0x25: {  	[simem:s6], [sflag:s4] =	dma.local [hbm:s3], $0xF7A  }
0x26: {  	[smem:$0x3F93] =	sst s1;
	(tag) =	ssettag s2;
	_ =	strace s9  }
0x27: {  	s1 =	sld [smem:$0x3FA3]  }
0x28: {  	s2 =	sld [smem:$0x3FA4]  }
0x29: {  	s4 =	sld [smem:$0x3FA6]  }
0x2a: {  	p0 =	seq.s32 s5, $0x0;
	s5 =	sld [smem:$0x3FA7]  }
0x2b: {  	s6 =	sld [smem:$0x3FA8]  }
0x2c: {  	s7 =	sld [smem:$0x3FA9]  }
0x2d: {  	s3 =	simm.s32 $0x108;
	s8 =	sld [smem:$0x3FAA]  }
0x2e: {  	s3 =	simm.s32 @!p0 $0x1082;
	s9 =	sld [smem:$0x3FAB]  }
0x2f: {  	lr =	sadd.s32 s0, s3;
	s0 =	sld [smem:$0x3FA2]  }
0x30: {  	s3 =	sld [smem:$0x3FA5]  }
0x31: {  	[smem:$0x3FAE] =	sst s10  }
0x32: {  	s10 =	sld [smem:$0x3FAC];
	_ =	sdelay $0x3  }
0x33: {  	p0 =	seq.s32 s10, $0x1;
	s10 =	sld [smem:$0x3FAE];
	_ =	sdelay $0x3  }
0x34: {  	[smem:$0x3FAE] =	sst s10  }
0x35: {  	s10 =	sld [smem:$0x3FAD];
	_ =	sdelay $0x3  }
0x36: {  	p1 =	seq.s32 s10, $0x1;
	s10 =	sld [smem:$0x3FAE];
	_ =	sdelay $0x3  }
0x37: {  	[smem:$0x3FAE] =	sst s10  }
0x38: {  	s10 =	sld [smem:$0x3FAF]  }
0x39: {  	_ = 	snop;
	(pc) =	sbr.ind lr, $3  }
0x3a: {  	_ = 	snop  }
0x3b: {  	_ = 	snop  }
0x3c: {  	p2 =	seq.s32 s10, $0x1;
	s10 =	sld [smem:$0x3FAE]  }
0x3d: {  	_ =	shalt  }
0x3e: {  	_ =	shalt  }
0x3f: {  	_ =	shalt  }
0x40: {  	_ =	shalt  }
0x41: {  	_ =	shalt  }
0x42: {  	_ =	shalt  }
0x43: {  	_ =	shalt  }
0x44: {  	_ =	shalt  }
0x45: {  	_ =	shalt  }
0x46: {  	_ =	shalt  }
0x47: {  	_ =	shalt  }
0x48: {  	_ =	shalt  }
0x49: {  	_ =	shalt  }
0x4a: {  	_ =	shalt  }
0x4b: {  	_ =	shalt  }
0x4c: {  	_ =	shalt  }
0x4d: {  	_ =	shalt  }
0x4e: {  	_ =	shalt  }
0x4f: {  	_ =	shalt  }
0x50: {  	_ =	shalt  }
0x51: {  	_ =	shalt  }
0x52: {  	_ =	shalt  }
0x53: {  	_ =	shalt  }
0x54: {  	_ =	shalt  }
0x55: {  	_ =	shalt  }
0x56: {  	_ =	shalt  }
0x57: {  	_ =	shalt  }
0x58: {  	_ =	shalt  }
0x59: {  	_ =	shalt  }
0x5a: {  	_ =	shalt  }
0x5b: {  	_ =	shalt  }
0x5c: {  	_ =	shalt  }
0x5d: {  	_ =	shalt  }
0x5e: {  	_ =	shalt  }
0x5f: {  	_ =	shalt  }
0x60: {  	_ =	shalt  }
0x61: {  	_ =	shalt  }
0x62: {  	_ =	shalt  }
0x63: {  	_ =	shalt  }
0x64: {  	_ =	shalt  }
0x65: {  	_ =	shalt  }
0x66: {  	_ =	shalt  }
0x67: {  	_ =	shalt  }
0x68: {  	_ =	shalt  }
0x69: {  	_ =	shalt  }
0x6a: {  	_ =	shalt  }
0x6b: {  	_ =	shalt  }
0x6c: {  	_ =	shalt  }
0x6d: {  	_ =	shalt  }
0x6e: {  	_ =	shalt  }
0x6f: {  	_ =	shalt  }
0x70: {  	_ =	shalt  }
0x71: {  	_ =	shalt  }
0x72: {  	_ =	shalt  }
0x73: {  	_ =	shalt  }
0x74: {  	_ =	shalt  }
0x75: {  	_ =	shalt  }
0x76: {  	_ =	shalt  }
0x77: {  	_ =	shalt  }
0x78: {  	_ =	shalt  }
0x79: {  	_ =	shalt  }
0x7a: {  	_ =	shalt  }
0x7b: {  	_ =	shalt  }
0x7c: {  	_ =	shalt  }
0x7d: {  	_ =	shalt  }
0x7e: {  	_ =	shalt  }
0x7f: {  	_ =	shalt  }
0x80: {  	_ =	shalt  }
0x81: {  	_ =	shalt  }
0x82: {  	_ =	shalt  }
0x83: {  	_ =	shalt  }
0x84: {  	_ =	shalt  }
0x85: {  	_ =	shalt  }
0x86: {  	_ =	shalt  }
0x87: {  	_ =	shalt  }
.Lfunc_end0:
.L_simem_size_0:
called_computation.1_lowered:
.L_overlay_start_0:
0x88: {  	s2 =	sld [smem:$0x3FD9]  }
0x89: {  	s3 =	sld [smem:$0x3FFE];
	_ =	sdelay $0x1  }
0x8a: {  	s1 =	srdreg.scid  }
0x8b: {  	s0 =	sand.u32 $0x1, s1  }
0x8c: {  	s17 =	sshll.u32 s0, $0xA;
	s2 =	sadd.s32 s3, s2  }
0x8d: {  	s2 =	sadd.s32 s2, s17  }
0x8e: {  	[smem:$0x3FBA] =	sst s2  }
0x8f: {  	_ = 	snop  }
0x90: {  	s2 =	sld [smem:$0x3FD0];
	(tm) =	ssettm $0x1  }
0x91: {  	s18 =	sld [smem:$0x3FFB];
	_ =	sdelay $0x3  }
0x92: {  	_ =	strace s18  }
0x93: {  	s3 =	sld [smem:$0x3FFC];
	_ =	sdelay $0x3  }
0x94: {  	_ =	strace s3  }
0x95: {  	s3 =	sld [smem:$0x3FFD];
	_ =	sdelay $0x3  }
0x96: {  	_ =	strace s3  }
0x97: {  	_ =	strace $0x8FFFFFFF  }
0x98: {  	s19 =	sld [smem:$0x3FDB];
	_ =	sdelay $0x1  }
0x99: {  	s4 =	simm.s32 $_scs_section_size  }
0x9a: {  	s5 =	simm.s32 $_size__tile_overlayer_lowered;
	s6 =	simm.s32 $_tile_overlayer_lowered  }
0x9b: {  	s22 =	simm.s32 $0x1BFF;
	s21 =	sshll.u32 s6, $0x1;
	s3 =	sadd.s32 s4, s19  }
0x9c: {  	s7 =	simm.s32 $0x0;
	s20 =	sshll.u32 s5, $0x1;
	s5 =	sadd.s32 s21, s3  }
0x9d: {  	[timem:s7], [sflag:s22] =	dma.local [hbm:s5], s20  }
0x9e: {  	_ =	swait.ge [sflag:s22], s20  }
0x9f: {  	s4 =	ssub.s32 $0x0, s20;
	[sflag:s22] =	ssyncset.done $0x0  }
0xa0: {  	[sflag:s22] =	ssyncadd.s32 s4;
	_ =	sdelay $0x1  }
0xa1: {  	s23 =	simm.s32 $0x1B8B  }
0xa2: {  	_ =	swait.ge [sflag:s23], $0x1  }
0xa3: {  	[sflag:s23] =	ssyncset.done $0x0  }
0xa4: {  	s25 =	simm.s32 $0x1B8E;
	s24 =	sld [smem:$0x3FFE];
	[sflag:s23] =	ssyncadd.s32 $0xFFFFFFFF  }
0xa5: {  	s26 =	simm.s32 $execute0_lowered;
	[smem:$0x3FD2] =	sst s25  }
0xa6: {  	s5 =	sshll.u32 s26, $0x1;
	_ =	strace $0x80000049;
	[dreg:$0x1] =	wrdreg $0xFFFFFFFF  }
0xa7: {  	s28 =	simm.s32 $_size_execute0_lowered;
	s3 =	sadd.s32 s3, s5;
	[dreg:$0x0] =	wrdreg $0x0  }
0xa8: {  	s5 =	sshll.u32 s28, $0x1;
	[dreg:$0x2] =	wrdreg s3  }
0xa9: {  	[dreg:$0x3] =	wrdreg s5  }
0xaa: {  	[dreg:$0x4] =	wrdreg $0xC0  }
0xab: {  	_ =	task [dreg:s7], $0x5FFFF  }
0xac: {  	[dreg:$0x1] =	wrdreg $0xFFFFFFFF  }
0xad: {  	[dreg:$0x0] =	wrdreg $0x60  }
0xae: {  	[dreg:$0x2] =	wrdreg s2  }
0xaf: {  	[dreg:$0x3] =	wrdreg s24  }
0xb0: {  	[dreg:$0x4] =	wrdreg $0x9  }
0xb1: {  	_ =	task.clear_ibuf [dreg:s7], $0x5FFFF;
	_ =	strace $0x90000049  }
0xb2: {  	s29 =	simm.s32 $0x9;
	_ =	strace $0x8000004B  }
0xb3: {  	_ =	swait.ge [sflag:s29], $0x1  }
0xb4: {  	[sflag:s29] =	ssyncadd.s32 $0xFFFFFFFF  }
0xb5: {  	_ =	strace $0x9000004B  }
0xb6: {  	_ =	sfence  }
0xb7: {  	s30 =	sld [smem:$0x0];
	_ =	sdelay $0x2  }
0xb8: {  	s31 =	sshll.u32 s1, $0xD;
	s1 =	sshrl.u32 s1, $0x2  }
0xb9: {  	s3 =	sand.u32 $0x4000, s31;
	s1 =	sadd.s32 s1, s30  }
0xba: {  	s0 =	sor.u32 s3, s0;
	s1 =	sshll.u32 s1, $0x11  }
0xbb: {  	s0 =	sor.u32 s1, s0  }
0xbc: {  	s0 =	sadd.s32 $0x8F2B, s0  }
0xbd: {  	[sflag:s0] =	ssyncadd.remote.s32 $0x1  }
0xbe: {  	_ =	sfence.sel $0xFFFF  }
0xbf: {  	[dreg:$0x0] =	wrdreg $0xFFFFFFFF;
	(pc) =	sbr.abs _section_cstart, $3  }
0xc0: {  	[dreg:$0x1] =	wrdreg $0xFFFFFFFF  }
0xc1: {  	_ =	task.clear_ibuf [dreg:s7], $0x2FFFF;
	_ =	strace $0x9FFFFFFF  }
0xc2: {  	(tm) =	ssettm $0x7FFFFFFF  }
0xc3: {  	_ =	shalt  }
tec
execute0_lowered:
.L_overlay_start_1:
0x0: {  	(tag) =	ssettag $0x1  }
0x1: {  	s1 =	rddreg [dreg:$0x0]  }
0x2: {  	s0 =	rddreg [dreg:$0x1];
	s2 =	srdreg.scid  }
0x3: {  	s3 =	simm.s32 $0x0;
	s5 =	stileid.u32;
	s15 =	simm.s32 $0x50  }
0x4: {  	s16 =	simm.s32 $0x8000;
	s17 =	simm.s32 $0xA800;
	s19 =	simm.s32 $0xF800  }
0x5: {  	s21 =	simm.s32 $0x12000;
	s28 =	simm.s32 $0xD000;
	s29 =	simm.s32 $0x2  }
0x6: {  	s30 =	simm.s32 $0x14800;
	s31 =	simm.s32 $0x3;
	s2 =	sand.u32 $0x1, s2  }
0x7: {  	s18 =	simm.s32 $0x5;
	[smem:$0x7FF] =	sst s3;
	s4 =	sshll.u32 s2, $0x4  }
0x8: {  	s22 =	simm.s32 $0x0;
	_ =	strace $0x8000004A;
	s5 =	sor.u32 s5, s4  }
0x9: {  	s2 =	ssub.s32 $0x2, s2;
	s4 =	sshll.u32 s5, $0xB;
	s7 =	smul.u32 $0x138800, s5  }
0xa: {  	s23 =	sshrl.u32 s2, $0x1;
	s5 =	smul.u32 $0x2710, s5;
	s6 =	sadd.s32 s4, s0  }
0xb: {  	s4 =	sadd.s32 $0x554A00, s0;
	s0 =	ssub.s32 s2, s23;
	s23 =	simm.s32 $0x17000  }
0xc: {  	s24 =	sadd.s32 $0x544600, s6;
	s25 =	sshrl.u32 s7, $0x3;
	s6 =	sadd.s32 $0x534600, s6  }
0xd: {  	s8 =	sadd.s32 $0x50, s5;
	s9 =	sadd.s32 $0xA0, s5;
	[dreg:$0x3] =	wrdreg s24  }
0xe: {  	s0 =	smax.u32 s0, $0x1;
	[dreg:$0x4] =	wrdreg s6;
	s2 =	sadd.s32 s4, s25  }
0xf: {  	[dreg:$0x7] =	wrdreg s0;
	s25 =	simm.s32 $0x19800;
	s26 =	sadd.s32 $0x26700, s2  }
0x10: {  	s0 =	simm.s32 $0x1C000;
	s2 =	sadd.s32 $0x26C00, s2;
	[dreg:$0x5] =	wrdreg s26  }
0x11: {  	[dreg:$0x6] =	wrdreg s2;
	s26 =	simm.s32 $0x1;
	s2 =	simm.s32 $0x4  }
.LBB2_1:
0x12: {  	s6 =	rddreg [dreg:$0x3];
	s7 =	simm.s32 $0x7  }
0x13: {  	[tilespmem:s3], [sflag:$0x7] =	stream.linear.gather [hbm4b:s6+s3], $0x3E80, $0x38;
	[tilespmem:$0x1E800] =	vst v63  }
0x14: {  	_ =	swait.ge [sflag:s7], $0x3E80  }
0x15: {  	[sflag:s7] =	ssyncset.done $0x0  }
0x16: {  	s10 =	simm.s32 $0x4000;
	s12 =	rddreg [dreg:$0x4];
	[sflag:s7] =	ssyncadd.s32 $0xFFFFC180  }
0x17: {  	[tilespmem:s10], [sflag:$0x7] =	stream.linear.gather [hbm4b:s12+s3], $0x3E80, $0x38;
	[tilespmem:$0x1E800] =	vst v63  }
0x18: {  	_ =	swait.ge [sflag:s7], $0x3E80  }
0x19: {  	[sflag:s7] =	ssyncset.done $0x0  }
0x1a: {  	[sflag:s7] =	ssyncadd.s32 $0xFFFFC180  }
0x1b: {  	[tilespmem:s16], [sflag:$0x1] =	stream.indirect.gather [hbm4b:s1+s15], $0x80, s3, s15, $0xb8;
	[tilespmem:$0x1E800] =	vst v63  }
0x1c: {  	_ = 	snop  }
0x1d: {  	[tilespmem:s17], [sflag:$0x1] =	stream.indirect.gather [hbm4b:s1+s15], $0x80, s10, s15, $0xb8;
	[tilespmem:$0x1E800] =	vst v63  }
0x1e: {  	s13 =	simm.s32 $0x80  }
0x1f: {  	[tilespmem:s19], [sflag:$0x2] =	stream.indirect.gather [hbm4b:s1+s15], $0x80, s13, s15, $0xb8;
	[tilespmem:$0x1E800] =	vst v63  }
0x20: {  	s14 =	simm.s32 $0x4080  }
0x21: {  	[tilespmem:s21], [sflag:$0x2] =	stream.indirect.gather [hbm4b:s1+s15], $0x80, s14, s15, $0xb8;
	[tilespmem:$0x1E800] =	vst v63  }
0x22: {  	s20 =	simm.s32 $0x100  }
0x23: {  	[tilespmem:s23], [sflag:$0x3] =	stream.indirect.gather [hbm4b:s1+s15], $0x80, s20, s15, $0xb8;
	[tilespmem:$0x1E800] =	vst v63  }
0x24: {  	s24 =	simm.s32 $0x4100  }
0x25: {  	[tilespmem:s25], [sflag:$0x3] =	stream.indirect.gather [hbm4b:s1+s15], $0x80, s24, s15, $0xb8;
	[tilespmem:$0x1E800] =	vst v63  }
0x26: {  	s24 =	simm.s32 $0x0  }
.LBB2_2:
0x27: {  	_ =	swait.ge [sflag:s26], $0x2800  }
0x28: {  	[sflag:s26] =	ssyncset.done $0x0  }
0x29: {  	[sflag:s26] =	ssyncadd.s32 $0xFFFFD800  }
0x2a: {  	_ =	swait.ge [sflag:s26], $0x2800  }
0x2b: {  	p0 =	seq.s32 s24, $0x0;
	[sflag:s26] =	ssyncset.done $0x0  }
0x2c: {  	s6 =	simm.s32 @!p0 $0x4;
	[sflag:s26] =	ssyncadd.s32 $0xFFFFD800  }
0x2d: {  	_ =	swait.ge @!p0 [sflag:s6], $0x2800  }
0x2e: {  	[sflag:s6] =	ssyncset.done @!p0 $0x0  }
0x2f: {  	s7 =	simm.s32 $0x8080;
	[sflag:s6] =	ssyncadd.s32 @!p0 $0xFFFFD800  }
0x30: {  	s6 =	simm.s32 $0xA8C0;
	v0 =	vld [tilespmem:s7+$0xFFFFFF80]  }
0x31: {  	v1 =	vld [tilespmem:s6+$0xFFFFFF80];
	_ =	sdelay $0x4  }
0x32: {  	v0 =	vadd.f32 v1, v0  }
0x33: {  	s10 =	simm.s32 $0xD080  }
0x34: {  	[tilespmem:s10+$0xFFFFFF80] =	vst v0  }
0x35: {  	v0 =	vld [tilespmem:s6+$0xFFFFFF90]  }
0x36: {  	v1 =	vld [tilespmem:s7+$0xFFFFFF90];
	_ =	sdelay $0x4  }
0x37: {  	v0 =	vadd.f32 v0, v1;
	_ =	sdelay $0x1  }
0x38: {  	[tilespmem:s10+$0xFFFFFF90] =	vst v0  }
0x39: {  	v0 =	vld [tilespmem:s7+$0xFFFFFFA0]  }
0x3a: {  	v1 =	vld [tilespmem:s6+$0xFFFFFFA0];
	_ =	sdelay $0x4  }
0x3b: {  	v0 =	vadd.f32 v1, v0;
	_ =	sdelay $0x1  }
0x3c: {  	[tilespmem:s10+$0xFFFFFFA0] =	vst v0  }
0x3d: {  	v0 =	vld [tilespmem:s7+$0xFFFFFFB0]  }
0x3e: {  	v1 =	vld [tilespmem:s6+$0xFFFFFFB0];
	_ =	sdelay $0x4  }
0x3f: {  	v0 =	vadd.f32 v1, v0;
	_ =	sdelay $0x1  }
0x40: {  	[tilespmem:s10+$0xFFFFFFB0] =	vst v0  }
0x41: {  	v0 =	vld [tilespmem:s7+$0x0]  }
0x42: {  	v1 =	vld [tilespmem:s6+$0x0];
	_ =	sdelay $0x4  }
0x43: {  	v0 =	vadd.f32 v1, v0;
	_ =	sdelay $0x1  }
0x44: {  	[tilespmem:s10+$0x0] =	vst v0  }
0x45: {  	v0 =	vld [tilespmem:s7+$0x10]  }
0x46: {  	v1 =	vld [tilespmem:s6+$0x10];
	_ =	sdelay $0x4  }
0x47: {  	v0 =	vadd.f32 v1, v0;
	_ =	sdelay $0x1  }
0x48: {  	[tilespmem:s10+$0x10] =	vst v0  }
0x49: {  	v0 =	vld [tilespmem:s7+$0x20]  }
0x4a: {  	v1 =	vld [tilespmem:s6+$0x20];
	_ =	sdelay $0x4  }
0x4b: {  	v0 =	vadd.f32 v1, v0;
	_ =	sdelay $0x1  }
0x4c: {  	[tilespmem:s10+$0x20] =	vst v0  }
0x4d: {  	s14 =	smul.u32 $0x3, s24;
	s11 =	simm.s32 $0x0;
	s12 =	simm.s32 $0xD180;
	v0 =	vld [tilespmem:s7+$0x30]  }
.LBB2_3:
0x4e: {  	s11 =	sadd.s32 $0x2, s11;
	v1 =	vld [tilespmem:s6+$0x30];
	s6 =	sadd.s32 $0x100, s6;
	s7 =	sadd.s32 $0x100, s7  }
0x4f: {  	p1 =	slt.u32 s11, $0x4E;
	_ =	sdelay $0x3  }
0x50: {  	v0 =	vadd.f32 v1, v0;
	_ =	sdelay $0x1  }
0x51: {  	[tilespmem:s10+$0x30] =	vst v0;
	s10 =	smov.u32 s12  }
0x52: {  	v0 =	vld [tilespmem:s7+$0xFFFFFF80]  }
0x53: {  	v1 =	vld [tilespmem:s6+$0xFFFFFF80];
	_ =	sdelay $0x4  }
0x54: {  	v0 =	vadd.f32 v1, v0;
	_ =	sdelay $0x1  }
0x55: {  	[tilespmem:s12+$0xFFFFFF80] =	vst v0  }
0x56: {  	v0 =	vld [tilespmem:s6+$0xFFFFFF90]  }
0x57: {  	v1 =	vld [tilespmem:s7+$0xFFFFFF90];
	_ =	sdelay $0x4  }
0x58: {  	v0 =	vadd.f32 v0, v1;
	_ =	sdelay $0x1  }
0x59: {  	[tilespmem:s12+$0xFFFFFF90] =	vst v0  }
0x5a: {  	v0 =	vld [tilespmem:s7+$0xFFFFFFA0]  }
0x5b: {  	v1 =	vld [tilespmem:s6+$0xFFFFFFA0];
	_ =	sdelay $0x4  }
0x5c: {  	v0 =	vadd.f32 v1, v0;
	_ =	sdelay $0x1  }
0x5d: {  	[tilespmem:s12+$0xFFFFFFA0] =	vst v0  }
0x5e: {  	v0 =	vld [tilespmem:s7+$0xFFFFFFB0]  }
0x5f: {  	v1 =	vld [tilespmem:s6+$0xFFFFFFB0];
	_ =	sdelay $0x4  }
0x60: {  	v0 =	vadd.f32 v1, v0;
	_ =	sdelay $0x1  }
0x61: {  	[tilespmem:s12+$0xFFFFFFB0] =	vst v0  }
0x62: {  	v0 =	vld [tilespmem:s7+$0x0]  }
0x63: {  	v1 =	vld [tilespmem:s6+$0x0];
	_ =	sdelay $0x4  }
0x64: {  	v0 =	vadd.f32 v1, v0;
	_ =	sdelay $0x1  }
0x65: {  	[tilespmem:s12+$0x0] =	vst v0  }
0x66: {  	v0 =	vld [tilespmem:s7+$0x10]  }
0x67: {  	v1 =	vld [tilespmem:s6+$0x10];
	_ =	sdelay $0x4  }
0x68: {  	v0 =	vadd.f32 v1, v0;
	_ =	sdelay $0x1  }
0x69: {  	[tilespmem:s12+$0x10] =	vst v0  }
0x6a: {  	v0 =	vld [tilespmem:s7+$0x20]  }
0x6b: {  	v1 =	vld [tilespmem:s6+$0x20];
	_ =	sdelay $0x3  }
.Ltmp0:
0x6c: {  	(pc) =	sbr.rel @p1 .LBB2_3-.Ltmp0, $3  }
0x6d: {  	v0 =	vadd.f32 v1, v0;
	_ =	sdelay $0x1  }
0x6e: {  	[tilespmem:s12+$0x20] =	vst v0  }
0x6f: {  	s12 =	sadd.s32 $0x100, s12;
	v0 =	vld [tilespmem:s7+$0x30]  }
0x70: {  	v1 =	vld [tilespmem:s6+$0x30];
	_ =	sdelay $0x3  }
0x71: {  	s7 =	smul.u32 $0x180, s24  }
0x72: {  	s6 =	smul.u32 $0xF0, s24;
	v0 =	vadd.f32 v1, v0;
	_ =	sdelay $0x1  }
0x73: {  	s12 =	sadd.s32 $0x180, s7;
	s20 =	sadd.s32 s5, s6;
	[tilespmem:s10+$0x30] =	vst v0  }
0x74: {  	[tilespmem:s16], [sflag:$0x1] =	stream.indirect.gather [hbm4b:s1+s15], $0x80, s12, s15, $0xb8;
	[tilespmem:$0x1E800] =	vst v63  }
0x75: {  	s13 =	sadd.s32 $0x4180, s7;
	s10 =	sshll.u32 s20, $0x4  }
0x76: {  	[tilespmem:s17], [sflag:$0x1] =	stream.indirect.gather [hbm4b:s1+s15], $0x80, s13, s15, $0xb8;
	[tilespmem:$0x1E800] =	vst v63  }
0x77: {  	s10 =	sadd.s32 s4, s10  }
0x78: {  	[hbm4b:s10+s3] =	stream.linear.scatter [tilespmem:s28], [sflag:$0x4], $0x2800, $0x38;
	[tilespmem:$0x1E800] =	vst v63  }
0x79: {  	_ =	swait.ge [sflag:s29], $0x2800  }
0x7a: {  	[sflag:s29] =	ssyncset.done $0x0  }
0x7b: {  	[sflag:s29] =	ssyncadd.s32 $0xFFFFD800  }
0x7c: {  	_ =	swait.ge [sflag:s29], $0x2800  }
0x7d: {  	[sflag:s29] =	ssyncset.done $0x0  }
0x7e: {  	s10 =	simm.s32 @!p0 $0x5;
	[sflag:s29] =	ssyncadd.s32 $0xFFFFD800  }
0x7f: {  	_ =	swait.ge @!p0 [sflag:s10], $0x2800  }
0x80: {  	[sflag:s10] =	ssyncset.done @!p0 $0x0  }
0x81: {  	s11 =	simm.s32 $0xF880;
	[sflag:s10] =	ssyncadd.s32 @!p0 $0xFFFFD800  }
0x82: {  	s10 =	simm.s32 $0x120C0;
	v0 =	vld [tilespmem:s11+$0xFFFFFF80]  }
0x83: {  	v1 =	vld [tilespmem:s10+$0xFFFFFF80];
	_ =	sdelay $0x4  }
0x84: {  	v0 =	vadd.f32 v1, v0  }
0x85: {  	s12 =	simm.s32 $0x14880  }
0x86: {  	[tilespmem:s12+$0xFFFFFF80] =	vst v0  }
0x87: {  	v0 =	vld [tilespmem:s10+$0xFFFFFF90]  }
0x88: {  	v1 =	vld [tilespmem:s11+$0xFFFFFF90];
	_ =	sdelay $0x4  }
0x89: {  	v0 =	vadd.f32 v0, v1;
	_ =	sdelay $0x1  }
0x8a: {  	[tilespmem:s12+$0xFFFFFF90] =	vst v0  }
0x8b: {  	v0 =	vld [tilespmem:s11+$0xFFFFFFA0]  }
0x8c: {  	v1 =	vld [tilespmem:s10+$0xFFFFFFA0];
	_ =	sdelay $0x4  }
0x8d: {  	v0 =	vadd.f32 v1, v0;
	_ =	sdelay $0x1  }
0x8e: {  	[tilespmem:s12+$0xFFFFFFA0] =	vst v0  }
0x8f: {  	v0 =	vld [tilespmem:s11+$0xFFFFFFB0]  }
0x90: {  	v1 =	vld [tilespmem:s10+$0xFFFFFFB0];
	_ =	sdelay $0x4  }
0x91: {  	v0 =	vadd.f32 v1, v0;
	_ =	sdelay $0x1  }
0x92: {  	[tilespmem:s12+$0xFFFFFFB0] =	vst v0  }
0x93: {  	v0 =	vld [tilespmem:s11+$0x0]  }
0x94: {  	v1 =	vld [tilespmem:s10+$0x0];
	_ =	sdelay $0x4  }
0x95: {  	v0 =	vadd.f32 v1, v0;
	_ =	sdelay $0x1  }
0x96: {  	[tilespmem:s12+$0x0] =	vst v0  }
0x97: {  	v0 =	vld [tilespmem:s11+$0x10]  }
0x98: {  	v1 =	vld [tilespmem:s10+$0x10];
	_ =	sdelay $0x4  }
0x99: {  	v0 =	vadd.f32 v1, v0;
	_ =	sdelay $0x1  }
0x9a: {  	[tilespmem:s12+$0x10] =	vst v0  }
0x9b: {  	v0 =	vld [tilespmem:s11+$0x20]  }
0x9c: {  	v1 =	vld [tilespmem:s10+$0x20];
	_ =	sdelay $0x4  }
0x9d: {  	v0 =	vadd.f32 v1, v0;
	_ =	sdelay $0x1  }
0x9e: {  	[tilespmem:s12+$0x20] =	vst v0  }
0x9f: {  	s20 =	simm.s32 $0x0;
	s13 =	simm.s32 $0x14980;
	v0 =	vld [tilespmem:s11+$0x30]  }
.LBB2_5:
0xa0: {  	s20 =	sadd.s32 $0x2, s20;
	v1 =	vld [tilespmem:s10+$0x30];
	s10 =	sadd.s32 $0x100, s10;
	s11 =	sadd.s32 $0x100, s11  }
0xa1: {  	p1 =	slt.u32 s20, $0x4E;
	_ =	sdelay $0x3  }
0xa2: {  	v0 =	vadd.f32 v1, v0;
	_ =	sdelay $0x1  }
0xa3: {  	[tilespmem:s12+$0x30] =	vst v0;
	s12 =	smov.u32 s13  }
0xa4: {  	v0 =	vld [tilespmem:s11+$0xFFFFFF80]  }
0xa5: {  	v1 =	vld [tilespmem:s10+$0xFFFFFF80];
	_ =	sdelay $0x4  }
0xa6: {  	v0 =	vadd.f32 v1, v0;
	_ =	sdelay $0x1  }
0xa7: {  	[tilespmem:s13+$0xFFFFFF80] =	vst v0  }
0xa8: {  	v0 =	vld [tilespmem:s10+$0xFFFFFF90]  }
0xa9: {  	v1 =	vld [tilespmem:s11+$0xFFFFFF90];
	_ =	sdelay $0x4  }
0xaa: {  	v0 =	vadd.f32 v0, v1;
	_ =	sdelay $0x1  }
0xab: {  	[tilespmem:s13+$0xFFFFFF90] =	vst v0  }
0xac: {  	v0 =	vld [tilespmem:s11+$0xFFFFFFA0]  }
0xad: {  	v1 =	vld [tilespmem:s10+$0xFFFFFFA0];
	_ =	sdelay $0x4  }
0xae: {  	v0 =	vadd.f32 v1, v0;
	_ =	sdelay $0x1  }
0xaf: {  	[tilespmem:s13+$0xFFFFFFA0] =	vst v0  }
0xb0: {  	v0 =	vld [tilespmem:s11+$0xFFFFFFB0]  }
0xb1: {  	v1 =	vld [tilespmem:s10+$0xFFFFFFB0];
	_ =	sdelay $0x4  }
0xb2: {  	v0 =	vadd.f32 v1, v0;
	_ =	sdelay $0x1  }
0xb3: {  	[tilespmem:s13+$0xFFFFFFB0] =	vst v0  }
0xb4: {  	v0 =	vld [tilespmem:s11+$0x0]  }
0xb5: {  	v1 =	vld [tilespmem:s10+$0x0];
	_ =	sdelay $0x4  }
0xb6: {  	v0 =	vadd.f32 v1, v0;
	_ =	sdelay $0x1  }
0xb7: {  	[tilespmem:s13+$0x0] =	vst v0  }
0xb8: {  	v0 =	vld [tilespmem:s11+$0x10]  }
0xb9: {  	v1 =	vld [tilespmem:s10+$0x10];
	_ =	sdelay $0x4  }
0xba: {  	v0 =	vadd.f32 v1, v0;
	_ =	sdelay $0x1  }
0xbb: {  	[tilespmem:s13+$0x10] =	vst v0  }
0xbc: {  	v0 =	vld [tilespmem:s11+$0x20]  }
0xbd: {  	v1 =	vld [tilespmem:s10+$0x20];
	_ =	sdelay $0x3  }
.Ltmp1:
0xbe: {  	(pc) =	sbr.rel @p1 .LBB2_5-.Ltmp1, $3  }
0xbf: {  	v0 =	vadd.f32 v1, v0;
	_ =	sdelay $0x1  }
0xc0: {  	[tilespmem:s13+$0x20] =	vst v0  }
0xc1: {  	s13 =	sadd.s32 $0x100, s13;
	v0 =	vld [tilespmem:s11+$0x30]  }
0xc2: {  	v1 =	vld [tilespmem:s10+$0x30];
	_ =	sdelay $0x4  }
0xc3: {  	v0 =	vadd.f32 v1, v0;
	_ =	sdelay $0x1  }
0xc4: {  	s20 =	sadd.s32 s6, s8;
	[tilespmem:s12+$0x30] =	vst v0;
	s12 =	sadd.s32 $0x200, s7  }
0xc5: {  	[tilespmem:s19], [sflag:$0x2] =	stream.indirect.gather [hbm4b:s1+s15], $0x80, s12, s15, $0xb8;
	[tilespmem:$0x1E800] =	vst v63  }
0xc6: {  	s13 =	sadd.s32 $0x4200, s7;
	s7 =	sshll.u32 s20, $0x4  }
0xc7: {  	[tilespmem:s21], [sflag:$0x2] =	stream.indirect.gather [hbm4b:s1+s15], $0x80, s13, s15, $0xb8;
	[tilespmem:$0x1E800] =	vst v63  }
0xc8: {  	s7 =	sadd.s32 s4, s7  }
0xc9: {  	[hbm4b:s7+s3] =	stream.linear.scatter [tilespmem:s30], [sflag:$0x5], $0x2800, $0x38;
	[tilespmem:$0x1E800] =	vst v63  }
0xca: {  	_ =	swait.ge [sflag:s31], $0x2800  }
0xcb: {  	[sflag:s31] =	ssyncset.done $0x0  }
0xcc: {  	[sflag:s31] =	ssyncadd.s32 $0xFFFFD800  }
0xcd: {  	_ =	swait.ge [sflag:s31], $0x2800  }
0xce: {  	[sflag:s31] =	ssyncset.done $0x0  }
0xcf: {  	s7 =	simm.s32 @!p0 $0x6;
	[sflag:s31] =	ssyncadd.s32 $0xFFFFD800  }
0xd0: {  	_ =	swait.ge @!p0 [sflag:s7], $0x2800  }
0xd1: {  	[sflag:s7] =	ssyncset.done @!p0 $0x0  }
0xd2: {  	s10 =	simm.s32 $0x17080;
	[sflag:s7] =	ssyncadd.s32 @!p0 $0xFFFFD800  }
0xd3: {  	s7 =	simm.s32 $0x198C0;
	v0 =	vld [tilespmem:s10+$0xFFFFFF80]  }
0xd4: {  	v1 =	vld [tilespmem:s7+$0xFFFFFF80];
	_ =	sdelay $0x4  }
0xd5: {  	v0 =	vadd.f32 v1, v0  }
0xd6: {  	s11 =	simm.s32 $0x1C080  }
0xd7: {  	[tilespmem:s11+$0xFFFFFF80] =	vst v0  }
0xd8: {  	v0 =	vld [tilespmem:s7+$0xFFFFFF90]  }
0xd9: {  	v1 =	vld [tilespmem:s10+$0xFFFFFF90];
	_ =	sdelay $0x4  }
0xda: {  	v0 =	vadd.f32 v0, v1;
	_ =	sdelay $0x1  }
0xdb: {  	[tilespmem:s11+$0xFFFFFF90] =	vst v0  }
0xdc: {  	v0 =	vld [tilespmem:s10+$0xFFFFFFA0]  }
0xdd: {  	v1 =	vld [tilespmem:s7+$0xFFFFFFA0];
	_ =	sdelay $0x4  }
0xde: {  	v0 =	vadd.f32 v1, v0;
	_ =	sdelay $0x1  }
0xdf: {  	[tilespmem:s11+$0xFFFFFFA0] =	vst v0  }
0xe0: {  	v0 =	vld [tilespmem:s10+$0xFFFFFFB0]  }
0xe1: {  	v1 =	vld [tilespmem:s7+$0xFFFFFFB0];
	_ =	sdelay $0x4  }
0xe2: {  	v0 =	vadd.f32 v1, v0;
	_ =	sdelay $0x1  }
0xe3: {  	[tilespmem:s11+$0xFFFFFFB0] =	vst v0  }
0xe4: {  	v0 =	vld [tilespmem:s10+$0x0]  }
0xe5: {  	v1 =	vld [tilespmem:s7+$0x0];
	_ =	sdelay $0x4  }
0xe6: {  	v0 =	vadd.f32 v1, v0;
	_ =	sdelay $0x1  }
0xe7: {  	[tilespmem:s11+$0x0] =	vst v0  }
0xe8: {  	v0 =	vld [tilespmem:s10+$0x10]  }
0xe9: {  	v1 =	vld [tilespmem:s7+$0x10];
	_ =	sdelay $0x4  }
0xea: {  	v0 =	vadd.f32 v1, v0;
	_ =	sdelay $0x1  }
0xeb: {  	[tilespmem:s11+$0x10] =	vst v0  }
0xec: {  	v0 =	vld [tilespmem:s10+$0x20]  }
0xed: {  	v1 =	vld [tilespmem:s7+$0x20];
	_ =	sdelay $0x4  }
0xee: {  	v0 =	vadd.f32 v1, v0;
	_ =	sdelay $0x1  }
0xef: {  	[tilespmem:s11+$0x20] =	vst v0  }
0xf0: {  	s12 =	simm.s32 $0x0;
	s13 =	simm.s32 $0x1C180;
	v0 =	vld [tilespmem:s10+$0x30]  }
.LBB2_7:
0xf1: {  	s12 =	sadd.s32 $0x2, s12;
	v1 =	vld [tilespmem:s7+$0x30];
	s7 =	sadd.s32 $0x100, s7;
	s10 =	sadd.s32 $0x100, s10  }
0xf2: {  	p0 =	slt.u32 s12, $0x4E;
	_ =	sdelay $0x3  }
0xf3: {  	v0 =	vadd.f32 v1, v0;
	_ =	sdelay $0x1  }
0xf4: {  	[tilespmem:s11+$0x30] =	vst v0;
	s11 =	smov.u32 s13  }
0xf5: {  	v0 =	vld [tilespmem:s10+$0xFFFFFF80]  }
0xf6: {  	v1 =	vld [tilespmem:s7+$0xFFFFFF80];
	_ =	sdelay $0x4  }
0xf7: {  	v0 =	vadd.f32 v1, v0;
	_ =	sdelay $0x1  }
0xf8: {  	[tilespmem:s13+$0xFFFFFF80] =	vst v0  }
0xf9: {  	v0 =	vld [tilespmem:s7+$0xFFFFFF90]  }
0xfa: {  	v1 =	vld [tilespmem:s10+$0xFFFFFF90];
	_ =	sdelay $0x4  }
0xfb: {  	v0 =	vadd.f32 v0, v1;
	_ =	sdelay $0x1  }
0xfc: {  	[tilespmem:s13+$0xFFFFFF90] =	vst v0  }
0xfd: {  	v0 =	vld [tilespmem:s10+$0xFFFFFFA0]  }
0xfe: {  	v1 =	vld [tilespmem:s7+$0xFFFFFFA0];
	_ =	sdelay $0x4  }
0xff: {  	v0 =	vadd.f32 v1, v0;
	_ =	sdelay $0x1  }
0x100: {  	[tilespmem:s13+$0xFFFFFFA0] =	vst v0  }
0x101: {  	v0 =	vld [tilespmem:s10+$0xFFFFFFB0]  }
0x102: {  	v1 =	vld [tilespmem:s7+$0xFFFFFFB0];
	_ =	sdelay $0x4  }
0x103: {  	v0 =	vadd.f32 v1, v0;
	_ =	sdelay $0x1  }
0x104: {  	[tilespmem:s13+$0xFFFFFFB0] =	vst v0  }
0x105: {  	v0 =	vld [tilespmem:s10+$0x0]  }
0x106: {  	v1 =	vld [tilespmem:s7+$0x0];
	_ =	sdelay $0x4  }
0x107: {  	v0 =	vadd.f32 v1, v0;
	_ =	sdelay $0x1  }
0x108: {  	[tilespmem:s13+$0x0] =	vst v0  }
0x109: {  	v0 =	vld [tilespmem:s10+$0x10]  }
0x10a: {  	v1 =	vld [tilespmem:s7+$0x10];
	_ =	sdelay $0x4  }
0x10b: {  	v0 =	vadd.f32 v1, v0;
	_ =	sdelay $0x1  }
0x10c: {  	[tilespmem:s13+$0x10] =	vst v0  }
0x10d: {  	v0 =	vld [tilespmem:s10+$0x20]  }
0x10e: {  	v1 =	vld [tilespmem:s7+$0x20];
	_ =	sdelay $0x3  }
.Ltmp2:
0x10f: {  	(pc) =	sbr.rel @p0 .LBB2_7-.Ltmp2, $3  }
0x110: {  	v0 =	vadd.f32 v1, v0;
	_ =	sdelay $0x1  }
0x111: {  	[tilespmem:s13+$0x20] =	vst v0  }
0x112: {  	s13 =	sadd.s32 $0x100, s13;
	v0 =	vld [tilespmem:s10+$0x30]  }
0x113: {  	v1 =	vld [tilespmem:s7+$0x30];
	_ =	sdelay $0x4  }
0x114: {  	s20 =	smin.u32 s14, $0x77;
	v0 =	vadd.f32 v1, v0  }
0x115: {  	s24 =	sadd.s32 $0x1, s24;
	s7 =	sshll.u32 s20, $0x7  }
0x116: {  	p0 =	sne.s32 s24, $0x29;
	s10 =	sadd.s32 $0x280, s7;
	[tilespmem:s11+$0x30] =	vst v0  }
0x117: {  	[tilespmem:s23], [sflag:$0x3] =	stream.indirect.gather [hbm4b:s1+s15], $0x80, s10, s15, $0xb8;
	[tilespmem:$0x1E800] =	vst v63  }
.Ltmp3:
0x118: {  	s6 =	sadd.s32 s6, s9;
	(pc) =	sbr.rel @p0 .LBB2_2-.Ltmp3, $4  }
0x119: {  	s6 =	sshll.u32 s6, $0x4;
	s7 =	sadd.s32 $0x4280, s7  }
0x11a: {  	[tilespmem:s25], [sflag:$0x3] =	stream.indirect.gather [hbm4b:s1+s15], $0x80, s7, s15, $0xb8;
	[tilespmem:$0x1E800] =	vst v63  }
0x11b: {  	s6 =	sadd.s32 s4, s6  }
0x11c: {  	[hbm4b:s6+s3] =	stream.linear.scatter [tilespmem:s0], [sflag:$0x6], $0x2800, $0x38;
	[tilespmem:$0x1E800] =	vst v63  }
0x11d: {  	_ =	swait.ge [sflag:s26], $0x2800  }
0x11e: {  	[sflag:s26] =	ssyncset.done $0x0  }
0x11f: {  	[sflag:s26] =	ssyncadd.s32 $0xFFFFD800  }
0x120: {  	_ =	swait.ge [sflag:s26], $0x2800  }
0x121: {  	[sflag:s26] =	ssyncset.done $0x0  }
0x122: {  	[sflag:s26] =	ssyncadd.s32 $0xFFFFD800  }
0x123: {  	_ =	swait.ge [sflag:s2], $0x2800  }
0x124: {  	[sflag:s2] =	ssyncset.done $0x0  }
0x125: {  	s7 =	simm.s32 $0x8080;
	[sflag:s2] =	ssyncadd.s32 $0xFFFFD800  }
0x126: {  	s6 =	simm.s32 $0xA8C0;
	v0 =	vld [tilespmem:s7+$0xFFFFFF80]  }
0x127: {  	v1 =	vld [tilespmem:s6+$0xFFFFFF80];
	_ =	sdelay $0x4  }
0x128: {  	v0 =	vadd.f32 v1, v0  }
0x129: {  	s10 =	simm.s32 $0xD080  }
0x12a: {  	[tilespmem:s10+$0xFFFFFF80] =	vst v0  }
0x12b: {  	v0 =	vld [tilespmem:s6+$0xFFFFFF90]  }
0x12c: {  	v1 =	vld [tilespmem:s7+$0xFFFFFF90];
	_ =	sdelay $0x4  }
0x12d: {  	v0 =	vadd.f32 v0, v1;
	_ =	sdelay $0x1  }
0x12e: {  	[tilespmem:s10+$0xFFFFFF90] =	vst v0  }
0x12f: {  	v0 =	vld [tilespmem:s7+$0xFFFFFFA0]  }
0x130: {  	v1 =	vld [tilespmem:s6+$0xFFFFFFA0];
	_ =	sdelay $0x4  }
0x131: {  	v0 =	vadd.f32 v1, v0;
	_ =	sdelay $0x1  }
0x132: {  	[tilespmem:s10+$0xFFFFFFA0] =	vst v0  }
0x133: {  	v0 =	vld [tilespmem:s7+$0xFFFFFFB0]  }
0x134: {  	v1 =	vld [tilespmem:s6+$0xFFFFFFB0];
	_ =	sdelay $0x4  }
0x135: {  	v0 =	vadd.f32 v1, v0;
	_ =	sdelay $0x1  }
0x136: {  	[tilespmem:s10+$0xFFFFFFB0] =	vst v0  }
0x137: {  	v0 =	vld [tilespmem:s7+$0x0]  }
0x138: {  	v1 =	vld [tilespmem:s6+$0x0];
	_ =	sdelay $0x4  }
0x139: {  	v0 =	vadd.f32 v1, v0;
	_ =	sdelay $0x1  }
0x13a: {  	[tilespmem:s10+$0x0] =	vst v0  }
0x13b: {  	v0 =	vld [tilespmem:s7+$0x10]  }
0x13c: {  	v1 =	vld [tilespmem:s6+$0x10];
	_ =	sdelay $0x4  }
0x13d: {  	v0 =	vadd.f32 v1, v0;
	_ =	sdelay $0x1  }
0x13e: {  	[tilespmem:s10+$0x10] =	vst v0  }
0x13f: {  	v0 =	vld [tilespmem:s7+$0x20]  }
0x140: {  	v1 =	vld [tilespmem:s6+$0x20];
	_ =	sdelay $0x4  }
0x141: {  	v0 =	vadd.f32 v1, v0;
	_ =	sdelay $0x1  }
0x142: {  	[tilespmem:s10+$0x20] =	vst v0  }
0x143: {  	s11 =	simm.s32 $0x0;
	s12 =	simm.s32 $0xD180;
	v0 =	vld [tilespmem:s7+$0x30]  }
.LBB2_10:
0x144: {  	s11 =	sadd.s32 $0x2, s11;
	v1 =	vld [tilespmem:s6+$0x30];
	s6 =	sadd.s32 $0x100, s6;
	s7 =	sadd.s32 $0x100, s7  }
0x145: {  	p0 =	slt.u32 s11, $0x4E;
	_ =	sdelay $0x3  }
0x146: {  	v0 =	vadd.f32 v1, v0;
	_ =	sdelay $0x1  }
0x147: {  	[tilespmem:s10+$0x30] =	vst v0;
	s10 =	smov.u32 s12  }
0x148: {  	v0 =	vld [tilespmem:s7+$0xFFFFFF80]  }
0x149: {  	v1 =	vld [tilespmem:s6+$0xFFFFFF80];
	_ =	sdelay $0x4  }
0x14a: {  	v0 =	vadd.f32 v1, v0;
	_ =	sdelay $0x1  }
0x14b: {  	[tilespmem:s12+$0xFFFFFF80] =	vst v0  }
0x14c: {  	v0 =	vld [tilespmem:s6+$0xFFFFFF90]  }
0x14d: {  	v1 =	vld [tilespmem:s7+$0xFFFFFF90];
	_ =	sdelay $0x4  }
0x14e: {  	v0 =	vadd.f32 v0, v1;
	_ =	sdelay $0x1  }
0x14f: {  	[tilespmem:s12+$0xFFFFFF90] =	vst v0  }
0x150: {  	v0 =	vld [tilespmem:s7+$0xFFFFFFA0]  }
0x151: {  	v1 =	vld [tilespmem:s6+$0xFFFFFFA0];
	_ =	sdelay $0x4  }
0x152: {  	v0 =	vadd.f32 v1, v0;
	_ =	sdelay $0x1  }
0x153: {  	[tilespmem:s12+$0xFFFFFFA0] =	vst v0  }
0x154: {  	v0 =	vld [tilespmem:s7+$0xFFFFFFB0]  }
0x155: {  	v1 =	vld [tilespmem:s6+$0xFFFFFFB0];
	_ =	sdelay $0x4  }
0x156: {  	v0 =	vadd.f32 v1, v0;
	_ =	sdelay $0x1  }
0x157: {  	[tilespmem:s12+$0xFFFFFFB0] =	vst v0  }
0x158: {  	v0 =	vld [tilespmem:s7+$0x0]  }
0x159: {  	v1 =	vld [tilespmem:s6+$0x0];
	_ =	sdelay $0x4  }
0x15a: {  	v0 =	vadd.f32 v1, v0;
	_ =	sdelay $0x1  }
0x15b: {  	[tilespmem:s12+$0x0] =	vst v0  }
0x15c: {  	v0 =	vld [tilespmem:s7+$0x10]  }
0x15d: {  	v1 =	vld [tilespmem:s6+$0x10];
	_ =	sdelay $0x4  }
0x15e: {  	v0 =	vadd.f32 v1, v0;
	_ =	sdelay $0x1  }
0x15f: {  	[tilespmem:s12+$0x10] =	vst v0  }
0x160: {  	v0 =	vld [tilespmem:s7+$0x20]  }
0x161: {  	v1 =	vld [tilespmem:s6+$0x20];
	_ =	sdelay $0x3  }
.Ltmp4:
0x162: {  	(pc) =	sbr.rel @p0 .LBB2_10-.Ltmp4, $3  }
0x163: {  	v0 =	vadd.f32 v1, v0;
	_ =	sdelay $0x1  }
0x164: {  	[tilespmem:s12+$0x20] =	vst v0  }
0x165: {  	s12 =	sadd.s32 $0x100, s12;
	v0 =	vld [tilespmem:s7+$0x30]  }
0x166: {  	v1 =	vld [tilespmem:s6+$0x30];
	_ =	sdelay $0x4  }
0x167: {  	v0 =	vadd.f32 v1, v0;
	_ =	sdelay $0x1  }
0x168: {  	s24 =	rddreg [dreg:$0x5];
	[tilespmem:s10+$0x30] =	vst v0  }
0x169: {  	[hbm4b:s24+s3] =	stream.linear.scatter [tilespmem:s28], [sflag:$0x4], $0x2800, $0x38;
	[tilespmem:$0x1E800] =	vst v63  }
0x16a: {  	_ =	swait.ge [sflag:s29], $0x2800  }
0x16b: {  	[sflag:s29] =	ssyncset.done $0x0  }
0x16c: {  	[sflag:s29] =	ssyncadd.s32 $0xFFFFD800  }
0x16d: {  	_ =	swait.ge [sflag:s29], $0x2800  }
0x16e: {  	[sflag:s29] =	ssyncset.done $0x0  }
0x16f: {  	[sflag:s29] =	ssyncadd.s32 $0xFFFFD800  }
0x170: {  	_ =	swait.ge [sflag:s18], $0x2800  }
0x171: {  	[sflag:s18] =	ssyncset.done $0x0  }
0x172: {  	s7 =	simm.s32 $0xF880;
	[sflag:s18] =	ssyncadd.s32 $0xFFFFD800  }
0x173: {  	s6 =	simm.s32 $0x120C0;
	v0 =	vld [tilespmem:s7+$0xFFFFFF80]  }
0x174: {  	v1 =	vld [tilespmem:s6+$0xFFFFFF80];
	_ =	sdelay $0x4  }
0x175: {  	v0 =	vadd.f32 v1, v0  }
0x176: {  	s10 =	simm.s32 $0x14880  }
0x177: {  	[tilespmem:s10+$0xFFFFFF80] =	vst v0  }
0x178: {  	v0 =	vld [tilespmem:s6+$0xFFFFFF90]  }
0x179: {  	v1 =	vld [tilespmem:s7+$0xFFFFFF90];
	_ =	sdelay $0x4  }
0x17a: {  	v0 =	vadd.f32 v0, v1;
	_ =	sdelay $0x1  }
0x17b: {  	[tilespmem:s10+$0xFFFFFF90] =	vst v0  }
0x17c: {  	v0 =	vld [tilespmem:s7+$0xFFFFFFA0]  }
0x17d: {  	v1 =	vld [tilespmem:s6+$0xFFFFFFA0];
	_ =	sdelay $0x4  }
0x17e: {  	v0 =	vadd.f32 v1, v0;
	_ =	sdelay $0x1  }
0x17f: {  	[tilespmem:s10+$0xFFFFFFA0] =	vst v0  }
0x180: {  	v0 =	vld [tilespmem:s7+$0xFFFFFFB0]  }
0x181: {  	v1 =	vld [tilespmem:s6+$0xFFFFFFB0];
	_ =	sdelay $0x4  }
0x182: {  	v0 =	vadd.f32 v1, v0;
	_ =	sdelay $0x1  }
0x183: {  	[tilespmem:s10+$0xFFFFFFB0] =	vst v0  }
0x184: {  	v0 =	vld [tilespmem:s7+$0x0]  }
0x185: {  	v1 =	vld [tilespmem:s6+$0x0];
	_ =	sdelay $0x4  }
0x186: {  	v0 =	vadd.f32 v1, v0;
	_ =	sdelay $0x1  }
0x187: {  	[tilespmem:s10+$0x0] =	vst v0  }
0x188: {  	v0 =	vld [tilespmem:s7+$0x10]  }
0x189: {  	v1 =	vld [tilespmem:s6+$0x10];
	_ =	sdelay $0x4  }
0x18a: {  	v0 =	vadd.f32 v1, v0;
	_ =	sdelay $0x1  }
0x18b: {  	[tilespmem:s10+$0x10] =	vst v0  }
0x18c: {  	v0 =	vld [tilespmem:s7+$0x20]  }
0x18d: {  	v1 =	vld [tilespmem:s6+$0x20];
	_ =	sdelay $0x4  }
0x18e: {  	v0 =	vadd.f32 v1, v0;
	_ =	sdelay $0x1  }
0x18f: {  	[tilespmem:s10+$0x20] =	vst v0  }
0x190: {  	s11 =	simm.s32 $0x0;
	s12 =	simm.s32 $0x14980;
	v0 =	vld [tilespmem:s7+$0x30]  }
.LBB2_12:
0x191: {  	s11 =	sadd.s32 $0x2, s11;
	v1 =	vld [tilespmem:s6+$0x30];
	s6 =	sadd.s32 $0x100, s6;
	s7 =	sadd.s32 $0x100, s7  }
0x192: {  	p0 =	slt.u32 s11, $0x4E;
	_ =	sdelay $0x3  }
0x193: {  	v0 =	vadd.f32 v1, v0;
	_ =	sdelay $0x1  }
0x194: {  	[tilespmem:s10+$0x30] =	vst v0;
	s10 =	smov.u32 s12  }
0x195: {  	v0 =	vld [tilespmem:s7+$0xFFFFFF80]  }
0x196: {  	v1 =	vld [tilespmem:s6+$0xFFFFFF80];
	_ =	sdelay $0x4  }
0x197: {  	v0 =	vadd.f32 v1, v0;
	_ =	sdelay $0x1  }
0x198: {  	[tilespmem:s12+$0xFFFFFF80] =	vst v0  }
0x199: {  	v0 =	vld [tilespmem:s6+$0xFFFFFF90]  }
0x19a: {  	v1 =	vld [tilespmem:s7+$0xFFFFFF90];
	_ =	sdelay $0x4  }
0x19b: {  	v0 =	vadd.f32 v0, v1;
	_ =	sdelay $0x1  }
0x19c: {  	[tilespmem:s12+$0xFFFFFF90] =	vst v0  }
0x19d: {  	v0 =	vld [tilespmem:s7+$0xFFFFFFA0]  }
0x19e: {  	v1 =	vld [tilespmem:s6+$0xFFFFFFA0];
	_ =	sdelay $0x4  }
0x19f: {  	v0 =	vadd.f32 v1, v0;
	_ =	sdelay $0x1  }
0x1a0: {  	[tilespmem:s12+$0xFFFFFFA0] =	vst v0  }
0x1a1: {  	v0 =	vld [tilespmem:s7+$0xFFFFFFB0]  }
0x1a2: {  	v1 =	vld [tilespmem:s6+$0xFFFFFFB0];
	_ =	sdelay $0x4  }
0x1a3: {  	v0 =	vadd.f32 v1, v0;
	_ =	sdelay $0x1  }
0x1a4: {  	[tilespmem:s12+$0xFFFFFFB0] =	vst v0  }
0x1a5: {  	v0 =	vld [tilespmem:s7+$0x0]  }
0x1a6: {  	v1 =	vld [tilespmem:s6+$0x0];
	_ =	sdelay $0x4  }
0x1a7: {  	v0 =	vadd.f32 v1, v0;
	_ =	sdelay $0x1  }
0x1a8: {  	[tilespmem:s12+$0x0] =	vst v0  }
0x1a9: {  	v0 =	vld [tilespmem:s7+$0x10]  }
0x1aa: {  	v1 =	vld [tilespmem:s6+$0x10];
	_ =	sdelay $0x4  }
0x1ab: {  	v0 =	vadd.f32 v1, v0;
	_ =	sdelay $0x1  }
0x1ac: {  	[tilespmem:s12+$0x10] =	vst v0  }
0x1ad: {  	v0 =	vld [tilespmem:s7+$0x20]  }
0x1ae: {  	v1 =	vld [tilespmem:s6+$0x20];
	_ =	sdelay $0x3  }
.Ltmp5:
0x1af: {  	(pc) =	sbr.rel @p0 .LBB2_12-.Ltmp5, $3  }
0x1b0: {  	v0 =	vadd.f32 v1, v0;
	_ =	sdelay $0x1  }
0x1b1: {  	[tilespmem:s12+$0x20] =	vst v0  }
0x1b2: {  	s12 =	sadd.s32 $0x100, s12;
	v0 =	vld [tilespmem:s7+$0x30]  }
0x1b3: {  	v1 =	vld [tilespmem:s6+$0x30];
	_ =	sdelay $0x4  }
0x1b4: {  	v0 =	vadd.f32 v1, v0;
	_ =	sdelay $0x1  }
0x1b5: {  	s14 =	rddreg [dreg:$0x6];
	[tilespmem:s10+$0x30] =	vst v0  }
0x1b6: {  	[hbm4b:s14+s3] =	stream.linear.scatter [tilespmem:s30], [sflag:$0x5], $0x2800, $0x38;
	[tilespmem:$0x1E800] =	vst v63  }
0x1b7: {  	_ =	swait.ge [sflag:s31], $0x2800  }
0x1b8: {  	[sflag:s31] =	ssyncset.done $0x0  }
0x1b9: {  	[sflag:s31] =	ssyncadd.s32 $0xFFFFD800  }
0x1ba: {  	_ =	swait.ge [sflag:s31], $0x2800  }
0x1bb: {  	[sflag:s31] =	ssyncset.done $0x0  }
0x1bc: {  	s20 =	simm.s32 $0x6;
	[sflag:s31] =	ssyncadd.s32 $0xFFFFD800  }
0x1bd: {  	_ =	swait.ge [sflag:s20], $0x2800  }
0x1be: {  	[sflag:s20] =	ssyncset.done $0x0  }
0x1bf: {  	[sflag:s20] =	ssyncadd.s32 $0xFFFFD800  }
0x1c0: {  	_ =	swait.ge [sflag:s2], $0x2800  }
0x1c1: {  	[sflag:s2] =	ssyncset.done $0x0  }
0x1c2: {  	[sflag:s2] =	ssyncadd.s32 $0xFFFFD800  }
0x1c3: {  	_ =	swait.ge [sflag:s18], $0x2800  }
0x1c4: {  	s22 =	sadd.s32 $0x1, s22;
	s24 =	rddreg [dreg:$0x7]  }
0x1c5: {  	p0 =	sne.s32 s22, s24  }
.Ltmp6:
0x1c6: {  	_ = 	snop;
	(pc) =	sbr.rel @p0 .LBB2_1-.Ltmp6, $3  }
0x1c7: {  	_ =	sdelay $0x1  }
0x1c8: {  	[sflag:s18] =	ssyncset.done $0x0  }
0x1c9: {  	[sflag:s18] =	ssyncadd.s32 $0xFFFFD800  }
0x1ca: {  	_ =	sfence.sel $0x180000  }
0x1cb: {  	[bflag:$0x0] =	sbarrier.arrive $0xFFFF  }
0x1cc: {  	_ =	strace $0x9000004A  }
0x1cd: {  	s0 =	stileid.u32;
	[bflag:$0x2] =	sbarrier.arrive $0xFFFF  }
0x1ce: {  	p0 =	sne.s32 s0, $0x0;
	s0 =	rddreg [dreg:$0x2]  }
0x1cf: {  	s0 =	sadd.s32 @!p0 $0x100000, s0  }
0x1d0: {  	[sflag:s0] =	ssyncadd.tile.s32 @!p0 $0x1;
	_ =	shalt  }
.Lfunc_end2:
_tile_overlayer_lowered:
.L_overlay_start_2:
0x1d1: {  	(tag) =	ssettag $0x2  }
0x1d2: {  	s0 =	rddreg [dreg:$0x0];
	s2 =	stileid.u32  }
0x1d3: {  	s1 =	rddreg [dreg:$0x1];
	p0 =	sne.s32 s2, $0x0  }
0x1d4: {  	s3 =	rddreg [dreg:$0x2];
	[bflag:$0x3] =	sbarrier.arrive $0xFFFF;
	s2 =	simm.s32 @!p0 $0x1C07  }
0x1d5: {  	[timem:s3], [sflag:s2] =	dma.local @!p0 [hbm:s0], s1  }
0x1d6: {  	s0 =	simm.s32 @!p0 $0x7  }
0x1d7: {  	_ =	swait.ge @!p0 [sflag:s0], s1  }
0x1d8: {  	s1 =	ssub.s32 @!p0 $0x0, s1;
	[sflag:s0] =	ssyncset.done @!p0 $0x0  }
0x1d9: {  	[sflag:s0] =	ssyncadd.s32 @!p0 s1  }
0x1da: {  	[bflag:$0x3] =	sbarrier.arrive $0xFFFF  }
0x1db: {  	_ =	shalt  }

// kernel: kernel.8.cloned.1.call-start
scs
__scs_entry_jumppad:
0x0: {  	(pc) =	sbr.rel $0x88, $3  }
0x1: {  	(tag) =	ssettag $0x0;
	lr =	simm.s32 $0x1  }
0x2: {  	[smem:$0x3F93] =	sst lr;
	_ =	strace $0xD0000000  }
0x3: {  	_ = 	snop  }
0x4: {  	_ = 	snop  }
0x5: {  	_ = 	snop  }
0x6: {  	_ = 	snop  }
0x7: {  	_ = 	snop  }
__scs_overlays_trampoline_lowered:
0x8: {  	[smem:$0x3FA2] =	sst s0  }
0x9: {  	[smem:$0x3FA3] =	sst s1  }
0xa: {  	[smem:$0x3FA4] =	sst s2  }
0xb: {  	[smem:$0x3FA5] =	sst s3  }
0xc: {  	[smem:$0x3FA6] =	sst s4  }
0xd: {  	[smem:$0x3FA7] =	sst s5  }
0xe: {  	[smem:$0x3FA8] =	sst s6  }
0xf: {  	[smem:$0x3FA9] =	sst s7  }
0x10: {  	[smem:$0x3FAA] =	sst s8  }
0x11: {  	[smem:$0x3FAB] =	sst s9;
	s0 =	simm.s32 @!p0 $0x0  }
0x12: {  	s1 =	sld [smem:$0x3F91];
	s0 =	simm.s32 @p0 $0x1  }
0x13: {  	[smem:$0x3FAC] =	sst s0;
	s0 =	simm.s32 @!p1 $0x0  }
0x14: {  	s2 =	sld [smem:$0x3F90];
	s0 =	simm.s32 @p1 $0x1  }
0x15: {  	[smem:$0x3FAD] =	sst s0;
	s0 =	simm.s32 @!p2 $0x0  }
0x16: {  	s3 =	sld [smem:$0x3FDB];
	s0 =	simm.s32 @p2 $0x1  }
0x17: {  	s4 =	simm.s32 $0x1BF5;
	[smem:$0x3FAF] =	sst s0  }
0x18: {  	s0 =	sld [smem:$0x3F92];
	_ =	swait.ge [sflag:s4], $0x0  }
0x19: {  	s7 =	sld [smem:$0x3F93]  }
0x1a: {  	s8 =	sadd.s32 $0xFFFFE003, lr  }
0x1b: {  	s9 =	sadd.s32 $0xFFFFFEF7, lr;
	s5 =	simm.s32 $0xFFFFFFFF;
	p2 =	slt.u32 s8, $0xFFFFF086  }
0x1c: {  	p1 =	slt.u32 s9, $0xF7A;
	s5 =	simm.s32 @!p2 $0x0  }
0x1d: {  	s5 =	simm.s32 @p1 $0x1;
	p0 =	seq.s32 s7, s2  }
0x1e: {  	s7 =	smul.u32 @!p0 $0xF7A, s2;
	p2 =	seq.s32 @!p0 s5, $0x0  }
0x1f: {  	s9 =	smul.u32 $0xF7A, s1;
	s8 =	simm.s32 @!p0 $0x1BF5;
	p2 =	por !p2, p0  }
0x20: {  	[sflag:s8] =	ssyncset.s32 @!p0 $0xFFFFF086;
	s6 =	sadd.s32 @!p0 s3, s7;
	s7 =	simm.s32 @!p0 $0x108  }
0x21: {  	s3 =	sadd.s32 s3, s9;
	s6 =	sadd.s32 @!p0 $0x88, s6;
	s7 =	simm.s32 @p2 $0x1082  }
0x22: {  	[simem:s7], [sflag:s8] =	dma.local @!p0 [hbm:s6], $0xF7A  }
0x23: {  	s9 =	sor.u32 $0xD0000000, s2;
	s6 =	simm.s32 $0x108;
	_ =	swait.ge @!p0 [sflag:s8], $0x0  }
0x24: {  	s3 =	sadd.s32 $0x88, s3;
	s6 =	simm.s32 @!p1 $0x1082;
	[sflag:s4] =	ssyncset.s32 $0xFFFFF086  }
0x25: {  	[simem:s6], [sflag:s4] =	dma.local [hbm:s3], $0xF7A  }
0x26: {  	[smem:$0x3F93] =	sst s1;
	(tag) =	ssettag s2;
	_ =	strace s9  }
0x27: {  	s1 =	sld [smem:$0x3FA3]  }
0x28: {  	s2 =	sld [smem:$0x3FA4]  }
0x29: {  	s4 =	sld [smem:$0x3FA6]  }
0x2a: {  	p0 =	seq.s32 s5, $0x0;
	s5 =	sld [smem:$0x3FA7]  }
0x2b: {  	s6 =	sld [smem:$0x3FA8]  }
0x2c: {  	s7 =	sld [smem:$0x3FA9]  }
0x2d: {  	s3 =	simm.s32 $0x108;
	s8 =	sld [smem:$0x3FAA]  }
0x2e: {  	s3 =	simm.s32 @!p0 $0x1082;
	s9 =	sld [smem:$0x3FAB]  }
0x2f: {  	lr =	sadd.s32 s0, s3;
	s0 =	sld [smem:$0x3FA2]  }
0x30: {  	s3 =	sld [smem:$0x3FA5]  }
0x31: {  	[smem:$0x3FAE] =	sst s10  }
0x32: {  	s10 =	sld [smem:$0x3FAC];
	_ =	sdelay $0x3  }
0x33: {  	p0 =	seq.s32 s10, $0x1;
	s10 =	sld [smem:$0x3FAE];
	_ =	sdelay $0x3  }
0x34: {  	[smem:$0x3FAE] =	sst s10  }
0x35: {  	s10 =	sld [smem:$0x3FAD];
	_ =	sdelay $0x3  }
0x36: {  	p1 =	seq.s32 s10, $0x1;
	s10 =	sld [smem:$0x3FAE];
	_ =	sdelay $0x3  }
0x37: {  	[smem:$0x3FAE] =	sst s10  }
0x38: {  	s10 =	sld [smem:$0x3FAF]  }
0x39: {  	_ = 	snop;
	(pc) =	sbr.ind lr, $3  }
0x3a: {  	_ = 	snop  }
0x3b: {  	_ = 	snop  }
0x3c: {  	p2 =	seq.s32 s10, $0x1;
	s10 =	sld [smem:$0x3FAE]  }
0x3d: {  	_ =	shalt  }
0x3e: {  	_ =	shalt  }
0x3f: {  	_ =	shalt  }
0x40: {  	_ =	shalt  }
0x41: {  	_ =	shalt  }
0x42: {  	_ =	shalt  }
0x43: {  	_ =	shalt  }
0x44: {  	_ =	shalt  }
0x45: {  	_ =	shalt  }
0x46: {  	_ =	shalt  }
0x47: {  	_ =	shalt  }
0x48: {  	_ =	shalt  }
0x49: {  	_ =	shalt  }
0x4a: {  	_ =	shalt  }
0x4b: {  	_ =	shalt  }
0x4c: {  	_ =	shalt  }
0x4d: {  	_ =	shalt  }
0x4e: {  	_ =	shalt  }
0x4f: {  	_ =	shalt  }
0x50: {  	_ =	shalt  }
0x51: {  	_ =	shalt  }
0x52: {  	_ =	shalt  }
0x53: {  	_ =	shalt  }
0x54: {  	_ =	shalt  }
0x55: {  	_ =	shalt  }
0x56: {  	_ =	shalt  }
0x57: {  	_ =	shalt  }
0x58: {  	_ =	shalt  }
0x59: {  	_ =	shalt  }
0x5a: {  	_ =	shalt  }
0x5b: {  	_ =	shalt  }
0x5c: {  	_ =	shalt  }
0x5d: {  	_ =	shalt  }
0x5e: {  	_ =	shalt  }
0x5f: {  	_ =	shalt  }
0x60: {  	_ =	shalt  }
0x61: {  	_ =	shalt  }
0x62: {  	_ =	shalt  }
0x63: {  	_ =	shalt  }
0x64: {  	_ =	shalt  }
0x65: {  	_ =	shalt  }
0x66: {  	_ =	shalt  }
0x67: {  	_ =	shalt  }
0x68: {  	_ =	shalt  }
0x69: {  	_ =	shalt  }
0x6a: {  	_ =	shalt  }
0x6b: {  	_ =	shalt  }
0x6c: {  	_ =	shalt  }
0x6d: {  	_ =	shalt  }
0x6e: {  	_ =	shalt  }
0x6f: {  	_ =	shalt  }
0x70: {  	_ =	shalt  }
0x71: {  	_ =	shalt  }
0x72: {  	_ =	shalt  }
0x73: {  	_ =	shalt  }
0x74: {  	_ =	shalt  }
0x75: {  	_ =	shalt  }
0x76: {  	_ =	shalt  }
0x77: {  	_ =	shalt  }
0x78: {  	_ =	shalt  }
0x79: {  	_ =	shalt  }
0x7a: {  	_ =	shalt  }
0x7b: {  	_ =	shalt  }
0x7c: {  	_ =	shalt  }
0x7d: {  	_ =	shalt  }
0x7e: {  	_ =	shalt  }
0x7f: {  	_ =	shalt  }
0x80: {  	_ =	shalt  }
0x81: {  	_ =	shalt  }
0x82: {  	_ =	shalt  }
0x83: {  	_ =	shalt  }
0x84: {  	_ =	shalt  }
0x85: {  	_ =	shalt  }
0x86: {  	_ =	shalt  }
0x87: {  	_ =	shalt  }
.Lfunc_end0:
.L_simem_size_0:
called_computation_lowered:
.L_overlay_start_0:
0x88: {  	s2 =	sld [smem:$0x3FD9]  }
0x89: {  	s3 =	sld [smem:$0x3FFE];
	_ =	sdelay $0x1  }
0x8a: {  	s1 =	srdreg.scid  }
0x8b: {  	s0 =	sand.u32 $0x1, s1  }
0x8c: {  	s17 =	sshll.u32 s0, $0xA;
	s2 =	sadd.s32 s3, s2  }
0x8d: {  	s2 =	sadd.s32 s2, s17  }
0x8e: {  	[smem:$0x3FBA] =	sst s2  }
0x8f: {  	_ = 	snop  }
0x90: {  	s2 =	sld [smem:$0x3FD0];
	(tm) =	ssettm $0x1  }
0x91: {  	s18 =	sld [smem:$0x3FFB];
	_ =	sdelay $0x3  }
0x92: {  	_ =	strace s18  }
0x93: {  	s3 =	sld [smem:$0x3FFC];
	_ =	sdelay $0x3  }
0x94: {  	_ =	strace s3  }
0x95: {  	s3 =	sld [smem:$0x3FFD];
	_ =	sdelay $0x3  }
0x96: {  	_ =	strace s3  }
0x97: {  	_ =	strace $0x8FFFFFFF  }
0x98: {  	s19 =	sld [smem:$0x3FDB];
	_ =	sdelay $0x1  }
0x99: {  	s4 =	simm.s32 $_scs_section_size  }
0x9a: {  	s5 =	simm.s32 $_size__tile_overlayer_lowered;
	s6 =	simm.s32 $_tile_overlayer_lowered  }
0x9b: {  	s22 =	simm.s32 $0x1BFF;
	s21 =	sshll.u32 s6, $0x1;
	s3 =	sadd.s32 s4, s19  }
0x9c: {  	s7 =	simm.s32 $0x0;
	s20 =	sshll.u32 s5, $0x1;
	s5 =	sadd.s32 s21, s3  }
0x9d: {  	[timem:s7], [sflag:s22] =	dma.local [hbm:s5], s20  }
0x9e: {  	_ =	swait.ge [sflag:s22], s20  }
0x9f: {  	s4 =	ssub.s32 $0x0, s20;
	[sflag:s22] =	ssyncset.done $0x0  }
0xa0: {  	[sflag:s22] =	ssyncadd.s32 s4;
	_ =	sdelay $0x1  }
0xa1: {  	s23 =	simm.s32 $0x1B8B  }
0xa2: {  	_ =	swait.ge [sflag:s23], $0x1  }
0xa3: {  	[sflag:s23] =	ssyncset.done $0x0  }
0xa4: {  	s25 =	simm.s32 $0x1B8E;
	s24 =	sld [smem:$0x3FFE];
	[sflag:s23] =	ssyncadd.s32 $0xFFFFFFFF  }
0xa5: {  	s26 =	simm.s32 $execute0_lowered;
	[smem:$0x3FD2] =	sst s25  }
0xa6: {  	s5 =	sshll.u32 s26, $0x1;
	_ =	strace $0x80000046;
	[dreg:$0x1] =	wrdreg $0xFFFFFFFF  }
0xa7: {  	s28 =	simm.s32 $_size_execute0_lowered;
	s3 =	sadd.s32 s3, s5;
	[dreg:$0x0] =	wrdreg $0x0  }
0xa8: {  	s5 =	sshll.u32 s28, $0x1;
	[dreg:$0x2] =	wrdreg s3  }
0xa9: {  	[dreg:$0x3] =	wrdreg s5  }
0xaa: {  	[dreg:$0x4] =	wrdreg $0xC0  }
0xab: {  	_ =	task [dreg:s7], $0x5FFFF  }
0xac: {  	[dreg:$0x1] =	wrdreg $0xFFFFFFFF  }
0xad: {  	[dreg:$0x0] =	wrdreg $0x60  }
0xae: {  	[dreg:$0x2] =	wrdreg s24  }
0xaf: {  	[dreg:$0x3] =	wrdreg s2  }
0xb0: {  	[dreg:$0x4] =	wrdreg $0x13E200  }
0xb1: {  	[dreg:$0x5] =	wrdreg $0x9  }
0xb2: {  	_ =	task.clear_ibuf [dreg:s7], $0x6FFFF;
	_ =	strace $0x90000046  }
0xb3: {  	s29 =	simm.s32 $0x9;
	_ =	strace $0x80000048  }
0xb4: {  	_ =	swait.ge [sflag:s29], $0x1  }
0xb5: {  	[sflag:s29] =	ssyncadd.s32 $0xFFFFFFFF  }
0xb6: {  	_ =	strace $0x90000048  }
0xb7: {  	_ =	sfence  }
0xb8: {  	s30 =	sld [smem:$0x0];
	_ =	sdelay $0x2  }
0xb9: {  	s31 =	sshll.u32 s1, $0xD;
	s1 =	sshrl.u32 s1, $0x2  }
0xba: {  	s3 =	sand.u32 $0x4000, s31;
	s1 =	sadd.s32 s1, s30  }
0xbb: {  	s0 =	sor.u32 s3, s0;
	s1 =	sshll.u32 s1, $0x11  }
0xbc: {  	s0 =	sor.u32 s1, s0  }
0xbd: {  	s0 =	sadd.s32 $0x8F2B, s0  }
0xbe: {  	[sflag:s0] =	ssyncadd.remote.s32 $0x1  }
0xbf: {  	_ =	sfence.sel $0xFFFF  }
0xc0: {  	[dreg:$0x0] =	wrdreg $0xFFFFFFFF;
	(pc) =	sbr.abs _section_cstart, $3  }
0xc1: {  	[dreg:$0x1] =	wrdreg $0xFFFFFFFF  }
0xc2: {  	_ =	task.clear_ibuf [dreg:s7], $0x2FFFF;
	_ =	strace $0x9FFFFFFF  }
0xc3: {  	(tm) =	ssettm $0x7FFFFFFF  }
tec
execute0_lowered:
.L_overlay_start_1:
0x0: {  	(tag) =	ssettag $0x1  }
0x1: {  	s0 =	rddreg [dreg:$0x0];
	s1 =	srdreg.scid  }
0x2: {  	s7 =	rddreg [dreg:$0x1];
	s10 =	stileid.u32  }
0x3: {  	s2 =	simm.s32 $0x0;
	s29 =	simm.s32 $0xC620;
	s30 =	simm.s32 $0xEE20  }
0x4: {  	s31 =	simm.s32 $0x11620;
	s9 =	sand.u32 $0x1, s1;
	s1 =	rddreg [dreg:$0x2]  }
0x5: {  	s28 =	simm.s32 $0x1;
	s15 =	simm.s32 $0x0;
	[smem:$0x7FF] =	sst s2  }
0x6: {  	s4 =	sadd.s32 $0x3EC00, s0;
	s5 =	sadd.s32 $0x17800, s0;
	s6 =	sadd.s32 $0x2B200, s0  }
0x7: {  	s19 =	sadd.s32 $0x2AFC00, s0;
	p0 =	sne.s32 s10, $0x0;
	s3 =	sshll.u32 s9, $0x4  }
0x8: {  	s20 =	ssub.s32 $0x2, s9;
	s9 =	smul.u32 $0x13880, s9;
	s11 =	sor.u32 s10, s3  }
0x9: {  	_ =	strace $0x80000047;
	[dreg:$0x4] =	wrdreg s19;
	s3 =	smul.u32 $0x2710, s11  }
0xa: {  	s19 =	simm.s32 $0x7;
	s14 =	sshrl.u32 s20, $0x1;
	s13 =	smul.u32 $0x9C400, s11  }
0xb: {  	s10 =	simm.s32 $0x3;
	s11 =	smul.u32 $0x13880, s11;
	s7 =	sadd.s32 s7, s9  }
0xc: {  	s9 =	simm.s32 $0xDA20;
	[dreg:$0xc] =	wrdreg s7;
	s8 =	sshrl.u32 s3, $0x3  }
0xd: {  	s11 =	sadd.s32 s4, s11;
	s12 =	sadd.s32 s8, s0;
	s8 =	sadd.s32 $0x2C3600, s0  }
0xe: {  	s0 =	ssub.s32 s20, s14;
	[dreg:$0x7] =	wrdreg s11;
	s14 =	sshrl.u32 @!p0 s1, $0x3  }
0xf: {  	s13 =	sshrl.u32 s13, $0x3;
	s21 =	sadd.s32 $0xDA00, s12;
	[dreg:$0xe] =	wrdreg s14  }
0x10: {  	s22 =	sadd.s32 s4, s13;
	s12 =	sadd.s32 $0x3C00, s12;
	[dreg:$0x5] =	wrdreg s21  }
0x11: {  	s7 =	simm.s32 $0x8A20;
	s23 =	sadd.s32 $0x280, s22;
	[dreg:$0x6] =	wrdreg s12  }
0x12: {  	s20 =	simm.s32 $0x2;
	s24 =	sadd.s32 $0x500, s22;
	[dreg:$0x8] =	wrdreg s23  }
0x13: {  	s25 =	sadd.s32 s8, s13;
	s0 =	smax.u32 s0, $0x1;
	[dreg:$0x9] =	wrdreg s24  }
0x14: {  	s22 =	simm.s32 $0x50;
	s26 =	sadd.s32 $0x13380, s25;
	[dreg:$0xd] =	wrdreg s0  }
0x15: {  	s11 =	sadd.s32 $0x13600, s25;
	s0 =	simm.s32 $0x10220;
	[dreg:$0xa] =	wrdreg s26  }
0x16: {  	[dreg:$0xb] =	wrdreg s11;
	s26 =	simm.s32 $0xB220;
	s11 =	simm.s32 $0x12A20  }
.LBB2_1:
0x17: {  	[dreg:$0xf] =	wrdreg s15  }
0x18: {  	s12 =	simm.s32 @!p0 $0x1C07;
	s13 =	rddreg [dreg:$0x4]  }
0x19: {  	[spmem:s14], [sflag:s12] =	dma.local @!p0 [hbm:s13], $0x13880  }
0x1a: {  	s12 =	simm.s32 @!p0 $0x7  }
0x1b: {  	_ =	swait.ge @!p0 [sflag:s12], $0x13880  }
0x1c: {  	[sflag:s12] =	ssyncset.done @!p0 $0x0  }
0x1d: {  	s18 =	rddreg [dreg:$0x5];
	[sflag:s12] =	ssyncadd.s32 @!p0 $0xFFFEC780  }
0x1e: {  	[tilespmem:s2], [sflag:$0x7] =	stream.linear.gather [hbm4b:s18+s2], $0x2710, $0x38;
	[tilespmem:$0x1DA60] =	vst v63  }
0x1f: {  	_ =	swait.ge [sflag:s19], $0x2710  }
0x20: {  	[sflag:s19] =	ssyncset.done $0x0  }
0x21: {  	s23 =	simm.s32 $0x2710;
	s21 =	rddreg [dreg:$0x6];
	[sflag:s19] =	ssyncadd.s32 $0xFFFFD8F0  }
0x22: {  	[tilespmem:s23], [sflag:$0x7] =	stream.linear.gather [hbm4b:s21+s2], $0x2710, $0x38;
	[tilespmem:$0x1DA60] =	vst v63  }
0x23: {  	_ =	swait.ge [sflag:s19], $0x2710  }
0x24: {  	[sflag:s19] =	ssyncset.done $0x0  }
0x25: {  	[sflag:s19] =	ssyncadd.s32 $0xFFFFD8F0  }
0x26: {  	[bflag:$0x0] =	sbarrier.arrive $0xFFFF  }
0x27: {  	s25 =	simm.s32 $0x4E20;
	s24 =	rddreg [dreg:$0x7]  }
0x28: {  	[tilespmem:s25], [sflag:$0x1] =	stream.linear.gather [hbm4b:s24+s2], $0x1400, $0x38;
	[tilespmem:$0x1DA60] =	vst v63  }
0x29: {  	s15 =	simm.s32 $0x6220  }
0x2a: {  	[tilespmem:s15], [sflag:$0x1] =	stream.indirect.gather [hbm4b:s5+s22], $0x40, s2, s22, $0xb8;
	[tilespmem:$0x1DA60] =	vst v63  }
0x2b: {  	s16 =	simm.s32 $0x7620  }
0x2c: {  	[tilespmem:s16], [sflag:$0x1] =	stream.indirect.gather [hbm4b:s6+s22], $0x40, s23, s22, $0xb8;
	[tilespmem:$0x1DA60] =	vst v63  }
0x2d: {  	s18 =	simm.s32 $0x9E20;
	s17 =	rddreg [dreg:$0x8]  }
0x2e: {  	[tilespmem:s18], [sflag:$0x2] =	stream.linear.gather [hbm4b:s17+s2], $0x1400, $0x38;
	[tilespmem:$0x1DA60] =	vst v63  }
0x2f: {  	_ = 	snop  }
0x30: {  	[tilespmem:s26], [sflag:$0x2] =	stream.indirect.gather [hbm4b:s5+s22], $0x40, s22, s22, $0xb8;
	[tilespmem:$0x1DA60] =	vst v63  }
0x31: {  	s21 =	simm.s32 $0x2760  }
0x32: {  	[tilespmem:s29], [sflag:$0x2] =	stream.indirect.gather [hbm4b:s6+s22], $0x40, s21, s22, $0xb8;
	[tilespmem:$0x1DA60] =	vst v63  }
0x33: {  	s23 =	rddreg [dreg:$0x9]  }
0x34: {  	[tilespmem:s30], [sflag:$0x3] =	stream.linear.gather [hbm4b:s23+s2], $0x1400, $0x38;
	[tilespmem:$0x1DA60] =	vst v63  }
0x35: {  	s24 =	simm.s32 $0xA0  }
0x36: {  	[tilespmem:s0], [sflag:$0x3] =	stream.indirect.gather [hbm4b:s5+s22], $0x40, s24, s22, $0xb8;
	[tilespmem:$0x1DA60] =	vst v63  }
0x37: {  	s25 =	simm.s32 $0x27B0;
	s16 =	simm.s32 $0x0  }
0x38: {  	[tilespmem:s31], [sflag:$0x3] =	stream.indirect.gather [hbm4b:s6+s22], $0x40, s25, s22, $0xb8;
	[tilespmem:$0x1DA60] =	vst v63  }
.LBB2_2:
0x39: {  	_ =	swait.ge [sflag:s28], $0x1400  }
0x3a: {  	[sflag:s28] =	ssyncset.done $0x0  }
0x3b: {  	[sflag:s28] =	ssyncadd.s32 $0xFFFFEC00  }
0x3c: {  	_ =	swait.ge [sflag:s28], $0x1400  }
0x3d: {  	[sflag:s28] =	ssyncset.done $0x0  }
0x3e: {  	[sflag:s28] =	ssyncadd.s32 $0xFFFFEC00  }
0x3f: {  	_ =	swait.ge [sflag:s28], $0x1400  }
0x40: {  	p1 =	seq.s32 s16, $0x0;
	[sflag:s28] =	ssyncset.done $0x0  }
0x41: {  	s12 =	simm.s32 @!p1 $0x4;
	[sflag:s28] =	ssyncadd.s32 $0xFFFFEC00  }
0x42: {  	_ =	swait.ge @!p1 [sflag:s12], $0x1400  }
0x43: {  	[sflag:s12] =	ssyncset.done @!p1 $0x0  }
0x44: {  	s15 =	simm.s32 $0x6260;
	[sflag:s12] =	ssyncadd.s32 @!p1 $0xFFFFEC00  }
0x45: {  	s13 =	simm.s32 $0x4E60;
	v0 =	vld [tilespmem:s15+$0xFFFFFFC0]  }
0x46: {  	v1 =	vld [tilespmem:s13+$0xFFFFFFC0]  }
0x47: {  	s18 =	simm.s32 $0x7660  }
0x48: {  	v2 =	vld [tilespmem:s18+$0xFFFFFFC0];
	_ =	sdelay $0x2  }
0x49: {  	v0 =	vadd.f32 v0, v1;
	_ =	sdelay $0x1  }
0x4a: {  	v0 =	vadd.f32 v2, v0;
	_ =	sdelay $0x1  }
0x4b: {  	s12 =	simm.s32 $0x8A60;
	v0 =	vmax.f32 v0, $0.0e+00  }
0x4c: {  	[tilespmem:s12+$0xFFFFFFC0] =	vst v0  }
0x4d: {  	v0 =	vld [tilespmem:s13+$0xFFFFFFD0]  }
0x4e: {  	v1 =	vld [tilespmem:s15+$0xFFFFFFD0];
	_ =	sdelay $0x1  }
0x4f: {  	v2 =	vld [tilespmem:s18+$0xFFFFFFD0];
	_ =	sdelay $0x2  }
0x50: {  	v0 =	vadd.f32 v1, v0;
	_ =	sdelay $0x1  }
0x51: {  	v0 =	vadd.f32 v2, v0;
	_ =	sdelay $0x1  }
0x52: {  	v0 =	vmax.f32 v0, $0.0e+00  }
0x53: {  	[tilespmem:s12+$0xFFFFFFD0] =	vst v0  }
0x54: {  	v0 =	vld [tilespmem:s13+$0xFFFFFFE0]  }
0x55: {  	v1 =	vld [tilespmem:s15+$0xFFFFFFE0];
	_ =	sdelay $0x1  }
0x56: {  	v2 =	vld [tilespmem:s18+$0xFFFFFFE0];
	_ =	sdelay $0x2  }
0x57: {  	v0 =	vadd.f32 v1, v0;
	_ =	sdelay $0x1  }
0x58: {  	v0 =	vadd.f32 v2, v0;
	_ =	sdelay $0x1  }
0x59: {  	v0 =	vmax.f32 v0, $0.0e+00  }
0x5a: {  	[tilespmem:s12+$0xFFFFFFE0] =	vst v0  }
0x5b: {  	v0 =	vld [tilespmem:s13+$0xFFFFFFF0]  }
0x5c: {  	v1 =	vld [tilespmem:s15+$0xFFFFFFF0];
	_ =	sdelay $0x1  }
0x5d: {  	v2 =	vld [tilespmem:s18+$0xFFFFFFF0];
	_ =	sdelay $0x2  }
0x5e: {  	v0 =	vadd.f32 v1, v0;
	_ =	sdelay $0x1  }
0x5f: {  	v0 =	vadd.f32 v2, v0;
	_ =	sdelay $0x1  }
0x60: {  	v0 =	vmax.f32 v0, $0.0e+00  }
0x61: {  	[tilespmem:s12+$0xFFFFFFF0] =	vst v0  }
0x62: {  	v0 =	vld [tilespmem:s13+$0x0]  }
0x63: {  	v1 =	vld [tilespmem:s15+$0x0];
	_ =	sdelay $0x1  }
0x64: {  	v2 =	vld [tilespmem:s18+$0x0];
	_ =	sdelay $0x2  }
0x65: {  	v0 =	vadd.f32 v1, v0;
	_ =	sdelay $0x1  }
0x66: {  	v0 =	vadd.f32 v2, v0;
	_ =	sdelay $0x1  }
0x67: {  	v0 =	vmax.f32 v0, $0.0e+00  }
0x68: {  	[tilespmem:s12+$0x0] =	vst v0  }
0x69: {  	v0 =	vld [tilespmem:s13+$0x10]  }
0x6a: {  	v1 =	vld [tilespmem:s15+$0x10];
	_ =	sdelay $0x1  }
0x6b: {  	v2 =	vld [tilespmem:s18+$0x10];
	_ =	sdelay $0x2  }
0x6c: {  	v0 =	vadd.f32 v1, v0;
	_ =	sdelay $0x1  }
0x6d: {  	v0 =	vadd.f32 v2, v0;
	_ =	sdelay $0x1  }
0x6e: {  	v0 =	vmax.f32 v0, $0.0e+00  }
0x6f: {  	[tilespmem:s12+$0x10] =	vst v0  }
0x70: {  	v0 =	vld [tilespmem:s13+$0x20]  }
0x71: {  	v1 =	vld [tilespmem:s15+$0x20];
	_ =	sdelay $0x1  }
0x72: {  	v2 =	vld [tilespmem:s18+$0x20];
	_ =	sdelay $0x2  }
0x73: {  	v0 =	vadd.f32 v1, v0;
	_ =	sdelay $0x1  }
0x74: {  	v0 =	vadd.f32 v2, v0;
	_ =	sdelay $0x1  }
0x75: {  	v0 =	vmax.f32 v0, $0.0e+00  }
0x76: {  	[tilespmem:s12+$0x20] =	vst v0  }
0x77: {  	s14 =	smul.u32 $0xF0, s16;
	v0 =	vld [tilespmem:s13+$0x30]  }
0x78: {  	s17 =	smul.u32 $0x3, s16;
	s21 =	simm.s32 $0x0;
	s23 =	simm.s32 $0x62E0;
	v2 =	vld [tilespmem:s15+$0x30]  }
0x79: {  	s24 =	simm.s32 $0x4EE0;
	s13 =	sadd.s32 s3, s14;
	v1 =	vld [tilespmem:s18+$0x30];
	s15 =	simm.s32 $0x8A60  }
.LBB2_3:
0x7a: {  	s21 =	sadd.s32 $0x2, s21;
	s12 =	sadd.s32 $0x80, s12;
	s18 =	sadd.s32 $0x80, s18  }
0x7b: {  	p2 =	slt.u32 s21, $0x4E;
	_ =	sdelay $0x1  }
0x7c: {  	v0 =	vadd.f32 v2, v0;
	_ =	sdelay $0x1  }
0x7d: {  	v0 =	vadd.f32 v1, v0;
	_ =	sdelay $0x1  }
0x7e: {  	v0 =	vmax.f32 v0, $0.0e+00  }
0x7f: {  	[tilespmem:s15+$0x30] =	vst v0;
	s15 =	smov.u32 s12  }
0x80: {  	v0 =	vld [tilespmem:s23+$0xFFFFFFC0]  }
0x81: {  	v1 =	vld [tilespmem:s24+$0xFFFFFFC0]  }
0x82: {  	v2 =	vld [tilespmem:s18+$0xFFFFFFC0];
	_ =	sdelay $0x3  }
0x83: {  	v0 =	vadd.f32 v0, v1;
	_ =	sdelay $0x1  }
0x84: {  	v0 =	vadd.f32 v2, v0;
	_ =	sdelay $0x1  }
0x85: {  	v0 =	vmax.f32 v0, $0.0e+00  }
0x86: {  	[tilespmem:s12+$0xFFFFFFC0] =	vst v0  }
0x87: {  	v0 =	vld [tilespmem:s24+$0xFFFFFFD0]  }
0x88: {  	v1 =	vld [tilespmem:s23+$0xFFFFFFD0];
	_ =	sdelay $0x1  }
0x89: {  	v2 =	vld [tilespmem:s18+$0xFFFFFFD0];
	_ =	sdelay $0x2  }
0x8a: {  	v0 =	vadd.f32 v1, v0;
	_ =	sdelay $0x1  }
0x8b: {  	v0 =	vadd.f32 v2, v0;
	_ =	sdelay $0x1  }
0x8c: {  	v0 =	vmax.f32 v0, $0.0e+00  }
0x8d: {  	[tilespmem:s12+$0xFFFFFFD0] =	vst v0  }
0x8e: {  	v0 =	vld [tilespmem:s24+$0xFFFFFFE0]  }
0x8f: {  	v1 =	vld [tilespmem:s23+$0xFFFFFFE0];
	_ =	sdelay $0x1  }
0x90: {  	v2 =	vld [tilespmem:s18+$0xFFFFFFE0];
	_ =	sdelay $0x2  }
0x91: {  	v0 =	vadd.f32 v1, v0;
	_ =	sdelay $0x1  }
0x92: {  	v0 =	vadd.f32 v2, v0;
	_ =	sdelay $0x1  }
0x93: {  	v0 =	vmax.f32 v0, $0.0e+00  }
0x94: {  	[tilespmem:s12+$0xFFFFFFE0] =	vst v0  }
0x95: {  	v0 =	vld [tilespmem:s24+$0xFFFFFFF0]  }
0x96: {  	v1 =	vld [tilespmem:s23+$0xFFFFFFF0];
	_ =	sdelay $0x1  }
0x97: {  	v2 =	vld [tilespmem:s18+$0xFFFFFFF0];
	_ =	sdelay $0x2  }
0x98: {  	v0 =	vadd.f32 v1, v0;
	_ =	sdelay $0x1  }
0x99: {  	v0 =	vadd.f32 v2, v0;
	_ =	sdelay $0x1  }
0x9a: {  	v0 =	vmax.f32 v0, $0.0e+00  }
0x9b: {  	[tilespmem:s12+$0xFFFFFFF0] =	vst v0  }
0x9c: {  	v0 =	vld [tilespmem:s24+$0x0]  }
0x9d: {  	v1 =	vld [tilespmem:s23+$0x0];
	_ =	sdelay $0x1  }
0x9e: {  	v2 =	vld [tilespmem:s18+$0x0];
	_ =	sdelay $0x2  }
0x9f: {  	v0 =	vadd.f32 v1, v0;
	_ =	sdelay $0x1  }
0xa0: {  	v0 =	vadd.f32 v2, v0;
	_ =	sdelay $0x1  }
0xa1: {  	v0 =	vmax.f32 v0, $0.0e+00  }
0xa2: {  	[tilespmem:s12+$0x0] =	vst v0  }
0xa3: {  	v0 =	vld [tilespmem:s24+$0x10]  }
0xa4: {  	v1 =	vld [tilespmem:s23+$0x10]  }
0xa5: {  	v2 =	vld [tilespmem:s18+$0x10];
	_ =	sdelay $0x3  }
0xa6: {  	v0 =	vadd.f32 v1, v0;
	_ =	sdelay $0x1  }
0xa7: {  	v0 =	vadd.f32 v2, v0;
	_ =	sdelay $0x1  }
0xa8: {  	v0 =	vmax.f32 v0, $0.0e+00  }
0xa9: {  	[tilespmem:s12+$0x10] =	vst v0  }
0xaa: {  	v0 =	vld [tilespmem:s24+$0x20]  }
0xab: {  	v1 =	vld [tilespmem:s23+$0x20]  }
0xac: {  	v2 =	vld [tilespmem:s18+$0x20];
	_ =	sdelay $0x3  }
0xad: {  	v0 =	vadd.f32 v1, v0;
	_ =	sdelay $0x1  }
0xae: {  	v0 =	vadd.f32 v2, v0;
	_ =	sdelay $0x1  }
.Ltmp0:
0xaf: {  	v0 =	vmax.f32 v0, $0.0e+00;
	(pc) =	sbr.rel @p2 .LBB2_3-.Ltmp0, $4  }
0xb0: {  	[tilespmem:s12+$0x20] =	vst v0  }
0xb1: {  	v0 =	vld [tilespmem:s24+$0x30]  }
0xb2: {  	v2 =	vld [tilespmem:s23+$0x30]  }
0xb3: {  	s24 =	sadd.s32 $0x80, s24;
	s23 =	sadd.s32 $0x80, s23;
	v1 =	vld [tilespmem:s18+$0x30]  }
0xb4: {  	_ =	sdelay $0x2  }
0xb5: {  	v0 =	vadd.f32 v2, v0  }
0xb6: {  	s12 =	sadd.s32 $0xF0, s14  }
0xb7: {  	s18 =	sadd.s32 s3, s12;
	v0 =	vadd.f32 v1, v0  }
0xb8: {  	s18 =	sshll.u32 s18, $0x3  }
0xb9: {  	s18 =	sand.u32 $0x1FFFFF80, s18;
	v0 =	vmax.f32 v0, $0.0e+00  }
0xba: {  	s24 =	simm.s32 $0x4E20;
	s23 =	sadd.s32 s4, s18;
	[tilespmem:s15+$0x30] =	vst v0  }
0xbb: {  	[tilespmem:s24], [sflag:$0x1] =	stream.linear.gather [hbm4b:s23+s2], $0x1400, $0x38;
	[tilespmem:$0x1DA60] =	vst v63  }
0xbc: {  	s25 =	simm.s32 $0x6220;
	s21 =	sshll.u32 s13, $0x3  }
0xbd: {  	[tilespmem:s25], [sflag:$0x1] =	stream.indirect.gather [hbm4b:s5+s22], $0x40, s12, s22, $0xb8;
	[tilespmem:$0x1DA60] =	vst v63  }
0xbe: {  	s18 =	simm.s32 $0x7620;
	s15 =	sadd.s32 $0x2800, s14;
	s23 =	smul.u32 $0x3C0, s16  }
0xbf: {  	[tilespmem:s18], [sflag:$0x1] =	stream.indirect.gather [hbm4b:s6+s22], $0x40, s15, s22, $0xb8;
	[tilespmem:$0x1DA60] =	vst v63  }
0xc0: {  	s12 =	sadd.s32 s8, s21;
	s24 =	sshra.s32 s23, $0x2  }
0xc1: {  	[hbm4b:s12+s2] =	stream.linear.scatter [tilespmem:s7], [sflag:$0x4], $0x1400, $0x38;
	[tilespmem:$0x1DA60] =	vst v63  }
0xc2: {  	s12 =	sadd.s32 $0x2710, s24  }
0xc3: {  	[spmem:s1] =	stream.indirect.scatter.add.f32 [tilespmem:s7], [sflag:$0x7], $0x40, s12, s22, $0xb8;
	[tilespmem:$0x1DA60] =	vst v63  }
0xc4: {  	_ =	swait.ge [sflag:s19], $0x1400  }
0xc5: {  	[sflag:s19] =	ssyncset.done $0x0  }
0xc6: {  	[sflag:s19] =	ssyncadd.s32 $0xFFFFEC00  }
0xc7: {  	_ =	swait.ge [sflag:s20], $0x1400  }
0xc8: {  	[sflag:s20] =	ssyncset.done $0x0  }
0xc9: {  	[sflag:s20] =	ssyncadd.s32 $0xFFFFEC00  }
0xca: {  	_ =	swait.ge [sflag:s20], $0x1400  }
0xcb: {  	[sflag:s20] =	ssyncset.done $0x0  }
0xcc: {  	[sflag:s20] =	ssyncadd.s32 $0xFFFFEC00  }
0xcd: {  	_ =	swait.ge [sflag:s20], $0x1400  }
0xce: {  	[sflag:s20] =	ssyncset.done $0x0  }
0xcf: {  	s12 =	simm.s32 @!p1 $0x5;
	[sflag:s20] =	ssyncadd.s32 $0xFFFFEC00  }
0xd0: {  	_ =	swait.ge @!p1 [sflag:s12], $0x1400  }
0xd1: {  	[sflag:s12] =	ssyncset.done @!p1 $0x0  }
0xd2: {  	s21 =	simm.s32 $0xB260;
	[sflag:s12] =	ssyncadd.s32 @!p1 $0xFFFFEC00  }
0xd3: {  	s25 =	simm.s32 $0x9E60;
	v0 =	vld [tilespmem:s21+$0xFFFFFFC0]  }
0xd4: {  	v1 =	vld [tilespmem:s25+$0xFFFFFFC0]  }
0xd5: {  	s18 =	simm.s32 $0xC660  }
0xd6: {  	v2 =	vld [tilespmem:s18+$0xFFFFFFC0];
	_ =	sdelay $0x2  }
0xd7: {  	v0 =	vadd.f32 v0, v1;
	_ =	sdelay $0x1  }
0xd8: {  	v0 =	vadd.f32 v2, v0;
	_ =	sdelay $0x1  }
0xd9: {  	s12 =	simm.s32 $0xDA60;
	v0 =	vmax.f32 v0, $0.0e+00  }
0xda: {  	[tilespmem:s12+$0xFFFFFFC0] =	vst v0  }
0xdb: {  	v0 =	vld [tilespmem:s25+$0xFFFFFFD0]  }
0xdc: {  	v1 =	vld [tilespmem:s21+$0xFFFFFFD0];
	_ =	sdelay $0x1  }
0xdd: {  	v2 =	vld [tilespmem:s18+$0xFFFFFFD0];
	_ =	sdelay $0x2  }
0xde: {  	v0 =	vadd.f32 v1, v0;
	_ =	sdelay $0x1  }
0xdf: {  	v0 =	vadd.f32 v2, v0;
	_ =	sdelay $0x1  }
0xe0: {  	v0 =	vmax.f32 v0, $0.0e+00  }
0xe1: {  	[tilespmem:s12+$0xFFFFFFD0] =	vst v0  }
0xe2: {  	v0 =	vld [tilespmem:s25+$0xFFFFFFE0]  }
0xe3: {  	v1 =	vld [tilespmem:s21+$0xFFFFFFE0];
	_ =	sdelay $0x1  }
0xe4: {  	v2 =	vld [tilespmem:s18+$0xFFFFFFE0];
	_ =	sdelay $0x2  }
0xe5: {  	v0 =	vadd.f32 v1, v0;
	_ =	sdelay $0x1  }
0xe6: {  	v0 =	vadd.f32 v2, v0;
	_ =	sdelay $0x1  }
0xe7: {  	v0 =	vmax.f32 v0, $0.0e+00  }
0xe8: {  	[tilespmem:s12+$0xFFFFFFE0] =	vst v0  }
0xe9: {  	v0 =	vld [tilespmem:s25+$0xFFFFFFF0]  }
0xea: {  	v1 =	vld [tilespmem:s21+$0xFFFFFFF0];
	_ =	sdelay $0x1  }
0xeb: {  	v2 =	vld [tilespmem:s18+$0xFFFFFFF0];
	_ =	sdelay $0x2  }
0xec: {  	v0 =	vadd.f32 v1, v0;
	_ =	sdelay $0x1  }
0xed: {  	v0 =	vadd.f32 v2, v0;
	_ =	sdelay $0x1  }
0xee: {  	v0 =	vmax.f32 v0, $0.0e+00  }
0xef: {  	[tilespmem:s12+$0xFFFFFFF0] =	vst v0  }
0xf0: {  	v0 =	vld [tilespmem:s25+$0x0]  }
0xf1: {  	v1 =	vld [tilespmem:s21+$0x0];
	_ =	sdelay $0x1  }
0xf2: {  	v2 =	vld [tilespmem:s18+$0x0];
	_ =	sdelay $0x2  }
0xf3: {  	v0 =	vadd.f32 v1, v0;
	_ =	sdelay $0x1  }
0xf4: {  	v0 =	vadd.f32 v2, v0;
	_ =	sdelay $0x1  }
0xf5: {  	v0 =	vmax.f32 v0, $0.0e+00  }
0xf6: {  	[tilespmem:s12+$0x0] =	vst v0  }
0xf7: {  	v0 =	vld [tilespmem:s25+$0x10]  }
0xf8: {  	v1 =	vld [tilespmem:s21+$0x10];
	_ =	sdelay $0x1  }
0xf9: {  	v2 =	vld [tilespmem:s18+$0x10];
	_ =	sdelay $0x2  }
0xfa: {  	v0 =	vadd.f32 v1, v0;
	_ =	sdelay $0x1  }
0xfb: {  	v0 =	vadd.f32 v2, v0;
	_ =	sdelay $0x1  }
0xfc: {  	v0 =	vmax.f32 v0, $0.0e+00  }
0xfd: {  	[tilespmem:s12+$0x10] =	vst v0  }
0xfe: {  	v0 =	vld [tilespmem:s25+$0x20]  }
0xff: {  	v1 =	vld [tilespmem:s21+$0x20];
	_ =	sdelay $0x1  }
0x100: {  	v2 =	vld [tilespmem:s18+$0x20];
	_ =	sdelay $0x2  }
0x101: {  	v0 =	vadd.f32 v1, v0;
	_ =	sdelay $0x1  }
0x102: {  	v0 =	vadd.f32 v2, v0;
	_ =	sdelay $0x1  }
0x103: {  	v0 =	vmax.f32 v0, $0.0e+00  }
0x104: {  	[tilespmem:s12+$0x20] =	vst v0  }
0x105: {  	s13 =	sadd.s32 $0x50, s14;
	v0 =	vld [tilespmem:s25+$0x30]  }
0x106: {  	s23 =	simm.s32 $0x0;
	s15 =	sadd.s32 s3, s13;
	v2 =	vld [tilespmem:s21+$0x30]  }
0x107: {  	s24 =	simm.s32 $0xB2E0;
	v1 =	vld [tilespmem:s18+$0x30];
	s25 =	simm.s32 $0x9EE0;
	s21 =	simm.s32 $0xDA60  }
.LBB2_5:
0x108: {  	s23 =	sadd.s32 $0x2, s23;
	s12 =	sadd.s32 $0x80, s12;
	s18 =	sadd.s32 $0x80, s18  }
0x109: {  	p2 =	slt.u32 s23, $0x4E;
	_ =	sdelay $0x1  }
0x10a: {  	v0 =	vadd.f32 v2, v0;
	_ =	sdelay $0x1  }
0x10b: {  	v0 =	vadd.f32 v1, v0;
	_ =	sdelay $0x1  }
0x10c: {  	v0 =	vmax.f32 v0, $0.0e+00  }
0x10d: {  	[tilespmem:s21+$0x30] =	vst v0;
	s21 =	smov.u32 s12  }
0x10e: {  	v0 =	vld [tilespmem:s24+$0xFFFFFFC0]  }
0x10f: {  	v1 =	vld [tilespmem:s25+$0xFFFFFFC0]  }
0x110: {  	v2 =	vld [tilespmem:s18+$0xFFFFFFC0];
	_ =	sdelay $0x3  }
0x111: {  	v0 =	vadd.f32 v0, v1;
	_ =	sdelay $0x1  }
0x112: {  	v0 =	vadd.f32 v2, v0;
	_ =	sdelay $0x1  }
0x113: {  	v0 =	vmax.f32 v0, $0.0e+00  }
0x114: {  	[tilespmem:s12+$0xFFFFFFC0] =	vst v0  }
0x115: {  	v0 =	vld [tilespmem:s25+$0xFFFFFFD0]  }
0x116: {  	v1 =	vld [tilespmem:s24+$0xFFFFFFD0];
	_ =	sdelay $0x1  }
0x117: {  	v2 =	vld [tilespmem:s18+$0xFFFFFFD0];
	_ =	sdelay $0x2  }
0x118: {  	v0 =	vadd.f32 v1, v0;
	_ =	sdelay $0x1  }
0x119: {  	v0 =	vadd.f32 v2, v0;
	_ =	sdelay $0x1  }
0x11a: {  	v0 =	vmax.f32 v0, $0.0e+00  }
0x11b: {  	[tilespmem:s12+$0xFFFFFFD0] =	vst v0  }
0x11c: {  	v0 =	vld [tilespmem:s25+$0xFFFFFFE0]  }
0x11d: {  	v1 =	vld [tilespmem:s24+$0xFFFFFFE0];
	_ =	sdelay $0x1  }
0x11e: {  	v2 =	vld [tilespmem:s18+$0xFFFFFFE0];
	_ =	sdelay $0x2  }
0x11f: {  	v0 =	vadd.f32 v1, v0;
	_ =	sdelay $0x1  }
0x120: {  	v0 =	vadd.f32 v2, v0;
	_ =	sdelay $0x1  }
0x121: {  	v0 =	vmax.f32 v0, $0.0e+00  }
0x122: {  	[tilespmem:s12+$0xFFFFFFE0] =	vst v0  }
0x123: {  	v0 =	vld [tilespmem:s25+$0xFFFFFFF0]  }
0x124: {  	v1 =	vld [tilespmem:s24+$0xFFFFFFF0];
	_ =	sdelay $0x1  }
0x125: {  	v2 =	vld [tilespmem:s18+$0xFFFFFFF0];
	_ =	sdelay $0x2  }
0x126: {  	v0 =	vadd.f32 v1, v0;
	_ =	sdelay $0x1  }
0x127: {  	v0 =	vadd.f32 v2, v0;
	_ =	sdelay $0x1  }
0x128: {  	v0 =	vmax.f32 v0, $0.0e+00  }
0x129: {  	[tilespmem:s12+$0xFFFFFFF0] =	vst v0  }
0x12a: {  	v0 =	vld [tilespmem:s25+$0x0]  }
0x12b: {  	v1 =	vld [tilespmem:s24+$0x0];
	_ =	sdelay $0x1  }
0x12c: {  	v2 =	vld [tilespmem:s18+$0x0];
	_ =	sdelay $0x2  }
0x12d: {  	v0 =	vadd.f32 v1, v0;
	_ =	sdelay $0x1  }
0x12e: {  	v0 =	vadd.f32 v2, v0;
	_ =	sdelay $0x1  }
0x12f: {  	v0 =	vmax.f32 v0, $0.0e+00  }
0x130: {  	[tilespmem:s12+$0x0] =	vst v0  }
0x131: {  	v0 =	vld [tilespmem:s25+$0x10]  }
0x132: {  	v1 =	vld [tilespmem:s24+$0x10]  }
0x133: {  	v2 =	vld [tilespmem:s18+$0x10];
	_ =	sdelay $0x3  }
0x134: {  	v0 =	vadd.f32 v1, v0;
	_ =	sdelay $0x1  }
0x135: {  	v0 =	vadd.f32 v2, v0;
	_ =	sdelay $0x1  }
0x136: {  	v0 =	vmax.f32 v0, $0.0e+00  }
0x137: {  	[tilespmem:s12+$0x10] =	vst v0  }
0x138: {  	v0 =	vld [tilespmem:s25+$0x20]  }
0x139: {  	v1 =	vld [tilespmem:s24+$0x20]  }
0x13a: {  	v2 =	vld [tilespmem:s18+$0x20];
	_ =	sdelay $0x3  }
0x13b: {  	v0 =	vadd.f32 v1, v0;
	_ =	sdelay $0x1  }
0x13c: {  	v0 =	vadd.f32 v2, v0;
	_ =	sdelay $0x1  }
.Ltmp1:
0x13d: {  	v0 =	vmax.f32 v0, $0.0e+00;
	(pc) =	sbr.rel @p2 .LBB2_5-.Ltmp1, $4  }
0x13e: {  	[tilespmem:s12+$0x20] =	vst v0  }
0x13f: {  	v0 =	vld [tilespmem:s25+$0x30]  }
0x140: {  	v2 =	vld [tilespmem:s24+$0x30]  }
0x141: {  	s25 =	sadd.s32 $0x80, s25;
	s24 =	sadd.s32 $0x80, s24;
	v1 =	vld [tilespmem:s18+$0x30]  }
0x142: {  	_ =	sdelay $0x2  }
0x143: {  	v0 =	vadd.f32 v2, v0  }
0x144: {  	s12 =	sadd.s32 $0x140, s14  }
0x145: {  	s18 =	sadd.s32 s3, s12;
	v0 =	vadd.f32 v1, v0  }
0x146: {  	s18 =	sshll.u32 s18, $0x3  }
0x147: {  	s18 =	sand.u32 $0x1FFFFF80, s18;
	v0 =	vmax.f32 v0, $0.0e+00  }
0x148: {  	s25 =	simm.s32 $0x9E20;
	s18 =	sadd.s32 s4, s18;
	[tilespmem:s21+$0x30] =	vst v0  }
0x149: {  	[tilespmem:s25], [sflag:$0x2] =	stream.linear.gather [hbm4b:s18+s2], $0x1400, $0x38;
	[tilespmem:$0x1DA60] =	vst v63  }
0x14a: {  	s21 =	sshll.u32 s15, $0x3  }
0x14b: {  	[tilespmem:s26], [sflag:$0x2] =	stream.indirect.gather [hbm4b:s5+s22], $0x40, s12, s22, $0xb8;
	[tilespmem:$0x1DA60] =	vst v63  }
0x14c: {  	s18 =	sadd.s32 $0x2850, s14;
	s12 =	sand.u32 $0x1FFFFF80, s21  }
0x14d: {  	[tilespmem:s29], [sflag:$0x2] =	stream.indirect.gather [hbm4b:s6+s22], $0x40, s18, s22, $0xb8;
	[tilespmem:$0x1DA60] =	vst v63  }
0x14e: {  	s12 =	sadd.s32 s8, s12  }
0x14f: {  	[hbm4b:s12+s2] =	stream.linear.scatter [tilespmem:s9], [sflag:$0x5], $0x1400, $0x38;
	[tilespmem:$0x1DA60] =	vst v63  }
0x150: {  	s23 =	sadd.s32 $0x2710, s13  }
0x151: {  	[spmem:s1] =	stream.indirect.scatter.add.f32 [tilespmem:s9], [sflag:$0x7], $0x40, s23, s22, $0xb8;
	[tilespmem:$0x1DA60] =	vst v63  }
0x152: {  	_ =	swait.ge [sflag:s19], $0x1400  }
0x153: {  	[sflag:s19] =	ssyncset.done $0x0  }
0x154: {  	[sflag:s19] =	ssyncadd.s32 $0xFFFFEC00  }
0x155: {  	_ =	swait.ge [sflag:s10], $0x1400  }
0x156: {  	[sflag:s10] =	ssyncset.done $0x0  }
0x157: {  	[sflag:s10] =	ssyncadd.s32 $0xFFFFEC00  }
0x158: {  	_ =	swait.ge [sflag:s10], $0x1400  }
0x159: {  	[sflag:s10] =	ssyncset.done $0x0  }
0x15a: {  	[sflag:s10] =	ssyncadd.s32 $0xFFFFEC00  }
0x15b: {  	_ =	swait.ge [sflag:s10], $0x1400  }
0x15c: {  	[sflag:s10] =	ssyncset.done $0x0  }
0x15d: {  	s12 =	simm.s32 @!p1 $0x6;
	[sflag:s10] =	ssyncadd.s32 $0xFFFFEC00  }
0x15e: {  	_ =	swait.ge @!p1 [sflag:s12], $0x1400  }
0x15f: {  	[sflag:s12] =	ssyncset.done @!p1 $0x0  }
0x160: {  	s24 =	simm.s32 $0x10260;
	[sflag:s12] =	ssyncadd.s32 @!p1 $0xFFFFEC00  }
0x161: {  	s25 =	simm.s32 $0xEE60;
	v0 =	vld [tilespmem:s24+$0xFFFFFFC0]  }
0x162: {  	v1 =	vld [tilespmem:s25+$0xFFFFFFC0]  }
0x163: {  	s18 =	simm.s32 $0x11660  }
0x164: {  	v2 =	vld [tilespmem:s18+$0xFFFFFFC0];
	_ =	sdelay $0x2  }
0x165: {  	v0 =	vadd.f32 v0, v1;
	_ =	sdelay $0x1  }
0x166: {  	v0 =	vadd.f32 v2, v0;
	_ =	sdelay $0x1  }
0x167: {  	s12 =	simm.s32 $0x12A60;
	v0 =	vmax.f32 v0, $0.0e+00  }
0x168: {  	[tilespmem:s12+$0xFFFFFFC0] =	vst v0  }
0x169: {  	v0 =	vld [tilespmem:s25+$0xFFFFFFD0]  }
0x16a: {  	v1 =	vld [tilespmem:s24+$0xFFFFFFD0];
	_ =	sdelay $0x1  }
0x16b: {  	v2 =	vld [tilespmem:s18+$0xFFFFFFD0];
	_ =	sdelay $0x2  }
0x16c: {  	v0 =	vadd.f32 v1, v0;
	_ =	sdelay $0x1  }
0x16d: {  	v0 =	vadd.f32 v2, v0;
	_ =	sdelay $0x1  }
0x16e: {  	v0 =	vmax.f32 v0, $0.0e+00  }
0x16f: {  	[tilespmem:s12+$0xFFFFFFD0] =	vst v0  }
0x170: {  	v0 =	vld [tilespmem:s25+$0xFFFFFFE0]  }
0x171: {  	v1 =	vld [tilespmem:s24+$0xFFFFFFE0];
	_ =	sdelay $0x1  }
0x172: {  	v2 =	vld [tilespmem:s18+$0xFFFFFFE0];
	_ =	sdelay $0x2  }
0x173: {  	v0 =	vadd.f32 v1, v0;
	_ =	sdelay $0x1  }
0x174: {  	v0 =	vadd.f32 v2, v0;
	_ =	sdelay $0x1  }
0x175: {  	v0 =	vmax.f32 v0, $0.0e+00  }
0x176: {  	[tilespmem:s12+$0xFFFFFFE0] =	vst v0  }
0x177: {  	v0 =	vld [tilespmem:s25+$0xFFFFFFF0]  }
0x178: {  	v1 =	vld [tilespmem:s24+$0xFFFFFFF0];
	_ =	sdelay $0x1  }
0x179: {  	v2 =	vld [tilespmem:s18+$0xFFFFFFF0];
	_ =	sdelay $0x2  }
0x17a: {  	v0 =	vadd.f32 v1, v0;
	_ =	sdelay $0x1  }
0x17b: {  	v0 =	vadd.f32 v2, v0;
	_ =	sdelay $0x1  }
0x17c: {  	v0 =	vmax.f32 v0, $0.0e+00  }
0x17d: {  	[tilespmem:s12+$0xFFFFFFF0] =	vst v0  }
0x17e: {  	v0 =	vld [tilespmem:s25+$0x0]  }
0x17f: {  	v1 =	vld [tilespmem:s24+$0x0];
	_ =	sdelay $0x1  }
0x180: {  	v2 =	vld [tilespmem:s18+$0x0];
	_ =	sdelay $0x2  }
0x181: {  	v0 =	vadd.f32 v1, v0;
	_ =	sdelay $0x1  }
0x182: {  	v0 =	vadd.f32 v2, v0;
	_ =	sdelay $0x1  }
0x183: {  	v0 =	vmax.f32 v0, $0.0e+00  }
0x184: {  	[tilespmem:s12+$0x0] =	vst v0  }
0x185: {  	v0 =	vld [tilespmem:s25+$0x10]  }
0x186: {  	v1 =	vld [tilespmem:s24+$0x10];
	_ =	sdelay $0x1  }
0x187: {  	v2 =	vld [tilespmem:s18+$0x10];
	_ =	sdelay $0x2  }
0x188: {  	v0 =	vadd.f32 v1, v0;
	_ =	sdelay $0x1  }
0x189: {  	v0 =	vadd.f32 v2, v0;
	_ =	sdelay $0x1  }
0x18a: {  	v0 =	vmax.f32 v0, $0.0e+00  }
0x18b: {  	[tilespmem:s12+$0x10] =	vst v0  }
0x18c: {  	v0 =	vld [tilespmem:s25+$0x20]  }
0x18d: {  	v1 =	vld [tilespmem:s24+$0x20];
	_ =	sdelay $0x1  }
0x18e: {  	v2 =	vld [tilespmem:s18+$0x20];
	_ =	sdelay $0x2  }
0x18f: {  	v0 =	vadd.f32 v1, v0;
	_ =	sdelay $0x1  }
0x190: {  	v0 =	vadd.f32 v2, v0;
	_ =	sdelay $0x1  }
0x191: {  	v0 =	vmax.f32 v0, $0.0e+00  }
0x192: {  	[tilespmem:s12+$0x20] =	vst v0  }
0x193: {  	s14 =	sadd.s32 $0xA0, s14;
	v0 =	vld [tilespmem:s25+$0x30]  }
0x194: {  	s15 =	simm.s32 $0x12A60;
	s13 =	sadd.s32 s3, s14;
	v2 =	vld [tilespmem:s24+$0x30]  }
0x195: {  	s21 =	simm.s32 $0x0;
	s23 =	simm.s32 $0x102E0;
	v1 =	vld [tilespmem:s18+$0x30];
	s24 =	simm.s32 $0xEEE0  }
.LBB2_7:
0x196: {  	s21 =	sadd.s32 $0x2, s21;
	s12 =	sadd.s32 $0x80, s12;
	s18 =	sadd.s32 $0x80, s18  }
0x197: {  	p1 =	slt.u32 s21, $0x4E;
	_ =	sdelay $0x1  }
0x198: {  	v0 =	vadd.f32 v2, v0;
	_ =	sdelay $0x1  }
0x199: {  	v0 =	vadd.f32 v1, v0;
	_ =	sdelay $0x1  }
0x19a: {  	v0 =	vmax.f32 v0, $0.0e+00  }
0x19b: {  	[tilespmem:s15+$0x30] =	vst v0;
	s15 =	smov.u32 s12  }
0x19c: {  	v0 =	vld [tilespmem:s23+$0xFFFFFFC0]  }
0x19d: {  	v1 =	vld [tilespmem:s24+$0xFFFFFFC0]  }
0x19e: {  	v2 =	vld [tilespmem:s18+$0xFFFFFFC0];
	_ =	sdelay $0x3  }
0x19f: {  	v0 =	vadd.f32 v0, v1;
	_ =	sdelay $0x1  }
0x1a0: {  	v0 =	vadd.f32 v2, v0;
	_ =	sdelay $0x1  }
0x1a1: {  	v0 =	vmax.f32 v0, $0.0e+00  }
0x1a2: {  	[tilespmem:s12+$0xFFFFFFC0] =	vst v0  }
0x1a3: {  	v0 =	vld [tilespmem:s24+$0xFFFFFFD0]  }
0x1a4: {  	v1 =	vld [tilespmem:s23+$0xFFFFFFD0];
	_ =	sdelay $0x1  }
0x1a5: {  	v2 =	vld [tilespmem:s18+$0xFFFFFFD0];
	_ =	sdelay $0x2  }
0x1a6: {  	v0 =	vadd.f32 v1, v0;
	_ =	sdelay $0x1  }
0x1a7: {  	v0 =	vadd.f32 v2, v0;
	_ =	sdelay $0x1  }
0x1a8: {  	v0 =	vmax.f32 v0, $0.0e+00  }
0x1a9: {  	[tilespmem:s12+$0xFFFFFFD0] =	vst v0  }
0x1aa: {  	v0 =	vld [tilespmem:s24+$0xFFFFFFE0]  }
0x1ab: {  	v1 =	vld [tilespmem:s23+$0xFFFFFFE0];
	_ =	sdelay $0x1  }
0x1ac: {  	v2 =	vld [tilespmem:s18+$0xFFFFFFE0];
	_ =	sdelay $0x2  }
0x1ad: {  	v0 =	vadd.f32 v1, v0;
	_ =	sdelay $0x1  }
0x1ae: {  	v0 =	vadd.f32 v2, v0;
	_ =	sdelay $0x1  }
0x1af: {  	v0 =	vmax.f32 v0, $0.0e+00  }
0x1b0: {  	[tilespmem:s12+$0xFFFFFFE0] =	vst v0  }
0x1b1: {  	v0 =	vld [tilespmem:s24+$0xFFFFFFF0]  }
0x1b2: {  	v1 =	vld [tilespmem:s23+$0xFFFFFFF0];
	_ =	sdelay $0x1  }
0x1b3: {  	v2 =	vld [tilespmem:s18+$0xFFFFFFF0];
	_ =	sdelay $0x2  }
0x1b4: {  	v0 =	vadd.f32 v1, v0;
	_ =	sdelay $0x1  }
0x1b5: {  	v0 =	vadd.f32 v2, v0;
	_ =	sdelay $0x1  }
0x1b6: {  	v0 =	vmax.f32 v0, $0.0e+00  }
0x1b7: {  	[tilespmem:s12+$0xFFFFFFF0] =	vst v0  }
0x1b8: {  	v0 =	vld [tilespmem:s24+$0x0]  }
0x1b9: {  	v1 =	vld [tilespmem:s23+$0x0];
	_ =	sdelay $0x1  }
0x1ba: {  	v2 =	vld [tilespmem:s18+$0x0];
	_ =	sdelay $0x2  }
0x1bb: {  	v0 =	vadd.f32 v1, v0;
	_ =	sdelay $0x1  }
0x1bc: {  	v0 =	vadd.f32 v2, v0;
	_ =	sdelay $0x1  }
0x1bd: {  	v0 =	vmax.f32 v0, $0.0e+00  }
0x1be: {  	[tilespmem:s12+$0x0] =	vst v0  }
0x1bf: {  	v0 =	vld [tilespmem:s24+$0x10]  }
0x1c0: {  	v1 =	vld [tilespmem:s23+$0x10]  }
0x1c1: {  	v2 =	vld [tilespmem:s18+$0x10];
	_ =	sdelay $0x3  }
0x1c2: {  	v0 =	vadd.f32 v1, v0;
	_ =	sdelay $0x1  }
0x1c3: {  	v0 =	vadd.f32 v2, v0;
	_ =	sdelay $0x1  }
0x1c4: {  	v0 =	vmax.f32 v0, $0.0e+00  }
0x1c5: {  	[tilespmem:s12+$0x10] =	vst v0  }
0x1c6: {  	v0 =	vld [tilespmem:s24+$0x20]  }
0x1c7: {  	v1 =	vld [tilespmem:s23+$0x20]  }
0x1c8: {  	v2 =	vld [tilespmem:s18+$0x20];
	_ =	sdelay $0x3  }
0x1c9: {  	v0 =	vadd.f32 v1, v0;
	_ =	sdelay $0x1  }
0x1ca: {  	v0 =	vadd.f32 v2, v0;
	_ =	sdelay $0x1  }
.Ltmp2:
0x1cb: {  	v0 =	vmax.f32 v0, $0.0e+00;
	(pc) =	sbr.rel @p1 .LBB2_7-.Ltmp2, $4  }
0x1cc: {  	[tilespmem:s12+$0x20] =	vst v0  }
0x1cd: {  	v0 =	vld [tilespmem:s24+$0x30]  }
0x1ce: {  	v2 =	vld [tilespmem:s23+$0x30]  }
0x1cf: {  	s24 =	sadd.s32 $0x80, s24;
	s23 =	sadd.s32 $0x80, s23;
	v1 =	vld [tilespmem:s18+$0x30]  }
0x1d0: {  	_ = 	snop  }
0x1d1: {  	s12 =	smin.u32 s17, $0x77  }
0x1d2: {  	s12 =	smul.u32 $0x50, s12  }
0x1d3: {  	v0 =	vadd.f32 v2, v0  }
0x1d4: {  	s21 =	sadd.s32 $0x190, s12  }
0x1d5: {  	s18 =	sadd.s32 s3, s21;
	v0 =	vadd.f32 v1, v0  }
0x1d6: {  	s18 =	sshll.u32 s18, $0x3  }
0x1d7: {  	s18 =	sand.u32 $0x7FFF80, s18;
	v0 =	vmax.f32 v0, $0.0e+00  }
0x1d8: {  	s23 =	sadd.s32 s4, s18;
	[tilespmem:s15+$0x30] =	vst v0  }
0x1d9: {  	[tilespmem:s30], [sflag:$0x3] =	stream.linear.gather [hbm4b:s23+s2], $0x1400, $0x38;
	[tilespmem:$0x1DA60] =	vst v63  }
0x1da: {  	_ = 	snop  }
0x1db: {  	[tilespmem:s0], [sflag:$0x3] =	stream.indirect.gather [hbm4b:s5+s22], $0x40, s21, s22, $0xb8;
	[tilespmem:$0x1DA60] =	vst v63  }
0x1dc: {  	s24 =	sshll.u32 s13, $0x3;
	s12 =	sadd.s32 $0x28A0, s12  }
0x1dd: {  	[tilespmem:s31], [sflag:$0x3] =	stream.indirect.gather [hbm4b:s6+s22], $0x40, s12, s22, $0xb8;
	[tilespmem:$0x1DA60] =	vst v63  }
0x1de: {  	s16 =	sadd.s32 $0x1, s16;
	s12 =	sand.u32 $0x1FFFFF80, s24  }
0x1df: {  	p1 =	sne.s32 s16, $0x29;
	s12 =	sadd.s32 s8, s12  }
0x1e0: {  	[hbm4b:s12+s2] =	stream.linear.scatter [tilespmem:s11], [sflag:$0x6], $0x1400, $0x38;
	[tilespmem:$0x1DA60] =	vst v63  }
.Ltmp3:
0x1e1: {  	s25 =	sadd.s32 $0x2710, s14;
	(pc) =	sbr.rel @p1 .LBB2_2-.Ltmp3, $4  }
0x1e2: {  	[spmem:s1] =	stream.indirect.scatter.add.f32 [tilespmem:s11], [sflag:$0x7], $0x40, s25, s22, $0xb8;
	[tilespmem:$0x1DA60] =	vst v63  }
0x1e3: {  	_ =	swait.ge [sflag:s19], $0x1400  }
0x1e4: {  	[sflag:s19] =	ssyncset.done $0x0  }
0x1e5: {  	[sflag:s19] =	ssyncadd.s32 $0xFFFFEC00  }
0x1e6: {  	_ =	swait.ge [sflag:s28], $0x1400  }
0x1e7: {  	[sflag:s28] =	ssyncset.done $0x0  }
0x1e8: {  	[sflag:s28] =	ssyncadd.s32 $0xFFFFEC00  }
0x1e9: {  	_ =	swait.ge [sflag:s28], $0x1400  }
0x1ea: {  	[sflag:s28] =	ssyncset.done $0x0  }
0x1eb: {  	[sflag:s28] =	ssyncadd.s32 $0xFFFFEC00  }
0x1ec: {  	_ =	swait.ge [sflag:s28], $0x1400  }
0x1ed: {  	[sflag:s28] =	ssyncset.done $0x0  }
0x1ee: {  	s18 =	simm.s32 $0x4;
	[sflag:s28] =	ssyncadd.s32 $0xFFFFEC00  }
0x1ef: {  	_ =	swait.ge [sflag:s18], $0x1400  }
0x1f0: {  	[sflag:s18] =	ssyncset.done $0x0  }
0x1f1: {  	s15 =	simm.s32 $0x6260;
	[sflag:s18] =	ssyncadd.s32 $0xFFFFEC00  }
0x1f2: {  	s13 =	simm.s32 $0x4E60;
	v0 =	vld [tilespmem:s15+$0xFFFFFFC0]  }
0x1f3: {  	v1 =	vld [tilespmem:s13+$0xFFFFFFC0]  }
0x1f4: {  	s14 =	simm.s32 $0x7660  }
0x1f5: {  	v2 =	vld [tilespmem:s14+$0xFFFFFFC0];
	_ =	sdelay $0x2  }
0x1f6: {  	v0 =	vadd.f32 v0, v1;
	_ =	sdelay $0x1  }
0x1f7: {  	v0 =	vadd.f32 v2, v0;
	_ =	sdelay $0x1  }
0x1f8: {  	s12 =	simm.s32 $0x8A60;
	v0 =	vmax.f32 v0, $0.0e+00  }
0x1f9: {  	[tilespmem:s12+$0xFFFFFFC0] =	vst v0  }
0x1fa: {  	v0 =	vld [tilespmem:s13+$0xFFFFFFD0]  }
0x1fb: {  	v1 =	vld [tilespmem:s15+$0xFFFFFFD0];
	_ =	sdelay $0x1  }
0x1fc: {  	v2 =	vld [tilespmem:s14+$0xFFFFFFD0];
	_ =	sdelay $0x2  }
0x1fd: {  	v0 =	vadd.f32 v1, v0;
	_ =	sdelay $0x1  }
0x1fe: {  	v0 =	vadd.f32 v2, v0;
	_ =	sdelay $0x1  }
0x1ff: {  	v0 =	vmax.f32 v0, $0.0e+00  }
0x200: {  	[tilespmem:s12+$0xFFFFFFD0] =	vst v0  }
0x201: {  	v0 =	vld [tilespmem:s13+$0xFFFFFFE0]  }
0x202: {  	v1 =	vld [tilespmem:s15+$0xFFFFFFE0];
	_ =	sdelay $0x1  }
0x203: {  	v2 =	vld [tilespmem:s14+$0xFFFFFFE0];
	_ =	sdelay $0x2  }
0x204: {  	v0 =	vadd.f32 v1, v0;
	_ =	sdelay $0x1  }
0x205: {  	v0 =	vadd.f32 v2, v0;
	_ =	sdelay $0x1  }
0x206: {  	v0 =	vmax.f32 v0, $0.0e+00  }
0x207: {  	[tilespmem:s12+$0xFFFFFFE0] =	vst v0  }
0x208: {  	v0 =	vld [tilespmem:s13+$0xFFFFFFF0]  }
0x209: {  	v1 =	vld [tilespmem:s15+$0xFFFFFFF0];
	_ =	sdelay $0x1  }
0x20a: {  	v2 =	vld [tilespmem:s14+$0xFFFFFFF0];
	_ =	sdelay $0x2  }
0x20b: {  	v0 =	vadd.f32 v1, v0;
	_ =	sdelay $0x1  }
0x20c: {  	v0 =	vadd.f32 v2, v0;
	_ =	sdelay $0x1  }
0x20d: {  	v0 =	vmax.f32 v0, $0.0e+00  }
0x20e: {  	[tilespmem:s12+$0xFFFFFFF0] =	vst v0  }
0x20f: {  	v0 =	vld [tilespmem:s13+$0x0]  }
0x210: {  	v1 =	vld [tilespmem:s15+$0x0];
	_ =	sdelay $0x1  }
0x211: {  	v2 =	vld [tilespmem:s14+$0x0];
	_ =	sdelay $0x2  }
0x212: {  	v0 =	vadd.f32 v1, v0;
	_ =	sdelay $0x1  }
0x213: {  	v0 =	vadd.f32 v2, v0;
	_ =	sdelay $0x1  }
0x214: {  	v0 =	vmax.f32 v0, $0.0e+00  }
0x215: {  	[tilespmem:s12+$0x0] =	vst v0  }
0x216: {  	v0 =	vld [tilespmem:s13+$0x10]  }
0x217: {  	v1 =	vld [tilespmem:s15+$0x10];
	_ =	sdelay $0x1  }
0x218: {  	v2 =	vld [tilespmem:s14+$0x10];
	_ =	sdelay $0x2  }
0x219: {  	v0 =	vadd.f32 v1, v0;
	_ =	sdelay $0x1  }
0x21a: {  	v0 =	vadd.f32 v2, v0;
	_ =	sdelay $0x1  }
0x21b: {  	v0 =	vmax.f32 v0, $0.0e+00  }
0x21c: {  	[tilespmem:s12+$0x10] =	vst v0  }
0x21d: {  	v0 =	vld [tilespmem:s13+$0x20]  }
0x21e: {  	v1 =	vld [tilespmem:s15+$0x20];
	_ =	sdelay $0x1  }
0x21f: {  	v2 =	vld [tilespmem:s14+$0x20];
	_ =	sdelay $0x2  }
0x220: {  	v0 =	vadd.f32 v1, v0;
	_ =	sdelay $0x1  }
0x221: {  	v0 =	vadd.f32 v2, v0;
	_ =	sdelay $0x1  }
0x222: {  	v0 =	vmax.f32 v0, $0.0e+00  }
0x223: {  	[tilespmem:s12+$0x20] =	vst v0  }
0x224: {  	v0 =	vld [tilespmem:s13+$0x30]  }
0x225: {  	s16 =	simm.s32 $0x62E0;
	v2 =	vld [tilespmem:s15+$0x30]  }
0x226: {  	s17 =	simm.s32 $0x4EE0;
	s13 =	simm.s32 $0x0;
	v1 =	vld [tilespmem:s14+$0x30];
	s15 =	simm.s32 $0x8A60  }
.LBB2_10:
0x227: {  	s13 =	sadd.s32 $0x2, s13;
	s12 =	sadd.s32 $0x80, s12;
	s14 =	sadd.s32 $0x80, s14  }
0x228: {  	p1 =	slt.u32 s13, $0x4E;
	_ =	sdelay $0x1  }
0x229: {  	v0 =	vadd.f32 v2, v0;
	_ =	sdelay $0x1  }
0x22a: {  	v0 =	vadd.f32 v1, v0;
	_ =	sdelay $0x1  }
0x22b: {  	v0 =	vmax.f32 v0, $0.0e+00  }
0x22c: {  	[tilespmem:s15+$0x30] =	vst v0;
	s15 =	smov.u32 s12  }
0x22d: {  	v0 =	vld [tilespmem:s16+$0xFFFFFFC0]  }
0x22e: {  	v1 =	vld [tilespmem:s17+$0xFFFFFFC0]  }
0x22f: {  	v2 =	vld [tilespmem:s14+$0xFFFFFFC0];
	_ =	sdelay $0x3  }
0x230: {  	v0 =	vadd.f32 v0, v1;
	_ =	sdelay $0x1  }
0x231: {  	v0 =	vadd.f32 v2, v0;
	_ =	sdelay $0x1  }
0x232: {  	v0 =	vmax.f32 v0, $0.0e+00  }
0x233: {  	[tilespmem:s12+$0xFFFFFFC0] =	vst v0  }
0x234: {  	v0 =	vld [tilespmem:s17+$0xFFFFFFD0]  }
0x235: {  	v1 =	vld [tilespmem:s16+$0xFFFFFFD0];
	_ =	sdelay $0x1  }
0x236: {  	v2 =	vld [tilespmem:s14+$0xFFFFFFD0];
	_ =	sdelay $0x2  }
0x237: {  	v0 =	vadd.f32 v1, v0;
	_ =	sdelay $0x1  }
0x238: {  	v0 =	vadd.f32 v2, v0;
	_ =	sdelay $0x1  }
0x239: {  	v0 =	vmax.f32 v0, $0.0e+00  }
0x23a: {  	[tilespmem:s12+$0xFFFFFFD0] =	vst v0  }
0x23b: {  	v0 =	vld [tilespmem:s17+$0xFFFFFFE0]  }
0x23c: {  	v1 =	vld [tilespmem:s16+$0xFFFFFFE0];
	_ =	sdelay $0x1  }
0x23d: {  	v2 =	vld [tilespmem:s14+$0xFFFFFFE0];
	_ =	sdelay $0x2  }
0x23e: {  	v0 =	vadd.f32 v1, v0;
	_ =	sdelay $0x1  }
0x23f: {  	v0 =	vadd.f32 v2, v0;
	_ =	sdelay $0x1  }
0x240: {  	v0 =	vmax.f32 v0, $0.0e+00  }
0x241: {  	[tilespmem:s12+$0xFFFFFFE0] =	vst v0  }
0x242: {  	v0 =	vld [tilespmem:s17+$0xFFFFFFF0]  }
0x243: {  	v1 =	vld [tilespmem:s16+$0xFFFFFFF0];
	_ =	sdelay $0x1  }
0x244: {  	v2 =	vld [tilespmem:s14+$0xFFFFFFF0];
	_ =	sdelay $0x2  }
0x245: {  	v0 =	vadd.f32 v1, v0;
	_ =	sdelay $0x1  }
0x246: {  	v0 =	vadd.f32 v2, v0;
	_ =	sdelay $0x1  }
0x247: {  	v0 =	vmax.f32 v0, $0.0e+00  }
0x248: {  	[tilespmem:s12+$0xFFFFFFF0] =	vst v0  }
0x249: {  	v0 =	vld [tilespmem:s17+$0x0]  }
0x24a: {  	v1 =	vld [tilespmem:s16+$0x0];
	_ =	sdelay $0x1  }
0x24b: {  	v2 =	vld [tilespmem:s14+$0x0];
	_ =	sdelay $0x2  }
0x24c: {  	v0 =	vadd.f32 v1, v0;
	_ =	sdelay $0x1  }
0x24d: {  	v0 =	vadd.f32 v2, v0;
	_ =	sdelay $0x1  }
0x24e: {  	v0 =	vmax.f32 v0, $0.0e+00  }
0x24f: {  	[tilespmem:s12+$0x0] =	vst v0  }
0x250: {  	v0 =	vld [tilespmem:s17+$0x10]  }
0x251: {  	v1 =	vld [tilespmem:s16+$0x10]  }
0x252: {  	v2 =	vld [tilespmem:s14+$0x10];
	_ =	sdelay $0x3  }
0x253: {  	v0 =	vadd.f32 v1, v0;
	_ =	sdelay $0x1  }
0x254: {  	v0 =	vadd.f32 v2, v0;
	_ =	sdelay $0x1  }
0x255: {  	v0 =	vmax.f32 v0, $0.0e+00  }
0x256: {  	[tilespmem:s12+$0x10] =	vst v0  }
0x257: {  	v0 =	vld [tilespmem:s17+$0x20]  }
0x258: {  	v1 =	vld [tilespmem:s16+$0x20]  }
0x259: {  	v2 =	vld [tilespmem:s14+$0x20];
	_ =	sdelay $0x3  }
0x25a: {  	v0 =	vadd.f32 v1, v0;
	_ =	sdelay $0x1  }
0x25b: {  	v0 =	vadd.f32 v2, v0;
	_ =	sdelay $0x1  }
.Ltmp4:
0x25c: {  	v0 =	vmax.f32 v0, $0.0e+00;
	(pc) =	sbr.rel @p1 .LBB2_10-.Ltmp4, $4  }
0x25d: {  	[tilespmem:s12+$0x20] =	vst v0  }
0x25e: {  	v0 =	vld [tilespmem:s17+$0x30]  }
0x25f: {  	v2 =	vld [tilespmem:s16+$0x30]  }
0x260: {  	s17 =	sadd.s32 $0x80, s17;
	s16 =	sadd.s32 $0x80, s16;
	v1 =	vld [tilespmem:s14+$0x30]  }
0x261: {  	_ =	sdelay $0x2  }
0x262: {  	v0 =	vadd.f32 v2, v0;
	_ =	sdelay $0x1  }
0x263: {  	v0 =	vadd.f32 v1, v0;
	_ =	sdelay $0x1  }
0x264: {  	v0 =	vmax.f32 v0, $0.0e+00  }
0x265: {  	s12 =	rddreg [dreg:$0xa];
	[tilespmem:s15+$0x30] =	vst v0  }
0x266: {  	[hbm4b:s12+s2] =	stream.linear.scatter [tilespmem:s7], [sflag:$0x4], $0x1400, $0x38;
	[tilespmem:$0x1DA60] =	vst v63  }
0x267: {  	s24 =	simm.s32 $0x4D80  }
0x268: {  	[spmem:s1] =	stream.indirect.scatter.add.f32 [tilespmem:s7], [sflag:$0x7], $0x40, s24, s22, $0xb8;
	[tilespmem:$0x1DA60] =	vst v63  }
0x269: {  	_ =	swait.ge [sflag:s19], $0x1400  }
0x26a: {  	[sflag:s19] =	ssyncset.done $0x0  }
0x26b: {  	[sflag:s19] =	ssyncadd.s32 $0xFFFFEC00  }
0x26c: {  	_ =	swait.ge [sflag:s20], $0x1400  }
0x26d: {  	[sflag:s20] =	ssyncset.done $0x0  }
0x26e: {  	[sflag:s20] =	ssyncadd.s32 $0xFFFFEC00  }
0x26f: {  	_ =	swait.ge [sflag:s20], $0x1400  }
0x270: {  	[sflag:s20] =	ssyncset.done $0x0  }
0x271: {  	[sflag:s20] =	ssyncadd.s32 $0xFFFFEC00  }
0x272: {  	_ =	swait.ge [sflag:s20], $0x1400  }
0x273: {  	[sflag:s20] =	ssyncset.done $0x0  }
0x274: {  	s21 =	simm.s32 $0x5;
	[sflag:s20] =	ssyncadd.s32 $0xFFFFEC00  }
0x275: {  	_ =	swait.ge [sflag:s21], $0x1400  }
0x276: {  	[sflag:s21] =	ssyncset.done $0x0  }
0x277: {  	s25 =	simm.s32 $0xB260;
	[sflag:s21] =	ssyncadd.s32 $0xFFFFEC00  }
0x278: {  	s13 =	simm.s32 $0x9E60;
	v0 =	vld [tilespmem:s25+$0xFFFFFFC0]  }
0x279: {  	v1 =	vld [tilespmem:s13+$0xFFFFFFC0]  }
0x27a: {  	s14 =	simm.s32 $0xC660  }
0x27b: {  	v2 =	vld [tilespmem:s14+$0xFFFFFFC0];
	_ =	sdelay $0x2  }
0x27c: {  	v0 =	vadd.f32 v0, v1;
	_ =	sdelay $0x1  }
0x27d: {  	v0 =	vadd.f32 v2, v0;
	_ =	sdelay $0x1  }
0x27e: {  	s12 =	simm.s32 $0xDA60;
	v0 =	vmax.f32 v0, $0.0e+00  }
0x27f: {  	[tilespmem:s12+$0xFFFFFFC0] =	vst v0  }
0x280: {  	v0 =	vld [tilespmem:s13+$0xFFFFFFD0]  }
0x281: {  	v1 =	vld [tilespmem:s25+$0xFFFFFFD0];
	_ =	sdelay $0x1  }
0x282: {  	v2 =	vld [tilespmem:s14+$0xFFFFFFD0];
	_ =	sdelay $0x2  }
0x283: {  	v0 =	vadd.f32 v1, v0;
	_ =	sdelay $0x1  }
0x284: {  	v0 =	vadd.f32 v2, v0;
	_ =	sdelay $0x1  }
0x285: {  	v0 =	vmax.f32 v0, $0.0e+00  }
0x286: {  	[tilespmem:s12+$0xFFFFFFD0] =	vst v0  }
0x287: {  	v0 =	vld [tilespmem:s13+$0xFFFFFFE0]  }
0x288: {  	v1 =	vld [tilespmem:s25+$0xFFFFFFE0];
	_ =	sdelay $0x1  }
0x289: {  	v2 =	vld [tilespmem:s14+$0xFFFFFFE0];
	_ =	sdelay $0x2  }
0x28a: {  	v0 =	vadd.f32 v1, v0;
	_ =	sdelay $0x1  }
0x28b: {  	v0 =	vadd.f32 v2, v0;
	_ =	sdelay $0x1  }
0x28c: {  	v0 =	vmax.f32 v0, $0.0e+00  }
0x28d: {  	[tilespmem:s12+$0xFFFFFFE0] =	vst v0  }
0x28e: {  	v0 =	vld [tilespmem:s13+$0xFFFFFFF0]  }
0x28f: {  	v1 =	vld [tilespmem:s25+$0xFFFFFFF0];
	_ =	sdelay $0x1  }
0x290: {  	v2 =	vld [tilespmem:s14+$0xFFFFFFF0];
	_ =	sdelay $0x2  }
0x291: {  	v0 =	vadd.f32 v1, v0;
	_ =	sdelay $0x1  }
0x292: {  	v0 =	vadd.f32 v2, v0;
	_ =	sdelay $0x1  }
0x293: {  	v0 =	vmax.f32 v0, $0.0e+00  }
0x294: {  	[tilespmem:s12+$0xFFFFFFF0] =	vst v0  }
0x295: {  	v0 =	vld [tilespmem:s13+$0x0]  }
0x296: {  	v1 =	vld [tilespmem:s25+$0x0];
	_ =	sdelay $0x1  }
0x297: {  	v2 =	vld [tilespmem:s14+$0x0];
	_ =	sdelay $0x2  }
0x298: {  	v0 =	vadd.f32 v1, v0;
	_ =	sdelay $0x1  }
0x299: {  	v0 =	vadd.f32 v2, v0;
	_ =	sdelay $0x1  }
0x29a: {  	v0 =	vmax.f32 v0, $0.0e+00  }
0x29b: {  	[tilespmem:s12+$0x0] =	vst v0  }
0x29c: {  	v0 =	vld [tilespmem:s13+$0x10]  }
0x29d: {  	v1 =	vld [tilespmem:s25+$0x10];
	_ =	sdelay $0x1  }
0x29e: {  	v2 =	vld [tilespmem:s14+$0x10];
	_ =	sdelay $0x2  }
0x29f: {  	v0 =	vadd.f32 v1, v0;
	_ =	sdelay $0x1  }
0x2a0: {  	v0 =	vadd.f32 v2, v0;
	_ =	sdelay $0x1  }
0x2a1: {  	v0 =	vmax.f32 v0, $0.0e+00  }
0x2a2: {  	[tilespmem:s12+$0x10] =	vst v0  }
0x2a3: {  	v0 =	vld [tilespmem:s13+$0x20]  }
0x2a4: {  	v1 =	vld [tilespmem:s25+$0x20];
	_ =	sdelay $0x1  }
0x2a5: {  	v2 =	vld [tilespmem:s14+$0x20];
	_ =	sdelay $0x2  }
0x2a6: {  	v0 =	vadd.f32 v1, v0;
	_ =	sdelay $0x1  }
0x2a7: {  	v0 =	vadd.f32 v2, v0;
	_ =	sdelay $0x1  }
0x2a8: {  	v0 =	vmax.f32 v0, $0.0e+00  }
0x2a9: {  	[tilespmem:s12+$0x20] =	vst v0  }
0x2aa: {  	v0 =	vld [tilespmem:s13+$0x30]  }
0x2ab: {  	s16 =	simm.s32 $0xB2E0;
	v2 =	vld [tilespmem:s25+$0x30]  }
0x2ac: {  	s17 =	simm.s32 $0x9EE0;
	s15 =	simm.s32 $0xDA60;
	s13 =	simm.s32 $0x0;
	v1 =	vld [tilespmem:s14+$0x30]  }
.LBB2_12:
0x2ad: {  	s13 =	sadd.s32 $0x2, s13;
	s12 =	sadd.s32 $0x80, s12;
	s14 =	sadd.s32 $0x80, s14  }
0x2ae: {  	p1 =	slt.u32 s13, $0x4E;
	_ =	sdelay $0x1  }
0x2af: {  	v0 =	vadd.f32 v2, v0;
	_ =	sdelay $0x1  }
0x2b0: {  	v0 =	vadd.f32 v1, v0;
	_ =	sdelay $0x1  }
0x2b1: {  	v0 =	vmax.f32 v0, $0.0e+00  }
0x2b2: {  	[tilespmem:s15+$0x30] =	vst v0;
	s15 =	smov.u32 s12  }
0x2b3: {  	v0 =	vld [tilespmem:s16+$0xFFFFFFC0]  }
0x2b4: {  	v1 =	vld [tilespmem:s17+$0xFFFFFFC0]  }
0x2b5: {  	v2 =	vld [tilespmem:s14+$0xFFFFFFC0];
	_ =	sdelay $0x3  }
0x2b6: {  	v0 =	vadd.f32 v0, v1;
	_ =	sdelay $0x1  }
0x2b7: {  	v0 =	vadd.f32 v2, v0;
	_ =	sdelay $0x1  }
0x2b8: {  	v0 =	vmax.f32 v0, $0.0e+00  }
0x2b9: {  	[tilespmem:s12+$0xFFFFFFC0] =	vst v0  }
0x2ba: {  	v0 =	vld [tilespmem:s17+$0xFFFFFFD0]  }
0x2bb: {  	v1 =	vld [tilespmem:s16+$0xFFFFFFD0];
	_ =	sdelay $0x1  }
0x2bc: {  	v2 =	vld [tilespmem:s14+$0xFFFFFFD0];
	_ =	sdelay $0x2  }
0x2bd: {  	v0 =	vadd.f32 v1, v0;
	_ =	sdelay $0x1  }
0x2be: {  	v0 =	vadd.f32 v2, v0;
	_ =	sdelay $0x1  }
0x2bf: {  	v0 =	vmax.f32 v0, $0.0e+00  }
0x2c0: {  	[tilespmem:s12+$0xFFFFFFD0] =	vst v0  }
0x2c1: {  	v0 =	vld [tilespmem:s17+$0xFFFFFFE0]  }
0x2c2: {  	v1 =	vld [tilespmem:s16+$0xFFFFFFE0];
	_ =	sdelay $0x1  }
0x2c3: {  	v2 =	vld [tilespmem:s14+$0xFFFFFFE0];
	_ =	sdelay $0x2  }
0x2c4: {  	v0 =	vadd.f32 v1, v0;
	_ =	sdelay $0x1  }
0x2c5: {  	v0 =	vadd.f32 v2, v0;
	_ =	sdelay $0x1  }
0x2c6: {  	v0 =	vmax.f32 v0, $0.0e+00  }
0x2c7: {  	[tilespmem:s12+$0xFFFFFFE0] =	vst v0  }
0x2c8: {  	v0 =	vld [tilespmem:s17+$0xFFFFFFF0]  }
0x2c9: {  	v1 =	vld [tilespmem:s16+$0xFFFFFFF0];
	_ =	sdelay $0x1  }
0x2ca: {  	v2 =	vld [tilespmem:s14+$0xFFFFFFF0];
	_ =	sdelay $0x2  }
0x2cb: {  	v0 =	vadd.f32 v1, v0;
	_ =	sdelay $0x1  }
0x2cc: {  	v0 =	vadd.f32 v2, v0;
	_ =	sdelay $0x1  }
0x2cd: {  	v0 =	vmax.f32 v0, $0.0e+00  }
0x2ce: {  	[tilespmem:s12+$0xFFFFFFF0] =	vst v0  }
0x2cf: {  	v0 =	vld [tilespmem:s17+$0x0]  }
0x2d0: {  	v1 =	vld [tilespmem:s16+$0x0];
	_ =	sdelay $0x1  }
0x2d1: {  	v2 =	vld [tilespmem:s14+$0x0];
	_ =	sdelay $0x2  }
0x2d2: {  	v0 =	vadd.f32 v1, v0;
	_ =	sdelay $0x1  }
0x2d3: {  	v0 =	vadd.f32 v2, v0;
	_ =	sdelay $0x1  }
0x2d4: {  	v0 =	vmax.f32 v0, $0.0e+00  }
0x2d5: {  	[tilespmem:s12+$0x0] =	vst v0  }
0x2d6: {  	v0 =	vld [tilespmem:s17+$0x10]  }
0x2d7: {  	v1 =	vld [tilespmem:s16+$0x10]  }
0x2d8: {  	v2 =	vld [tilespmem:s14+$0x10];
	_ =	sdelay $0x3  }
0x2d9: {  	v0 =	vadd.f32 v1, v0;
	_ =	sdelay $0x1  }
0x2da: {  	v0 =	vadd.f32 v2, v0;
	_ =	sdelay $0x1  }
0x2db: {  	v0 =	vmax.f32 v0, $0.0e+00  }
0x2dc: {  	[tilespmem:s12+$0x10] =	vst v0  }
0x2dd: {  	v0 =	vld [tilespmem:s17+$0x20]  }
0x2de: {  	v1 =	vld [tilespmem:s16+$0x20]  }
0x2df: {  	v2 =	vld [tilespmem:s14+$0x20];
	_ =	sdelay $0x3  }
0x2e0: {  	v0 =	vadd.f32 v1, v0;
	_ =	sdelay $0x1  }
0x2e1: {  	v0 =	vadd.f32 v2, v0;
	_ =	sdelay $0x1  }
.Ltmp5:
0x2e2: {  	v0 =	vmax.f32 v0, $0.0e+00;
	(pc) =	sbr.rel @p1 .LBB2_12-.Ltmp5, $4  }
0x2e3: {  	[tilespmem:s12+$0x20] =	vst v0  }
0x2e4: {  	v0 =	vld [tilespmem:s17+$0x30]  }
0x2e5: {  	v2 =	vld [tilespmem:s16+$0x30]  }
0x2e6: {  	s17 =	sadd.s32 $0x80, s17;
	s16 =	sadd.s32 $0x80, s16;
	v1 =	vld [tilespmem:s14+$0x30]  }
0x2e7: {  	_ =	sdelay $0x2  }
0x2e8: {  	v0 =	vadd.f32 v2, v0;
	_ =	sdelay $0x1  }
0x2e9: {  	v0 =	vadd.f32 v1, v0;
	_ =	sdelay $0x1  }
0x2ea: {  	v0 =	vmax.f32 v0, $0.0e+00  }
0x2eb: {  	s12 =	rddreg [dreg:$0xb];
	[tilespmem:s15+$0x30] =	vst v0  }
0x2ec: {  	[hbm4b:s12+s2] =	stream.linear.scatter [tilespmem:s9], [sflag:$0x5], $0x1400, $0x38;
	[tilespmem:$0x1DA60] =	vst v63  }
0x2ed: {  	s17 =	simm.s32 $0x4DD0  }
0x2ee: {  	[spmem:s1] =	stream.indirect.scatter.add.f32 [tilespmem:s9], [sflag:$0x7], $0x40, s17, s22, $0xb8;
	[tilespmem:$0x1DA60] =	vst v63  }
0x2ef: {  	_ =	swait.ge [sflag:s19], $0x1400  }
0x2f0: {  	[sflag:s19] =	ssyncset.done $0x0  }
0x2f1: {  	[sflag:s19] =	ssyncadd.s32 $0xFFFFEC00  }
0x2f2: {  	_ =	swait.ge [sflag:s10], $0x1400  }
0x2f3: {  	[sflag:s10] =	ssyncset.done $0x0  }
0x2f4: {  	[sflag:s10] =	ssyncadd.s32 $0xFFFFEC00  }
0x2f5: {  	_ =	swait.ge [sflag:s10], $0x1400  }
0x2f6: {  	[sflag:s10] =	ssyncset.done $0x0  }
0x2f7: {  	[sflag:s10] =	ssyncadd.s32 $0xFFFFEC00  }
0x2f8: {  	_ =	swait.ge [sflag:s10], $0x1400  }
0x2f9: {  	[sflag:s10] =	ssyncset.done $0x0  }
0x2fa: {  	s23 =	simm.s32 $0x6;
	[sflag:s10] =	ssyncadd.s32 $0xFFFFEC00  }
0x2fb: {  	_ =	swait.ge [sflag:s23], $0x1400  }
0x2fc: {  	[sflag:s23] =	ssyncset.done $0x0  }
0x2fd: {  	[sflag:s23] =	ssyncadd.s32 $0xFFFFEC00  }
0x2fe: {  	_ =	swait.ge [sflag:s18], $0x1400  }
0x2ff: {  	[sflag:s18] =	ssyncset.done $0x0  }
0x300: {  	[sflag:s18] =	ssyncadd.s32 $0xFFFFEC00  }
0x301: {  	_ =	swait.ge [sflag:s21], $0x1400  }
0x302: {  	[sflag:s21] =	ssyncset.done $0x0  }
0x303: {  	[sflag:s21] =	ssyncadd.s32 $0xFFFFEC00  }
0x304: {  	[bflag:$0x0] =	sbarrier.arrive $0xFFFF  }
0x305: {  	s13 =	rddreg [dreg:$0xc]  }
0x306: {  	s12 =	simm.s32 @!p0 $0x1C07;
	s14 =	rddreg [dreg:$0xe]  }
0x307: {  	[hbm:s13], [sflag:s12] =	dma.local @!p0 [spmem:s14], $0x13880  }
0x308: {  	s12 =	simm.s32 @!p0 $0x7  }
0x309: {  	_ =	swait.ge @!p0 [sflag:s12], $0x13880  }
0x30a: {  	s24 =	rddreg [dreg:$0xf]  }
0x30b: {  	s25 =	rddreg [dreg:$0xd];
	s15 =	sadd.s32 $0x1, s24  }
0x30c: {  	p1 =	sne.s32 s15, s25  }
.Ltmp6:
0x30d: {  	_ = 	snop;
	(pc) =	sbr.rel @p1 .LBB2_1-.Ltmp6, $3  }
0x30e: {  	_ =	sdelay $0x1  }
0x30f: {  	[sflag:s12] =	ssyncset.done @!p0 $0x0  }
0x310: {  	[sflag:s12] =	ssyncadd.s32 @!p0 $0xFFFEC780  }
0x311: {  	_ =	sfence.sel $0x180000  }
0x312: {  	[bflag:$0x0] =	sbarrier.arrive $0xFFFF  }
0x313: {  	_ =	strace $0x90000047  }
0x314: {  	[bflag:$0x2] =	sbarrier.arrive $0xFFFF  }
0x315: {  	s0 =	rddreg [dreg:$0x3]  }
0x316: {  	s0 =	sadd.s32 @!p0 $0x100000, s0  }
0x317: {  	[sflag:s0] =	ssyncadd.tile.s32 @!p0 $0x1;
	_ =	shalt  }
.Lfunc_end2:
_tile_overlayer_lowered:
.L_overlay_start_2:
0x318: {  	(tag) =	ssettag $0x2  }
0x319: {  	s0 =	rddreg [dreg:$0x0];
	s2 =	stileid.u32  }
0x31a: {  	s1 =	rddreg [dreg:$0x1];
	p0 =	sne.s32 s2, $0x0  }
0x31b: {  	s3 =	rddreg [dreg:$0x2];
	[bflag:$0x3] =	sbarrier.arrive $0xFFFF;
	s2 =	simm.s32 @!p0 $0x1C07  }
0x31c: {  	[timem:s3], [sflag:s2] =	dma.local @!p0 [hbm:s0], s1  }
0x31d: {  	s0 =	simm.s32 @!p0 $0x7  }
0x31e: {  	_ =	swait.ge @!p0 [sflag:s0], s1  }
0x31f: {  	s1 =	ssub.s32 @!p0 $0x0, s1;
	[sflag:s0] =	ssyncset.done @!p0 $0x0  }
0x320: {  	[sflag:s0] =	ssyncadd.s32 @!p0 s1  }
0x321: {  	[bflag:$0x3] =	sbarrier.arrive $0xFFFF  }
0x322: {  	_ =	shalt  }

</sc_bundles>
